<compile_context>
chip_gen: v7x
topology: tpu7x:2x2x1
jax: 0.10.2.dev20260603
libtpu: 0.0.44.dev20260713+nightly
codegen_flags: <defaults>
</compile_context>

<pallas_src>
import functools

import jax
import jax.numpy as jnp
from jax import lax
from jax.experimental import pallas as pl
from jax.experimental.pallas import tpu as pltpu
from jax.experimental.pallas import tpu_sc as plsc

N = 10000
E = 160000
L = 3
H = 8
OUT = 16
D = 128

NCORE = 2
NSUB = 16
NWORK = NCORE * NSUB
CH = 32
EP = 163840
EP2 = EP // 2
EP4 = EP // 4
PER = EP // NWORK
NBUF = 3
SCH = 128
NSCH = PER // SCH
NPAD = 10240
ROWS = NPAD // NSUB

_F32 = jnp.float32
_HIGH = jax.lax.Precision.HIGHEST

_mesh = plsc.VectorSubcoreMesh(core_axis_name="c", subcore_axis_name="s")


def _dot(a, b):
    return jax.lax.dot_general(a, b, (((1,), (0,)), ((), ())),
                               precision=_HIGH, preferred_element_type=_F32)


def _dot3(a, b):
    return jax.lax.dot_general(a, b, (((1,), (0,)), ((), ())),
                               precision=jax.lax.Precision.DEFAULT,
                               preferred_element_type=_F32)


def _tc_matmul(x, w):
    def body(x_ref, w_ref, o_ref):
        o_ref[...] = _dot(x_ref[...], w_ref[...])

    return pl.pallas_call(
        body,
        grid=(NPAD // 1024,),
        in_specs=[pl.BlockSpec((1024, D), lambda i: (i, 0)),
                  pl.BlockSpec((D, D), lambda i: (0, 0))],
        out_specs=pl.BlockSpec((1024, D), lambda i: (i, 0)),
        out_shape=jax.ShapeDtypeStruct((NPAD, D), _F32),
    )(x, w)


def _sc_gather(carr, G, feat, ep):
    per = ep // NWORK
    nchunk = per // CH

    @functools.partial(
        pl.kernel,
        mesh=_mesh,
        out_type=(jax.ShapeDtypeStruct((ep, D), _F32),
                  jax.ShapeDtypeStruct((ep, D), _F32)),
        scratch_types=[
            pltpu.VMEM((nchunk * 4 * CH,), jnp.int32),
            pltpu.VMEM((NBUF * 3 * CH, D), _F32),
            pltpu.VMEM((NBUF * CH, D), _F32),
        ] + [pltpu.SemaphoreType.DMA] * (2 * NBUF),
    )
    def k(carr_hbm, G_hbm, feat_hbm, gsum_hbm, nd_hbm, idx_all, gb, nb, *sems):
        wid = lax.axis_index("c") * NSUB + lax.axis_index("s")
        gsems = sems[:NBUF]
        wsems = sems[NBUF:]

        pltpu.sync_copy(carr_hbm.at[pl.ds(wid * nchunk * 4 * CH, nchunk * 4 * CH)],
                        idx_all)

        def gslot3(b):
            return gb.at[pl.ds(b * 3 * CH, 3 * CH)]

        def gslot(b, j):
            return gb.at[pl.ds((b * 3 + j) * CH, CH)]

        def nslot(b):
            return nb.at[pl.ds(b * CH, CH)]

        def issue_gathers(i, b):
            pltpu.async_copy(G_hbm.at[idx_all.at[pl.ds(i * 4 * CH, 3 * CH)]],
                             gslot3(b), gsems[b])
            pltpu.async_copy(feat_hbm.at[idx_all.at[pl.ds(i * 4 * CH + 3 * CH, CH)]],
                             nslot(b), gsems[b])

        def drain_gathers(b):
            pltpu.make_async_copy(G_hbm.at[pl.ds(0, 3 * CH)],
                                  gslot3(b), gsems[b]).wait()
            pltpu.make_async_copy(feat_hbm.at[pl.ds(0, CH)],
                                  nslot(b), gsems[b]).wait()

        def drain_writes(b):
            pltpu.make_async_copy(gsum_hbm.at[pl.ds(0, CH)],
                                  gslot(b, 0), wsems[b]).wait()
            pltpu.make_async_copy(nd_hbm.at[pl.ds(0, CH)],
                                  nslot(b), wsems[b]).wait()

        def process(i, b):
            base = wid * per + i * CH
            drain_gathers(b)
            r0 = b * 3 * CH

            def row(r, c2):
                for cb in range(D // 16):
                    sl = pl.ds(cb * 16, 16)
                    gb[r0 + r, sl] = (gb[r0 + r, sl] + gb[r0 + CH + r, sl]
                                      + gb[r0 + 2 * CH + r, sl])
                return c2

            lax.fori_loop(0, CH, row, 0)
            pltpu.async_copy(gslot(b, 0), gsum_hbm.at[pl.ds(base, CH)], wsems[b])
            pltpu.async_copy(nslot(b), nd_hbm.at[pl.ds(base, CH)], wsems[b])

        for b in range(NBUF - 1):
            issue_gathers(b, b)

        def group(g, carry):
            for b in range(NBUF):
                i = NBUF * g + b
                s = (b + NBUF - 1) % NBUF

                @pl.when(i < nchunk)
                def _():
                    process(i, b)

                @pl.when(jnp.logical_and(i >= 1, i <= nchunk))
                def _():
                    drain_writes(s)

                @pl.when(i + NBUF - 1 < nchunk)
                def _():
                    issue_gathers(i + NBUF - 1, s)
            return carry

        lax.fori_loop(0, (nchunk + NBUF) // NBUF, group, 0)

    return k(carr, G, feat)


def _tc_edge(gsum, nd, br):
    BE = 4096

    def body(g_ref, n_ref, b_ref, o_ref):
        h = g_ref[...] * (1.0 / 3.0) + b_ref[...]
        rr = lax.broadcasted_iota(jnp.int32, (D, D), 0) // OUT
        cc = lax.broadcasted_iota(jnp.int32, (D, D), 1) // OUT
        Sfull = (rr == cc).astype(_F32)
        ss = _dot3(h * h, Sfull)
        denom = jnp.sqrt(ss) + 1e-12
        sim = _dot3(h * n_ref[...], Sfull) / denom
        e = jnp.exp(sim)
        z = _dot3(e, jnp.full((D, D), 1.0 / OUT, _F32))
        o_ref[...] = h * (e / (z * denom))

    ne = nd.shape[0]
    return pl.pallas_call(
        body,
        grid=(ne // BE,),
        in_specs=[pl.BlockSpec((BE, D), lambda i: (i, 0)),
                  pl.BlockSpec((BE, D), lambda i: (i, 0)),
                  pl.BlockSpec((1, D), lambda i: (0, 0))],
        out_specs=pl.BlockSpec((BE, D), lambda i: (i, 0)),
        out_shape=jax.ShapeDtypeStruct((ne, D), _F32),
    )(gsum, nd, br)


def _sc_scatter(msgs, darr, zeros):
    @functools.partial(
        pl.kernel,
        mesh=_mesh,
        out_type=jax.ShapeDtypeStruct((NCORE, NPAD, D), _F32),
        scratch_types=[
            pltpu.VMEM((NSCH, SCH), jnp.int32),
            pltpu.VMEM((2 * SCH, D), _F32),
            pltpu.VMEM_SHARED((NPAD, D), _F32),
            pltpu.SemaphoreType.DMA,
            pltpu.SemaphoreType.DMA,
        ],
    )
    def k(ma_hbm, mb_hbm, dst_hbm, z_hbm, part_hbm,
          dall, msgv, acc, lsem0, lsem1):
        cid = lax.axis_index("c")
        sid = lax.axis_index("s")
        wid = cid * NSUB + sid
        lsems = (lsem0, lsem1)
        pltpu.sync_copy(dst_hbm.at[pl.ds(wid * NSCH, NSCH)], dall)
        pltpu.sync_copy(z_hbm.at[pl.ds(sid * ROWS, ROWS)],
                        acc.at[pl.ds(sid * ROWS, ROWS)])
        plsc.subcore_barrier()

        def mslot(b):
            return msgv.at[pl.ds(b * SCH, SCH)]

        def run(msg_hbm):
            def issue_load(i, b):
                pltpu.async_copy(msg_hbm.at[pl.ds(sid * PER + i * SCH, SCH)],
                                 mslot(b), lsems[b])

            def drain_load(b):
                pltpu.make_async_copy(msg_hbm.at[pl.ds(0, SCH)],
                                      mslot(b), lsems[b]).wait()

            issue_load(0, 0)

            def group(g, carry):
                i = 2 * g
                drain_load(0)
                issue_load(i + 1, 1)
                pltpu.sync_copy(mslot(0), acc.at[dall.at[i]], add=True)
                drain_load(1)

                @pl.when(g < NSCH // 2 - 1)
                def _():
                    issue_load(i + 2, 0)
                pltpu.sync_copy(mslot(1), acc.at[dall.at[i + 1]], add=True)
                return carry

            lax.fori_loop(0, NSCH // 2, group, 0)

        @pl.when(cid == 0)
        def _():
            run(ma_hbm)

        @pl.when(cid == 1)
        def _():
            run(mb_hbm)

        plsc.subcore_barrier()
        pltpu.sync_copy(acc.at[pl.ds(sid * ROWS, ROWS)],
                        part_hbm.at[cid, pl.ds(sid * ROWS, ROWS)])

    return k(*msgs, darr, zeros)


def _tc_add(p):
    def body(p_ref, o_ref):
        o_ref[...] = p_ref[0] + p_ref[1]

    return pl.pallas_call(
        body,
        grid=(NPAD // 1280,),
        in_specs=[pl.BlockSpec((2, 1280, D), lambda i: (0, i, 0))],
        out_specs=pl.BlockSpec((1280, D), lambda i: (i, 0)),
        out_shape=jax.ShapeDtypeStruct((NPAD, D), _F32),
    )(p)


def kernel(features, edge_metapath_indices, edge_index, W_r, b_r, W_fc1, b_fc1, W_fc2):
    featpad = jnp.pad(features, ((0, NPAD - N), (0, 0)))
    G = _tc_matmul(featpad, W_r)

    dst = edge_index[1]
    dstp = jnp.pad(dst, (0, EP - E), constant_values=N)
    idxp = jnp.pad(edge_metapath_indices.T, ((0, 0), (0, EP - E)))
    cidx = jnp.concatenate([idxp, dstp[None]], axis=0)
    brow = jnp.reshape(b_r, (1, D))

    def carr_of(cid2):
        return cid2.reshape(4, EP2 // CH, CH).transpose(1, 0, 2).reshape(-1)

    gsum_a, nd_a = _sc_gather(carr_of(cidx[:, :EP2]), G, featpad, EP2)
    gsum_b, nd_b = _sc_gather(carr_of(cidx[:, EP2:]), G, featpad, EP2)
    msg_a = _tc_edge(gsum_a, nd_a, brow)
    msg_b = _tc_edge(gsum_b, nd_b, brow)
    darr = dstp.reshape(EP // SCH, SCH)
    parts = _sc_scatter((msg_a, msg_b), darr, jnp.zeros((NPAD, D), _F32))
    out = _tc_add(parts)
    return out[:N]

# --- scband reference (transcript-rebuilt; emitter-appended) ---
"""Pipeline reference for scband-magnn-ctr-ntype-specific-6889127542847 (READ-ONLY COPY).

The authoritative reference and input builder live on the scoring server;
editing this copy changes nothing except your own understanding.
"""

import jax, jax.numpy as jnp
import numpy as np

N = 10000   # n_nodes
E = 160000  # n_metapath_instances (edges)
L = 3       # metapath length
H = 8       # num_heads
OUT = 16    # out_dim per head
D = H * OUT # 128
ATTN = 128  # attn_vec_dim


def setup_inputs(seed: int = 0) -> dict:
    key = jax.random.key(seed)
    ks = jax.random.split(key, 8)
    inp = {}
    # forward tensor args
    inp["features"] = jax.random.normal(ks[0], (N, D), dtype=jnp.float32)
    inp["edge_metapath_indices"] = jax.random.randint(ks[1], (E, L), 0, N, dtype=jnp.int32)
    inp["edge_index"] = jax.random.randint(ks[2], (2, E), 0, N, dtype=jnp.int32)
    # learned parameters (rnn_type='linear' instance encoder + semantic attention fc1/fc2)
    inp["W_r"] = jax.random.normal(ks[3], (D, D), dtype=jnp.float32) * 0.05
    inp["b_r"] = jnp.zeros((D,), dtype=jnp.float32)
    inp["W_fc1"] = jax.random.normal(ks[4], (D, ATTN), dtype=jnp.float32) * 0.05
    inp["b_fc1"] = jnp.zeros((ATTN,), dtype=jnp.float32)
    inp["W_fc2"] = jax.random.normal(ks[5], (ATTN, 1), dtype=jnp.float32) * 0.05
    return inp


def reference(features, edge_metapath_indices, edge_index, W_r, b_r, W_fc1, b_fc1, W_fc2):
    # --- MAGNN_metapath_instance (rnn_type='linear') ---
    # features.view(-1, d); edata = F.embedding(edge_metapath_indices, features)
    edata = features[edge_metapath_indices]               # [E, L, D] gather
    hidden = jnp.mean(edata, axis=1) @ W_r + b_r          # [E, D] linear instance encoder
    eft = hidden.reshape(E, H, OUT)
    eft = eft / (jnp.linalg.norm(eft, axis=-1, keepdims=True) + 1e-12)  # F.normalize
    # --- MAGNN_metapath_specific: edge attention + aggregation ---
    dst = edge_index[1]
    node = features.reshape(N, H, OUT)                    # g.ndata['ft']
    sim = jnp.sum(eft * node[dst], axis=-1)               # fn.e_mul_v + sum(dim=-1) -> [E, H]
    a = jax.nn.softmax(sim, axis=-1)[..., None]           # F.softmax(sim, dim=-1) over heads
    msg = eft * a                                         # message_passing
    nft = jax.ops.segment_sum(msg, dst, num_segments=N)   # fn.sum scatter-add -> [N, H, OUT]
    v = nft.reshape(N, D)
    # --- MAGNN_ctr_ntype_specific semantic attention over metapaths (num_metapaths=1) ---
    s = jnp.tanh(v @ W_fc1 + b_fc1) @ W_fc2               # [N, 1]
    beta = jax.nn.softmax(jnp.mean(s, axis=0))            # softmax over metapaths -> [1]
    out = beta[0] * v                                     # weighted sum of metapath embeddings
    return out

if __name__ == "__main__":
    import jax
    _d = setup_inputs()
    print(jax.jit(kernel)(*tuple(_d.values())))

</pallas_src>

<mosaic_0001>
#map = affine_map<(d0, d1) -> (0, 0)>
#map1 = affine_map<(d0, d1) -> (0, 0, 0)>
module attributes {stable_mosaic.version = 14 : i64} {
  func.func @k(%arg0: i32, %arg1: i32, %arg2: memref<81920x128xf32, #tpu.memory_space<hbm>>, %arg3: memref<81920x128xf32, #tpu.memory_space<hbm>>, %arg4: memref<1280x128xi32, #tpu.memory_space<hbm>>, %arg5: memref<10240x128xf32, #tpu.memory_space<hbm>>, %arg6: memref<2x10240x128xf32, #tpu.memory_space<hbm>>, %arg7: memref<40x128xi32, #tpu.memory_space<vmem>>, %arg8: memref<256x128xf32, #tpu.memory_space<vmem>>, %arg9: memref<10240x128xf32, #tpu.memory_space<vmem_shared>>, %arg10: memref<!tpu.dma_semaphore, #tpu.memory_space<semaphore_mem>>, %arg11: memref<!tpu.dma_semaphore, #tpu.memory_space<semaphore_mem>>) attributes {dimension_semantics = [#tpu.dimension_semantics<core_parallel>, #tpu.dimension_semantics<subcore_parallel>], iteration_bounds = array<i64: 2, 16>, scalar_prefetch = 0 : i64, scratch_operands = 5 : i64, tpu.core_type = #tpu.core_type<sc_vector_subcore>, window_params = [{transform_indices = #map}, {transform_indices = #map}, {transform_indices = #map}, {transform_indices = #map}, {transform_indices = #map1}]} {
    %mul3A = arith.constant 16 : i32
    %mul3A_0 = arith.muli %arg0, %mul3A : i32
    %add3A = arith.addi %mul3A_0, %arg1 : i32
    %mul3A_1 = arith.constant 40 : i32
    %mul3A_2 = arith.muli %add3A, %mul3A_1 : i32
    "tpu.region"() ({
      %run_scoped3A = tpu.sem_alloc : memref<!tpu.dma_semaphore, #tpu.memory_space<semaphore_mem>>
      %dma_start3A = arith.constant 0 : i32
      %dma_start3A_19 = tpu.memref_slice %arg4[%mul3A_2, %dma_start3A] : memref<1280x128xi32, #tpu.memory_space<hbm>> -> memref<40x128xi32, #tpu.memory_space<hbm>>
      %dma_start3A_20 = arith.constant 0 : i32
      %dma_start3A_21 = tpu.memref_slice %arg4[%mul3A_2, %dma_start3A_20] : memref<1280x128xi32, #tpu.memory_space<hbm>> -> memref<40x128xi32, #tpu.memory_space<hbm>>
      tpu.enqueue_dma source(%dma_start3A_21 : memref<40x128xi32, #tpu.memory_space<hbm>>) target(%arg7 : memref<40x128xi32, #tpu.memory_space<vmem>>) target_semaphore(%run_scoped3A : memref<!tpu.dma_semaphore, #tpu.memory_space<semaphore_mem>>)
      %dma_wait3A = arith.constant 0 : i32
      %dma_wait3A_22 = tpu.memref_slice %arg4[%mul3A_2, %dma_wait3A] : memref<1280x128xi32, #tpu.memory_space<hbm>> -> memref<40x128xi32, #tpu.memory_space<hbm>>
      %dma_wait3A_23 = arith.constant 0 : i32
      %dma_wait3A_24 = tpu.memref_slice %arg4[%mul3A_2, %dma_wait3A_23] : memref<1280x128xi32, #tpu.memory_space<hbm>> -> memref<40x128xi32, #tpu.memory_space<hbm>>
      tpu.wait_dma2 semaphore(%run_scoped3A : memref<!tpu.dma_semaphore, #tpu.memory_space<semaphore_mem>>) src(%dma_wait3A_24 : memref<40x128xi32, #tpu.memory_space<hbm>>) dst(%arg7 : memref<40x128xi32, #tpu.memory_space<vmem>>)
      tpu.yield
    }) : () -> ()
    %mul3A_3 = arith.constant 640 : i32
    %mul3A_4 = arith.muli %arg1, %mul3A_3 : i32
    %mul3A_5 = arith.constant 640 : i32
    %mul3A_6 = arith.muli %arg1, %mul3A_5 : i32
    "tpu.region"() ({
      %run_scoped3A = tpu.sem_alloc : memref<!tpu.dma_semaphore, #tpu.memory_space<semaphore_mem>>
      %dma_start3A = arith.constant 0 : i32
      %dma_start3A_19 = tpu.memref_slice %arg9[%mul3A_6, %dma_start3A] : memref<10240x128xf32, #tpu.memory_space<vmem_shared>> -> memref<640x128xf32, #tpu.memory_space<vmem_shared>>
      %dma_start3A_20 = arith.constant 0 : i32
      %dma_start3A_21 = tpu.memref_slice %arg5[%mul3A_4, %dma_start3A_20] : memref<10240x128xf32, #tpu.memory_space<hbm>> -> memref<640x128xf32, #tpu.memory_space<hbm>>
      tpu.enqueue_dma source(%dma_start3A_21 : memref<640x128xf32, #tpu.memory_space<hbm>>) target(%dma_start3A_19 : memref<640x128xf32, #tpu.memory_space<vmem_shared>>) target_semaphore(%run_scoped3A : memref<!tpu.dma_semaphore, #tpu.memory_space<semaphore_mem>>)
      %dma_wait3A = arith.constant 0 : i32
      %dma_wait3A_22 = tpu.memref_slice %arg9[%mul3A_6, %dma_wait3A] : memref<10240x128xf32, #tpu.memory_space<vmem_shared>> -> memref<640x128xf32, #tpu.memory_space<vmem_shared>>
      %dma_wait3A_23 = arith.constant 0 : i32
      %dma_wait3A_24 = tpu.memref_slice %arg5[%mul3A_4, %dma_wait3A_23] : memref<10240x128xf32, #tpu.memory_space<hbm>> -> memref<640x128xf32, #tpu.memory_space<hbm>>
      tpu.wait_dma2 semaphore(%run_scoped3A : memref<!tpu.dma_semaphore, #tpu.memory_space<semaphore_mem>>) src(%dma_wait3A_24 : memref<640x128xf32, #tpu.memory_space<hbm>>) dst(%dma_wait3A_22 : memref<640x128xf32, #tpu.memory_space<vmem_shared>>)
      tpu.yield
    }) : () -> ()
    %barrier3A = arith.constant 0 : index
    tpu.barrier barrier_id(%barrier3A)
    %eq3A = arith.constant 0 : i32
    %eq3A_7 = arith.cmpi eq, %arg0, %eq3A : i32
    %convert_element_type3A = arith.extui %eq3A_7 : i1 to i32
    %cond3A = arith.constant 0 : i32
    %cond3A_8 = arith.cmpi ne, %convert_element_type3A, %cond3A : i32
    scf.if %cond3A_8 {
      %mul3A_19 = arith.constant 5120 : i32
      %mul3A_20 = arith.muli %arg1, %mul3A_19 : i32
      %add3A_21 = arith.constant 0 : i32
      %add3A_22 = arith.addi %mul3A_20, %add3A_21 : i32
      %dma_start3A = arith.constant 0 : i32
      %dma_start3A_23 = arith.constant 0 : i32
      %dma_start3A_24 = tpu.memref_slice %arg8[%dma_start3A, %dma_start3A_23] : memref<256x128xf32, #tpu.memory_space<vmem>> -> memref<128x128xf32, #tpu.memory_space<vmem>>
      %dma_start3A_25 = arith.constant 0 : i32
      %dma_start3A_26 = tpu.memref_slice %arg2[%add3A_22, %dma_start3A_25] : memref<81920x128xf32, #tpu.memory_space<hbm>> -> memref<128x128xf32, #tpu.memory_space<hbm>>
      %dma_start3A_27 = arith.constant 0 : i32
      %dma_start3A_28 = arith.constant 0 : i32
      %dma_start3A_29 = tpu.memref_slice %arg8[%dma_start3A_27, %dma_start3A_28] : memref<256x128xf32, #tpu.memory_space<vmem>> -> memref<128x128xf32, #tpu.memory_space<vmem>>
      %dma_start3A_30 = arith.constant 0 : i32
      %dma_start3A_31 = tpu.memref_slice %arg2[%add3A_22, %dma_start3A_30] : memref<81920x128xf32, #tpu.memory_space<hbm>> -> memref<128x128xf32, #tpu.memory_space<hbm>>
      tpu.enqueue_dma source(%dma_start3A_31 : memref<128x128xf32, #tpu.memory_space<hbm>>) target(%dma_start3A_29 : memref<128x128xf32, #tpu.memory_space<vmem>>) target_semaphore(%arg10 : memref<!tpu.dma_semaphore, #tpu.memory_space<semaphore_mem>>)
      %scan3A = arith.constant 0 : i32
      %scan3A_32 = arith.constant 0 : i32
      %scan3A_33 = arith.constant 20 : i32
      %scan3A_34 = arith.addi %scan3A_32, %scan3A_33 : i32
      %scan3A_35 = arith.constant 1 : i32
      scf.for %scan3A_37 = %scan3A_32 to %scan3A_34 step %scan3A_35  : i32 {
        %mul3A_38 = arith.constant 2 : i32
        %mul3A_39 = arith.muli %mul3A_38, %scan3A_37 : i32
        %dma_wait3A = arith.constant 0 : i32
        %dma_wait3A_40 = arith.constant 0 : i32
        %dma_wait3A_41 = tpu.memref_slice %arg8[%dma_wait3A, %dma_wait3A_40] : memref<256x128xf32, #tpu.memory_space<vmem>> -> memref<128x128xf32, #tpu.memory_space<vmem>>
        %dma_wait3A_42 = arith.constant 0 : i32
        %dma_wait3A_43 = arith.constant 0 : i32
        %dma_wait3A_44 = tpu.memref_slice %arg2[%dma_wait3A_42, %dma_wait3A_43] : memref<81920x128xf32, #tpu.memory_space<hbm>> -> memref<128x128xf32, #tpu.memory_space<hbm>>
        %dma_wait3A_45 = arith.constant 0 : i32
        %dma_wait3A_46 = arith.constant 0 : i32
        %dma_wait3A_47 = tpu.memref_slice %arg8[%dma_wait3A_45, %dma_wait3A_46] : memref<256x128xf32, #tpu.memory_space<vmem>> -> memref<128x128xf32, #tpu.memory_space<vmem>>
        %dma_wait3A_48 = arith.constant 0 : i32
        %dma_wait3A_49 = arith.constant 0 : i32
        %dma_wait3A_50 = tpu.memref_slice %arg2[%dma_wait3A_48, %dma_wait3A_49] : memref<81920x128xf32, #tpu.memory_space<hbm>> -> memref<128x128xf32, #tpu.memory_space<hbm>>
        tpu.wait_dma2 semaphore(%arg10 : memref<!tpu.dma_semaphore, #tpu.memory_space<semaphore_mem>>) src(%dma_wait3A_50 : memref<128x128xf32, #tpu.memory_space<hbm>>) dst(%dma_wait3A_47 : memref<128x128xf32, #tpu.memory_space<vmem>>)
        %add3A_51 = arith.constant 1 : i32
        %add3A_52 = arith.addi %mul3A_39, %add3A_51 : i32
        %mul3A_53 = arith.constant 5120 : i32
        %mul3A_54 = arith.muli %arg1, %mul3A_53 : i32
        %mul3A_55 = arith.constant 128 : i32
        %mul3A_56 = arith.muli %add3A_52, %mul3A_55 : i32
        %add3A_57 = arith.addi %mul3A_54, %mul3A_56 : i32
        %dma_start3A_58 = arith.constant 128 : i32
        %dma_start3A_59 = arith.constant 0 : i32
        %dma_start3A_60 = tpu.memref_slice %arg8[%dma_start3A_58, %dma_start3A_59] : memref<256x128xf32, #tpu.memory_space<vmem>> -> memref<128x128xf32, #tpu.memory_space<vmem>>
        %dma_start3A_61 = arith.constant 0 : i32
        %dma_start3A_62 = tpu.memref_slice %arg2[%add3A_57, %dma_start3A_61] : memref<81920x128xf32, #tpu.memory_space<hbm>> -> memref<128x128xf32, #tpu.memory_space<hbm>>
        %dma_start3A_63 = arith.constant 128 : i32
        %dma_start3A_64 = arith.constant 0 : i32
        %dma_start3A_65 = tpu.memref_slice %arg8[%dma_start3A_63, %dma_start3A_64] : memref<256x128xf32, #tpu.memory_space<vmem>> -> memref<128x128xf32, #tpu.memory_space<vmem>>
        %dma_start3A_66 = arith.constant 0 : i32
        %dma_start3A_67 = tpu.memref_slice %arg2[%add3A_57, %dma_start3A_66] : memref<81920x128xf32, #tpu.memory_space<hbm>> -> memref<128x128xf32, #tpu.memory_space<hbm>>
        tpu.enqueue_dma source(%dma_start3A_67 : memref<128x128xf32, #tpu.memory_space<hbm>>) target(%dma_start3A_65 : memref<128x128xf32, #tpu.memory_space<vmem>>) target_semaphore(%arg11 : memref<!tpu.dma_semaphore, #tpu.memory_space<semaphore_mem>>)
        "tpu.region"() ({
          %run_scoped3A = tpu.sem_alloc : memref<!tpu.dma_semaphore, #tpu.memory_space<semaphore_mem>>
          %dma_start3A_86 = arith.constant 0 : i32
          %dma_start3A_87 = arith.constant 0 : i32
          %dma_start3A_88 = tpu.memref_slice %arg8[%dma_start3A_86, %dma_start3A_87] : memref<256x128xf32, #tpu.memory_space<vmem>> -> memref<128x128xf32, #tpu.memory_space<vmem>>
          %dma_start3A_89 = arith.constant 0 : i32
          %dma_start3A_90 = tpu.memref_slice %arg7[%mul3A_39, %dma_start3A_89] : memref<40x128xi32, #tpu.memory_space<vmem>> -> memref<1x128xi32, #tpu.memory_space<vmem>>
          %dma_start3A_91 = tpu.memref_squeeze %dma_start3A_90 : memref<1x128xi32, #tpu.memory_space<vmem>> -> memref<128xi32, #tpu.memory_space<vmem>>
          %dma_start3A_92 = arith.constant 0 : i32
          %dma_start3A_93 = arith.constant 0 : i32
          %dma_start3A_94 = tpu.memref_slice %arg9[%dma_start3A_92, %dma_start3A_93] : memref<10240x128xf32, #tpu.memory_space<vmem_shared>> -> memref<10240x128xf32, #tpu.memory_space<vmem_shared>>
          tpu.enqueue_indirect_dma source(%dma_start3A_88 : memref<128x128xf32, #tpu.memory_space<vmem>>) target(%dma_start3A_94 : memref<10240x128xf32, #tpu.memory_space<vmem_shared>>) offsets(%dma_start3A_91 : memref<128xi32, #tpu.memory_space<vmem>>) semaphore(%run_scoped3A : memref<!tpu.dma_semaphore, #tpu.memory_space<semaphore_mem>>) {add = true}
          %dma_wait3A_95 = arith.constant 0 : i32
          %dma_wait3A_96 = arith.constant 0 : i32
          %dma_wait3A_97 = tpu.memref_slice %arg8[%dma_wait3A_95, %dma_wait3A_96] : memref<256x128xf32, #tpu.memory_space<vmem>> -> memref<128x128xf32, #tpu.memory_space<vmem>>
          %dma_wait3A_98 = arith.constant 0 : i32
          %dma_wait3A_99 = tpu.memref_slice %arg7[%mul3A_39, %dma_wait3A_98] : memref<40x128xi32, #tpu.memory_space<vmem>> -> memref<1x128xi32, #tpu.memory_space<vmem>>
          %dma_wait3A_100 = tpu.memref_squeeze %dma_wait3A_99 : memref<1x128xi32, #tpu.memory_space<vmem>> -> memref<128xi32, #tpu.memory_space<vmem>>
          %dma_wait3A_101 = arith.constant 0 : i32
          %dma_wait3A_102 = arith.constant 0 : i32
          %dma_wait3A_103 = tpu.memref_slice %arg9[%dma_wait3A_101, %dma_wait3A_102] : memref<10240x128xf32, #tpu.memory_space<vmem_shared>> -> memref<10240x128xf32, #tpu.memory_space<vmem_shared>>
          tpu.wait_indirect_dma semaphore(%run_scoped3A : memref<!tpu.dma_semaphore, #tpu.memory_space<semaphore_mem>>) src(%dma_wait3A_97 : memref<128x128xf32, #tpu.memory_space<vmem>>) dst(%dma_wait3A_103 : memref<10240x128xf32, #tpu.memory_space<vmem_shared>>)
          tpu.yield
        }) : () -> ()
        %dma_wait3A_68 = arith.constant 128 : i32
        %dma_wait3A_69 = arith.constant 0 : i32
        %dma_wait3A_70 = tpu.memref_slice %arg8[%dma_wait3A_68, %dma_wait3A_69] : memref<256x128xf32, #tpu.memory_space<vmem>> -> memref<128x128xf32, #tpu.memory_space<vmem>>
        %dma_wait3A_71 = arith.constant 0 : i32
        %dma_wait3A_72 = arith.constant 0 : i32
        %dma_wait3A_73 = tpu.memref_slice %arg2[%dma_wait3A_71, %dma_wait3A_72] : memref<81920x128xf32, #tpu.memory_space<hbm>> -> memref<128x128xf32, #tpu.memory_space<hbm>>
        %dma_wait3A_74 = arith.constant 128 : i32
        %dma_wait3A_75 = arith.constant 0 : i32
        %dma_wait3A_76 = tpu.memref_slice %arg8[%dma_wait3A_74, %dma_wait3A_75] : memref<256x128xf32, #tpu.memory_space<vmem>> -> memref<128x128xf32, #tpu.memory_space<vmem>>
        %dma_wait3A_77 = arith.constant 0 : i32
        %dma_wait3A_78 = arith.constant 0 : i32
        %dma_wait3A_79 = tpu.memref_slice %arg2[%dma_wait3A_77, %dma_wait3A_78] : memref<81920x128xf32, #tpu.memory_space<hbm>> -> memref<128x128xf32, #tpu.memory_space<hbm>>
        tpu.wait_dma2 semaphore(%arg11 : memref<!tpu.dma_semaphore, #tpu.memory_space<semaphore_mem>>) src(%dma_wait3A_79 : memref<128x128xf32, #tpu.memory_space<hbm>>) dst(%dma_wait3A_76 : memref<128x128xf32, #tpu.memory_space<vmem>>)
        %lt3A = arith.constant 19 : i32
        %lt3A_80 = arith.cmpi slt, %scan3A_37, %lt3A : i32
        %convert_element_type3A_81 = arith.extui %lt3A_80 : i1 to i32
        %cond3A_82 = arith.constant 0 : i32
        %cond3A_83 = arith.cmpi ne, %convert_element_type3A_81, %cond3A_82 : i32
        scf.if %cond3A_83 {
          %add3A_86 = arith.constant 2 : i32
          %add3A_87 = arith.addi %mul3A_39, %add3A_86 : i32
          %mul3A_88 = arith.constant 5120 : i32
          %mul3A_89 = arith.muli %arg1, %mul3A_88 : i32
          %mul3A_90 = arith.constant 128 : i32
          %mul3A_91 = arith.muli %add3A_87, %mul3A_90 : i32
          %add3A_92 = arith.addi %mul3A_89, %mul3A_91 : i32
          %dma_start3A_93 = arith.constant 0 : i32
          %dma_start3A_94 = arith.constant 0 : i32
          %dma_start3A_95 = tpu.memref_slice %arg8[%dma_start3A_93, %dma_start3A_94] : memref<256x128xf32, #tpu.memory_space<vmem>> -> memref<128x128xf32, #tpu.memory_space<vmem>>
          %dma_start3A_96 = arith.constant 0 : i32
          %dma_start3A_97 = tpu.memref_slice %arg2[%add3A_92, %dma_start3A_96] : memref<81920x128xf32, #tpu.memory_space<hbm>> -> memref<128x128xf32, #tpu.memory_space<hbm>>
          %dma_start3A_98 = arith.constant 0 : i32
          %dma_start3A_99 = arith.constant 0 : i32
          %dma_start3A_100 = tpu.memref_slice %arg8[%dma_start3A_98, %dma_start3A_99] : memref<256x128xf32, #tpu.memory_space<vmem>> -> memref<128x128xf32, #tpu.memory_space<vmem>>
          %dma_start3A_101 = arith.constant 0 : i32
          %dma_start3A_102 = tpu.memref_slice %arg2[%add3A_92, %dma_start3A_101] : memref<81920x128xf32, #tpu.memory_space<hbm>> -> memref<128x128xf32, #tpu.memory_space<hbm>>
          tpu.enqueue_dma source(%dma_start3A_102 : memref<128x128xf32, #tpu.memory_space<hbm>>) target(%dma_start3A_100 : memref<128x128xf32, #tpu.memory_space<vmem>>) target_semaphore(%arg10 : memref<!tpu.dma_semaphore, #tpu.memory_space<semaphore_mem>>)
        } else {
        }
        %add3A_84 = arith.constant 1 : i32
        %add3A_85 = arith.addi %mul3A_39, %add3A_84 : i32
        "tpu.region"() ({
          %run_scoped3A = tpu.sem_alloc : memref<!tpu.dma_semaphore, #tpu.memory_space<semaphore_mem>>
          %dma_start3A_86 = arith.constant 128 : i32
          %dma_start3A_87 = arith.constant 0 : i32
          %dma_start3A_88 = tpu.memref_slice %arg8[%dma_start3A_86, %dma_start3A_87] : memref<256x128xf32, #tpu.memory_space<vmem>> -> memref<128x128xf32, #tpu.memory_space<vmem>>
          %dma_start3A_89 = arith.constant 0 : i32
          %dma_start3A_90 = tpu.memref_slice %arg7[%add3A_85, %dma_start3A_89] : memref<40x128xi32, #tpu.memory_space<vmem>> -> memref<1x128xi32, #tpu.memory_space<vmem>>
          %dma_start3A_91 = tpu.memref_squeeze %dma_start3A_90 : memref<1x128xi32, #tpu.memory_space<vmem>> -> memref<128xi32, #tpu.memory_space<vmem>>
          %dma_start3A_92 = arith.constant 0 : i32
          %dma_start3A_93 = arith.constant 0 : i32
          %dma_start3A_94 = tpu.memref_slice %arg9[%dma_start3A_92, %dma_start3A_93] : memref<10240x128xf32, #tpu.memory_space<vmem_shared>> -> memref<10240x128xf32, #tpu.memory_space<vmem_shared>>
          tpu.enqueue_indirect_dma source(%dma_start3A_88 : memref<128x128xf32, #tpu.memory_space<vmem>>) target(%dma_start3A_94 : memref<10240x128xf32, #tpu.memory_space<vmem_shared>>) offsets(%dma_start3A_91 : memref<128xi32, #tpu.memory_space<vmem>>) semaphore(%run_scoped3A : memref<!tpu.dma_semaphore, #tpu.memory_space<semaphore_mem>>) {add = true}
          %dma_wait3A_95 = arith.constant 128 : i32
          %dma_wait3A_96 = arith.constant 0 : i32
          %dma_wait3A_97 = tpu.memref_slice %arg8[%dma_wait3A_95, %dma_wait3A_96] : memref<256x128xf32, #tpu.memory_space<vmem>> -> memref<128x128xf32, #tpu.memory_space<vmem>>
          %dma_wait3A_98 = arith.constant 0 : i32
          %dma_wait3A_99 = tpu.memref_slice %arg7[%add3A_85, %dma_wait3A_98] : memref<40x128xi32, #tpu.memory_space<vmem>> -> memref<1x128xi32, #tpu.memory_space<vmem>>
          %dma_wait3A_100 = tpu.memref_squeeze %dma_wait3A_99 : memref<1x128xi32, #tpu.memory_space<vmem>> -> memref<128xi32, #tpu.memory_space<vmem>>
          %dma_wait3A_101 = arith.constant 0 : i32
          %dma_wait3A_102 = arith.constant 0 : i32
          %dma_wait3A_103 = tpu.memref_slice %arg9[%dma_wait3A_101, %dma_wait3A_102] : memref<10240x128xf32, #tpu.memory_space<vmem_shared>> -> memref<10240x128xf32, #tpu.memory_space<vmem_shared>>
          tpu.wait_indirect_dma semaphore(%run_scoped3A : memref<!tpu.dma_semaphore, #tpu.memory_space<semaphore_mem>>) src(%dma_wait3A_97 : memref<128x128xf32, #tpu.memory_space<vmem>>) dst(%dma_wait3A_103 : memref<10240x128xf32, #tpu.memory_space<vmem_shared>>)
          tpu.yield
        }) : () -> ()
      }
      %scan3A_36 = arith.constant 20 : i32
    } else {
    }
    %eq3A_9 = arith.constant 1 : i32
    %eq3A_10 = arith.cmpi eq, %arg0, %eq3A_9 : i32
    %convert_element_type3A_11 = arith.extui %eq3A_10 : i1 to i32
    %cond3A_12 = arith.constant 0 : i32
    %cond3A_13 = arith.cmpi ne, %convert_element_type3A_11, %cond3A_12 : i32
    scf.if %cond3A_13 {
      %mul3A_19 = arith.constant 5120 : i32
      %mul3A_20 = arith.muli %arg1, %mul3A_19 : i32
      %add3A_21 = arith.constant 0 : i32
      %add3A_22 = arith.addi %mul3A_20, %add3A_21 : i32
      %dma_start3A = arith.constant 0 : i32
      %dma_start3A_23 = arith.constant 0 : i32
      %dma_start3A_24 = tpu.memref_slice %arg8[%dma_start3A, %dma_start3A_23] : memref<256x128xf32, #tpu.memory_space<vmem>> -> memref<128x128xf32, #tpu.memory_space<vmem>>
      %dma_start3A_25 = arith.constant 0 : i32
      %dma_start3A_26 = tpu.memref_slice %arg3[%add3A_22, %dma_start3A_25] : memref<81920x128xf32, #tpu.memory_space<hbm>> -> memref<128x128xf32, #tpu.memory_space<hbm>>
      %dma_start3A_27 = arith.constant 0 : i32
      %dma_start3A_28 = arith.constant 0 : i32
      %dma_start3A_29 = tpu.memref_slice %arg8[%dma_start3A_27, %dma_start3A_28] : memref<256x128xf32, #tpu.memory_space<vmem>> -> memref<128x128xf32, #tpu.memory_space<vmem>>
      %dma_start3A_30 = arith.constant 0 : i32
      %dma_start3A_31 = tpu.memref_slice %arg3[%add3A_22, %dma_start3A_30] : memref<81920x128xf32, #tpu.memory_space<hbm>> -> memref<128x128xf32, #tpu.memory_space<hbm>>
      tpu.enqueue_dma source(%dma_start3A_31 : memref<128x128xf32, #tpu.memory_space<hbm>>) target(%dma_start3A_29 : memref<128x128xf32, #tpu.memory_space<vmem>>) target_semaphore(%arg10 : memref<!tpu.dma_semaphore, #tpu.memory_space<semaphore_mem>>)
      %scan3A = arith.constant 0 : i32
      %scan3A_32 = arith.constant 0 : i32
      %scan3A_33 = arith.constant 20 : i32
      %scan3A_34 = arith.addi %scan3A_32, %scan3A_33 : i32
      %scan3A_35 = arith.constant 1 : i32
      scf.for %scan3A_37 = %scan3A_32 to %scan3A_34 step %scan3A_35  : i32 {
        %mul3A_38 = arith.constant 2 : i32
        %mul3A_39 = arith.muli %mul3A_38, %scan3A_37 : i32
        %dma_wait3A = arith.constant 0 : i32
        %dma_wait3A_40 = arith.constant 0 : i32
        %dma_wait3A_41 = tpu.memref_slice %arg8[%dma_wait3A, %dma_wait3A_40] : memref<256x128xf32, #tpu.memory_space<vmem>> -> memref<128x128xf32, #tpu.memory_space<vmem>>
        %dma_wait3A_42 = arith.constant 0 : i32
        %dma_wait3A_43 = arith.constant 0 : i32
        %dma_wait3A_44 = tpu.memref_slice %arg3[%dma_wait3A_42, %dma_wait3A_43] : memref<81920x128xf32, #tpu.memory_space<hbm>> -> memref<128x128xf32, #tpu.memory_space<hbm>>
        %dma_wait3A_45 = arith.constant 0 : i32
        %dma_wait3A_46 = arith.constant 0 : i32
        %dma_wait3A_47 = tpu.memref_slice %arg8[%dma_wait3A_45, %dma_wait3A_46] : memref<256x128xf32, #tpu.memory_space<vmem>> -> memref<128x128xf32, #tpu.memory_space<vmem>>
        %dma_wait3A_48 = arith.constant 0 : i32
        %dma_wait3A_49 = arith.constant 0 : i32
        %dma_wait3A_50 = tpu.memref_slice %arg3[%dma_wait3A_48, %dma_wait3A_49] : memref<81920x128xf32, #tpu.memory_space<hbm>> -> memref<128x128xf32, #tpu.memory_space<hbm>>
        tpu.wait_dma2 semaphore(%arg10 : memref<!tpu.dma_semaphore, #tpu.memory_space<semaphore_mem>>) src(%dma_wait3A_50 : memref<128x128xf32, #tpu.memory_space<hbm>>) dst(%dma_wait3A_47 : memref<128x128xf32, #tpu.memory_space<vmem>>)
        %add3A_51 = arith.constant 1 : i32
        %add3A_52 = arith.addi %mul3A_39, %add3A_51 : i32
        %mul3A_53 = arith.constant 5120 : i32
        %mul3A_54 = arith.muli %arg1, %mul3A_53 : i32
        %mul3A_55 = arith.constant 128 : i32
        %mul3A_56 = arith.muli %add3A_52, %mul3A_55 : i32
        %add3A_57 = arith.addi %mul3A_54, %mul3A_56 : i32
        %dma_start3A_58 = arith.constant 128 : i32
        %dma_start3A_59 = arith.constant 0 : i32
        %dma_start3A_60 = tpu.memref_slice %arg8[%dma_start3A_58, %dma_start3A_59] : memref<256x128xf32, #tpu.memory_space<vmem>> -> memref<128x128xf32, #tpu.memory_space<vmem>>
        %dma_start3A_61 = arith.constant 0 : i32
        %dma_start3A_62 = tpu.memref_slice %arg3[%add3A_57, %dma_start3A_61] : memref<81920x128xf32, #tpu.memory_space<hbm>> -> memref<128x128xf32, #tpu.memory_space<hbm>>
        %dma_start3A_63 = arith.constant 128 : i32
        %dma_start3A_64 = arith.constant 0 : i32
        %dma_start3A_65 = tpu.memref_slice %arg8[%dma_start3A_63, %dma_start3A_64] : memref<256x128xf32, #tpu.memory_space<vmem>> -> memref<128x128xf32, #tpu.memory_space<vmem>>
        %dma_start3A_66 = arith.constant 0 : i32
        %dma_start3A_67 = tpu.memref_slice %arg3[%add3A_57, %dma_start3A_66] : memref<81920x128xf32, #tpu.memory_space<hbm>> -> memref<128x128xf32, #tpu.memory_space<hbm>>
        tpu.enqueue_dma source(%dma_start3A_67 : memref<128x128xf32, #tpu.memory_space<hbm>>) target(%dma_start3A_65 : memref<128x128xf32, #tpu.memory_space<vmem>>) target_semaphore(%arg11 : memref<!tpu.dma_semaphore, #tpu.memory_space<semaphore_mem>>)
        "tpu.region"() ({
          %run_scoped3A = tpu.sem_alloc : memref<!tpu.dma_semaphore, #tpu.memory_space<semaphore_mem>>
          %dma_start3A_86 = arith.constant 0 : i32
          %dma_start3A_87 = arith.constant 0 : i32
          %dma_start3A_88 = tpu.memref_slice %arg8[%dma_start3A_86, %dma_start3A_87] : memref<256x128xf32, #tpu.memory_space<vmem>> -> memref<128x128xf32, #tpu.memory_space<vmem>>
          %dma_start3A_89 = arith.constant 0 : i32
          %dma_start3A_90 = tpu.memref_slice %arg7[%mul3A_39, %dma_start3A_89] : memref<40x128xi32, #tpu.memory_space<vmem>> -> memref<1x128xi32, #tpu.memory_space<vmem>>
          %dma_start3A_91 = tpu.memref_squeeze %dma_start3A_90 : memref<1x128xi32, #tpu.memory_space<vmem>> -> memref<128xi32, #tpu.memory_space<vmem>>
          %dma_start3A_92 = arith.constant 0 : i32
          %dma_start3A_93 = arith.constant 0 : i32
          %dma_start3A_94 = tpu.memref_slice %arg9[%dma_start3A_92, %dma_start3A_93] : memref<10240x128xf32, #tpu.memory_space<vmem_shared>> -> memref<10240x128xf32, #tpu.memory_space<vmem_shared>>
          tpu.enqueue_indirect_dma source(%dma_start3A_88 : memref<128x128xf32, #tpu.memory_space<vmem>>) target(%dma_start3A_94 : memref<10240x128xf32, #tpu.memory_space<vmem_shared>>) offsets(%dma_start3A_91 : memref<128xi32, #tpu.memory_space<vmem>>) semaphore(%run_scoped3A : memref<!tpu.dma_semaphore, #tpu.memory_space<semaphore_mem>>) {add = true}
          %dma_wait3A_95 = arith.constant 0 : i32
          %dma_wait3A_96 = arith.constant 0 : i32
          %dma_wait3A_97 = tpu.memref_slice %arg8[%dma_wait3A_95, %dma_wait3A_96] : memref<256x128xf32, #tpu.memory_space<vmem>> -> memref<128x128xf32, #tpu.memory_space<vmem>>
          %dma_wait3A_98 = arith.constant 0 : i32
          %dma_wait3A_99 = tpu.memref_slice %arg7[%mul3A_39, %dma_wait3A_98] : memref<40x128xi32, #tpu.memory_space<vmem>> -> memref<1x128xi32, #tpu.memory_space<vmem>>
          %dma_wait3A_100 = tpu.memref_squeeze %dma_wait3A_99 : memref<1x128xi32, #tpu.memory_space<vmem>> -> memref<128xi32, #tpu.memory_space<vmem>>
          %dma_wait3A_101 = arith.constant 0 : i32
          %dma_wait3A_102 = arith.constant 0 : i32
          %dma_wait3A_103 = tpu.memref_slice %arg9[%dma_wait3A_101, %dma_wait3A_102] : memref<10240x128xf32, #tpu.memory_space<vmem_shared>> -> memref<10240x128xf32, #tpu.memory_space<vmem_shared>>
          tpu.wait_indirect_dma semaphore(%run_scoped3A : memref<!tpu.dma_semaphore, #tpu.memory_space<semaphore_mem>>) src(%dma_wait3A_97 : memref<128x128xf32, #tpu.memory_space<vmem>>) dst(%dma_wait3A_103 : memref<10240x128xf32, #tpu.memory_space<vmem_shared>>)
          tpu.yield
        }) : () -> ()
        %dma_wait3A_68 = arith.constant 128 : i32
        %dma_wait3A_69 = arith.constant 0 : i32
        %dma_wait3A_70 = tpu.memref_slice %arg8[%dma_wait3A_68, %dma_wait3A_69] : memref<256x128xf32, #tpu.memory_space<vmem>> -> memref<128x128xf32, #tpu.memory_space<vmem>>
        %dma_wait3A_71 = arith.constant 0 : i32
        %dma_wait3A_72 = arith.constant 0 : i32
        %dma_wait3A_73 = tpu.memref_slice %arg3[%dma_wait3A_71, %dma_wait3A_72] : memref<81920x128xf32, #tpu.memory_space<hbm>> -> memref<128x128xf32, #tpu.memory_space<hbm>>
        %dma_wait3A_74 = arith.constant 128 : i32
        %dma_wait3A_75 = arith.constant 0 : i32
        %dma_wait3A_76 = tpu.memref_slice %arg8[%dma_wait3A_74, %dma_wait3A_75] : memref<256x128xf32, #tpu.memory_space<vmem>> -> memref<128x128xf32, #tpu.memory_space<vmem>>
        %dma_wait3A_77 = arith.constant 0 : i32
        %dma_wait3A_78 = arith.constant 0 : i32
        %dma_wait3A_79 = tpu.memref_slice %arg3[%dma_wait3A_77, %dma_wait3A_78] : memref<81920x128xf32, #tpu.memory_space<hbm>> -> memref<128x128xf32, #tpu.memory_space<hbm>>
        tpu.wait_dma2 semaphore(%arg11 : memref<!tpu.dma_semaphore, #tpu.memory_space<semaphore_mem>>) src(%dma_wait3A_79 : memref<128x128xf32, #tpu.memory_space<hbm>>) dst(%dma_wait3A_76 : memref<128x128xf32, #tpu.memory_space<vmem>>)
        %lt3A = arith.constant 19 : i32
        %lt3A_80 = arith.cmpi slt, %scan3A_37, %lt3A : i32
        %convert_element_type3A_81 = arith.extui %lt3A_80 : i1 to i32
        %cond3A_82 = arith.constant 0 : i32
        %cond3A_83 = arith.cmpi ne, %convert_element_type3A_81, %cond3A_82 : i32
        scf.if %cond3A_83 {
          %add3A_86 = arith.constant 2 : i32
          %add3A_87 = arith.addi %mul3A_39, %add3A_86 : i32
          %mul3A_88 = arith.constant 5120 : i32
          %mul3A_89 = arith.muli %arg1, %mul3A_88 : i32
          %mul3A_90 = arith.constant 128 : i32
          %mul3A_91 = arith.muli %add3A_87, %mul3A_90 : i32
          %add3A_92 = arith.addi %mul3A_89, %mul3A_91 : i32
          %dma_start3A_93 = arith.constant 0 : i32
          %dma_start3A_94 = arith.constant 0 : i32
          %dma_start3A_95 = tpu.memref_slice %arg8[%dma_start3A_93, %dma_start3A_94] : memref<256x128xf32, #tpu.memory_space<vmem>> -> memref<128x128xf32, #tpu.memory_space<vmem>>
          %dma_start3A_96 = arith.constant 0 : i32
          %dma_start3A_97 = tpu.memref_slice %arg3[%add3A_92, %dma_start3A_96] : memref<81920x128xf32, #tpu.memory_space<hbm>> -> memref<128x128xf32, #tpu.memory_space<hbm>>
          %dma_start3A_98 = arith.constant 0 : i32
          %dma_start3A_99 = arith.constant 0 : i32
          %dma_start3A_100 = tpu.memref_slice %arg8[%dma_start3A_98, %dma_start3A_99] : memref<256x128xf32, #tpu.memory_space<vmem>> -> memref<128x128xf32, #tpu.memory_space<vmem>>
          %dma_start3A_101 = arith.constant 0 : i32
          %dma_start3A_102 = tpu.memref_slice %arg3[%add3A_92, %dma_start3A_101] : memref<81920x128xf32, #tpu.memory_space<hbm>> -> memref<128x128xf32, #tpu.memory_space<hbm>>
          tpu.enqueue_dma source(%dma_start3A_102 : memref<128x128xf32, #tpu.memory_space<hbm>>) target(%dma_start3A_100 : memref<128x128xf32, #tpu.memory_space<vmem>>) target_semaphore(%arg10 : memref<!tpu.dma_semaphore, #tpu.memory_space<semaphore_mem>>)
        } else {
        }
        %add3A_84 = arith.constant 1 : i32
        %add3A_85 = arith.addi %mul3A_39, %add3A_84 : i32
        "tpu.region"() ({
          %run_scoped3A = tpu.sem_alloc : memref<!tpu.dma_semaphore, #tpu.memory_space<semaphore_mem>>
          %dma_start3A_86 = arith.constant 128 : i32
          %dma_start3A_87 = arith.constant 0 : i32
          %dma_start3A_88 = tpu.memref_slice %arg8[%dma_start3A_86, %dma_start3A_87] : memref<256x128xf32, #tpu.memory_space<vmem>> -> memref<128x128xf32, #tpu.memory_space<vmem>>
          %dma_start3A_89 = arith.constant 0 : i32
          %dma_start3A_90 = tpu.memref_slice %arg7[%add3A_85, %dma_start3A_89] : memref<40x128xi32, #tpu.memory_space<vmem>> -> memref<1x128xi32, #tpu.memory_space<vmem>>
          %dma_start3A_91 = tpu.memref_squeeze %dma_start3A_90 : memref<1x128xi32, #tpu.memory_space<vmem>> -> memref<128xi32, #tpu.memory_space<vmem>>
          %dma_start3A_92 = arith.constant 0 : i32
          %dma_start3A_93 = arith.constant 0 : i32
          %dma_start3A_94 = tpu.memref_slice %arg9[%dma_start3A_92, %dma_start3A_93] : memref<10240x128xf32, #tpu.memory_space<vmem_shared>> -> memref<10240x128xf32, #tpu.memory_space<vmem_shared>>
          tpu.enqueue_indirect_dma source(%dma_start3A_88 : memref<128x128xf32, #tpu.memory_space<vmem>>) target(%dma_start3A_94 : memref<10240x128xf32, #tpu.memory_space<vmem_shared>>) offsets(%dma_start3A_91 : memref<128xi32, #tpu.memory_space<vmem>>) semaphore(%run_scoped3A : memref<!tpu.dma_semaphore, #tpu.memory_space<semaphore_mem>>) {add = true}
          %dma_wait3A_95 = arith.constant 128 : i32
          %dma_wait3A_96 = arith.constant 0 : i32
          %dma_wait3A_97 = tpu.memref_slice %arg8[%dma_wait3A_95, %dma_wait3A_96] : memref<256x128xf32, #tpu.memory_space<vmem>> -> memref<128x128xf32, #tpu.memory_space<vmem>>
          %dma_wait3A_98 = arith.constant 0 : i32
          %dma_wait3A_99 = tpu.memref_slice %arg7[%add3A_85, %dma_wait3A_98] : memref<40x128xi32, #tpu.memory_space<vmem>> -> memref<1x128xi32, #tpu.memory_space<vmem>>
          %dma_wait3A_100 = tpu.memref_squeeze %dma_wait3A_99 : memref<1x128xi32, #tpu.memory_space<vmem>> -> memref<128xi32, #tpu.memory_space<vmem>>
          %dma_wait3A_101 = arith.constant 0 : i32
          %dma_wait3A_102 = arith.constant 0 : i32
          %dma_wait3A_103 = tpu.memref_slice %arg9[%dma_wait3A_101, %dma_wait3A_102] : memref<10240x128xf32, #tpu.memory_space<vmem_shared>> -> memref<10240x128xf32, #tpu.memory_space<vmem_shared>>
          tpu.wait_indirect_dma semaphore(%run_scoped3A : memref<!tpu.dma_semaphore, #tpu.memory_space<semaphore_mem>>) src(%dma_wait3A_97 : memref<128x128xf32, #tpu.memory_space<vmem>>) dst(%dma_wait3A_103 : memref<10240x128xf32, #tpu.memory_space<vmem_shared>>)
          tpu.yield
        }) : () -> ()
      }
      %scan3A_36 = arith.constant 20 : i32
    } else {
    }
    %barrier3A_14 = arith.constant 0 : index
    tpu.barrier barrier_id(%barrier3A_14)
    %mul3A_15 = arith.constant 640 : i32
    %mul3A_16 = arith.muli %arg1, %mul3A_15 : i32
    %mul3A_17 = arith.constant 640 : i32
    %mul3A_18 = arith.muli %arg1, %mul3A_17 : i32
    "tpu.region"() ({
      %run_scoped3A = tpu.sem_alloc : memref<!tpu.dma_semaphore, #tpu.memory_space<semaphore_mem>>
      %dma_start3A = arith.constant 0 : i32
      %dma_start3A_19 = tpu.memref_slice %arg6[%arg0, %mul3A_18, %dma_start3A] : memref<2x10240x128xf32, #tpu.memory_space<hbm>> -> memref<1x640x128xf32, #tpu.memory_space<hbm>>
      %dma_start3A_20 = tpu.memref_squeeze %dma_start3A_19 : memref<1x640x128xf32, #tpu.memory_space<hbm>> -> memref<640x128xf32, #tpu.memory_space<hbm>>
      %dma_start3A_21 = arith.constant 0 : i32
      %dma_start3A_22 = tpu.memref_slice %arg9[%mul3A_16, %dma_start3A_21] : memref<10240x128xf32, #tpu.memory_space<vmem_shared>> -> memref<640x128xf32, #tpu.memory_space<vmem_shared>>
      tpu.enqueue_dma source(%dma_start3A_22 : memref<640x128xf32, #tpu.memory_space<vmem_shared>>) target(%dma_start3A_20 : memref<640x128xf32, #tpu.memory_space<hbm>>) target_semaphore(%run_scoped3A : memref<!tpu.dma_semaphore, #tpu.memory_space<semaphore_mem>>)
      %dma_wait3A = arith.constant 0 : i32
      %dma_wait3A_23 = tpu.memref_slice %arg6[%arg0, %mul3A_18, %dma_wait3A] : memref<2x10240x128xf32, #tpu.memory_space<hbm>> -> memref<1x640x128xf32, #tpu.memory_space<hbm>>
      %dma_wait3A_24 = tpu.memref_squeeze %dma_wait3A_23 : memref<1x640x128xf32, #tpu.memory_space<hbm>> -> memref<640x128xf32, #tpu.memory_space<hbm>>
      %dma_wait3A_25 = arith.constant 0 : i32
      %dma_wait3A_26 = tpu.memref_slice %arg9[%mul3A_16, %dma_wait3A_25] : memref<10240x128xf32, #tpu.memory_space<vmem_shared>> -> memref<640x128xf32, #tpu.memory_space<vmem_shared>>
      tpu.wait_dma2 semaphore(%run_scoped3A : memref<!tpu.dma_semaphore, #tpu.memory_space<semaphore_mem>>) src(%dma_wait3A_26 : memref<640x128xf32, #tpu.memory_space<vmem_shared>>) dst(%dma_wait3A_24 : memref<640x128xf32, #tpu.memory_space<hbm>>)
      tpu.yield
    }) : () -> ()
    return
  }
}

#map = affine_map<(d0, d1) -> (0)>
#map1 = affine_map<(d0, d1) -> (0, 0)>
module attributes {stable_mosaic.version = 14 : i64} {
  func.func @k(%arg0: i32, %arg1: i32, %arg2: memref<327680xi32, #tpu.memory_space<hbm>>, %arg3: memref<10240x128xf32, #tpu.memory_space<hbm>>, %arg4: memref<10240x128xf32, #tpu.memory_space<hbm>>, %arg5: memref<81920x128xf32, #tpu.memory_space<hbm>>, %arg6: memref<81920x128xf32, #tpu.memory_space<hbm>>, %arg7: memref<10240xi32, #tpu.memory_space<vmem>>, %arg8: memref<288x128xf32, #tpu.memory_space<vmem>>, %arg9: memref<96x128xf32, #tpu.memory_space<vmem>>, %arg10: memref<!tpu.dma_semaphore, #tpu.memory_space<semaphore_mem>>, %arg11: memref<!tpu.dma_semaphore, #tpu.memory_space<semaphore_mem>>, %arg12: memref<!tpu.dma_semaphore, #tpu.memory_space<semaphore_mem>>, %arg13: memref<!tpu.dma_semaphore, #tpu.memory_space<semaphore_mem>>, %arg14: memref<!tpu.dma_semaphore, #tpu.memory_space<semaphore_mem>>, %arg15: memref<!tpu.dma_semaphore, #tpu.memory_space<semaphore_mem>>) attributes {dimension_semantics = [#tpu.dimension_semantics<core_parallel>, #tpu.dimension_semantics<subcore_parallel>], iteration_bounds = array<i64: 2, 16>, scalar_prefetch = 0 : i64, scratch_operands = 9 : i64, tpu.core_type = #tpu.core_type<sc_vector_subcore>, window_params = [{transform_indices = #map}, {transform_indices = #map1}, {transform_indices = #map1}, {transform_indices = #map1}, {transform_indices = #map1}]} {
    %mul3A = arith.constant 16 : i32
    %mul3A_0 = arith.muli %arg0, %mul3A : i32
    %add3A = arith.addi %mul3A_0, %arg1 : i32
    %mul3A_1 = arith.constant 80 : i32
    %mul3A_2 = arith.muli %add3A, %mul3A_1 : i32
    %mul3A_3 = arith.constant 4 : i32
    %mul3A_4 = arith.muli %mul3A_2, %mul3A_3 : i32
    %mul3A_5 = arith.constant 32 : i32
    %mul3A_6 = arith.muli %mul3A_4, %mul3A_5 : i32
    "tpu.region"() ({
      %run_scoped3A = tpu.sem_alloc : memref<!tpu.dma_semaphore, #tpu.memory_space<semaphore_mem>>
      %dma_start3A_43 = tpu.memref_slice %arg2[%mul3A_6] : memref<327680xi32, #tpu.memory_space<hbm>> -> memref<10240xi32, #tpu.memory_space<hbm>>
      %dma_start3A_44 = tpu.memref_slice %arg2[%mul3A_6] : memref<327680xi32, #tpu.memory_space<hbm>> -> memref<10240xi32, #tpu.memory_space<hbm>>
      tpu.enqueue_dma source(%dma_start3A_44 : memref<10240xi32, #tpu.memory_space<hbm>>) target(%arg7 : memref<10240xi32, #tpu.memory_space<vmem>>) target_semaphore(%run_scoped3A : memref<!tpu.dma_semaphore, #tpu.memory_space<semaphore_mem>>)
      %dma_wait3A = tpu.memref_slice %arg2[%mul3A_6] : memref<327680xi32, #tpu.memory_space<hbm>> -> memref<10240xi32, #tpu.memory_space<hbm>>
      %dma_wait3A_45 = tpu.memref_slice %arg2[%mul3A_6] : memref<327680xi32, #tpu.memory_space<hbm>> -> memref<10240xi32, #tpu.memory_space<hbm>>
      tpu.wait_dma2 semaphore(%run_scoped3A : memref<!tpu.dma_semaphore, #tpu.memory_space<semaphore_mem>>) src(%dma_wait3A_45 : memref<10240xi32, #tpu.memory_space<hbm>>) dst(%arg7 : memref<10240xi32, #tpu.memory_space<vmem>>)
      tpu.yield
    }) : () -> ()
    %dma_start3A = arith.constant 0 : i32
    %dma_start3A_7 = arith.constant 0 : i32
    %dma_start3A_8 = tpu.memref_slice %arg8[%dma_start3A, %dma_start3A_7] : memref<288x128xf32, #tpu.memory_space<vmem>> -> memref<96x128xf32, #tpu.memory_space<vmem>>
    %dma_start3A_9 = arith.constant 0 : i32
    %dma_start3A_10 = tpu.memref_slice %arg7[%dma_start3A_9] : memref<10240xi32, #tpu.memory_space<vmem>> -> memref<96xi32, #tpu.memory_space<vmem>>
    %dma_start3A_11 = arith.constant 0 : i32
    %dma_start3A_12 = arith.constant 0 : i32
    %dma_start3A_13 = tpu.memref_slice %arg3[%dma_start3A_11, %dma_start3A_12] : memref<10240x128xf32, #tpu.memory_space<hbm>> -> memref<10240x128xf32, #tpu.memory_space<hbm>>
    tpu.enqueue_indirect_dma source(%dma_start3A_13 : memref<10240x128xf32, #tpu.memory_space<hbm>>) target(%dma_start3A_8 : memref<96x128xf32, #tpu.memory_space<vmem>>) offsets(%dma_start3A_10 : memref<96xi32, #tpu.memory_space<vmem>>) semaphore(%arg10 : memref<!tpu.dma_semaphore, #tpu.memory_space<semaphore_mem>>)
    %dma_start3A_14 = arith.constant 0 : i32
    %dma_start3A_15 = arith.constant 0 : i32
    %dma_start3A_16 = tpu.memref_slice %arg9[%dma_start3A_14, %dma_start3A_15] : memref<96x128xf32, #tpu.memory_space<vmem>> -> memref<32x128xf32, #tpu.memory_space<vmem>>
    %dma_start3A_17 = arith.constant 96 : i32
    %dma_start3A_18 = tpu.memref_slice %arg7[%dma_start3A_17] : memref<10240xi32, #tpu.memory_space<vmem>> -> memref<32xi32, #tpu.memory_space<vmem>>
    %dma_start3A_19 = arith.constant 0 : i32
    %dma_start3A_20 = arith.constant 0 : i32
    %dma_start3A_21 = tpu.memref_slice %arg4[%dma_start3A_19, %dma_start3A_20] : memref<10240x128xf32, #tpu.memory_space<hbm>> -> memref<10240x128xf32, #tpu.memory_space<hbm>>
    tpu.enqueue_indirect_dma source(%dma_start3A_21 : memref<10240x128xf32, #tpu.memory_space<hbm>>) target(%dma_start3A_16 : memref<32x128xf32, #tpu.memory_space<vmem>>) offsets(%dma_start3A_18 : memref<32xi32, #tpu.memory_space<vmem>>) semaphore(%arg10 : memref<!tpu.dma_semaphore, #tpu.memory_space<semaphore_mem>>)
    %dma_start3A_22 = arith.constant 96 : i32
    %dma_start3A_23 = arith.constant 0 : i32
    %dma_start3A_24 = tpu.memref_slice %arg8[%dma_start3A_22, %dma_start3A_23] : memref<288x128xf32, #tpu.memory_space<vmem>> -> memref<96x128xf32, #tpu.memory_space<vmem>>
    %dma_start3A_25 = arith.constant 128 : i32
    %dma_start3A_26 = tpu.memref_slice %arg7[%dma_start3A_25] : memref<10240xi32, #tpu.memory_space<vmem>> -> memref<96xi32, #tpu.memory_space<vmem>>
    %dma_start3A_27 = arith.constant 0 : i32
    %dma_start3A_28 = arith.constant 0 : i32
    %dma_start3A_29 = tpu.memref_slice %arg3[%dma_start3A_27, %dma_start3A_28] : memref<10240x128xf32, #tpu.memory_space<hbm>> -> memref<10240x128xf32, #tpu.memory_space<hbm>>
    tpu.enqueue_indirect_dma source(%dma_start3A_29 : memref<10240x128xf32, #tpu.memory_space<hbm>>) target(%dma_start3A_24 : memref<96x128xf32, #tpu.memory_space<vmem>>) offsets(%dma_start3A_26 : memref<96xi32, #tpu.memory_space<vmem>>) semaphore(%arg11 : memref<!tpu.dma_semaphore, #tpu.memory_space<semaphore_mem>>)
    %dma_start3A_30 = arith.constant 32 : i32
    %dma_start3A_31 = arith.constant 0 : i32
    %dma_start3A_32 = tpu.memref_slice %arg9[%dma_start3A_30, %dma_start3A_31] : memref<96x128xf32, #tpu.memory_space<vmem>> -> memref<32x128xf32, #tpu.memory_space<vmem>>
    %dma_start3A_33 = arith.constant 224 : i32
    %dma_start3A_34 = tpu.memref_slice %arg7[%dma_start3A_33] : memref<10240xi32, #tpu.memory_space<vmem>> -> memref<32xi32, #tpu.memory_space<vmem>>
    %dma_start3A_35 = arith.constant 0 : i32
    %dma_start3A_36 = arith.constant 0 : i32
    %dma_start3A_37 = tpu.memref_slice %arg4[%dma_start3A_35, %dma_start3A_36] : memref<10240x128xf32, #tpu.memory_space<hbm>> -> memref<10240x128xf32, #tpu.memory_space<hbm>>
    tpu.enqueue_indirect_dma source(%dma_start3A_37 : memref<10240x128xf32, #tpu.memory_space<hbm>>) target(%dma_start3A_32 : memref<32x128xf32, #tpu.memory_space<vmem>>) offsets(%dma_start3A_34 : memref<32xi32, #tpu.memory_space<vmem>>) semaphore(%arg11 : memref<!tpu.dma_semaphore, #tpu.memory_space<semaphore_mem>>)
    %scan3A = arith.constant 0 : i32
    %scan3A_38 = arith.constant 0 : i32
    %scan3A_39 = arith.constant 27 : i32
    %scan3A_40 = arith.addi %scan3A_38, %scan3A_39 : i32
    %scan3A_41 = arith.constant 1 : i32
    scf.for %scan3A_43 = %scan3A_38 to %scan3A_40 step %scan3A_41  : i32 {
      %mul3A_44 = arith.constant 3 : i32
      %mul3A_45 = arith.muli %mul3A_44, %scan3A_43 : i32
      %add3A_46 = arith.constant 0 : i32
      %add3A_47 = arith.addi %mul3A_45, %add3A_46 : i32
      %lt3A = arith.constant 80 : i32
      %lt3A_48 = arith.cmpi slt, %add3A_47, %lt3A : i32
      %convert_element_type3A = arith.extui %lt3A_48 : i1 to i32
      %cond3A = arith.constant 0 : i32
      %cond3A_49 = arith.cmpi ne, %convert_element_type3A, %cond3A : i32
      scf.if %cond3A_49 {
        %mul3A_115 = arith.constant 2560 : i32
        %mul3A_116 = arith.muli %add3A, %mul3A_115 : i32
        %mul3A_117 = arith.constant 32 : i32
        %mul3A_118 = arith.muli %add3A_47, %mul3A_117 : i32
        %add3A_119 = arith.addi %mul3A_116, %mul3A_118 : i32
        %dma_wait3A = arith.constant 0 : i32
        %dma_wait3A_120 = arith.constant 0 : i32
        %dma_wait3A_121 = tpu.memref_slice %arg8[%dma_wait3A, %dma_wait3A_120] : memref<288x128xf32, #tpu.memory_space<vmem>> -> memref<96x128xf32, #tpu.memory_space<vmem>>
        %dma_wait3A_122 = arith.constant 0 : i32
        %dma_wait3A_123 = arith.constant 0 : i32
        %dma_wait3A_124 = tpu.memref_slice %arg3[%dma_wait3A_122, %dma_wait3A_123] : memref<10240x128xf32, #tpu.memory_space<hbm>> -> memref<96x128xf32, #tpu.memory_space<hbm>>
        %dma_wait3A_125 = arith.constant 0 : i32
        %dma_wait3A_126 = arith.constant 0 : i32
        %dma_wait3A_127 = tpu.memref_slice %arg8[%dma_wait3A_125, %dma_wait3A_126] : memref<288x128xf32, #tpu.memory_space<vmem>> -> memref<96x128xf32, #tpu.memory_space<vmem>>
        %dma_wait3A_128 = arith.constant 0 : i32
        %dma_wait3A_129 = arith.constant 0 : i32
        %dma_wait3A_130 = tpu.memref_slice %arg3[%dma_wait3A_128, %dma_wait3A_129] : memref<10240x128xf32, #tpu.memory_space<hbm>> -> memref<96x128xf32, #tpu.memory_space<hbm>>
        tpu.wait_dma2 semaphore(%arg10 : memref<!tpu.dma_semaphore, #tpu.memory_space<semaphore_mem>>) src(%dma_wait3A_130 : memref<96x128xf32, #tpu.memory_space<hbm>>) dst(%dma_wait3A_127 : memref<96x128xf32, #tpu.memory_space<vmem>>)
        %dma_wait3A_131 = arith.constant 0 : i32
        %dma_wait3A_132 = arith.constant 0 : i32
        %dma_wait3A_133 = tpu.memref_slice %arg9[%dma_wait3A_131, %dma_wait3A_132] : memref<96x128xf32, #tpu.memory_space<vmem>> -> memref<32x128xf32, #tpu.memory_space<vmem>>
        %dma_wait3A_134 = arith.constant 0 : i32
        %dma_wait3A_135 = arith.constant 0 : i32
        %dma_wait3A_136 = tpu.memref_slice %arg4[%dma_wait3A_134, %dma_wait3A_135] : memref<10240x128xf32, #tpu.memory_space<hbm>> -> memref<32x128xf32, #tpu.memory_space<hbm>>
        %dma_wait3A_137 = arith.constant 0 : i32
        %dma_wait3A_138 = arith.constant 0 : i32
        %dma_wait3A_139 = tpu.memref_slice %arg9[%dma_wait3A_137, %dma_wait3A_138] : memref<96x128xf32, #tpu.memory_space<vmem>> -> memref<32x128xf32, #tpu.memory_space<vmem>>
        %dma_wait3A_140 = arith.constant 0 : i32
        %dma_wait3A_141 = arith.constant 0 : i32
        %dma_wait3A_142 = tpu.memref_slice %arg4[%dma_wait3A_140, %dma_wait3A_141] : memref<10240x128xf32, #tpu.memory_space<hbm>> -> memref<32x128xf32, #tpu.memory_space<hbm>>
        tpu.wait_dma2 semaphore(%arg10 : memref<!tpu.dma_semaphore, #tpu.memory_space<semaphore_mem>>) src(%dma_wait3A_142 : memref<32x128xf32, #tpu.memory_space<hbm>>) dst(%dma_wait3A_139 : memref<32x128xf32, #tpu.memory_space<vmem>>)
        %scan3A_143 = arith.constant 0 : i32
        %scan3A_144 = arith.constant 0 : i32
        %scan3A_145 = arith.constant 32 : i32
        %scan3A_146 = arith.addi %scan3A_144, %scan3A_145 : i32
        %scan3A_147 = arith.constant 1 : i32
        scf.for %scan3A_169 = %scan3A_144 to %scan3A_146 step %scan3A_147  : i32 {
          %add3A_170 = arith.constant 0 : i32
          %add3A_171 = arith.addi %add3A_170, %scan3A_169 : i32
          %get3A = arith.index_cast %add3A_171 : i32 to index
          %get3A_172 = arith.constant 0 : index
          %get3A_173 = tpu.vector_load %arg8[%get3A, %get3A_172] {strides = array<i32>} : memref<288x128xf32, #tpu.memory_space<vmem>>, vector<1x16xf32>,
          %get3A_174 = vector.shape_cast %get3A_173 : vector<1x16xf32> to vector<16xf32>
          %add3A_175 = arith.constant 32 : i32
          %add3A_176 = arith.addi %add3A_175, %scan3A_169 : i32
          %get3A_177 = arith.index_cast %add3A_176 : i32 to index
          %get3A_178 = arith.constant 0 : index
          %get3A_179 = tpu.vector_load %arg8[%get3A_177, %get3A_178] {strides = array<i32>} : memref<288x128xf32, #tpu.memory_space<vmem>>, vector<1x16xf32>,
          %get3A_180 = vector.shape_cast %get3A_179 : vector<1x16xf32> to vector<16xf32>
          %add3A_181 = arith.addf %get3A_174, %get3A_180 : vector<16xf32>
          %add3A_182 = arith.constant 64 : i32
          %add3A_183 = arith.addi %add3A_182, %scan3A_169 : i32
          %get3A_184 = arith.index_cast %add3A_183 : i32 to index
          %get3A_185 = arith.constant 0 : index
          %get3A_186 = tpu.vector_load %arg8[%get3A_184, %get3A_185] {strides = array<i32>} : memref<288x128xf32, #tpu.memory_space<vmem>>, vector<1x16xf32>,
          %get3A_187 = vector.shape_cast %get3A_186 : vector<1x16xf32> to vector<16xf32>
          %add3A_188 = arith.addf %add3A_181, %get3A_187 : vector<16xf32>
          %add3A_189 = arith.constant 0 : i32
          %add3A_190 = arith.addi %add3A_189, %scan3A_169 : i32
          %swap3A = arith.index_cast %add3A_190 : i32 to index
          %swap3A_191 = arith.constant 0 : index
          %swap3A_192 = tpu.vector_load %arg8[%swap3A, %swap3A_191] {strides = array<i32>} : memref<288x128xf32, #tpu.memory_space<vmem>>, vector<1x16xf32>,
          %swap3A_193 = vector.shape_cast %swap3A_192 : vector<1x16xf32> to vector<16xf32>
          %swap3A_194 = vector.shape_cast %add3A_188 : vector<16xf32> to vector<1x16xf32>
          tpu.vector_store %arg8[%swap3A, %swap3A_191], %swap3A_194 {strides = array<i32>} : memref<288x128xf32, #tpu.memory_space<vmem>>, vector<1x16xf32>,
          %add3A_195 = arith.constant 0 : i32
          %add3A_196 = arith.addi %add3A_195, %scan3A_169 : i32
          %get3A_197 = arith.index_cast %add3A_196 : i32 to index
          %get3A_198 = arith.constant 16 : index
          %get3A_199 = tpu.vector_load %arg8[%get3A_197, %get3A_198] {strides = array<i32>} : memref<288x128xf32, #tpu.memory_space<vmem>>, vector<1x16xf32>,
          %get3A_200 = vector.shape_cast %get3A_199 : vector<1x16xf32> to vector<16xf32>
          %add3A_201 = arith.constant 32 : i32
          %add3A_202 = arith.addi %add3A_201, %scan3A_169 : i32
          %get3A_203 = arith.index_cast %add3A_202 : i32 to index
          %get3A_204 = arith.constant 16 : index
          %get3A_205 = tpu.vector_load %arg8[%get3A_203, %get3A_204] {strides = array<i32>} : memref<288x128xf32, #tpu.memory_space<vmem>>, vector<1x16xf32>,
          %get3A_206 = vector.shape_cast %get3A_205 : vector<1x16xf32> to vector<16xf32>
          %add3A_207 = arith.addf %get3A_200, %get3A_206 : vector<16xf32>
          %add3A_208 = arith.constant 64 : i32
          %add3A_209 = arith.addi %add3A_208, %scan3A_169 : i32
          %get3A_210 = arith.index_cast %add3A_209 : i32 to index
          %get3A_211 = arith.constant 16 : index
          %get3A_212 = tpu.vector_load %arg8[%get3A_210, %get3A_211] {strides = array<i32>} : memref<288x128xf32, #tpu.memory_space<vmem>>, vector<1x16xf32>,
          %get3A_213 = vector.shape_cast %get3A_212 : vector<1x16xf32> to vector<16xf32>
          %add3A_214 = arith.addf %add3A_207, %get3A_213 : vector<16xf32>
          %add3A_215 = arith.constant 0 : i32
          %add3A_216 = arith.addi %add3A_215, %scan3A_169 : i32
          %swap3A_217 = arith.index_cast %add3A_216 : i32 to index
          %swap3A_218 = arith.constant 16 : index
          %swap3A_219 = tpu.vector_load %arg8[%swap3A_217, %swap3A_218] {strides = array<i32>} : memref<288x128xf32, #tpu.memory_space<vmem>>, vector<1x16xf32>,
          %swap3A_220 = vector.shape_cast %swap3A_219 : vector<1x16xf32> to vector<16xf32>
          %swap3A_221 = vector.shape_cast %add3A_214 : vector<16xf32> to vector<1x16xf32>
          tpu.vector_store %arg8[%swap3A_217, %swap3A_218], %swap3A_221 {strides = array<i32>} : memref<288x128xf32, #tpu.memory_space<vmem>>, vector<1x16xf32>,
          %add3A_222 = arith.constant 0 : i32
          %add3A_223 = arith.addi %add3A_222, %scan3A_169 : i32
          %get3A_224 = arith.index_cast %add3A_223 : i32 to index
          %get3A_225 = arith.constant 32 : index
          %get3A_226 = tpu.vector_load %arg8[%get3A_224, %get3A_225] {strides = array<i32>} : memref<288x128xf32, #tpu.memory_space<vmem>>, vector<1x16xf32>,
          %get3A_227 = vector.shape_cast %get3A_226 : vector<1x16xf32> to vector<16xf32>
          %add3A_228 = arith.constant 32 : i32
          %add3A_229 = arith.addi %add3A_228, %scan3A_169 : i32
          %get3A_230 = arith.index_cast %add3A_229 : i32 to index
          %get3A_231 = arith.constant 32 : index
          %get3A_232 = tpu.vector_load %arg8[%get3A_230, %get3A_231] {strides = array<i32>} : memref<288x128xf32, #tpu.memory_space<vmem>>, vector<1x16xf32>,
          %get3A_233 = vector.shape_cast %get3A_232 : vector<1x16xf32> to vector<16xf32>
          %add3A_234 = arith.addf %get3A_227, %get3A_233 : vector<16xf32>
          %add3A_235 = arith.constant 64 : i32
          %add3A_236 = arith.addi %add3A_235, %scan3A_169 : i32
          %get3A_237 = arith.index_cast %add3A_236 : i32 to index
          %get3A_238 = arith.constant 32 : index
          %get3A_239 = tpu.vector_load %arg8[%get3A_237, %get3A_238] {strides = array<i32>} : memref<288x128xf32, #tpu.memory_space<vmem>>, vector<1x16xf32>,
          %get3A_240 = vector.shape_cast %get3A_239 : vector<1x16xf32> to vector<16xf32>
          %add3A_241 = arith.addf %add3A_234, %get3A_240 : vector<16xf32>
          %add3A_242 = arith.constant 0 : i32
          %add3A_243 = arith.addi %add3A_242, %scan3A_169 : i32
          %swap3A_244 = arith.index_cast %add3A_243 : i32 to index
          %swap3A_245 = arith.constant 32 : index
          %swap3A_246 = tpu.vector_load %arg8[%swap3A_244, %swap3A_245] {strides = array<i32>} : memref<288x128xf32, #tpu.memory_space<vmem>>, vector<1x16xf32>,
          %swap3A_247 = vector.shape_cast %swap3A_246 : vector<1x16xf32> to vector<16xf32>
          %swap3A_248 = vector.shape_cast %add3A_241 : vector<16xf32> to vector<1x16xf32>
          tpu.vector_store %arg8[%swap3A_244, %swap3A_245], %swap3A_248 {strides = array<i32>} : memref<288x128xf32, #tpu.memory_space<vmem>>, vector<1x16xf32>,
          %add3A_249 = arith.constant 0 : i32
          %add3A_250 = arith.addi %add3A_249, %scan3A_169 : i32
          %get3A_251 = arith.index_cast %add3A_250 : i32 to index
          %get3A_252 = arith.constant 48 : index
          %get3A_253 = tpu.vector_load %arg8[%get3A_251, %get3A_252] {strides = array<i32>} : memref<288x128xf32, #tpu.memory_space<vmem>>, vector<1x16xf32>,
          %get3A_254 = vector.shape_cast %get3A_253 : vector<1x16xf32> to vector<16xf32>
          %add3A_255 = arith.constant 32 : i32
          %add3A_256 = arith.addi %add3A_255, %scan3A_169 : i32
          %get3A_257 = arith.index_cast %add3A_256 : i32 to index
          %get3A_258 = arith.constant 48 : index
          %get3A_259 = tpu.vector_load %arg8[%get3A_257, %get3A_258] {strides = array<i32>} : memref<288x128xf32, #tpu.memory_space<vmem>>, vector<1x16xf32>,
          %get3A_260 = vector.shape_cast %get3A_259 : vector<1x16xf32> to vector<16xf32>
          %add3A_261 = arith.addf %get3A_254, %get3A_260 : vector<16xf32>
          %add3A_262 = arith.constant 64 : i32
          %add3A_263 = arith.addi %add3A_262, %scan3A_169 : i32
          %get3A_264 = arith.index_cast %add3A_263 : i32 to index
          %get3A_265 = arith.constant 48 : index
          %get3A_266 = tpu.vector_load %arg8[%get3A_264, %get3A_265] {strides = array<i32>} : memref<288x128xf32, #tpu.memory_space<vmem>>, vector<1x16xf32>,
          %get3A_267 = vector.shape_cast %get3A_266 : vector<1x16xf32> to vector<16xf32>
          %add3A_268 = arith.addf %add3A_261, %get3A_267 : vector<16xf32>
          %add3A_269 = arith.constant 0 : i32
          %add3A_270 = arith.addi %add3A_269, %scan3A_169 : i32
          %swap3A_271 = arith.index_cast %add3A_270 : i32 to index
          %swap3A_272 = arith.constant 48 : index
          %swap3A_273 = tpu.vector_load %arg8[%swap3A_271, %swap3A_272] {strides = array<i32>} : memref<288x128xf32, #tpu.memory_space<vmem>>, vector<1x16xf32>,
          %swap3A_274 = vector.shape_cast %swap3A_273 : vector<1x16xf32> to vector<16xf32>
          %swap3A_275 = vector.shape_cast %add3A_268 : vector<16xf32> to vector<1x16xf32>
          tpu.vector_store %arg8[%swap3A_271, %swap3A_272], %swap3A_275 {strides = array<i32>} : memref<288x128xf32, #tpu.memory_space<vmem>>, vector<1x16xf32>,
          %add3A_276 = arith.constant 0 : i32
          %add3A_277 = arith.addi %add3A_276, %scan3A_169 : i32
          %get3A_278 = arith.index_cast %add3A_277 : i32 to index
          %get3A_279 = arith.constant 64 : index
          %get3A_280 = tpu.vector_load %arg8[%get3A_278, %get3A_279] {strides = array<i32>} : memref<288x128xf32, #tpu.memory_space<vmem>>, vector<1x16xf32>,
          %get3A_281 = vector.shape_cast %get3A_280 : vector<1x16xf32> to vector<16xf32>
          %add3A_282 = arith.constant 32 : i32
          %add3A_283 = arith.addi %add3A_282, %scan3A_169 : i32
          %get3A_284 = arith.index_cast %add3A_283 : i32 to index
          %get3A_285 = arith.constant 64 : index
          %get3A_286 = tpu.vector_load %arg8[%get3A_284, %get3A_285] {strides = array<i32>} : memref<288x128xf32, #tpu.memory_space<vmem>>, vector<1x16xf32>,
          %get3A_287 = vector.shape_cast %get3A_286 : vector<1x16xf32> to vector<16xf32>
          %add3A_288 = arith.addf %get3A_281, %get3A_287 : vector<16xf32>
          %add3A_289 = arith.constant 64 : i32
          %add3A_290 = arith.addi %add3A_289, %scan3A_169 : i32
          %get3A_291 = arith.index_cast %add3A_290 : i32 to index
          %get3A_292 = arith.constant 64 : index
          %get3A_293 = tpu.vector_load %arg8[%get3A_291, %get3A_292] {strides = array<i32>} : memref<288x128xf32, #tpu.memory_space<vmem>>, vector<1x16xf32>,
          %get3A_294 = vector.shape_cast %get3A_293 : vector<1x16xf32> to vector<16xf32>
          %add3A_295 = arith.addf %add3A_288, %get3A_294 : vector<16xf32>
          %add3A_296 = arith.constant 0 : i32
          %add3A_297 = arith.addi %add3A_296, %scan3A_169 : i32
          %swap3A_298 = arith.index_cast %add3A_297 : i32 to index
          %swap3A_299 = arith.constant 64 : index
          %swap3A_300 = tpu.vector_load %arg8[%swap3A_298, %swap3A_299] {strides = array<i32>} : memref<288x128xf32, #tpu.memory_space<vmem>>, vector<1x16xf32>,
          %swap3A_301 = vector.shape_cast %swap3A_300 : vector<1x16xf32> to vector<16xf32>
          %swap3A_302 = vector.shape_cast %add3A_295 : vector<16xf32> to vector<1x16xf32>
          tpu.vector_store %arg8[%swap3A_298, %swap3A_299], %swap3A_302 {strides = array<i32>} : memref<288x128xf32, #tpu.memory_space<vmem>>, vector<1x16xf32>,
          %add3A_303 = arith.constant 0 : i32
          %add3A_304 = arith.addi %add3A_303, %scan3A_169 : i32
          %get3A_305 = arith.index_cast %add3A_304 : i32 to index
          %get3A_306 = arith.constant 80 : index
          %get3A_307 = tpu.vector_load %arg8[%get3A_305, %get3A_306] {strides = array<i32>} : memref<288x128xf32, #tpu.memory_space<vmem>>, vector<1x16xf32>,
          %get3A_308 = vector.shape_cast %get3A_307 : vector<1x16xf32> to vector<16xf32>
          %add3A_309 = arith.constant 32 : i32
          %add3A_310 = arith.addi %add3A_309, %scan3A_169 : i32
          %get3A_311 = arith.index_cast %add3A_310 : i32 to index
          %get3A_312 = arith.constant 80 : index
          %get3A_313 = tpu.vector_load %arg8[%get3A_311, %get3A_312] {strides = array<i32>} : memref<288x128xf32, #tpu.memory_space<vmem>>, vector<1x16xf32>,
          %get3A_314 = vector.shape_cast %get3A_313 : vector<1x16xf32> to vector<16xf32>
          %add3A_315 = arith.addf %get3A_308, %get3A_314 : vector<16xf32>
          %add3A_316 = arith.constant 64 : i32
          %add3A_317 = arith.addi %add3A_316, %scan3A_169 : i32
          %get3A_318 = arith.index_cast %add3A_317 : i32 to index
          %get3A_319 = arith.constant 80 : index
          %get3A_320 = tpu.vector_load %arg8[%get3A_318, %get3A_319] {strides = array<i32>} : memref<288x128xf32, #tpu.memory_space<vmem>>, vector<1x16xf32>,
          %get3A_321 = vector.shape_cast %get3A_320 : vector<1x16xf32> to vector<16xf32>
          %add3A_322 = arith.addf %add3A_315, %get3A_321 : vector<16xf32>
          %add3A_323 = arith.constant 0 : i32
          %add3A_324 = arith.addi %add3A_323, %scan3A_169 : i32
          %swap3A_325 = arith.index_cast %add3A_324 : i32 to index
          %swap3A_326 = arith.constant 80 : index
          %swap3A_327 = tpu.vector_load %arg8[%swap3A_325, %swap3A_326] {strides = array<i32>} : memref<288x128xf32, #tpu.memory_space<vmem>>, vector<1x16xf32>,
          %swap3A_328 = vector.shape_cast %swap3A_327 : vector<1x16xf32> to vector<16xf32>
          %swap3A_329 = vector.shape_cast %add3A_322 : vector<16xf32> to vector<1x16xf32>
          tpu.vector_store %arg8[%swap3A_325, %swap3A_326], %swap3A_329 {strides = array<i32>} : memref<288x128xf32, #tpu.memory_space<vmem>>, vector<1x16xf32>,
          %add3A_330 = arith.constant 0 : i32
          %add3A_331 = arith.addi %add3A_330, %scan3A_169 : i32
          %get3A_332 = arith.index_cast %add3A_331 : i32 to index
          %get3A_333 = arith.constant 96 : index
          %get3A_334 = tpu.vector_load %arg8[%get3A_332, %get3A_333] {strides = array<i32>} : memref<288x128xf32, #tpu.memory_space<vmem>>, vector<1x16xf32>,
          %get3A_335 = vector.shape_cast %get3A_334 : vector<1x16xf32> to vector<16xf32>
          %add3A_336 = arith.constant 32 : i32
          %add3A_337 = arith.addi %add3A_336, %scan3A_169 : i32
          %get3A_338 = arith.index_cast %add3A_337 : i32 to index
          %get3A_339 = arith.constant 96 : index
          %get3A_340 = tpu.vector_load %arg8[%get3A_338, %get3A_339] {strides = array<i32>} : memref<288x128xf32, #tpu.memory_space<vmem>>, vector<1x16xf32>,
          %get3A_341 = vector.shape_cast %get3A_340 : vector<1x16xf32> to vector<16xf32>
          %add3A_342 = arith.addf %get3A_335, %get3A_341 : vector<16xf32>
          %add3A_343 = arith.constant 64 : i32
          %add3A_344 = arith.addi %add3A_343, %scan3A_169 : i32
          %get3A_345 = arith.index_cast %add3A_344 : i32 to index
          %get3A_346 = arith.constant 96 : index
          %get3A_347 = tpu.vector_load %arg8[%get3A_345, %get3A_346] {strides = array<i32>} : memref<288x128xf32, #tpu.memory_space<vmem>>, vector<1x16xf32>,
          %get3A_348 = vector.shape_cast %get3A_347 : vector<1x16xf32> to vector<16xf32>
          %add3A_349 = arith.addf %add3A_342, %get3A_348 : vector<16xf32>
          %add3A_350 = arith.constant 0 : i32
          %add3A_351 = arith.addi %add3A_350, %scan3A_169 : i32
          %swap3A_352 = arith.index_cast %add3A_351 : i32 to index
          %swap3A_353 = arith.constant 96 : index
          %swap3A_354 = tpu.vector_load %arg8[%swap3A_352, %swap3A_353] {strides = array<i32>} : memref<288x128xf32, #tpu.memory_space<vmem>>, vector<1x16xf32>,
          %swap3A_355 = vector.shape_cast %swap3A_354 : vector<1x16xf32> to vector<16xf32>
          %swap3A_356 = vector.shape_cast %add3A_349 : vector<16xf32> to vector<1x16xf32>
          tpu.vector_store %arg8[%swap3A_352, %swap3A_353], %swap3A_356 {strides = array<i32>} : memref<288x128xf32, #tpu.memory_space<vmem>>, vector<1x16xf32>,
          %add3A_357 = arith.constant 0 : i32
          %add3A_358 = arith.addi %add3A_357, %scan3A_169 : i32
          %get3A_359 = arith.index_cast %add3A_358 : i32 to index
          %get3A_360 = arith.constant 112 : index
          %get3A_361 = tpu.vector_load %arg8[%get3A_359, %get3A_360] {strides = array<i32>} : memref<288x128xf32, #tpu.memory_space<vmem>>, vector<1x16xf32>,
          %get3A_362 = vector.shape_cast %get3A_361 : vector<1x16xf32> to vector<16xf32>
          %add3A_363 = arith.constant 32 : i32
          %add3A_364 = arith.addi %add3A_363, %scan3A_169 : i32
          %get3A_365 = arith.index_cast %add3A_364 : i32 to index
          %get3A_366 = arith.constant 112 : index
          %get3A_367 = tpu.vector_load %arg8[%get3A_365, %get3A_366] {strides = array<i32>} : memref<288x128xf32, #tpu.memory_space<vmem>>, vector<1x16xf32>,
          %get3A_368 = vector.shape_cast %get3A_367 : vector<1x16xf32> to vector<16xf32>
          %add3A_369 = arith.addf %get3A_362, %get3A_368 : vector<16xf32>
          %add3A_370 = arith.constant 64 : i32
          %add3A_371 = arith.addi %add3A_370, %scan3A_169 : i32
          %get3A_372 = arith.index_cast %add3A_371 : i32 to index
          %get3A_373 = arith.constant 112 : index
          %get3A_374 = tpu.vector_load %arg8[%get3A_372, %get3A_373] {strides = array<i32>} : memref<288x128xf32, #tpu.memory_space<vmem>>, vector<1x16xf32>,
          %get3A_375 = vector.shape_cast %get3A_374 : vector<1x16xf32> to vector<16xf32>
          %add3A_376 = arith.addf %add3A_369, %get3A_375 : vector<16xf32>
          %add3A_377 = arith.constant 0 : i32
          %add3A_378 = arith.addi %add3A_377, %scan3A_169 : i32
          %swap3A_379 = arith.index_cast %add3A_378 : i32 to index
          %swap3A_380 = arith.constant 112 : index
          %swap3A_381 = tpu.vector_load %arg8[%swap3A_379, %swap3A_380] {strides = array<i32>} : memref<288x128xf32, #tpu.memory_space<vmem>>, vector<1x16xf32>,
          %swap3A_382 = vector.shape_cast %swap3A_381 : vector<1x16xf32> to vector<16xf32>
          %swap3A_383 = vector.shape_cast %add3A_376 : vector<16xf32> to vector<1x16xf32>
          tpu.vector_store %arg8[%swap3A_379, %swap3A_380], %swap3A_383 {strides = array<i32>} : memref<288x128xf32, #tpu.memory_space<vmem>>, vector<1x16xf32>,
        }
        %scan3A_148 = arith.constant 32 : i32
        %dma_start3A_149 = arith.constant 0 : i32
        %dma_start3A_150 = arith.constant 0 : i32
        %dma_start3A_151 = tpu.memref_slice %arg8[%dma_start3A_149, %dma_start3A_150] : memref<288x128xf32, #tpu.memory_space<vmem>> -> memref<32x128xf32, #tpu.memory_space<vmem>>
        %dma_start3A_152 = arith.constant 0 : i32
        %dma_start3A_153 = tpu.memref_slice %arg5[%add3A_119, %dma_start3A_152] : memref<81920x128xf32, #tpu.memory_space<hbm>> -> memref<32x128xf32, #tpu.memory_space<hbm>>
        %dma_start3A_154 = arith.constant 0 : i32
        %dma_start3A_155 = tpu.memref_slice %arg5[%add3A_119, %dma_start3A_154] : memref<81920x128xf32, #tpu.memory_space<hbm>> -> memref<32x128xf32, #tpu.memory_space<hbm>>
        %dma_start3A_156 = arith.constant 0 : i32
        %dma_start3A_157 = arith.constant 0 : i32
        %dma_start3A_158 = tpu.memref_slice %arg8[%dma_start3A_156, %dma_start3A_157] : memref<288x128xf32, #tpu.memory_space<vmem>> -> memref<32x128xf32, #tpu.memory_space<vmem>>
        tpu.enqueue_dma source(%dma_start3A_158 : memref<32x128xf32, #tpu.memory_space<vmem>>) target(%dma_start3A_155 : memref<32x128xf32, #tpu.memory_space<hbm>>) target_semaphore(%arg13 : memref<!tpu.dma_semaphore, #tpu.memory_space<semaphore_mem>>)
        %dma_start3A_159 = arith.constant 0 : i32
        %dma_start3A_160 = arith.constant 0 : i32
        %dma_start3A_161 = tpu.memref_slice %arg9[%dma_start3A_159, %dma_start3A_160] : memref<96x128xf32, #tpu.memory_space<vmem>> -> memref<32x128xf32, #tpu.memory_space<vmem>>
        %dma_start3A_162 = arith.constant 0 : i32
        %dma_start3A_163 = tpu.memref_slice %arg6[%add3A_119, %dma_start3A_162] : memref<81920x128xf32, #tpu.memory_space<hbm>> -> memref<32x128xf32, #tpu.memory_space<hbm>>
        %dma_start3A_164 = arith.constant 0 : i32
        %dma_start3A_165 = tpu.memref_slice %arg6[%add3A_119, %dma_start3A_164] : memref<81920x128xf32, #tpu.memory_space<hbm>> -> memref<32x128xf32, #tpu.memory_space<hbm>>
        %dma_start3A_166 = arith.constant 0 : i32
        %dma_start3A_167 = arith.constant 0 : i32
        %dma_start3A_168 = tpu.memref_slice %arg9[%dma_start3A_166, %dma_start3A_167] : memref<96x128xf32, #tpu.memory_space<vmem>> -> memref<32x128xf32, #tpu.memory_space<vmem>>
        tpu.enqueue_dma source(%dma_start3A_168 : memref<32x128xf32, #tpu.memory_space<vmem>>) target(%dma_start3A_165 : memref<32x128xf32, #tpu.memory_space<hbm>>) target_semaphore(%arg13 : memref<!tpu.dma_semaphore, #tpu.memory_space<semaphore_mem>>)
      } else {
      }
      %ge3A = arith.constant 1 : i32
      %ge3A_50 = arith.cmpi sge, %add3A_47, %ge3A : i32
      %le3A = arith.constant 80 : i32
      %le3A_51 = arith.cmpi sle, %add3A_47, %le3A : i32
      %and3A = arith.andi %ge3A_50, %le3A_51 : i1
      %convert_element_type3A_52 = arith.extui %and3A : i1 to i32
      %cond3A_53 = arith.constant 0 : i32
      %cond3A_54 = arith.cmpi ne, %convert_element_type3A_52, %cond3A_53 : i32
      scf.if %cond3A_54 {
        %dma_wait3A = arith.constant 192 : i32
        %dma_wait3A_115 = arith.constant 0 : i32
        %dma_wait3A_116 = tpu.memref_slice %arg8[%dma_wait3A, %dma_wait3A_115] : memref<288x128xf32, #tpu.memory_space<vmem>> -> memref<32x128xf32, #tpu.memory_space<vmem>>
        %dma_wait3A_117 = arith.constant 0 : i32
        %dma_wait3A_118 = arith.constant 0 : i32
        %dma_wait3A_119 = tpu.memref_slice %arg5[%dma_wait3A_117, %dma_wait3A_118] : memref<81920x128xf32, #tpu.memory_space<hbm>> -> memref<32x128xf32, #tpu.memory_space<hbm>>
        %dma_wait3A_120 = arith.constant 192 : i32
        %dma_wait3A_121 = arith.constant 0 : i32
        %dma_wait3A_122 = tpu.memref_slice %arg8[%dma_wait3A_120, %dma_wait3A_121] : memref<288x128xf32, #tpu.memory_space<vmem>> -> memref<32x128xf32, #tpu.memory_space<vmem>>
        %dma_wait3A_123 = arith.constant 0 : i32
        %dma_wait3A_124 = arith.constant 0 : i32
        %dma_wait3A_125 = tpu.memref_slice %arg5[%dma_wait3A_123, %dma_wait3A_124] : memref<81920x128xf32, #tpu.memory_space<hbm>> -> memref<32x128xf32, #tpu.memory_space<hbm>>
        tpu.wait_dma2 semaphore(%arg15 : memref<!tpu.dma_semaphore, #tpu.memory_space<semaphore_mem>>) src(%dma_wait3A_125 : memref<32x128xf32, #tpu.memory_space<hbm>>) dst(%dma_wait3A_122 : memref<32x128xf32, #tpu.memory_space<vmem>>)
        %dma_wait3A_126 = arith.constant 64 : i32
        %dma_wait3A_127 = arith.constant 0 : i32
        %dma_wait3A_128 = tpu.memref_slice %arg9[%dma_wait3A_126, %dma_wait3A_127] : memref<96x128xf32, #tpu.memory_space<vmem>> -> memref<32x128xf32, #tpu.memory_space<vmem>>
        %dma_wait3A_129 = arith.constant 0 : i32
        %dma_wait3A_130 = arith.constant 0 : i32
        %dma_wait3A_131 = tpu.memref_slice %arg6[%dma_wait3A_129, %dma_wait3A_130] : memref<81920x128xf32, #tpu.memory_space<hbm>> -> memref<32x128xf32, #tpu.memory_space<hbm>>
        %dma_wait3A_132 = arith.constant 64 : i32
        %dma_wait3A_133 = arith.constant 0 : i32
        %dma_wait3A_134 = tpu.memref_slice %arg9[%dma_wait3A_132, %dma_wait3A_133] : memref<96x128xf32, #tpu.memory_space<vmem>> -> memref<32x128xf32, #tpu.memory_space<vmem>>
        %dma_wait3A_135 = arith.constant 0 : i32
        %dma_wait3A_136 = arith.constant 0 : i32
        %dma_wait3A_137 = tpu.memref_slice %arg6[%dma_wait3A_135, %dma_wait3A_136] : memref<81920x128xf32, #tpu.memory_space<hbm>> -> memref<32x128xf32, #tpu.memory_space<hbm>>
        tpu.wait_dma2 semaphore(%arg15 : memref<!tpu.dma_semaphore, #tpu.memory_space<semaphore_mem>>) src(%dma_wait3A_137 : memref<32x128xf32, #tpu.memory_space<hbm>>) dst(%dma_wait3A_134 : memref<32x128xf32, #tpu.memory_space<vmem>>)
      } else {
      }
      %add3A_55 = arith.constant 3 : i32
      %add3A_56 = arith.addi %add3A_47, %add3A_55 : i32
      %sub3A = arith.constant 1 : i32
      %sub3A_57 = arith.subi %add3A_56, %sub3A : i32
      %lt3A_58 = arith.constant 80 : i32
      %lt3A_59 = arith.cmpi slt, %sub3A_57, %lt3A_58 : i32
      %convert_element_type3A_60 = arith.extui %lt3A_59 : i1 to i32
      %cond3A_61 = arith.constant 0 : i32
      %cond3A_62 = arith.cmpi ne, %convert_element_type3A_60, %cond3A_61 : i32
      scf.if %cond3A_62 {
        %add3A_115 = arith.constant 3 : i32
        %add3A_116 = arith.addi %add3A_47, %add3A_115 : i32
        %sub3A_117 = arith.constant 1 : i32
        %sub3A_118 = arith.subi %add3A_116, %sub3A_117 : i32
        %mul3A_119 = arith.constant 4 : i32
        %mul3A_120 = arith.muli %sub3A_118, %mul3A_119 : i32
        %mul3A_121 = arith.constant 32 : i32
        %mul3A_122 = arith.muli %mul3A_120, %mul3A_121 : i32
        %dma_start3A_123 = arith.constant 192 : i32
        %dma_start3A_124 = arith.constant 0 : i32
        %dma_start3A_125 = tpu.memref_slice %arg8[%dma_start3A_123, %dma_start3A_124] : memref<288x128xf32, #tpu.memory_space<vmem>> -> memref<96x128xf32, #tpu.memory_space<vmem>>
        %dma_start3A_126 = tpu.memref_slice %arg7[%mul3A_122] : memref<10240xi32, #tpu.memory_space<vmem>> -> memref<96xi32, #tpu.memory_space<vmem>>
        %dma_start3A_127 = arith.constant 0 : i32
        %dma_start3A_128 = arith.constant 0 : i32
        %dma_start3A_129 = tpu.memref_slice %arg3[%dma_start3A_127, %dma_start3A_128] : memref<10240x128xf32, #tpu.memory_space<hbm>> -> memref<10240x128xf32, #tpu.memory_space<hbm>>
        tpu.enqueue_indirect_dma source(%dma_start3A_129 : memref<10240x128xf32, #tpu.memory_space<hbm>>) target(%dma_start3A_125 : memref<96x128xf32, #tpu.memory_space<vmem>>) offsets(%dma_start3A_126 : memref<96xi32, #tpu.memory_space<vmem>>) semaphore(%arg12 : memref<!tpu.dma_semaphore, #tpu.memory_space<semaphore_mem>>)
        %mul3A_130 = arith.constant 4 : i32
        %mul3A_131 = arith.muli %sub3A_118, %mul3A_130 : i32
        %mul3A_132 = arith.constant 32 : i32
        %mul3A_133 = arith.muli %mul3A_131, %mul3A_132 : i32
        %add3A_134 = arith.constant 96 : i32
        %add3A_135 = arith.addi %mul3A_133, %add3A_134 : i32
        %dma_start3A_136 = arith.constant 64 : i32
        %dma_start3A_137 = arith.constant 0 : i32
        %dma_start3A_138 = tpu.memref_slice %arg9[%dma_start3A_136, %dma_start3A_137] : memref<96x128xf32, #tpu.memory_space<vmem>> -> memref<32x128xf32, #tpu.memory_space<vmem>>
        %dma_start3A_139 = tpu.memref_slice %arg7[%add3A_135] : memref<10240xi32, #tpu.memory_space<vmem>> -> memref<32xi32, #tpu.memory_space<vmem>>
        %dma_start3A_140 = arith.constant 0 : i32
        %dma_start3A_141 = arith.constant 0 : i32
        %dma_start3A_142 = tpu.memref_slice %arg4[%dma_start3A_140, %dma_start3A_141] : memref<10240x128xf32, #tpu.memory_space<hbm>> -> memref<10240x128xf32, #tpu.memory_space<hbm>>
        tpu.enqueue_indirect_dma source(%dma_start3A_142 : memref<10240x128xf32, #tpu.memory_space<hbm>>) target(%dma_start3A_138 : memref<32x128xf32, #tpu.memory_space<vmem>>) offsets(%dma_start3A_139 : memref<32xi32, #tpu.memory_space<vmem>>) semaphore(%arg12 : memref<!tpu.dma_semaphore, #tpu.memory_space<semaphore_mem>>)
      } else {
      }
      %mul3A_63 = arith.constant 3 : i32
      %mul3A_64 = arith.muli %mul3A_63, %scan3A_43 : i32
      %add3A_65 = arith.constant 1 : i32
      %add3A_66 = arith.addi %mul3A_64, %add3A_65 : i32
      %lt3A_67 = arith.constant 80 : i32
      %lt3A_68 = arith.cmpi slt, %add3A_66, %lt3A_67 : i32
      %convert_element_type3A_69 = arith.extui %lt3A_68 : i1 to i32
      %cond3A_70 = arith.constant 0 : i32
      %cond3A_71 = arith.cmpi ne, %convert_element_type3A_69, %cond3A_70 : i32
      scf.if %cond3A_71 {
        %mul3A_115 = arith.constant 2560 : i32
        %mul3A_116 = arith.muli %add3A, %mul3A_115 : i32
        %mul3A_117 = arith.constant 32 : i32
        %mul3A_118 = arith.muli %add3A_66, %mul3A_117 : i32
        %add3A_119 = arith.addi %mul3A_116, %mul3A_118 : i32
        %dma_wait3A = arith.constant 96 : i32
        %dma_wait3A_120 = arith.constant 0 : i32
        %dma_wait3A_121 = tpu.memref_slice %arg8[%dma_wait3A, %dma_wait3A_120] : memref<288x128xf32, #tpu.memory_space<vmem>> -> memref<96x128xf32, #tpu.memory_space<vmem>>
        %dma_wait3A_122 = arith.constant 0 : i32
        %dma_wait3A_123 = arith.constant 0 : i32
        %dma_wait3A_124 = tpu.memref_slice %arg3[%dma_wait3A_122, %dma_wait3A_123] : memref<10240x128xf32, #tpu.memory_space<hbm>> -> memref<96x128xf32, #tpu.memory_space<hbm>>
        %dma_wait3A_125 = arith.constant 96 : i32
        %dma_wait3A_126 = arith.constant 0 : i32
        %dma_wait3A_127 = tpu.memref_slice %arg8[%dma_wait3A_125, %dma_wait3A_126] : memref<288x128xf32, #tpu.memory_space<vmem>> -> memref<96x128xf32, #tpu.memory_space<vmem>>
        %dma_wait3A_128 = arith.constant 0 : i32
        %dma_wait3A_129 = arith.constant 0 : i32
        %dma_wait3A_130 = tpu.memref_slice %arg3[%dma_wait3A_128, %dma_wait3A_129] : memref<10240x128xf32, #tpu.memory_space<hbm>> -> memref<96x128xf32, #tpu.memory_space<hbm>>
        tpu.wait_dma2 semaphore(%arg11 : memref<!tpu.dma_semaphore, #tpu.memory_space<semaphore_mem>>) src(%dma_wait3A_130 : memref<96x128xf32, #tpu.memory_space<hbm>>) dst(%dma_wait3A_127 : memref<96x128xf32, #tpu.memory_space<vmem>>)
        %dma_wait3A_131 = arith.constant 32 : i32
        %dma_wait3A_132 = arith.constant 0 : i32
        %dma_wait3A_133 = tpu.memref_slice %arg9[%dma_wait3A_131, %dma_wait3A_132] : memref<96x128xf32, #tpu.memory_space<vmem>> -> memref<32x128xf32, #tpu.memory_space<vmem>>
        %dma_wait3A_134 = arith.constant 0 : i32
        %dma_wait3A_135 = arith.constant 0 : i32
        %dma_wait3A_136 = tpu.memref_slice %arg4[%dma_wait3A_134, %dma_wait3A_135] : memref<10240x128xf32, #tpu.memory_space<hbm>> -> memref<32x128xf32, #tpu.memory_space<hbm>>
        %dma_wait3A_137 = arith.constant 32 : i32
        %dma_wait3A_138 = arith.constant 0 : i32
        %dma_wait3A_139 = tpu.memref_slice %arg9[%dma_wait3A_137, %dma_wait3A_138] : memref<96x128xf32, #tpu.memory_space<vmem>> -> memref<32x128xf32, #tpu.memory_space<vmem>>
        %dma_wait3A_140 = arith.constant 0 : i32
        %dma_wait3A_141 = arith.constant 0 : i32
        %dma_wait3A_142 = tpu.memref_slice %arg4[%dma_wait3A_140, %dma_wait3A_141] : memref<10240x128xf32, #tpu.memory_space<hbm>> -> memref<32x128xf32, #tpu.memory_space<hbm>>
        tpu.wait_dma2 semaphore(%arg11 : memref<!tpu.dma_semaphore, #tpu.memory_space<semaphore_mem>>) src(%dma_wait3A_142 : memref<32x128xf32, #tpu.memory_space<hbm>>) dst(%dma_wait3A_139 : memref<32x128xf32, #tpu.memory_space<vmem>>)
        %scan3A_143 = arith.constant 0 : i32
        %scan3A_144 = arith.constant 0 : i32
        %scan3A_145 = arith.constant 32 : i32
        %scan3A_146 = arith.addi %scan3A_144, %scan3A_145 : i32
        %scan3A_147 = arith.constant 1 : i32
        scf.for %scan3A_169 = %scan3A_144 to %scan3A_146 step %scan3A_147  : i32 {
          %add3A_170 = arith.constant 96 : i32
          %add3A_171 = arith.addi %add3A_170, %scan3A_169 : i32
          %get3A = arith.index_cast %add3A_171 : i32 to index
          %get3A_172 = arith.constant 0 : index
          %get3A_173 = tpu.vector_load %arg8[%get3A, %get3A_172] {strides = array<i32>} : memref<288x128xf32, #tpu.memory_space<vmem>>, vector<1x16xf32>,
          %get3A_174 = vector.shape_cast %get3A_173 : vector<1x16xf32> to vector<16xf32>
          %add3A_175 = arith.constant 128 : i32
          %add3A_176 = arith.addi %add3A_175, %scan3A_169 : i32
          %get3A_177 = arith.index_cast %add3A_176 : i32 to index
          %get3A_178 = arith.constant 0 : index
          %get3A_179 = tpu.vector_load %arg8[%get3A_177, %get3A_178] {strides = array<i32>} : memref<288x128xf32, #tpu.memory_space<vmem>>, vector<1x16xf32>,
          %get3A_180 = vector.shape_cast %get3A_179 : vector<1x16xf32> to vector<16xf32>
          %add3A_181 = arith.addf %get3A_174, %get3A_180 : vector<16xf32>
          %add3A_182 = arith.constant 160 : i32
          %add3A_183 = arith.addi %add3A_182, %scan3A_169 : i32
          %get3A_184 = arith.index_cast %add3A_183 : i32 to index
          %get3A_185 = arith.constant 0 : index
          %get3A_186 = tpu.vector_load %arg8[%get3A_184, %get3A_185] {strides = array<i32>} : memref<288x128xf32, #tpu.memory_space<vmem>>, vector<1x16xf32>,
          %get3A_187 = vector.shape_cast %get3A_186 : vector<1x16xf32> to vector<16xf32>
          %add3A_188 = arith.addf %add3A_181, %get3A_187 : vector<16xf32>
          %add3A_189 = arith.constant 96 : i32
          %add3A_190 = arith.addi %add3A_189, %scan3A_169 : i32
          %swap3A = arith.index_cast %add3A_190 : i32 to index
          %swap3A_191 = arith.constant 0 : index
          %swap3A_192 = tpu.vector_load %arg8[%swap3A, %swap3A_191] {strides = array<i32>} : memref<288x128xf32, #tpu.memory_space<vmem>>, vector<1x16xf32>,
          %swap3A_193 = vector.shape_cast %swap3A_192 : vector<1x16xf32> to vector<16xf32>
          %swap3A_194 = vector.shape_cast %add3A_188 : vector<16xf32> to vector<1x16xf32>
          tpu.vector_store %arg8[%swap3A, %swap3A_191], %swap3A_194 {strides = array<i32>} : memref<288x128xf32, #tpu.memory_space<vmem>>, vector<1x16xf32>,
          %add3A_195 = arith.constant 96 : i32
          %add3A_196 = arith.addi %add3A_195, %scan3A_169 : i32
          %get3A_197 = arith.index_cast %add3A_196 : i32 to index
          %get3A_198 = arith.constant 16 : index
          %get3A_199 = tpu.vector_load %arg8[%get3A_197, %get3A_198] {strides = array<i32>} : memref<288x128xf32, #tpu.memory_space<vmem>>, vector<1x16xf32>,
          %get3A_200 = vector.shape_cast %get3A_199 : vector<1x16xf32> to vector<16xf32>
          %add3A_201 = arith.constant 128 : i32
          %add3A_202 = arith.addi %add3A_201, %scan3A_169 : i32
          %get3A_203 = arith.index_cast %add3A_202 : i32 to index
          %get3A_204 = arith.constant 16 : index
          %get3A_205 = tpu.vector_load %arg8[%get3A_203, %get3A_204] {strides = array<i32>} : memref<288x128xf32, #tpu.memory_space<vmem>>, vector<1x16xf32>,
          %get3A_206 = vector.shape_cast %get3A_205 : vector<1x16xf32> to vector<16xf32>
          %add3A_207 = arith.addf %get3A_200, %get3A_206 : vector<16xf32>
          %add3A_208 = arith.constant 160 : i32
          %add3A_209 = arith.addi %add3A_208, %scan3A_169 : i32
          %get3A_210 = arith.index_cast %add3A_209 : i32 to index
          %get3A_211 = arith.constant 16 : index
          %get3A_212 = tpu.vector_load %arg8[%get3A_210, %get3A_211] {strides = array<i32>} : memref<288x128xf32, #tpu.memory_space<vmem>>, vector<1x16xf32>,
          %get3A_213 = vector.shape_cast %get3A_212 : vector<1x16xf32> to vector<16xf32>
          %add3A_214 = arith.addf %add3A_207, %get3A_213 : vector<16xf32>
          %add3A_215 = arith.constant 96 : i32
          %add3A_216 = arith.addi %add3A_215, %scan3A_169 : i32
          %swap3A_217 = arith.index_cast %add3A_216 : i32 to index
          %swap3A_218 = arith.constant 16 : index
          %swap3A_219 = tpu.vector_load %arg8[%swap3A_217, %swap3A_218] {strides = array<i32>} : memref<288x128xf32, #tpu.memory_space<vmem>>, vector<1x16xf32>,
          %swap3A_220 = vector.shape_cast %swap3A_219 : vector<1x16xf32> to vector<16xf32>
          %swap3A_221 = vector.shape_cast %add3A_214 : vector<16xf32> to vector<1x16xf32>
          tpu.vector_store %arg8[%swap3A_217, %swap3A_218], %swap3A_221 {strides = array<i32>} : memref<288x128xf32, #tpu.memory_space<vmem>>, vector<1x16xf32>,
          %add3A_222 = arith.constant 96 : i32
          %add3A_223 = arith.addi %add3A_222, %scan3A_169 : i32
          %get3A_224 = arith.index_cast %add3A_223 : i32 to index
          %get3A_225 = arith.constant 32 : index
          %get3A_226 = tpu.vector_load %arg8[%get3A_224, %get3A_225] {strides = array<i32>} : memref<288x128xf32, #tpu.memory_space<vmem>>, vector<1x16xf32>,
          %get3A_227 = vector.shape_cast %get3A_226 : vector<1x16xf32> to vector<16xf32>
          %add3A_228 = arith.constant 128 : i32
          %add3A_229 = arith.addi %add3A_228, %scan3A_169 : i32
          %get3A_230 = arith.index_cast %add3A_229 : i32 to index
          %get3A_231 = arith.constant 32 : index
          %get3A_232 = tpu.vector_load %arg8[%get3A_230, %get3A_231] {strides = array<i32>} : memref<288x128xf32, #tpu.memory_space<vmem>>, vector<1x16xf32>,
          %get3A_233 = vector.shape_cast %get3A_232 : vector<1x16xf32> to vector<16xf32>
          %add3A_234 = arith.addf %get3A_227, %get3A_233 : vector<16xf32>
          %add3A_235 = arith.constant 160 : i32
          %add3A_236 = arith.addi %add3A_235, %scan3A_169 : i32
          %get3A_237 = arith.index_cast %add3A_236 : i32 to index
          %get3A_238 = arith.constant 32 : index
          %get3A_239 = tpu.vector_load %arg8[%get3A_237, %get3A_238] {strides = array<i32>} : memref<288x128xf32, #tpu.memory_space<vmem>>, vector<1x16xf32>,
          %get3A_240 = vector.shape_cast %get3A_239 : vector<1x16xf32> to vector<16xf32>
          %add3A_241 = arith.addf %add3A_234, %get3A_240 : vector<16xf32>
          %add3A_242 = arith.constant 96 : i32
          %add3A_243 = arith.addi %add3A_242, %scan3A_169 : i32
          %swap3A_244 = arith.index_cast %add3A_243 : i32 to index
          %swap3A_245 = arith.constant 32 : index
          %swap3A_246 = tpu.vector_load %arg8[%swap3A_244, %swap3A_245] {strides = array<i32>} : memref<288x128xf32, #tpu.memory_space<vmem>>, vector<1x16xf32>,
          %swap3A_247 = vector.shape_cast %swap3A_246 : vector<1x16xf32> to vector<16xf32>
          %swap3A_248 = vector.shape_cast %add3A_241 : vector<16xf32> to vector<1x16xf32>
          tpu.vector_store %arg8[%swap3A_244, %swap3A_245], %swap3A_248 {strides = array<i32>} : memref<288x128xf32, #tpu.memory_space<vmem>>, vector<1x16xf32>,
          %add3A_249 = arith.constant 96 : i32
          %add3A_250 = arith.addi %add3A_249, %scan3A_169 : i32
          %get3A_251 = arith.index_cast %add3A_250 : i32 to index
          %get3A_252 = arith.constant 48 : index
          %get3A_253 = tpu.vector_load %arg8[%get3A_251, %get3A_252] {strides = array<i32>} : memref<288x128xf32, #tpu.memory_space<vmem>>, vector<1x16xf32>,
          %get3A_254 = vector.shape_cast %get3A_253 : vector<1x16xf32> to vector<16xf32>
          %add3A_255 = arith.constant 128 : i32
          %add3A_256 = arith.addi %add3A_255, %scan3A_169 : i32
          %get3A_257 = arith.index_cast %add3A_256 : i32 to index
          %get3A_258 = arith.constant 48 : index
          %get3A_259 = tpu.vector_load %arg8[%get3A_257, %get3A_258] {strides = array<i32>} : memref<288x128xf32, #tpu.memory_space<vmem>>, vector<1x16xf32>,
          %get3A_260 = vector.shape_cast %get3A_259 : vector<1x16xf32> to vector<16xf32>
          %add3A_261 = arith.addf %get3A_254, %get3A_260 : vector<16xf32>
          %add3A_262 = arith.constant 160 : i32
          %add3A_263 = arith.addi %add3A_262, %scan3A_169 : i32
          %get3A_264 = arith.index_cast %add3A_263 : i32 to index
          %get3A_265 = arith.constant 48 : index
          %get3A_266 = tpu.vector_load %arg8[%get3A_264, %get3A_265] {strides = array<i32>} : memref<288x128xf32, #tpu.memory_space<vmem>>, vector<1x16xf32>,
          %get3A_267 = vector.shape_cast %get3A_266 : vector<1x16xf32> to vector<16xf32>
          %add3A_268 = arith.addf %add3A_261, %get3A_267 : vector<16xf32>
          %add3A_269 = arith.constant 96 : i32
          %add3A_270 = arith.addi %add3A_269, %scan3A_169 : i32
          %swap3A_271 = arith.index_cast %add3A_270 : i32 to index
          %swap3A_272 = arith.constant 48 : index
          %swap3A_273 = tpu.vector_load %arg8[%swap3A_271, %swap3A_272] {strides = array<i32>} : memref<288x128xf32, #tpu.memory_space<vmem>>, vector<1x16xf32>,
          %swap3A_274 = vector.shape_cast %swap3A_273 : vector<1x16xf32> to vector<16xf32>
          %swap3A_275 = vector.shape_cast %add3A_268 : vector<16xf32> to vector<1x16xf32>
          tpu.vector_store %arg8[%swap3A_271, %swap3A_272], %swap3A_275 {strides = array<i32>} : memref<288x128xf32, #tpu.memory_space<vmem>>, vector<1x16xf32>,
          %add3A_276 = arith.constant 96 : i32
          %add3A_277 = arith.addi %add3A_276, %scan3A_169 : i32
          %get3A_278 = arith.index_cast %add3A_277 : i32 to index
          %get3A_279 = arith.constant 64 : index
          %get3A_280 = tpu.vector_load %arg8[%get3A_278, %get3A_279] {strides = array<i32>} : memref<288x128xf32, #tpu.memory_space<vmem>>, vector<1x16xf32>,
          %get3A_281 = vector.shape_cast %get3A_280 : vector<1x16xf32> to vector<16xf32>
          %add3A_282 = arith.constant 128 : i32
          %add3A_283 = arith.addi %add3A_282, %scan3A_169 : i32
          %get3A_284 = arith.index_cast %add3A_283 : i32 to index
          %get3A_285 = arith.constant 64 : index
          %get3A_286 = tpu.vector_load %arg8[%get3A_284, %get3A_285] {strides = array<i32>} : memref<288x128xf32, #tpu.memory_space<vmem>>, vector<1x16xf32>,
          %get3A_287 = vector.shape_cast %get3A_286 : vector<1x16xf32> to vector<16xf32>
          %add3A_288 = arith.addf %get3A_281, %get3A_287 : vector<16xf32>
          %add3A_289 = arith.constant 160 : i32
          %add3A_290 = arith.addi %add3A_289, %scan3A_169 : i32
          %get3A_291 = arith.index_cast %add3A_290 : i32 to index
          %get3A_292 = arith.constant 64 : index
          %get3A_293 = tpu.vector_load %arg8[%get3A_291, %get3A_292] {strides = array<i32>} : memref<288x128xf32, #tpu.memory_space<vmem>>, vector<1x16xf32>,
          %get3A_294 = vector.shape_cast %get3A_293 : vector<1x16xf32> to vector<16xf32>
          %add3A_295 = arith.addf %add3A_288, %get3A_294 : vector<16xf32>
          %add3A_296 = arith.constant 96 : i32
          %add3A_297 = arith.addi %add3A_296, %scan3A_169 : i32
          %swap3A_298 = arith.index_cast %add3A_297 : i32 to index
          %swap3A_299 = arith.constant 64 : index
          %swap3A_300 = tpu.vector_load %arg8[%swap3A_298, %swap3A_299] {strides = array<i32>} : memref<288x128xf32, #tpu.memory_space<vmem>>, vector<1x16xf32>,
          %swap3A_301 = vector.shape_cast %swap3A_300 : vector<1x16xf32> to vector<16xf32>
          %swap3A_302 = vector.shape_cast %add3A_295 : vector<16xf32> to vector<1x16xf32>
          tpu.vector_store %arg8[%swap3A_298, %swap3A_299], %swap3A_302 {strides = array<i32>} : memref<288x128xf32, #tpu.memory_space<vmem>>, vector<1x16xf32>,
          %add3A_303 = arith.constant 96 : i32
          %add3A_304 = arith.addi %add3A_303, %scan3A_169 : i32
          %get3A_305 = arith.index_cast %add3A_304 : i32 to index
          %get3A_306 = arith.constant 80 : index
          %get3A_307 = tpu.vector_load %arg8[%get3A_305, %get3A_306] {strides = array<i32>} : memref<288x128xf32, #tpu.memory_space<vmem>>, vector<1x16xf32>,
          %get3A_308 = vector.shape_cast %get3A_307 : vector<1x16xf32> to vector<16xf32>
          %add3A_309 = arith.constant 128 : i32
          %add3A_310 = arith.addi %add3A_309, %scan3A_169 : i32
          %get3A_311 = arith.index_cast %add3A_310 : i32 to index
          %get3A_312 = arith.constant 80 : index
          %get3A_313 = tpu.vector_load %arg8[%get3A_311, %get3A_312] {strides = array<i32>} : memref<288x128xf32, #tpu.memory_space<vmem>>, vector<1x16xf32>,
          %get3A_314 = vector.shape_cast %get3A_313 : vector<1x16xf32> to vector<16xf32>
          %add3A_315 = arith.addf %get3A_308, %get3A_314 : vector<16xf32>
          %add3A_316 = arith.constant 160 : i32
          %add3A_317 = arith.addi %add3A_316, %scan3A_169 : i32
          %get3A_318 = arith.index_cast %add3A_317 : i32 to index
          %get3A_319 = arith.constant 80 : index
          %get3A_320 = tpu.vector_load %arg8[%get3A_318, %get3A_319] {strides = array<i32>} : memref<288x128xf32, #tpu.memory_space<vmem>>, vector<1x16xf32>,
          %get3A_321 = vector.shape_cast %get3A_320 : vector<1x16xf32> to vector<16xf32>
          %add3A_322 = arith.addf %add3A_315, %get3A_321 : vector<16xf32>
          %add3A_323 = arith.constant 96 : i32
          %add3A_324 = arith.addi %add3A_323, %scan3A_169 : i32
          %swap3A_325 = arith.index_cast %add3A_324 : i32 to index
          %swap3A_326 = arith.constant 80 : index
          %swap3A_327 = tpu.vector_load %arg8[%swap3A_325, %swap3A_326] {strides = array<i32>} : memref<288x128xf32, #tpu.memory_space<vmem>>, vector<1x16xf32>,
          %swap3A_328 = vector.shape_cast %swap3A_327 : vector<1x16xf32> to vector<16xf32>
          %swap3A_329 = vector.shape_cast %add3A_322 : vector<16xf32> to vector<1x16xf32>
          tpu.vector_store %arg8[%swap3A_325, %swap3A_326], %swap3A_329 {strides = array<i32>} : memref<288x128xf32, #tpu.memory_space<vmem>>, vector<1x16xf32>,
          %add3A_330 = arith.constant 96 : i32
          %add3A_331 = arith.addi %add3A_330, %scan3A_169 : i32
          %get3A_332 = arith.index_cast %add3A_331 : i32 to index
          %get3A_333 = arith.constant 96 : index
          %get3A_334 = tpu.vector_load %arg8[%get3A_332, %get3A_333] {strides = array<i32>} : memref<288x128xf32, #tpu.memory_space<vmem>>, vector<1x16xf32>,
          %get3A_335 = vector.shape_cast %get3A_334 : vector<1x16xf32> to vector<16xf32>
          %add3A_336 = arith.constant 128 : i32
          %add3A_337 = arith.addi %add3A_336, %scan3A_169 : i32
          %get3A_338 = arith.index_cast %add3A_337 : i32 to index
          %get3A_339 = arith.constant 96 : index
          %get3A_340 = tpu.vector_load %arg8[%get3A_338, %get3A_339] {strides = array<i32>} : memref<288x128xf32, #tpu.memory_space<vmem>>, vector<1x16xf32>,
          %get3A_341 = vector.shape_cast %get3A_340 : vector<1x16xf32> to vector<16xf32>
          %add3A_342 = arith.addf %get3A_335, %get3A_341 : vector<16xf32>
          %add3A_343 = arith.constant 160 : i32
          %add3A_344 = arith.addi %add3A_343, %scan3A_169 : i32
          %get3A_345 = arith.index_cast %add3A_344 : i32 to index
          %get3A_346 = arith.constant 96 : index
          %get3A_347 = tpu.vector_load %arg8[%get3A_345, %get3A_346] {strides = array<i32>} : memref<288x128xf32, #tpu.memory_space<vmem>>, vector<1x16xf32>,
          %get3A_348 = vector.shape_cast %get3A_347 : vector<1x16xf32> to vector<16xf32>
          %add3A_349 = arith.addf %add3A_342, %get3A_348 : vector<16xf32>
          %add3A_350 = arith.constant 96 : i32
          %add3A_351 = arith.addi %add3A_350, %scan3A_169 : i32
          %swap3A_352 = arith.index_cast %add3A_351 : i32 to index
          %swap3A_353 = arith.constant 96 : index
          %swap3A_354 = tpu.vector_load %arg8[%swap3A_352, %swap3A_353] {strides = array<i32>} : memref<288x128xf32, #tpu.memory_space<vmem>>, vector<1x16xf32>,
          %swap3A_355 = vector.shape_cast %swap3A_354 : vector<1x16xf32> to vector<16xf32>
          %swap3A_356 = vector.shape_cast %add3A_349 : vector<16xf32> to vector<1x16xf32>
          tpu.vector_store %arg8[%swap3A_352, %swap3A_353], %swap3A_356 {strides = array<i32>} : memref<288x128xf32, #tpu.memory_space<vmem>>, vector<1x16xf32>,
          %add3A_357 = arith.constant 96 : i32
          %add3A_358 = arith.addi %add3A_357, %scan3A_169 : i32
          %get3A_359 = arith.index_cast %add3A_358 : i32 to index
          %get3A_360 = arith.constant 112 : index
          %get3A_361 = tpu.vector_load %arg8[%get3A_359, %get3A_360] {strides = array<i32>} : memref<288x128xf32, #tpu.memory_space<vmem>>, vector<1x16xf32>,
          %get3A_362 = vector.shape_cast %get3A_361 : vector<1x16xf32> to vector<16xf32>
          %add3A_363 = arith.constant 128 : i32
          %add3A_364 = arith.addi %add3A_363, %scan3A_169 : i32
          %get3A_365 = arith.index_cast %add3A_364 : i32 to index
          %get3A_366 = arith.constant 112 : index
          %get3A_367 = tpu.vector_load %arg8[%get3A_365, %get3A_366] {strides = array<i32>} : memref<288x128xf32, #tpu.memory_space<vmem>>, vector<1x16xf32>,
          %get3A_368 = vector.shape_cast %get3A_367 : vector<1x16xf32> to vector<16xf32>
          %add3A_369 = arith.addf %get3A_362, %get3A_368 : vector<16xf32>
          %add3A_370 = arith.constant 160 : i32
          %add3A_371 = arith.addi %add3A_370, %scan3A_169 : i32
          %get3A_372 = arith.index_cast %add3A_371 : i32 to index
          %get3A_373 = arith.constant 112 : index
          %get3A_374 = tpu.vector_load %arg8[%get3A_372, %get3A_373] {strides = array<i32>} : memref<288x128xf32, #tpu.memory_space<vmem>>, vector<1x16xf32>,
          %get3A_375 = vector.shape_cast %get3A_374 : vector<1x16xf32> to vector<16xf32>
          %add3A_376 = arith.addf %add3A_369, %get3A_375 : vector<16xf32>
          %add3A_377 = arith.constant 96 : i32
          %add3A_378 = arith.addi %add3A_377, %scan3A_169 : i32
          %swap3A_379 = arith.index_cast %add3A_378 : i32 to index
          %swap3A_380 = arith.constant 112 : index
          %swap3A_381 = tpu.vector_load %arg8[%swap3A_379, %swap3A_380] {strides = array<i32>} : memref<288x128xf32, #tpu.memory_space<vmem>>, vector<1x16xf32>,
          %swap3A_382 = vector.shape_cast %swap3A_381 : vector<1x16xf32> to vector<16xf32>
          %swap3A_383 = vector.shape_cast %add3A_376 : vector<16xf32> to vector<1x16xf32>
          tpu.vector_store %arg8[%swap3A_379, %swap3A_380], %swap3A_383 {strides = array<i32>} : memref<288x128xf32, #tpu.memory_space<vmem>>, vector<1x16xf32>,
        }
        %scan3A_148 = arith.constant 32 : i32
        %dma_start3A_149 = arith.constant 96 : i32
        %dma_start3A_150 = arith.constant 0 : i32
        %dma_start3A_151 = tpu.memref_slice %arg8[%dma_start3A_149, %dma_start3A_150] : memref<288x128xf32, #tpu.memory_space<vmem>> -> memref<32x128xf32, #tpu.memory_space<vmem>>
        %dma_start3A_152 = arith.constant 0 : i32
        %dma_start3A_153 = tpu.memref_slice %arg5[%add3A_119, %dma_start3A_152] : memref<81920x128xf32, #tpu.memory_space<hbm>> -> memref<32x128xf32, #tpu.memory_space<hbm>>
        %dma_start3A_154 = arith.constant 0 : i32
        %dma_start3A_155 = tpu.memref_slice %arg5[%add3A_119, %dma_start3A_154] : memref<81920x128xf32, #tpu.memory_space<hbm>> -> memref<32x128xf32, #tpu.memory_space<hbm>>
        %dma_start3A_156 = arith.constant 96 : i32
        %dma_start3A_157 = arith.constant 0 : i32
        %dma_start3A_158 = tpu.memref_slice %arg8[%dma_start3A_156, %dma_start3A_157] : memref<288x128xf32, #tpu.memory_space<vmem>> -> memref<32x128xf32, #tpu.memory_space<vmem>>
        tpu.enqueue_dma source(%dma_start3A_158 : memref<32x128xf32, #tpu.memory_space<vmem>>) target(%dma_start3A_155 : memref<32x128xf32, #tpu.memory_space<hbm>>) target_semaphore(%arg14 : memref<!tpu.dma_semaphore, #tpu.memory_space<semaphore_mem>>)
        %dma_start3A_159 = arith.constant 32 : i32
        %dma_start3A_160 = arith.constant 0 : i32
        %dma_start3A_161 = tpu.memref_slice %arg9[%dma_start3A_159, %dma_start3A_160] : memref<96x128xf32, #tpu.memory_space<vmem>> -> memref<32x128xf32, #tpu.memory_space<vmem>>
        %dma_start3A_162 = arith.constant 0 : i32
        %dma_start3A_163 = tpu.memref_slice %arg6[%add3A_119, %dma_start3A_162] : memref<81920x128xf32, #tpu.memory_space<hbm>> -> memref<32x128xf32, #tpu.memory_space<hbm>>
        %dma_start3A_164 = arith.constant 0 : i32
        %dma_start3A_165 = tpu.memref_slice %arg6[%add3A_119, %dma_start3A_164] : memref<81920x128xf32, #tpu.memory_space<hbm>> -> memref<32x128xf32, #tpu.memory_space<hbm>>
        %dma_start3A_166 = arith.constant 32 : i32
        %dma_start3A_167 = arith.constant 0 : i32
        %dma_start3A_168 = tpu.memref_slice %arg9[%dma_start3A_166, %dma_start3A_167] : memref<96x128xf32, #tpu.memory_space<vmem>> -> memref<32x128xf32, #tpu.memory_space<vmem>>
        tpu.enqueue_dma source(%dma_start3A_168 : memref<32x128xf32, #tpu.memory_space<vmem>>) target(%dma_start3A_165 : memref<32x128xf32, #tpu.memory_space<hbm>>) target_semaphore(%arg14 : memref<!tpu.dma_semaphore, #tpu.memory_space<semaphore_mem>>)
      } else {
      }
      %ge3A_72 = arith.constant 1 : i32
      %ge3A_73 = arith.cmpi sge, %add3A_66, %ge3A_72 : i32
      %le3A_74 = arith.constant 80 : i32
      %le3A_75 = arith.cmpi sle, %add3A_66, %le3A_74 : i32
      %and3A_76 = arith.andi %ge3A_73, %le3A_75 : i1
      %convert_element_type3A_77 = arith.extui %and3A_76 : i1 to i32
      %cond3A_78 = arith.constant 0 : i32
      %cond3A_79 = arith.cmpi ne, %convert_element_type3A_77, %cond3A_78 : i32
      scf.if %cond3A_79 {
        %dma_wait3A = arith.constant 0 : i32
        %dma_wait3A_115 = arith.constant 0 : i32
        %dma_wait3A_116 = tpu.memref_slice %arg8[%dma_wait3A, %dma_wait3A_115] : memref<288x128xf32, #tpu.memory_space<vmem>> -> memref<32x128xf32, #tpu.memory_space<vmem>>
        %dma_wait3A_117 = arith.constant 0 : i32
        %dma_wait3A_118 = arith.constant 0 : i32
        %dma_wait3A_119 = tpu.memref_slice %arg5[%dma_wait3A_117, %dma_wait3A_118] : memref<81920x128xf32, #tpu.memory_space<hbm>> -> memref<32x128xf32, #tpu.memory_space<hbm>>
        %dma_wait3A_120 = arith.constant 0 : i32
        %dma_wait3A_121 = arith.constant 0 : i32
        %dma_wait3A_122 = tpu.memref_slice %arg8[%dma_wait3A_120, %dma_wait3A_121] : memref<288x128xf32, #tpu.memory_space<vmem>> -> memref<32x128xf32, #tpu.memory_space<vmem>>
        %dma_wait3A_123 = arith.constant 0 : i32
        %dma_wait3A_124 = arith.constant 0 : i32
        %dma_wait3A_125 = tpu.memref_slice %arg5[%dma_wait3A_123, %dma_wait3A_124] : memref<81920x128xf32, #tpu.memory_space<hbm>> -> memref<32x128xf32, #tpu.memory_space<hbm>>
        tpu.wait_dma2 semaphore(%arg13 : memref<!tpu.dma_semaphore, #tpu.memory_space<semaphore_mem>>) src(%dma_wait3A_125 : memref<32x128xf32, #tpu.memory_space<hbm>>) dst(%dma_wait3A_122 : memref<32x128xf32, #tpu.memory_space<vmem>>)
        %dma_wait3A_126 = arith.constant 0 : i32
        %dma_wait3A_127 = arith.constant 0 : i32
        %dma_wait3A_128 = tpu.memref_slice %arg9[%dma_wait3A_126, %dma_wait3A_127] : memref<96x128xf32, #tpu.memory_space<vmem>> -> memref<32x128xf32, #tpu.memory_space<vmem>>
        %dma_wait3A_129 = arith.constant 0 : i32
        %dma_wait3A_130 = arith.constant 0 : i32
        %dma_wait3A_131 = tpu.memref_slice %arg6[%dma_wait3A_129, %dma_wait3A_130] : memref<81920x128xf32, #tpu.memory_space<hbm>> -> memref<32x128xf32, #tpu.memory_space<hbm>>
        %dma_wait3A_132 = arith.constant 0 : i32
        %dma_wait3A_133 = arith.constant 0 : i32
        %dma_wait3A_134 = tpu.memref_slice %arg9[%dma_wait3A_132, %dma_wait3A_133] : memref<96x128xf32, #tpu.memory_space<vmem>> -> memref<32x128xf32, #tpu.memory_space<vmem>>
        %dma_wait3A_135 = arith.constant 0 : i32
        %dma_wait3A_136 = arith.constant 0 : i32
        %dma_wait3A_137 = tpu.memref_slice %arg6[%dma_wait3A_135, %dma_wait3A_136] : memref<81920x128xf32, #tpu.memory_space<hbm>> -> memref<32x128xf32, #tpu.memory_space<hbm>>
        tpu.wait_dma2 semaphore(%arg13 : memref<!tpu.dma_semaphore, #tpu.memory_space<semaphore_mem>>) src(%dma_wait3A_137 : memref<32x128xf32, #tpu.memory_space<hbm>>) dst(%dma_wait3A_134 : memref<32x128xf32, #tpu.memory_space<vmem>>)
      } else {
      }
      %add3A_80 = arith.constant 3 : i32
      %add3A_81 = arith.addi %add3A_66, %add3A_80 : i32
      %sub3A_82 = arith.constant 1 : i32
      %sub3A_83 = arith.subi %add3A_81, %sub3A_82 : i32
      %lt3A_84 = arith.constant 80 : i32
      %lt3A_85 = arith.cmpi slt, %sub3A_83, %lt3A_84 : i32
      %convert_element_type3A_86 = arith.extui %lt3A_85 : i1 to i32
      %cond3A_87 = arith.constant 0 : i32
      %cond3A_88 = arith.cmpi ne, %convert_element_type3A_86, %cond3A_87 : i32
      scf.if %cond3A_88 {
        %add3A_115 = arith.constant 3 : i32
        %add3A_116 = arith.addi %add3A_66, %add3A_115 : i32
        %sub3A_117 = arith.constant 1 : i32
        %sub3A_118 = arith.subi %add3A_116, %sub3A_117 : i32
        %mul3A_119 = arith.constant 4 : i32
        %mul3A_120 = arith.muli %sub3A_118, %mul3A_119 : i32
        %mul3A_121 = arith.constant 32 : i32
        %mul3A_122 = arith.muli %mul3A_120, %mul3A_121 : i32
        %dma_start3A_123 = arith.constant 0 : i32
        %dma_start3A_124 = arith.constant 0 : i32
        %dma_start3A_125 = tpu.memref_slice %arg8[%dma_start3A_123, %dma_start3A_124] : memref<288x128xf32, #tpu.memory_space<vmem>> -> memref<96x128xf32, #tpu.memory_space<vmem>>
        %dma_start3A_126 = tpu.memref_slice %arg7[%mul3A_122] : memref<10240xi32, #tpu.memory_space<vmem>> -> memref<96xi32, #tpu.memory_space<vmem>>
        %dma_start3A_127 = arith.constant 0 : i32
        %dma_start3A_128 = arith.constant 0 : i32
        %dma_start3A_129 = tpu.memref_slice %arg3[%dma_start3A_127, %dma_start3A_128] : memref<10240x128xf32, #tpu.memory_space<hbm>> -> memref<10240x128xf32, #tpu.memory_space<hbm>>
        tpu.enqueue_indirect_dma source(%dma_start3A_129 : memref<10240x128xf32, #tpu.memory_space<hbm>>) target(%dma_start3A_125 : memref<96x128xf32, #tpu.memory_space<vmem>>) offsets(%dma_start3A_126 : memref<96xi32, #tpu.memory_space<vmem>>) semaphore(%arg10 : memref<!tpu.dma_semaphore, #tpu.memory_space<semaphore_mem>>)
        %mul3A_130 = arith.constant 4 : i32
        %mul3A_131 = arith.muli %sub3A_118, %mul3A_130 : i32
        %mul3A_132 = arith.constant 32 : i32
        %mul3A_133 = arith.muli %mul3A_131, %mul3A_132 : i32
        %add3A_134 = arith.constant 96 : i32
        %add3A_135 = arith.addi %mul3A_133, %add3A_134 : i32
        %dma_start3A_136 = arith.constant 0 : i32
        %dma_start3A_137 = arith.constant 0 : i32
        %dma_start3A_138 = tpu.memref_slice %arg9[%dma_start3A_136, %dma_start3A_137] : memref<96x128xf32, #tpu.memory_space<vmem>> -> memref<32x128xf32, #tpu.memory_space<vmem>>
        %dma_start3A_139 = tpu.memref_slice %arg7[%add3A_135] : memref<10240xi32, #tpu.memory_space<vmem>> -> memref<32xi32, #tpu.memory_space<vmem>>
        %dma_start3A_140 = arith.constant 0 : i32
        %dma_start3A_141 = arith.constant 0 : i32
        %dma_start3A_142 = tpu.memref_slice %arg4[%dma_start3A_140, %dma_start3A_141] : memref<10240x128xf32, #tpu.memory_space<hbm>> -> memref<10240x128xf32, #tpu.memory_space<hbm>>
        tpu.enqueue_indirect_dma source(%dma_start3A_142 : memref<10240x128xf32, #tpu.memory_space<hbm>>) target(%dma_start3A_138 : memref<32x128xf32, #tpu.memory_space<vmem>>) offsets(%dma_start3A_139 : memref<32xi32, #tpu.memory_space<vmem>>) semaphore(%arg10 : memref<!tpu.dma_semaphore, #tpu.memory_space<semaphore_mem>>)
      } else {
      }
      %mul3A_89 = arith.constant 3 : i32
      %mul3A_90 = arith.muli %mul3A_89, %scan3A_43 : i32
      %add3A_91 = arith.constant 2 : i32
      %add3A_92 = arith.addi %mul3A_90, %add3A_91 : i32
      %lt3A_93 = arith.constant 80 : i32
      %lt3A_94 = arith.cmpi slt, %add3A_92, %lt3A_93 : i32
      %convert_element_type3A_95 = arith.extui %lt3A_94 : i1 to i32
      %cond3A_96 = arith.constant 0 : i32
      %cond3A_97 = arith.cmpi ne, %convert_element_type3A_95, %cond3A_96 : i32
      scf.if %cond3A_97 {
        %mul3A_115 = arith.constant 2560 : i32
        %mul3A_116 = arith.muli %add3A, %mul3A_115 : i32
        %mul3A_117 = arith.constant 32 : i32
        %mul3A_118 = arith.muli %add3A_92, %mul3A_117 : i32
        %add3A_119 = arith.addi %mul3A_116, %mul3A_118 : i32
        %dma_wait3A = arith.constant 192 : i32
        %dma_wait3A_120 = arith.constant 0 : i32
        %dma_wait3A_121 = tpu.memref_slice %arg8[%dma_wait3A, %dma_wait3A_120] : memref<288x128xf32, #tpu.memory_space<vmem>> -> memref<96x128xf32, #tpu.memory_space<vmem>>
        %dma_wait3A_122 = arith.constant 0 : i32
        %dma_wait3A_123 = arith.constant 0 : i32
        %dma_wait3A_124 = tpu.memref_slice %arg3[%dma_wait3A_122, %dma_wait3A_123] : memref<10240x128xf32, #tpu.memory_space<hbm>> -> memref<96x128xf32, #tpu.memory_space<hbm>>
        %dma_wait3A_125 = arith.constant 192 : i32
        %dma_wait3A_126 = arith.constant 0 : i32
        %dma_wait3A_127 = tpu.memref_slice %arg8[%dma_wait3A_125, %dma_wait3A_126] : memref<288x128xf32, #tpu.memory_space<vmem>> -> memref<96x128xf32, #tpu.memory_space<vmem>>
        %dma_wait3A_128 = arith.constant 0 : i32
        %dma_wait3A_129 = arith.constant 0 : i32
        %dma_wait3A_130 = tpu.memref_slice %arg3[%dma_wait3A_128, %dma_wait3A_129] : memref<10240x128xf32, #tpu.memory_space<hbm>> -> memref<96x128xf32, #tpu.memory_space<hbm>>
        tpu.wait_dma2 semaphore(%arg12 : memref<!tpu.dma_semaphore, #tpu.memory_space<semaphore_mem>>) src(%dma_wait3A_130 : memref<96x128xf32, #tpu.memory_space<hbm>>) dst(%dma_wait3A_127 : memref<96x128xf32, #tpu.memory_space<vmem>>)
        %dma_wait3A_131 = arith.constant 64 : i32
        %dma_wait3A_132 = arith.constant 0 : i32
        %dma_wait3A_133 = tpu.memref_slice %arg9[%dma_wait3A_131, %dma_wait3A_132] : memref<96x128xf32, #tpu.memory_space<vmem>> -> memref<32x128xf32, #tpu.memory_space<vmem>>
        %dma_wait3A_134 = arith.constant 0 : i32
        %dma_wait3A_135 = arith.constant 0 : i32
        %dma_wait3A_136 = tpu.memref_slice %arg4[%dma_wait3A_134, %dma_wait3A_135] : memref<10240x128xf32, #tpu.memory_space<hbm>> -> memref<32x128xf32, #tpu.memory_space<hbm>>
        %dma_wait3A_137 = arith.constant 64 : i32
        %dma_wait3A_138 = arith.constant 0 : i32
        %dma_wait3A_139 = tpu.memref_slice %arg9[%dma_wait3A_137, %dma_wait3A_138] : memref<96x128xf32, #tpu.memory_space<vmem>> -> memref<32x128xf32, #tpu.memory_space<vmem>>
        %dma_wait3A_140 = arith.constant 0 : i32
        %dma_wait3A_141 = arith.constant 0 : i32
        %dma_wait3A_142 = tpu.memref_slice %arg4[%dma_wait3A_140, %dma_wait3A_141] : memref<10240x128xf32, #tpu.memory_space<hbm>> -> memref<32x128xf32, #tpu.memory_space<hbm>>
        tpu.wait_dma2 semaphore(%arg12 : memref<!tpu.dma_semaphore, #tpu.memory_space<semaphore_mem>>) src(%dma_wait3A_142 : memref<32x128xf32, #tpu.memory_space<hbm>>) dst(%dma_wait3A_139 : memref<32x128xf32, #tpu.memory_space<vmem>>)
        %scan3A_143 = arith.constant 0 : i32
        %scan3A_144 = arith.constant 0 : i32
        %scan3A_145 = arith.constant 32 : i32
        %scan3A_146 = arith.addi %scan3A_144, %scan3A_145 : i32
        %scan3A_147 = arith.constant 1 : i32
        scf.for %scan3A_169 = %scan3A_144 to %scan3A_146 step %scan3A_147  : i32 {
          %add3A_170 = arith.constant 192 : i32
          %add3A_171 = arith.addi %add3A_170, %scan3A_169 : i32
          %get3A = arith.index_cast %add3A_171 : i32 to index
          %get3A_172 = arith.constant 0 : index
          %get3A_173 = tpu.vector_load %arg8[%get3A, %get3A_172] {strides = array<i32>} : memref<288x128xf32, #tpu.memory_space<vmem>>, vector<1x16xf32>,
          %get3A_174 = vector.shape_cast %get3A_173 : vector<1x16xf32> to vector<16xf32>
          %add3A_175 = arith.constant 224 : i32
          %add3A_176 = arith.addi %add3A_175, %scan3A_169 : i32
          %get3A_177 = arith.index_cast %add3A_176 : i32 to index
          %get3A_178 = arith.constant 0 : index
          %get3A_179 = tpu.vector_load %arg8[%get3A_177, %get3A_178] {strides = array<i32>} : memref<288x128xf32, #tpu.memory_space<vmem>>, vector<1x16xf32>,
          %get3A_180 = vector.shape_cast %get3A_179 : vector<1x16xf32> to vector<16xf32>
          %add3A_181 = arith.addf %get3A_174, %get3A_180 : vector<16xf32>
          %add3A_182 = arith.constant 256 : i32
          %add3A_183 = arith.addi %add3A_182, %scan3A_169 : i32
          %get3A_184 = arith.index_cast %add3A_183 : i32 to index
          %get3A_185 = arith.constant 0 : index
          %get3A_186 = tpu.vector_load %arg8[%get3A_184, %get3A_185] {strides = array<i32>} : memref<288x128xf32, #tpu.memory_space<vmem>>, vector<1x16xf32>,
          %get3A_187 = vector.shape_cast %get3A_186 : vector<1x16xf32> to vector<16xf32>
          %add3A_188 = arith.addf %add3A_181, %get3A_187 : vector<16xf32>
          %add3A_189 = arith.constant 192 : i32
          %add3A_190 = arith.addi %add3A_189, %scan3A_169 : i32
          %swap3A = arith.index_cast %add3A_190 : i32 to index
          %swap3A_191 = arith.constant 0 : index
          %swap3A_192 = tpu.vector_load %arg8[%swap3A, %swap3A_191] {strides = array<i32>} : memref<288x128xf32, #tpu.memory_space<vmem>>, vector<1x16xf32>,
          %swap3A_193 = vector.shape_cast %swap3A_192 : vector<1x16xf32> to vector<16xf32>
          %swap3A_194 = vector.shape_cast %add3A_188 : vector<16xf32> to vector<1x16xf32>
          tpu.vector_store %arg8[%swap3A, %swap3A_191], %swap3A_194 {strides = array<i32>} : memref<288x128xf32, #tpu.memory_space<vmem>>, vector<1x16xf32>,
          %add3A_195 = arith.constant 192 : i32
          %add3A_196 = arith.addi %add3A_195, %scan3A_169 : i32
          %get3A_197 = arith.index_cast %add3A_196 : i32 to index
          %get3A_198 = arith.constant 16 : index
          %get3A_199 = tpu.vector_load %arg8[%get3A_197, %get3A_198] {strides = array<i32>} : memref<288x128xf32, #tpu.memory_space<vmem>>, vector<1x16xf32>,
          %get3A_200 = vector.shape_cast %get3A_199 : vector<1x16xf32> to vector<16xf32>
          %add3A_201 = arith.constant 224 : i32
          %add3A_202 = arith.addi %add3A_201, %scan3A_169 : i32
          %get3A_203 = arith.index_cast %add3A_202 : i32 to index
          %get3A_204 = arith.constant 16 : index
          %get3A_205 = tpu.vector_load %arg8[%get3A_203, %get3A_204] {strides = array<i32>} : memref<288x128xf32, #tpu.memory_space<vmem>>, vector<1x16xf32>,
          %get3A_206 = vector.shape_cast %get3A_205 : vector<1x16xf32> to vector<16xf32>
          %add3A_207 = arith.addf %get3A_200, %get3A_206 : vector<16xf32>
          %add3A_208 = arith.constant 256 : i32
          %add3A_209 = arith.addi %add3A_208, %scan3A_169 : i32
          %get3A_210 = arith.index_cast %add3A_209 : i32 to index
          %get3A_211 = arith.constant 16 : index
          %get3A_212 = tpu.vector_load %arg8[%get3A_210, %get3A_211] {strides = array<i32>} : memref<288x128xf32, #tpu.memory_space<vmem>>, vector<1x16xf32>,
          %get3A_213 = vector.shape_cast %get3A_212 : vector<1x16xf32> to vector<16xf32>
          %add3A_214 = arith.addf %add3A_207, %get3A_213 : vector<16xf32>
          %add3A_215 = arith.constant 192 : i32
          %add3A_216 = arith.addi %add3A_215, %scan3A_169 : i32
          %swap3A_217 = arith.index_cast %add3A_216 : i32 to index
          %swap3A_218 = arith.constant 16 : index
          %swap3A_219 = tpu.vector_load %arg8[%swap3A_217, %swap3A_218] {strides = array<i32>} : memref<288x128xf32, #tpu.memory_space<vmem>>, vector<1x16xf32>,
          %swap3A_220 = vector.shape_cast %swap3A_219 : vector<1x16xf32> to vector<16xf32>
          %swap3A_221 = vector.shape_cast %add3A_214 : vector<16xf32> to vector<1x16xf32>
          tpu.vector_store %arg8[%swap3A_217, %swap3A_218], %swap3A_221 {strides = array<i32>} : memref<288x128xf32, #tpu.memory_space<vmem>>, vector<1x16xf32>,
          %add3A_222 = arith.constant 192 : i32
          %add3A_223 = arith.addi %add3A_222, %scan3A_169 : i32
          %get3A_224 = arith.index_cast %add3A_223 : i32 to index
          %get3A_225 = arith.constant 32 : index
          %get3A_226 = tpu.vector_load %arg8[%get3A_224, %get3A_225] {strides = array<i32>} : memref<288x128xf32, #tpu.memory_space<vmem>>, vector<1x16xf32>,
          %get3A_227 = vector.shape_cast %get3A_226 : vector<1x16xf32> to vector<16xf32>
          %add3A_228 = arith.constant 224 : i32
          %add3A_229 = arith.addi %add3A_228, %scan3A_169 : i32
          %get3A_230 = arith.index_cast %add3A_229 : i32 to index
          %get3A_231 = arith.constant 32 : index
          %get3A_232 = tpu.vector_load %arg8[%get3A_230, %get3A_231] {strides = array<i32>} : memref<288x128xf32, #tpu.memory_space<vmem>>, vector<1x16xf32>,
          %get3A_233 = vector.shape_cast %get3A_232 : vector<1x16xf32> to vector<16xf32>
          %add3A_234 = arith.addf %get3A_227, %get3A_233 : vector<16xf32>
          %add3A_235 = arith.constant 256 : i32
          %add3A_236 = arith.addi %add3A_235, %scan3A_169 : i32
          %get3A_237 = arith.index_cast %add3A_236 : i32 to index
          %get3A_238 = arith.constant 32 : index
          %get3A_239 = tpu.vector_load %arg8[%get3A_237, %get3A_238] {strides = array<i32>} : memref<288x128xf32, #tpu.memory_space<vmem>>, vector<1x16xf32>,
          %get3A_240 = vector.shape_cast %get3A_239 : vector<1x16xf32> to vector<16xf32>
          %add3A_241 = arith.addf %add3A_234, %get3A_240 : vector<16xf32>
          %add3A_242 = arith.constant 192 : i32
          %add3A_243 = arith.addi %add3A_242, %scan3A_169 : i32
          %swap3A_244 = arith.index_cast %add3A_243 : i32 to index
          %swap3A_245 = arith.constant 32 : index
          %swap3A_246 = tpu.vector_load %arg8[%swap3A_244, %swap3A_245] {strides = array<i32>} : memref<288x128xf32, #tpu.memory_space<vmem>>, vector<1x16xf32>,
          %swap3A_247 = vector.shape_cast %swap3A_246 : vector<1x16xf32> to vector<16xf32>
          %swap3A_248 = vector.shape_cast %add3A_241 : vector<16xf32> to vector<1x16xf32>
          tpu.vector_store %arg8[%swap3A_244, %swap3A_245], %swap3A_248 {strides = array<i32>} : memref<288x128xf32, #tpu.memory_space<vmem>>, vector<1x16xf32>,
          %add3A_249 = arith.constant 192 : i32
          %add3A_250 = arith.addi %add3A_249, %scan3A_169 : i32
          %get3A_251 = arith.index_cast %add3A_250 : i32 to index
          %get3A_252 = arith.constant 48 : index
          %get3A_253 = tpu.vector_load %arg8[%get3A_251, %get3A_252] {strides = array<i32>} : memref<288x128xf32, #tpu.memory_space<vmem>>, vector<1x16xf32>,
          %get3A_254 = vector.shape_cast %get3A_253 : vector<1x16xf32> to vector<16xf32>
          %add3A_255 = arith.constant 224 : i32
          %add3A_256 = arith.addi %add3A_255, %scan3A_169 : i32
          %get3A_257 = arith.index_cast %add3A_256 : i32 to index
          %get3A_258 = arith.constant 48 : index
          %get3A_259 = tpu.vector_load %arg8[%get3A_257, %get3A_258] {strides = array<i32>} : memref<288x128xf32, #tpu.memory_space<vmem>>, vector<1x16xf32>,
          %get3A_260 = vector.shape_cast %get3A_259 : vector<1x16xf32> to vector<16xf32>
          %add3A_261 = arith.addf %get3A_254, %get3A_260 : vector<16xf32>
          %add3A_262 = arith.constant 256 : i32
          %add3A_263 = arith.addi %add3A_262, %scan3A_169 : i32
          %get3A_264 = arith.index_cast %add3A_263 : i32 to index
          %get3A_265 = arith.constant 48 : index
          %get3A_266 = tpu.vector_load %arg8[%get3A_264, %get3A_265] {strides = array<i32>} : memref<288x128xf32, #tpu.memory_space<vmem>>, vector<1x16xf32>,
          %get3A_267 = vector.shape_cast %get3A_266 : vector<1x16xf32> to vector<16xf32>
          %add3A_268 = arith.addf %add3A_261, %get3A_267 : vector<16xf32>
          %add3A_269 = arith.constant 192 : i32
          %add3A_270 = arith.addi %add3A_269, %scan3A_169 : i32
          %swap3A_271 = arith.index_cast %add3A_270 : i32 to index
          %swap3A_272 = arith.constant 48 : index
          %swap3A_273 = tpu.vector_load %arg8[%swap3A_271, %swap3A_272] {strides = array<i32>} : memref<288x128xf32, #tpu.memory_space<vmem>>, vector<1x16xf32>,
          %swap3A_274 = vector.shape_cast %swap3A_273 : vector<1x16xf32> to vector<16xf32>
          %swap3A_275 = vector.shape_cast %add3A_268 : vector<16xf32> to vector<1x16xf32>
          tpu.vector_store %arg8[%swap3A_271, %swap3A_272], %swap3A_275 {strides = array<i32>} : memref<288x128xf32, #tpu.memory_space<vmem>>, vector<1x16xf32>,
          %add3A_276 = arith.constant 192 : i32
          %add3A_277 = arith.addi %add3A_276, %scan3A_169 : i32
          %get3A_278 = arith.index_cast %add3A_277 : i32 to index
          %get3A_279 = arith.constant 64 : index
          %get3A_280 = tpu.vector_load %arg8[%get3A_278, %get3A_279] {strides = array<i32>} : memref<288x128xf32, #tpu.memory_space<vmem>>, vector<1x16xf32>,
          %get3A_281 = vector.shape_cast %get3A_280 : vector<1x16xf32> to vector<16xf32>
          %add3A_282 = arith.constant 224 : i32
          %add3A_283 = arith.addi %add3A_282, %scan3A_169 : i32
          %get3A_284 = arith.index_cast %add3A_283 : i32 to index
          %get3A_285 = arith.constant 64 : index
          %get3A_286 = tpu.vector_load %arg8[%get3A_284, %get3A_285] {strides = array<i32>} : memref<288x128xf32, #tpu.memory_space<vmem>>, vector<1x16xf32>,
          %get3A_287 = vector.shape_cast %get3A_286 : vector<1x16xf32> to vector<16xf32>
          %add3A_288 = arith.addf %get3A_281, %get3A_287 : vector<16xf32>
          %add3A_289 = arith.constant 256 : i32
          %add3A_290 = arith.addi %add3A_289, %scan3A_169 : i32
          %get3A_291 = arith.index_cast %add3A_290 : i32 to index
          %get3A_292 = arith.constant 64 : index
          %get3A_293 = tpu.vector_load %arg8[%get3A_291, %get3A_292] {strides = array<i32>} : memref<288x128xf32, #tpu.memory_space<vmem>>, vector<1x16xf32>,
          %get3A_294 = vector.shape_cast %get3A_293 : vector<1x16xf32> to vector<16xf32>
          %add3A_295 = arith.addf %add3A_288, %get3A_294 : vector<16xf32>
          %add3A_296 = arith.constant 192 : i32
          %add3A_297 = arith.addi %add3A_296, %scan3A_169 : i32
          %swap3A_298 = arith.index_cast %add3A_297 : i32 to index
          %swap3A_299 = arith.constant 64 : index
          %swap3A_300 = tpu.vector_load %arg8[%swap3A_298, %swap3A_299] {strides = array<i32>} : memref<288x128xf32, #tpu.memory_space<vmem>>, vector<1x16xf32>,
          %swap3A_301 = vector.shape_cast %swap3A_300 : vector<1x16xf32> to vector<16xf32>
          %swap3A_302 = vector.shape_cast %add3A_295 : vector<16xf32> to vector<1x16xf32>
          tpu.vector_store %arg8[%swap3A_298, %swap3A_299], %swap3A_302 {strides = array<i32>} : memref<288x128xf32, #tpu.memory_space<vmem>>, vector<1x16xf32>,
          %add3A_303 = arith.constant 192 : i32
          %add3A_304 = arith.addi %add3A_303, %scan3A_169 : i32
          %get3A_305 = arith.index_cast %add3A_304 : i32 to index
          %get3A_306 = arith.constant 80 : index
          %get3A_307 = tpu.vector_load %arg8[%get3A_305, %get3A_306] {strides = array<i32>} : memref<288x128xf32, #tpu.memory_space<vmem>>, vector<1x16xf32>,
          %get3A_308 = vector.shape_cast %get3A_307 : vector<1x16xf32> to vector<16xf32>
          %add3A_309 = arith.constant 224 : i32
          %add3A_310 = arith.addi %add3A_309, %scan3A_169 : i32
          %get3A_311 = arith.index_cast %add3A_310 : i32 to index
          %get3A_312 = arith.constant 80 : index
          %get3A_313 = tpu.vector_load %arg8[%get3A_311, %get3A_312] {strides = array<i32>} : memref<288x128xf32, #tpu.memory_space<vmem>>, vector<1x16xf32>,
          %get3A_314 = vector.shape_cast %get3A_313 : vector<1x16xf32> to vector<16xf32>
          %add3A_315 = arith.addf %get3A_308, %get3A_314 : vector<16xf32>
          %add3A_316 = arith.constant 256 : i32
          %add3A_317 = arith.addi %add3A_316, %scan3A_169 : i32
          %get3A_318 = arith.index_cast %add3A_317 : i32 to index
          %get3A_319 = arith.constant 80 : index
          %get3A_320 = tpu.vector_load %arg8[%get3A_318, %get3A_319] {strides = array<i32>} : memref<288x128xf32, #tpu.memory_space<vmem>>, vector<1x16xf32>,
          %get3A_321 = vector.shape_cast %get3A_320 : vector<1x16xf32> to vector<16xf32>
          %add3A_322 = arith.addf %add3A_315, %get3A_321 : vector<16xf32>
          %add3A_323 = arith.constant 192 : i32
          %add3A_324 = arith.addi %add3A_323, %scan3A_169 : i32
          %swap3A_325 = arith.index_cast %add3A_324 : i32 to index
          %swap3A_326 = arith.constant 80 : index
          %swap3A_327 = tpu.vector_load %arg8[%swap3A_325, %swap3A_326] {strides = array<i32>} : memref<288x128xf32, #tpu.memory_space<vmem>>, vector<1x16xf32>,
          %swap3A_328 = vector.shape_cast %swap3A_327 : vector<1x16xf32> to vector<16xf32>
          %swap3A_329 = vector.shape_cast %add3A_322 : vector<16xf32> to vector<1x16xf32>
          tpu.vector_store %arg8[%swap3A_325, %swap3A_326], %swap3A_329 {strides = array<i32>} : memref<288x128xf32, #tpu.memory_space<vmem>>, vector<1x16xf32>,
          %add3A_330 = arith.constant 192 : i32
          %add3A_331 = arith.addi %add3A_330, %scan3A_169 : i32
          %get3A_332 = arith.index_cast %add3A_331 : i32 to index
          %get3A_333 = arith.constant 96 : index
          %get3A_334 = tpu.vector_load %arg8[%get3A_332, %get3A_333] {strides = array<i32>} : memref<288x128xf32, #tpu.memory_space<vmem>>, vector<1x16xf32>,
          %get3A_335 = vector.shape_cast %get3A_334 : vector<1x16xf32> to vector<16xf32>
          %add3A_336 = arith.constant 224 : i32
          %add3A_337 = arith.addi %add3A_336, %scan3A_169 : i32
          %get3A_338 = arith.index_cast %add3A_337 : i32 to index
          %get3A_339 = arith.constant 96 : index
          %get3A_340 = tpu.vector_load %arg8[%get3A_338, %get3A_339] {strides = array<i32>} : memref<288x128xf32, #tpu.memory_space<vmem>>, vector<1x16xf32>,
          %get3A_341 = vector.shape_cast %get3A_340 : vector<1x16xf32> to vector<16xf32>
          %add3A_342 = arith.addf %get3A_335, %get3A_341 : vector<16xf32>
          %add3A_343 = arith.constant 256 : i32
          %add3A_344 = arith.addi %add3A_343, %scan3A_169 : i32
          %get3A_345 = arith.index_cast %add3A_344 : i32 to index
          %get3A_346 = arith.constant 96 : index
          %get3A_347 = tpu.vector_load %arg8[%get3A_345, %get3A_346] {strides = array<i32>} : memref<288x128xf32, #tpu.memory_space<vmem>>, vector<1x16xf32>,
          %get3A_348 = vector.shape_cast %get3A_347 : vector<1x16xf32> to vector<16xf32>
          %add3A_349 = arith.addf %add3A_342, %get3A_348 : vector<16xf32>
          %add3A_350 = arith.constant 192 : i32
          %add3A_351 = arith.addi %add3A_350, %scan3A_169 : i32
          %swap3A_352 = arith.index_cast %add3A_351 : i32 to index
          %swap3A_353 = arith.constant 96 : index
          %swap3A_354 = tpu.vector_load %arg8[%swap3A_352, %swap3A_353] {strides = array<i32>} : memref<288x128xf32, #tpu.memory_space<vmem>>, vector<1x16xf32>,
          %swap3A_355 = vector.shape_cast %swap3A_354 : vector<1x16xf32> to vector<16xf32>
          %swap3A_356 = vector.shape_cast %add3A_349 : vector<16xf32> to vector<1x16xf32>
          tpu.vector_store %arg8[%swap3A_352, %swap3A_353], %swap3A_356 {strides = array<i32>} : memref<288x128xf32, #tpu.memory_space<vmem>>, vector<1x16xf32>,
          %add3A_357 = arith.constant 192 : i32
          %add3A_358 = arith.addi %add3A_357, %scan3A_169 : i32
          %get3A_359 = arith.index_cast %add3A_358 : i32 to index
          %get3A_360 = arith.constant 112 : index
          %get3A_361 = tpu.vector_load %arg8[%get3A_359, %get3A_360] {strides = array<i32>} : memref<288x128xf32, #tpu.memory_space<vmem>>, vector<1x16xf32>,
          %get3A_362 = vector.shape_cast %get3A_361 : vector<1x16xf32> to vector<16xf32>
          %add3A_363 = arith.constant 224 : i32
          %add3A_364 = arith.addi %add3A_363, %scan3A_169 : i32
          %get3A_365 = arith.index_cast %add3A_364 : i32 to index
          %get3A_366 = arith.constant 112 : index
          %get3A_367 = tpu.vector_load %arg8[%get3A_365, %get3A_366] {strides = array<i32>} : memref<288x128xf32, #tpu.memory_space<vmem>>, vector<1x16xf32>,
          %get3A_368 = vector.shape_cast %get3A_367 : vector<1x16xf32> to vector<16xf32>
          %add3A_369 = arith.addf %get3A_362, %get3A_368 : vector<16xf32>
          %add3A_370 = arith.constant 256 : i32
          %add3A_371 = arith.addi %add3A_370, %scan3A_169 : i32
          %get3A_372 = arith.index_cast %add3A_371 : i32 to index
          %get3A_373 = arith.constant 112 : index
          %get3A_374 = tpu.vector_load %arg8[%get3A_372, %get3A_373] {strides = array<i32>} : memref<288x128xf32, #tpu.memory_space<vmem>>, vector<1x16xf32>,
          %get3A_375 = vector.shape_cast %get3A_374 : vector<1x16xf32> to vector<16xf32>
          %add3A_376 = arith.addf %add3A_369, %get3A_375 : vector<16xf32>
          %add3A_377 = arith.constant 192 : i32
          %add3A_378 = arith.addi %add3A_377, %scan3A_169 : i32
          %swap3A_379 = arith.index_cast %add3A_378 : i32 to index
          %swap3A_380 = arith.constant 112 : index
          %swap3A_381 = tpu.vector_load %arg8[%swap3A_379, %swap3A_380] {strides = array<i32>} : memref<288x128xf32, #tpu.memory_space<vmem>>, vector<1x16xf32>,
          %swap3A_382 = vector.shape_cast %swap3A_381 : vector<1x16xf32> to vector<16xf32>
          %swap3A_383 = vector.shape_cast %add3A_376 : vector<16xf32> to vector<1x16xf32>
          tpu.vector_store %arg8[%swap3A_379, %swap3A_380], %swap3A_383 {strides = array<i32>} : memref<288x128xf32, #tpu.memory_space<vmem>>, vector<1x16xf32>,
        }
        %scan3A_148 = arith.constant 32 : i32
        %dma_start3A_149 = arith.constant 192 : i32
        %dma_start3A_150 = arith.constant 0 : i32
        %dma_start3A_151 = tpu.memref_slice %arg8[%dma_start3A_149, %dma_start3A_150] : memref<288x128xf32, #tpu.memory_space<vmem>> -> memref<32x128xf32, #tpu.memory_space<vmem>>
        %dma_start3A_152 = arith.constant 0 : i32
        %dma_start3A_153 = tpu.memref_slice %arg5[%add3A_119, %dma_start3A_152] : memref<81920x128xf32, #tpu.memory_space<hbm>> -> memref<32x128xf32, #tpu.memory_space<hbm>>
        %dma_start3A_154 = arith.constant 0 : i32
        %dma_start3A_155 = tpu.memref_slice %arg5[%add3A_119, %dma_start3A_154] : memref<81920x128xf32, #tpu.memory_space<hbm>> -> memref<32x128xf32, #tpu.memory_space<hbm>>
        %dma_start3A_156 = arith.constant 192 : i32
        %dma_start3A_157 = arith.constant 0 : i32
        %dma_start3A_158 = tpu.memref_slice %arg8[%dma_start3A_156, %dma_start3A_157] : memref<288x128xf32, #tpu.memory_space<vmem>> -> memref<32x128xf32, #tpu.memory_space<vmem>>
        tpu.enqueue_dma source(%dma_start3A_158 : memref<32x128xf32, #tpu.memory_space<vmem>>) target(%dma_start3A_155 : memref<32x128xf32, #tpu.memory_space<hbm>>) target_semaphore(%arg15 : memref<!tpu.dma_semaphore, #tpu.memory_space<semaphore_mem>>)
        %dma_start3A_159 = arith.constant 64 : i32
        %dma_start3A_160 = arith.constant 0 : i32
        %dma_start3A_161 = tpu.memref_slice %arg9[%dma_start3A_159, %dma_start3A_160] : memref<96x128xf32, #tpu.memory_space<vmem>> -> memref<32x128xf32, #tpu.memory_space<vmem>>
        %dma_start3A_162 = arith.constant 0 : i32
        %dma_start3A_163 = tpu.memref_slice %arg6[%add3A_119, %dma_start3A_162] : memref<81920x128xf32, #tpu.memory_space<hbm>> -> memref<32x128xf32, #tpu.memory_space<hbm>>
        %dma_start3A_164 = arith.constant 0 : i32
        %dma_start3A_165 = tpu.memref_slice %arg6[%add3A_119, %dma_start3A_164] : memref<81920x128xf32, #tpu.memory_space<hbm>> -> memref<32x128xf32, #tpu.memory_space<hbm>>
        %dma_start3A_166 = arith.constant 64 : i32
        %dma_start3A_167 = arith.constant 0 : i32
        %dma_start3A_168 = tpu.memref_slice %arg9[%dma_start3A_166, %dma_start3A_167] : memref<96x128xf32, #tpu.memory_space<vmem>> -> memref<32x128xf32, #tpu.memory_space<vmem>>
        tpu.enqueue_dma source(%dma_start3A_168 : memref<32x128xf32, #tpu.memory_space<vmem>>) target(%dma_start3A_165 : memref<32x128xf32, #tpu.memory_space<hbm>>) target_semaphore(%arg15 : memref<!tpu.dma_semaphore, #tpu.memory_space<semaphore_mem>>)
      } else {
      }
      %ge3A_98 = arith.constant 1 : i32
      %ge3A_99 = arith.cmpi sge, %add3A_92, %ge3A_98 : i32
      %le3A_100 = arith.constant 80 : i32
      %le3A_101 = arith.cmpi sle, %add3A_92, %le3A_100 : i32
      %and3A_102 = arith.andi %ge3A_99, %le3A_101 : i1
      %convert_element_type3A_103 = arith.extui %and3A_102 : i1 to i32
      %cond3A_104 = arith.constant 0 : i32
      %cond3A_105 = arith.cmpi ne, %convert_element_type3A_103, %cond3A_104 : i32
      scf.if %cond3A_105 {
        %dma_wait3A = arith.constant 96 : i32
        %dma_wait3A_115 = arith.constant 0 : i32
        %dma_wait3A_116 = tpu.memref_slice %arg8[%dma_wait3A, %dma_wait3A_115] : memref<288x128xf32, #tpu.memory_space<vmem>> -> memref<32x128xf32, #tpu.memory_space<vmem>>
        %dma_wait3A_117 = arith.constant 0 : i32
        %dma_wait3A_118 = arith.constant 0 : i32
        %dma_wait3A_119 = tpu.memref_slice %arg5[%dma_wait3A_117, %dma_wait3A_118] : memref<81920x128xf32, #tpu.memory_space<hbm>> -> memref<32x128xf32, #tpu.memory_space<hbm>>
        %dma_wait3A_120 = arith.constant 96 : i32
        %dma_wait3A_121 = arith.constant 0 : i32
        %dma_wait3A_122 = tpu.memref_slice %arg8[%dma_wait3A_120, %dma_wait3A_121] : memref<288x128xf32, #tpu.memory_space<vmem>> -> memref<32x128xf32, #tpu.memory_space<vmem>>
        %dma_wait3A_123 = arith.constant 0 : i32
        %dma_wait3A_124 = arith.constant 0 : i32
        %dma_wait3A_125 = tpu.memref_slice %arg5[%dma_wait3A_123, %dma_wait3A_124] : memref<81920x128xf32, #tpu.memory_space<hbm>> -> memref<32x128xf32, #tpu.memory_space<hbm>>
        tpu.wait_dma2 semaphore(%arg14 : memref<!tpu.dma_semaphore, #tpu.memory_space<semaphore_mem>>) src(%dma_wait3A_125 : memref<32x128xf32, #tpu.memory_space<hbm>>) dst(%dma_wait3A_122 : memref<32x128xf32, #tpu.memory_space<vmem>>)
        %dma_wait3A_126 = arith.constant 32 : i32
        %dma_wait3A_127 = arith.constant 0 : i32
        %dma_wait3A_128 = tpu.memref_slice %arg9[%dma_wait3A_126, %dma_wait3A_127] : memref<96x128xf32, #tpu.memory_space<vmem>> -> memref<32x128xf32, #tpu.memory_space<vmem>>
        %dma_wait3A_129 = arith.constant 0 : i32
        %dma_wait3A_130 = arith.constant 0 : i32
        %dma_wait3A_131 = tpu.memref_slice %arg6[%dma_wait3A_129, %dma_wait3A_130] : memref<81920x128xf32, #tpu.memory_space<hbm>> -> memref<32x128xf32, #tpu.memory_space<hbm>>
        %dma_wait3A_132 = arith.constant 32 : i32
        %dma_wait3A_133 = arith.constant 0 : i32
        %dma_wait3A_134 = tpu.memref_slice %arg9[%dma_wait3A_132, %dma_wait3A_133] : memref<96x128xf32, #tpu.memory_space<vmem>> -> memref<32x128xf32, #tpu.memory_space<vmem>>
        %dma_wait3A_135 = arith.constant 0 : i32
        %dma_wait3A_136 = arith.constant 0 : i32
        %dma_wait3A_137 = tpu.memref_slice %arg6[%dma_wait3A_135, %dma_wait3A_136] : memref<81920x128xf32, #tpu.memory_space<hbm>> -> memref<32x128xf32, #tpu.memory_space<hbm>>
        tpu.wait_dma2 semaphore(%arg14 : memref<!tpu.dma_semaphore, #tpu.memory_space<semaphore_mem>>) src(%dma_wait3A_137 : memref<32x128xf32, #tpu.memory_space<hbm>>) dst(%dma_wait3A_134 : memref<32x128xf32, #tpu.memory_space<vmem>>)
      } else {
      }
      %add3A_106 = arith.constant 3 : i32
      %add3A_107 = arith.addi %add3A_92, %add3A_106 : i32
      %sub3A_108 = arith.constant 1 : i32
      %sub3A_109 = arith.subi %add3A_107, %sub3A_108 : i32
      %lt3A_110 = arith.constant 80 : i32
      %lt3A_111 = arith.cmpi slt, %sub3A_109, %lt3A_110 : i32
      %convert_element_type3A_112 = arith.extui %lt3A_111 : i1 to i32
      %cond3A_113 = arith.constant 0 : i32
      %cond3A_114 = arith.cmpi ne, %convert_element_type3A_112, %cond3A_113 : i32
      scf.if %cond3A_114 {
        %add3A_115 = arith.constant 3 : i32
        %add3A_116 = arith.addi %add3A_92, %add3A_115 : i32
        %sub3A_117 = arith.constant 1 : i32
        %sub3A_118 = arith.subi %add3A_116, %sub3A_117 : i32
        %mul3A_119 = arith.constant 4 : i32
        %mul3A_120 = arith.muli %sub3A_118, %mul3A_119 : i32
        %mul3A_121 = arith.constant 32 : i32
        %mul3A_122 = arith.muli %mul3A_120, %mul3A_121 : i32
        %dma_start3A_123 = arith.constant 96 : i32
        %dma_start3A_124 = arith.constant 0 : i32
        %dma_start3A_125 = tpu.memref_slice %arg8[%dma_start3A_123, %dma_start3A_124] : memref<288x128xf32, #tpu.memory_space<vmem>> -> memref<96x128xf32, #tpu.memory_space<vmem>>
        %dma_start3A_126 = tpu.memref_slice %arg7[%mul3A_122] : memref<10240xi32, #tpu.memory_space<vmem>> -> memref<96xi32, #tpu.memory_space<vmem>>
        %dma_start3A_127 = arith.constant 0 : i32
        %dma_start3A_128 = arith.constant 0 : i32
        %dma_start3A_129 = tpu.memref_slice %arg3[%dma_start3A_127, %dma_start3A_128] : memref<10240x128xf32, #tpu.memory_space<hbm>> -> memref<10240x128xf32, #tpu.memory_space<hbm>>
        tpu.enqueue_indirect_dma source(%dma_start3A_129 : memref<10240x128xf32, #tpu.memory_space<hbm>>) target(%dma_start3A_125 : memref<96x128xf32, #tpu.memory_space<vmem>>) offsets(%dma_start3A_126 : memref<96xi32, #tpu.memory_space<vmem>>) semaphore(%arg11 : memref<!tpu.dma_semaphore, #tpu.memory_space<semaphore_mem>>)
        %mul3A_130 = arith.constant 4 : i32
        %mul3A_131 = arith.muli %sub3A_118, %mul3A_130 : i32
        %mul3A_132 = arith.constant 32 : i32
        %mul3A_133 = arith.muli %mul3A_131, %mul3A_132 : i32
        %add3A_134 = arith.constant 96 : i32
        %add3A_135 = arith.addi %mul3A_133, %add3A_134 : i32
        %dma_start3A_136 = arith.constant 32 : i32
        %dma_start3A_137 = arith.constant 0 : i32
        %dma_start3A_138 = tpu.memref_slice %arg9[%dma_start3A_136, %dma_start3A_137] : memref<96x128xf32, #tpu.memory_space<vmem>> -> memref<32x128xf32, #tpu.memory_space<vmem>>
        %dma_start3A_139 = tpu.memref_slice %arg7[%add3A_135] : memref<10240xi32, #tpu.memory_space<vmem>> -> memref<32xi32, #tpu.memory_space<vmem>>
        %dma_start3A_140 = arith.constant 0 : i32
        %dma_start3A_141 = arith.constant 0 : i32
        %dma_start3A_142 = tpu.memref_slice %arg4[%dma_start3A_140, %dma_start3A_141] : memref<10240x128xf32, #tpu.memory_space<hbm>> -> memref<10240x128xf32, #tpu.memory_space<hbm>>
        tpu.enqueue_indirect_dma source(%dma_start3A_142 : memref<10240x128xf32, #tpu.memory_space<hbm>>) target(%dma_start3A_138 : memref<32x128xf32, #tpu.memory_space<vmem>>) offsets(%dma_start3A_139 : memref<32xi32, #tpu.memory_space<vmem>>) semaphore(%arg11 : memref<!tpu.dma_semaphore, #tpu.memory_space<semaphore_mem>>)
      } else {
      }
    }
    %scan3A_42 = arith.constant 27 : i32
    return
  }
}

#map = affine_map<(d0, d1) -> (0)>
#map1 = affine_map<(d0, d1) -> (0, 0)>
module attributes {stable_mosaic.version = 14 : i64} {
  func.func @k(%arg0: i32, %arg1: i32, %arg2: memref<327680xi32, #tpu.memory_space<hbm>>, %arg3: memref<10240x128xf32, #tpu.memory_space<hbm>>, %arg4: memref<10240x128xf32, #tpu.memory_space<hbm>>, %arg5: memref<81920x128xf32, #tpu.memory_space<hbm>>, %arg6: memref<81920x128xf32, #tpu.memory_space<hbm>>, %arg7: memref<10240xi32, #tpu.memory_space<vmem>>, %arg8: memref<288x128xf32, #tpu.memory_space<vmem>>, %arg9: memref<96x128xf32, #tpu.memory_space<vmem>>, %arg10: memref<!tpu.dma_semaphore, #tpu.memory_space<semaphore_mem>>, %arg11: memref<!tpu.dma_semaphore, #tpu.memory_space<semaphore_mem>>, %arg12: memref<!tpu.dma_semaphore, #tpu.memory_space<semaphore_mem>>, %arg13: memref<!tpu.dma_semaphore, #tpu.memory_space<semaphore_mem>>, %arg14: memref<!tpu.dma_semaphore, #tpu.memory_space<semaphore_mem>>, %arg15: memref<!tpu.dma_semaphore, #tpu.memory_space<semaphore_mem>>) attributes {dimension_semantics = [#tpu.dimension_semantics<core_parallel>, #tpu.dimension_semantics<subcore_parallel>], iteration_bounds = array<i64: 2, 16>, scalar_prefetch = 0 : i64, scratch_operands = 9 : i64, tpu.core_type = #tpu.core_type<sc_vector_subcore>, window_params = [{transform_indices = #map}, {transform_indices = #map1}, {transform_indices = #map1}, {transform_indices = #map1}, {transform_indices = #map1}]} {
    %mul3A = arith.constant 16 : i32
    %mul3A_0 = arith.muli %arg0, %mul3A : i32
    %add3A = arith.addi %mul3A_0, %arg1 : i32
    %mul3A_1 = arith.constant 80 : i32
    %mul3A_2 = arith.muli %add3A, %mul3A_1 : i32
    %mul3A_3 = arith.constant 4 : i32
    %mul3A_4 = arith.muli %mul3A_2, %mul3A_3 : i32
    %mul3A_5 = arith.constant 32 : i32
    %mul3A_6 = arith.muli %mul3A_4, %mul3A_5 : i32
    "tpu.region"() ({
      %run_scoped3A = tpu.sem_alloc : memref<!tpu.dma_semaphore, #tpu.memory_space<semaphore_mem>>
      %dma_start3A_43 = tpu.memref_slice %arg2[%mul3A_6] : memref<327680xi32, #tpu.memory_space<hbm>> -> memref<10240xi32, #tpu.memory_space<hbm>>
      %dma_start3A_44 = tpu.memref_slice %arg2[%mul3A_6] : memref<327680xi32, #tpu.memory_space<hbm>> -> memref<10240xi32, #tpu.memory_space<hbm>>
      tpu.enqueue_dma source(%dma_start3A_44 : memref<10240xi32, #tpu.memory_space<hbm>>) target(%arg7 : memref<10240xi32, #tpu.memory_space<vmem>>) target_semaphore(%run_scoped3A : memref<!tpu.dma_semaphore, #tpu.memory_space<semaphore_mem>>)
      %dma_wait3A = tpu.memref_slice %arg2[%mul3A_6] : memref<327680xi32, #tpu.memory_space<hbm>> -> memref<10240xi32, #tpu.memory_space<hbm>>
      %dma_wait3A_45 = tpu.memref_slice %arg2[%mul3A_6] : memref<327680xi32, #tpu.memory_space<hbm>> -> memref<10240xi32, #tpu.memory_space<hbm>>
      tpu.wait_dma2 semaphore(%run_scoped3A : memref<!tpu.dma_semaphore, #tpu.memory_space<semaphore_mem>>) src(%dma_wait3A_45 : memref<10240xi32, #tpu.memory_space<hbm>>) dst(%arg7 : memref<10240xi32, #tpu.memory_space<vmem>>)
      tpu.yield
    }) : () -> ()
    %dma_start3A = arith.constant 0 : i32
    %dma_start3A_7 = arith.constant 0 : i32
    %dma_start3A_8 = tpu.memref_slice %arg8[%dma_start3A, %dma_start3A_7] : memref<288x128xf32, #tpu.memory_space<vmem>> -> memref<96x128xf32, #tpu.memory_space<vmem>>
    %dma_start3A_9 = arith.constant 0 : i32
    %dma_start3A_10 = tpu.memref_slice %arg7[%dma_start3A_9] : memref<10240xi32, #tpu.memory_space<vmem>> -> memref<96xi32, #tpu.memory_space<vmem>>
    %dma_start3A_11 = arith.constant 0 : i32
    %dma_start3A_12 = arith.constant 0 : i32
    %dma_start3A_13 = tpu.memref_slice %arg3[%dma_start3A_11, %dma_start3A_12] : memref<10240x128xf32, #tpu.memory_space<hbm>> -> memref<10240x128xf32, #tpu.memory_space<hbm>>
    tpu.enqueue_indirect_dma source(%dma_start3A_13 : memref<10240x128xf32, #tpu.memory_space<hbm>>) target(%dma_start3A_8 : memref<96x128xf32, #tpu.memory_space<vmem>>) offsets(%dma_start3A_10 : memref<96xi32, #tpu.memory_space<vmem>>) semaphore(%arg10 : memref<!tpu.dma_semaphore, #tpu.memory_space<semaphore_mem>>)
    %dma_start3A_14 = arith.constant 0 : i32
    %dma_start3A_15 = arith.constant 0 : i32
    %dma_start3A_16 = tpu.memref_slice %arg9[%dma_start3A_14, %dma_start3A_15] : memref<96x128xf32, #tpu.memory_space<vmem>> -> memref<32x128xf32, #tpu.memory_space<vmem>>
    %dma_start3A_17 = arith.constant 96 : i32
    %dma_start3A_18 = tpu.memref_slice %arg7[%dma_start3A_17] : memref<10240xi32, #tpu.memory_space<vmem>> -> memref<32xi32, #tpu.memory_space<vmem>>
    %dma_start3A_19 = arith.constant 0 : i32
    %dma_start3A_20 = arith.constant 0 : i32
    %dma_start3A_21 = tpu.memref_slice %arg4[%dma_start3A_19, %dma_start3A_20] : memref<10240x128xf32, #tpu.memory_space<hbm>> -> memref<10240x128xf32, #tpu.memory_space<hbm>>
    tpu.enqueue_indirect_dma source(%dma_start3A_21 : memref<10240x128xf32, #tpu.memory_space<hbm>>) target(%dma_start3A_16 : memref<32x128xf32, #tpu.memory_space<vmem>>) offsets(%dma_start3A_18 : memref<32xi32, #tpu.memory_space<vmem>>) semaphore(%arg10 : memref<!tpu.dma_semaphore, #tpu.memory_space<semaphore_mem>>)
    %dma_start3A_22 = arith.constant 96 : i32
    %dma_start3A_23 = arith.constant 0 : i32
    %dma_start3A_24 = tpu.memref_slice %arg8[%dma_start3A_22, %dma_start3A_23] : memref<288x128xf32, #tpu.memory_space<vmem>> -> memref<96x128xf32, #tpu.memory_space<vmem>>
    %dma_start3A_25 = arith.constant 128 : i32
    %dma_start3A_26 = tpu.memref_slice %arg7[%dma_start3A_25] : memref<10240xi32, #tpu.memory_space<vmem>> -> memref<96xi32, #tpu.memory_space<vmem>>
    %dma_start3A_27 = arith.constant 0 : i32
    %dma_start3A_28 = arith.constant 0 : i32
    %dma_start3A_29 = tpu.memref_slice %arg3[%dma_start3A_27, %dma_start3A_28] : memref<10240x128xf32, #tpu.memory_space<hbm>> -> memref<10240x128xf32, #tpu.memory_space<hbm>>
    tpu.enqueue_indirect_dma source(%dma_start3A_29 : memref<10240x128xf32, #tpu.memory_space<hbm>>) target(%dma_start3A_24 : memref<96x128xf32, #tpu.memory_space<vmem>>) offsets(%dma_start3A_26 : memref<96xi32, #tpu.memory_space<vmem>>) semaphore(%arg11 : memref<!tpu.dma_semaphore, #tpu.memory_space<semaphore_mem>>)
    %dma_start3A_30 = arith.constant 32 : i32
    %dma_start3A_31 = arith.constant 0 : i32
    %dma_start3A_32 = tpu.memref_slice %arg9[%dma_start3A_30, %dma_start3A_31] : memref<96x128xf32, #tpu.memory_space<vmem>> -> memref<32x128xf32, #tpu.memory_space<vmem>>
    %dma_start3A_33 = arith.constant 224 : i32
    %dma_start3A_34 = tpu.memref_slice %arg7[%dma_start3A_33] : memref<10240xi32, #tpu.memory_space<vmem>> -> memref<32xi32, #tpu.memory_space<vmem>>
    %dma_start3A_35 = arith.constant 0 : i32
    %dma_start3A_36 = arith.constant 0 : i32
    %dma_start3A_37 = tpu.memref_slice %arg4[%dma_start3A_35, %dma_start3A_36] : memref<10240x128xf32, #tpu.memory_space<hbm>> -> memref<10240x128xf32, #tpu.memory_space<hbm>>
    tpu.enqueue_indirect_dma source(%dma_start3A_37 : memref<10240x128xf32, #tpu.memory_space<hbm>>) target(%dma_start3A_32 : memref<32x128xf32, #tpu.memory_space<vmem>>) offsets(%dma_start3A_34 : memref<32xi32, #tpu.memory_space<vmem>>) semaphore(%arg11 : memref<!tpu.dma_semaphore, #tpu.memory_space<semaphore_mem>>)
    %scan3A = arith.constant 0 : i32
    %scan3A_38 = arith.constant 0 : i32
    %scan3A_39 = arith.constant 27 : i32
    %scan3A_40 = arith.addi %scan3A_38, %scan3A_39 : i32
    %scan3A_41 = arith.constant 1 : i32
    scf.for %scan3A_43 = %scan3A_38 to %scan3A_40 step %scan3A_41  : i32 {
      %mul3A_44 = arith.constant 3 : i32
      %mul3A_45 = arith.muli %mul3A_44, %scan3A_43 : i32
      %add3A_46 = arith.constant 0 : i32
      %add3A_47 = arith.addi %mul3A_45, %add3A_46 : i32
      %lt3A = arith.constant 80 : i32
      %lt3A_48 = arith.cmpi slt, %add3A_47, %lt3A : i32
      %convert_element_type3A = arith.extui %lt3A_48 : i1 to i32
      %cond3A = arith.constant 0 : i32
      %cond3A_49 = arith.cmpi ne, %convert_element_type3A, %cond3A : i32
      scf.if %cond3A_49 {
        %mul3A_115 = arith.constant 2560 : i32
        %mul3A_116 = arith.muli %add3A, %mul3A_115 : i32
        %mul3A_117 = arith.constant 32 : i32
        %mul3A_118 = arith.muli %add3A_47, %mul3A_117 : i32
        %add3A_119 = arith.addi %mul3A_116, %mul3A_118 : i32
        %dma_wait3A = arith.constant 0 : i32
        %dma_wait3A_120 = arith.constant 0 : i32
        %dma_wait3A_121 = tpu.memref_slice %arg8[%dma_wait3A, %dma_wait3A_120] : memref<288x128xf32, #tpu.memory_space<vmem>> -> memref<96x128xf32, #tpu.memory_space<vmem>>
        %dma_wait3A_122 = arith.constant 0 : i32
        %dma_wait3A_123 = arith.constant 0 : i32
        %dma_wait3A_124 = tpu.memref_slice %arg3[%dma_wait3A_122, %dma_wait3A_123] : memref<10240x128xf32, #tpu.memory_space<hbm>> -> memref<96x128xf32, #tpu.memory_space<hbm>>
        %dma_wait3A_125 = arith.constant 0 : i32
        %dma_wait3A_126 = arith.constant 0 : i32
        %dma_wait3A_127 = tpu.memref_slice %arg8[%dma_wait3A_125, %dma_wait3A_126] : memref<288x128xf32, #tpu.memory_space<vmem>> -> memref<96x128xf32, #tpu.memory_space<vmem>>
        %dma_wait3A_128 = arith.constant 0 : i32
        %dma_wait3A_129 = arith.constant 0 : i32
        %dma_wait3A_130 = tpu.memref_slice %arg3[%dma_wait3A_128, %dma_wait3A_129] : memref<10240x128xf32, #tpu.memory_space<hbm>> -> memref<96x128xf32, #tpu.memory_space<hbm>>
        tpu.wait_dma2 semaphore(%arg10 : memref<!tpu.dma_semaphore, #tpu.memory_space<semaphore_mem>>) src(%dma_wait3A_130 : memref<96x128xf32, #tpu.memory_space<hbm>>) dst(%dma_wait3A_127 : memref<96x128xf32, #tpu.memory_space<vmem>>)
        %dma_wait3A_131 = arith.constant 0 : i32
        %dma_wait3A_132 = arith.constant 0 : i32
        %dma_wait3A_133 = tpu.memref_slice %arg9[%dma_wait3A_131, %dma_wait3A_132] : memref<96x128xf32, #tpu.memory_space<vmem>> -> memref<32x128xf32, #tpu.memory_space<vmem>>
        %dma_wait3A_134 = arith.constant 0 : i32
        %dma_wait3A_135 = arith.constant 0 : i32
        %dma_wait3A_136 = tpu.memref_slice %arg4[%dma_wait3A_134, %dma_wait3A_135] : memref<10240x128xf32, #tpu.memory_space<hbm>> -> memref<32x128xf32, #tpu.memory_space<hbm>>
        %dma_wait3A_137 = arith.constant 0 : i32
        %dma_wait3A_138 = arith.constant 0 : i32
        %dma_wait3A_139 = tpu.memref_slice %arg9[%dma_wait3A_137, %dma_wait3A_138] : memref<96x128xf32, #tpu.memory_space<vmem>> -> memref<32x128xf32, #tpu.memory_space<vmem>>
        %dma_wait3A_140 = arith.constant 0 : i32
        %dma_wait3A_141 = arith.constant 0 : i32
        %dma_wait3A_142 = tpu.memref_slice %arg4[%dma_wait3A_140, %dma_wait3A_141] : memref<10240x128xf32, #tpu.memory_space<hbm>> -> memref<32x128xf32, #tpu.memory_space<hbm>>
        tpu.wait_dma2 semaphore(%arg10 : memref<!tpu.dma_semaphore, #tpu.memory_space<semaphore_mem>>) src(%dma_wait3A_142 : memref<32x128xf32, #tpu.memory_space<hbm>>) dst(%dma_wait3A_139 : memref<32x128xf32, #tpu.memory_space<vmem>>)
        %scan3A_143 = arith.constant 0 : i32
        %scan3A_144 = arith.constant 0 : i32
        %scan3A_145 = arith.constant 32 : i32
        %scan3A_146 = arith.addi %scan3A_144, %scan3A_145 : i32
        %scan3A_147 = arith.constant 1 : i32
        scf.for %scan3A_169 = %scan3A_144 to %scan3A_146 step %scan3A_147  : i32 {
          %add3A_170 = arith.constant 0 : i32
          %add3A_171 = arith.addi %add3A_170, %scan3A_169 : i32
          %get3A = arith.index_cast %add3A_171 : i32 to index
          %get3A_172 = arith.constant 0 : index
          %get3A_173 = tpu.vector_load %arg8[%get3A, %get3A_172] {strides = array<i32>} : memref<288x128xf32, #tpu.memory_space<vmem>>, vector<1x16xf32>,
          %get3A_174 = vector.shape_cast %get3A_173 : vector<1x16xf32> to vector<16xf32>
          %add3A_175 = arith.constant 32 : i32
          %add3A_176 = arith.addi %add3A_175, %scan3A_169 : i32
          %get3A_177 = arith.index_cast %add3A_176 : i32 to index
          %get3A_178 = arith.constant 0 : index
          %get3A_179 = tpu.vector_load %arg8[%get3A_177, %get3A_178] {strides = array<i32>} : memref<288x128xf32, #tpu.memory_space<vmem>>, vector<1x16xf32>,
          %get3A_180 = vector.shape_cast %get3A_179 : vector<1x16xf32> to vector<16xf32>
          %add3A_181 = arith.addf %get3A_174, %get3A_180 : vector<16xf32>
          %add3A_182 = arith.constant 64 : i32
          %add3A_183 = arith.addi %add3A_182, %scan3A_169 : i32
          %get3A_184 = arith.index_cast %add3A_183 : i32 to index
          %get3A_185 = arith.constant 0 : index
          %get3A_186 = tpu.vector_load %arg8[%get3A_184, %get3A_185] {strides = array<i32>} : memref<288x128xf32, #tpu.memory_space<vmem>>, vector<1x16xf32>,
          %get3A_187 = vector.shape_cast %get3A_186 : vector<1x16xf32> to vector<16xf32>
          %add3A_188 = arith.addf %add3A_181, %get3A_187 : vector<16xf32>
          %add3A_189 = arith.constant 0 : i32
          %add3A_190 = arith.addi %add3A_189, %scan3A_169 : i32
          %swap3A = arith.index_cast %add3A_190 : i32 to index
          %swap3A_191 = arith.constant 0 : index
          %swap3A_192 = tpu.vector_load %arg8[%swap3A, %swap3A_191] {strides = array<i32>} : memref<288x128xf32, #tpu.memory_space<vmem>>, vector<1x16xf32>,
          %swap3A_193 = vector.shape_cast %swap3A_192 : vector<1x16xf32> to vector<16xf32>
          %swap3A_194 = vector.shape_cast %add3A_188 : vector<16xf32> to vector<1x16xf32>
          tpu.vector_store %arg8[%swap3A, %swap3A_191], %swap3A_194 {strides = array<i32>} : memref<288x128xf32, #tpu.memory_space<vmem>>, vector<1x16xf32>,
          %add3A_195 = arith.constant 0 : i32
          %add3A_196 = arith.addi %add3A_195, %scan3A_169 : i32
          %get3A_197 = arith.index_cast %add3A_196 : i32 to index
          %get3A_198 = arith.constant 16 : index
          %get3A_199 = tpu.vector_load %arg8[%get3A_197, %get3A_198] {strides = array<i32>} : memref<288x128xf32, #tpu.memory_space<vmem>>, vector<1x16xf32>,
          %get3A_200 = vector.shape_cast %get3A_199 : vector<1x16xf32> to vector<16xf32>
          %add3A_201 = arith.constant 32 : i32
          %add3A_202 = arith.addi %add3A_201, %scan3A_169 : i32
          %get3A_203 = arith.index_cast %add3A_202 : i32 to index
          %get3A_204 = arith.constant 16 : index
          %get3A_205 = tpu.vector_load %arg8[%get3A_203, %get3A_204] {strides = array<i32>} : memref<288x128xf32, #tpu.memory_space<vmem>>, vector<1x16xf32>,
          %get3A_206 = vector.shape_cast %get3A_205 : vector<1x16xf32> to vector<16xf32>
          %add3A_207 = arith.addf %get3A_200, %get3A_206 : vector<16xf32>
          %add3A_208 = arith.constant 64 : i32
          %add3A_209 = arith.addi %add3A_208, %scan3A_169 : i32
          %get3A_210 = arith.index_cast %add3A_209 : i32 to index
          %get3A_211 = arith.constant 16 : index
          %get3A_212 = tpu.vector_load %arg8[%get3A_210, %get3A_211] {strides = array<i32>} : memref<288x128xf32, #tpu.memory_space<vmem>>, vector<1x16xf32>,
          %get3A_213 = vector.shape_cast %get3A_212 : vector<1x16xf32> to vector<16xf32>
          %add3A_214 = arith.addf %add3A_207, %get3A_213 : vector<16xf32>
          %add3A_215 = arith.constant 0 : i32
          %add3A_216 = arith.addi %add3A_215, %scan3A_169 : i32
          %swap3A_217 = arith.index_cast %add3A_216 : i32 to index
          %swap3A_218 = arith.constant 16 : index
          %swap3A_219 = tpu.vector_load %arg8[%swap3A_217, %swap3A_218] {strides = array<i32>} : memref<288x128xf32, #tpu.memory_space<vmem>>, vector<1x16xf32>,
          %swap3A_220 = vector.shape_cast %swap3A_219 : vector<1x16xf32> to vector<16xf32>
          %swap3A_221 = vector.shape_cast %add3A_214 : vector<16xf32> to vector<1x16xf32>
          tpu.vector_store %arg8[%swap3A_217, %swap3A_218], %swap3A_221 {strides = array<i32>} : memref<288x128xf32, #tpu.memory_space<vmem>>, vector<1x16xf32>,
          %add3A_222 = arith.constant 0 : i32
          %add3A_223 = arith.addi %add3A_222, %scan3A_169 : i32
          %get3A_224 = arith.index_cast %add3A_223 : i32 to index
          %get3A_225 = arith.constant 32 : index
          %get3A_226 = tpu.vector_load %arg8[%get3A_224, %get3A_225] {strides = array<i32>} : memref<288x128xf32, #tpu.memory_space<vmem>>, vector<1x16xf32>,
          %get3A_227 = vector.shape_cast %get3A_226 : vector<1x16xf32> to vector<16xf32>
          %add3A_228 = arith.constant 32 : i32
          %add3A_229 = arith.addi %add3A_228, %scan3A_169 : i32
          %get3A_230 = arith.index_cast %add3A_229 : i32 to index
          %get3A_231 = arith.constant 32 : index
          %get3A_232 = tpu.vector_load %arg8[%get3A_230, %get3A_231] {strides = array<i32>} : memref<288x128xf32, #tpu.memory_space<vmem>>, vector<1x16xf32>,
          %get3A_233 = vector.shape_cast %get3A_232 : vector<1x16xf32> to vector<16xf32>
          %add3A_234 = arith.addf %get3A_227, %get3A_233 : vector<16xf32>
          %add3A_235 = arith.constant 64 : i32
          %add3A_236 = arith.addi %add3A_235, %scan3A_169 : i32
          %get3A_237 = arith.index_cast %add3A_236 : i32 to index
          %get3A_238 = arith.constant 32 : index
          %get3A_239 = tpu.vector_load %arg8[%get3A_237, %get3A_238] {strides = array<i32>} : memref<288x128xf32, #tpu.memory_space<vmem>>, vector<1x16xf32>,
          %get3A_240 = vector.shape_cast %get3A_239 : vector<1x16xf32> to vector<16xf32>
          %add3A_241 = arith.addf %add3A_234, %get3A_240 : vector<16xf32>
          %add3A_242 = arith.constant 0 : i32
          %add3A_243 = arith.addi %add3A_242, %scan3A_169 : i32
          %swap3A_244 = arith.index_cast %add3A_243 : i32 to index
          %swap3A_245 = arith.constant 32 : index
          %swap3A_246 = tpu.vector_load %arg8[%swap3A_244, %swap3A_245] {strides = array<i32>} : memref<288x128xf32, #tpu.memory_space<vmem>>, vector<1x16xf32>,
          %swap3A_247 = vector.shape_cast %swap3A_246 : vector<1x16xf32> to vector<16xf32>
          %swap3A_248 = vector.shape_cast %add3A_241 : vector<16xf32> to vector<1x16xf32>
          tpu.vector_store %arg8[%swap3A_244, %swap3A_245], %swap3A_248 {strides = array<i32>} : memref<288x128xf32, #tpu.memory_space<vmem>>, vector<1x16xf32>,
          %add3A_249 = arith.constant 0 : i32
          %add3A_250 = arith.addi %add3A_249, %scan3A_169 : i32
          %get3A_251 = arith.index_cast %add3A_250 : i32 to index
          %get3A_252 = arith.constant 48 : index
          %get3A_253 = tpu.vector_load %arg8[%get3A_251, %get3A_252] {strides = array<i32>} : memref<288x128xf32, #tpu.memory_space<vmem>>, vector<1x16xf32>,
          %get3A_254 = vector.shape_cast %get3A_253 : vector<1x16xf32> to vector<16xf32>
          %add3A_255 = arith.constant 32 : i32
          %add3A_256 = arith.addi %add3A_255, %scan3A_169 : i32
          %get3A_257 = arith.index_cast %add3A_256 : i32 to index
          %get3A_258 = arith.constant 48 : index
          %get3A_259 = tpu.vector_load %arg8[%get3A_257, %get3A_258] {strides = array<i32>} : memref<288x128xf32, #tpu.memory_space<vmem>>, vector<1x16xf32>,
          %get3A_260 = vector.shape_cast %get3A_259 : vector<1x16xf32> to vector<16xf32>
          %add3A_261 = arith.addf %get3A_254, %get3A_260 : vector<16xf32>
          %add3A_262 = arith.constant 64 : i32
          %add3A_263 = arith.addi %add3A_262, %scan3A_169 : i32
          %get3A_264 = arith.index_cast %add3A_263 : i32 to index
          %get3A_265 = arith.constant 48 : index
          %get3A_266 = tpu.vector_load %arg8[%get3A_264, %get3A_265] {strides = array<i32>} : memref<288x128xf32, #tpu.memory_space<vmem>>, vector<1x16xf32>,
          %get3A_267 = vector.shape_cast %get3A_266 : vector<1x16xf32> to vector<16xf32>
          %add3A_268 = arith.addf %add3A_261, %get3A_267 : vector<16xf32>
          %add3A_269 = arith.constant 0 : i32
          %add3A_270 = arith.addi %add3A_269, %scan3A_169 : i32
          %swap3A_271 = arith.index_cast %add3A_270 : i32 to index
          %swap3A_272 = arith.constant 48 : index
          %swap3A_273 = tpu.vector_load %arg8[%swap3A_271, %swap3A_272] {strides = array<i32>} : memref<288x128xf32, #tpu.memory_space<vmem>>, vector<1x16xf32>,
          %swap3A_274 = vector.shape_cast %swap3A_273 : vector<1x16xf32> to vector<16xf32>
          %swap3A_275 = vector.shape_cast %add3A_268 : vector<16xf32> to vector<1x16xf32>
          tpu.vector_store %arg8[%swap3A_271, %swap3A_272], %swap3A_275 {strides = array<i32>} : memref<288x128xf32, #tpu.memory_space<vmem>>, vector<1x16xf32>,
          %add3A_276 = arith.constant 0 : i32
          %add3A_277 = arith.addi %add3A_276, %scan3A_169 : i32
          %get3A_278 = arith.index_cast %add3A_277 : i32 to index
          %get3A_279 = arith.constant 64 : index
          %get3A_280 = tpu.vector_load %arg8[%get3A_278, %get3A_279] {strides = array<i32>} : memref<288x128xf32, #tpu.memory_space<vmem>>, vector<1x16xf32>,
          %get3A_281 = vector.shape_cast %get3A_280 : vector<1x16xf32> to vector<16xf32>
          %add3A_282 = arith.constant 32 : i32
          %add3A_283 = arith.addi %add3A_282, %scan3A_169 : i32
          %get3A_284 = arith.index_cast %add3A_283 : i32 to index
          %get3A_285 = arith.constant 64 : index
          %get3A_286 = tpu.vector_load %arg8[%get3A_284, %get3A_285] {strides = array<i32>} : memref<288x128xf32, #tpu.memory_space<vmem>>, vector<1x16xf32>,
          %get3A_287 = vector.shape_cast %get3A_286 : vector<1x16xf32> to vector<16xf32>
          %add3A_288 = arith.addf %get3A_281, %get3A_287 : vector<16xf32>
          %add3A_289 = arith.constant 64 : i32
          %add3A_290 = arith.addi %add3A_289, %scan3A_169 : i32
          %get3A_291 = arith.index_cast %add3A_290 : i32 to index
          %get3A_292 = arith.constant 64 : index
          %get3A_293 = tpu.vector_load %arg8[%get3A_291, %get3A_292] {strides = array<i32>} : memref<288x128xf32, #tpu.memory_space<vmem>>, vector<1x16xf32>,
          %get3A_294 = vector.shape_cast %get3A_293 : vector<1x16xf32> to vector<16xf32>
          %add3A_295 = arith.addf %add3A_288, %get3A_294 : vector<16xf32>
          %add3A_296 = arith.constant 0 : i32
          %add3A_297 = arith.addi %add3A_296, %scan3A_169 : i32
          %swap3A_298 = arith.index_cast %add3A_297 : i32 to index
          %swap3A_299 = arith.constant 64 : index
          %swap3A_300 = tpu.vector_load %arg8[%swap3A_298, %swap3A_299] {strides = array<i32>} : memref<288x128xf32, #tpu.memory_space<vmem>>, vector<1x16xf32>,
          %swap3A_301 = vector.shape_cast %swap3A_300 : vector<1x16xf32> to vector<16xf32>
          %swap3A_302 = vector.shape_cast %add3A_295 : vector<16xf32> to vector<1x16xf32>
          tpu.vector_store %arg8[%swap3A_298, %swap3A_299], %swap3A_302 {strides = array<i32>} : memref<288x128xf32, #tpu.memory_space<vmem>>, vector<1x16xf32>,
          %add3A_303 = arith.constant 0 : i32
          %add3A_304 = arith.addi %add3A_303, %scan3A_169 : i32
          %get3A_305 = arith.index_cast %add3A_304 : i32 to index
          %get3A_306 = arith.constant 80 : index
          %get3A_307 = tpu.vector_load %arg8[%get3A_305, %get3A_306] {strides = array<i32>} : memref<288x128xf32, #tpu.memory_space<vmem>>, vector<1x16xf32>,
          %get3A_308 = vector.shape_cast %get3A_307 : vector<1x16xf32> to vector<16xf32>
          %add3A_309 = arith.constant 32 : i32
          %add3A_310 = arith.addi %add3A_309, %scan3A_169 : i32
          %get3A_311 = arith.index_cast %add3A_310 : i32 to index
          %get3A_312 = arith.constant 80 : index
          %get3A_313 = tpu.vector_load %arg8[%get3A_311, %get3A_312] {strides = array<i32>} : memref<288x128xf32, #tpu.memory_space<vmem>>, vector<1x16xf32>,
          %get3A_314 = vector.shape_cast %get3A_313 : vector<1x16xf32> to vector<16xf32>
          %add3A_315 = arith.addf %get3A_308, %get3A_314 : vector<16xf32>
          %add3A_316 = arith.constant 64 : i32
          %add3A_317 = arith.addi %add3A_316, %scan3A_169 : i32
          %get3A_318 = arith.index_cast %add3A_317 : i32 to index
          %get3A_319 = arith.constant 80 : index
          %get3A_320 = tpu.vector_load %arg8[%get3A_318, %get3A_319] {strides = array<i32>} : memref<288x128xf32, #tpu.memory_space<vmem>>, vector<1x16xf32>,
          %get3A_321 = vector.shape_cast %get3A_320 : vector<1x16xf32> to vector<16xf32>
          %add3A_322 = arith.addf %add3A_315, %get3A_321 : vector<16xf32>
          %add3A_323 = arith.constant 0 : i32
          %add3A_324 = arith.addi %add3A_323, %scan3A_169 : i32
          %swap3A_325 = arith.index_cast %add3A_324 : i32 to index
          %swap3A_326 = arith.constant 80 : index
          %swap3A_327 = tpu.vector_load %arg8[%swap3A_325, %swap3A_326] {strides = array<i32>} : memref<288x128xf32, #tpu.memory_space<vmem>>, vector<1x16xf32>,
          %swap3A_328 = vector.shape_cast %swap3A_327 : vector<1x16xf32> to vector<16xf32>
          %swap3A_329 = vector.shape_cast %add3A_322 : vector<16xf32> to vector<1x16xf32>
          tpu.vector_store %arg8[%swap3A_325, %swap3A_326], %swap3A_329 {strides = array<i32>} : memref<288x128xf32, #tpu.memory_space<vmem>>, vector<1x16xf32>,
          %add3A_330 = arith.constant 0 : i32
          %add3A_331 = arith.addi %add3A_330, %scan3A_169 : i32
          %get3A_332 = arith.index_cast %add3A_331 : i32 to index
          %get3A_333 = arith.constant 96 : index
          %get3A_334 = tpu.vector_load %arg8[%get3A_332, %get3A_333] {strides = array<i32>} : memref<288x128xf32, #tpu.memory_space<vmem>>, vector<1x16xf32>,
          %get3A_335 = vector.shape_cast %get3A_334 : vector<1x16xf32> to vector<16xf32>
          %add3A_336 = arith.constant 32 : i32
          %add3A_337 = arith.addi %add3A_336, %scan3A_169 : i32
          %get3A_338 = arith.index_cast %add3A_337 : i32 to index
          %get3A_339 = arith.constant 96 : index
          %get3A_340 = tpu.vector_load %arg8[%get3A_338, %get3A_339] {strides = array<i32>} : memref<288x128xf32, #tpu.memory_space<vmem>>, vector<1x16xf32>,
          %get3A_341 = vector.shape_cast %get3A_340 : vector<1x16xf32> to vector<16xf32>
          %add3A_342 = arith.addf %get3A_335, %get3A_341 : vector<16xf32>
          %add3A_343 = arith.constant 64 : i32
          %add3A_344 = arith.addi %add3A_343, %scan3A_169 : i32
          %get3A_345 = arith.index_cast %add3A_344 : i32 to index
          %get3A_346 = arith.constant 96 : index
          %get3A_347 = tpu.vector_load %arg8[%get3A_345, %get3A_346] {strides = array<i32>} : memref<288x128xf32, #tpu.memory_space<vmem>>, vector<1x16xf32>,
          %get3A_348 = vector.shape_cast %get3A_347 : vector<1x16xf32> to vector<16xf32>
          %add3A_349 = arith.addf %add3A_342, %get3A_348 : vector<16xf32>
          %add3A_350 = arith.constant 0 : i32
          %add3A_351 = arith.addi %add3A_350, %scan3A_169 : i32
          %swap3A_352 = arith.index_cast %add3A_351 : i32 to index
          %swap3A_353 = arith.constant 96 : index
          %swap3A_354 = tpu.vector_load %arg8[%swap3A_352, %swap3A_353] {strides = array<i32>} : memref<288x128xf32, #tpu.memory_space<vmem>>, vector<1x16xf32>,
          %swap3A_355 = vector.shape_cast %swap3A_354 : vector<1x16xf32> to vector<16xf32>
          %swap3A_356 = vector.shape_cast %add3A_349 : vector<16xf32> to vector<1x16xf32>
          tpu.vector_store %arg8[%swap3A_352, %swap3A_353], %swap3A_356 {strides = array<i32>} : memref<288x128xf32, #tpu.memory_space<vmem>>, vector<1x16xf32>,
          %add3A_357 = arith.constant 0 : i32
          %add3A_358 = arith.addi %add3A_357, %scan3A_169 : i32
          %get3A_359 = arith.index_cast %add3A_358 : i32 to index
          %get3A_360 = arith.constant 112 : index
          %get3A_361 = tpu.vector_load %arg8[%get3A_359, %get3A_360] {strides = array<i32>} : memref<288x128xf32, #tpu.memory_space<vmem>>, vector<1x16xf32>,
          %get3A_362 = vector.shape_cast %get3A_361 : vector<1x16xf32> to vector<16xf32>
          %add3A_363 = arith.constant 32 : i32
          %add3A_364 = arith.addi %add3A_363, %scan3A_169 : i32
          %get3A_365 = arith.index_cast %add3A_364 : i32 to index
          %get3A_366 = arith.constant 112 : index
          %get3A_367 = tpu.vector_load %arg8[%get3A_365, %get3A_366] {strides = array<i32>} : memref<288x128xf32, #tpu.memory_space<vmem>>, vector<1x16xf32>,
          %get3A_368 = vector.shape_cast %get3A_367 : vector<1x16xf32> to vector<16xf32>
          %add3A_369 = arith.addf %get3A_362, %get3A_368 : vector<16xf32>
          %add3A_370 = arith.constant 64 : i32
          %add3A_371 = arith.addi %add3A_370, %scan3A_169 : i32
          %get3A_372 = arith.index_cast %add3A_371 : i32 to index
          %get3A_373 = arith.constant 112 : index
          %get3A_374 = tpu.vector_load %arg8[%get3A_372, %get3A_373] {strides = array<i32>} : memref<288x128xf32, #tpu.memory_space<vmem>>, vector<1x16xf32>,
          %get3A_375 = vector.shape_cast %get3A_374 : vector<1x16xf32> to vector<16xf32>
          %add3A_376 = arith.addf %add3A_369, %get3A_375 : vector<16xf32>
          %add3A_377 = arith.constant 0 : i32
          %add3A_378 = arith.addi %add3A_377, %scan3A_169 : i32
          %swap3A_379 = arith.index_cast %add3A_378 : i32 to index
          %swap3A_380 = arith.constant 112 : index
          %swap3A_381 = tpu.vector_load %arg8[%swap3A_379, %swap3A_380] {strides = array<i32>} : memref<288x128xf32, #tpu.memory_space<vmem>>, vector<1x16xf32>,
          %swap3A_382 = vector.shape_cast %swap3A_381 : vector<1x16xf32> to vector<16xf32>
          %swap3A_383 = vector.shape_cast %add3A_376 : vector<16xf32> to vector<1x16xf32>
          tpu.vector_store %arg8[%swap3A_379, %swap3A_380], %swap3A_383 {strides = array<i32>} : memref<288x128xf32, #tpu.memory_space<vmem>>, vector<1x16xf32>,
        }
        %scan3A_148 = arith.constant 32 : i32
        %dma_start3A_149 = arith.constant 0 : i32
        %dma_start3A_150 = arith.constant 0 : i32
        %dma_start3A_151 = tpu.memref_slice %arg8[%dma_start3A_149, %dma_start3A_150] : memref<288x128xf32, #tpu.memory_space<vmem>> -> memref<32x128xf32, #tpu.memory_space<vmem>>
        %dma_start3A_152 = arith.constant 0 : i32
        %dma_start3A_153 = tpu.memref_slice %arg5[%add3A_119, %dma_start3A_152] : memref<81920x128xf32, #tpu.memory_space<hbm>> -> memref<32x128xf32, #tpu.memory_space<hbm>>
        %dma_start3A_154 = arith.constant 0 : i32
        %dma_start3A_155 = tpu.memref_slice %arg5[%add3A_119, %dma_start3A_154] : memref<81920x128xf32, #tpu.memory_space<hbm>> -> memref<32x128xf32, #tpu.memory_space<hbm>>
        %dma_start3A_156 = arith.constant 0 : i32
        %dma_start3A_157 = arith.constant 0 : i32
        %dma_start3A_158 = tpu.memref_slice %arg8[%dma_start3A_156, %dma_start3A_157] : memref<288x128xf32, #tpu.memory_space<vmem>> -> memref<32x128xf32, #tpu.memory_space<vmem>>
        tpu.enqueue_dma source(%dma_start3A_158 : memref<32x128xf32, #tpu.memory_space<vmem>>) target(%dma_start3A_155 : memref<32x128xf32, #tpu.memory_space<hbm>>) target_semaphore(%arg13 : memref<!tpu.dma_semaphore, #tpu.memory_space<semaphore_mem>>)
        %dma_start3A_159 = arith.constant 0 : i32
        %dma_start3A_160 = arith.constant 0 : i32
        %dma_start3A_161 = tpu.memref_slice %arg9[%dma_start3A_159, %dma_start3A_160] : memref<96x128xf32, #tpu.memory_space<vmem>> -> memref<32x128xf32, #tpu.memory_space<vmem>>
        %dma_start3A_162 = arith.constant 0 : i32
        %dma_start3A_163 = tpu.memref_slice %arg6[%add3A_119, %dma_start3A_162] : memref<81920x128xf32, #tpu.memory_space<hbm>> -> memref<32x128xf32, #tpu.memory_space<hbm>>
        %dma_start3A_164 = arith.constant 0 : i32
        %dma_start3A_165 = tpu.memref_slice %arg6[%add3A_119, %dma_start3A_164] : memref<81920x128xf32, #tpu.memory_space<hbm>> -> memref<32x128xf32, #tpu.memory_space<hbm>>
        %dma_start3A_166 = arith.constant 0 : i32
        %dma_start3A_167 = arith.constant 0 : i32
        %dma_start3A_168 = tpu.memref_slice %arg9[%dma_start3A_166, %dma_start3A_167] : memref<96x128xf32, #tpu.memory_space<vmem>> -> memref<32x128xf32, #tpu.memory_space<vmem>>
        tpu.enqueue_dma source(%dma_start3A_168 : memref<32x128xf32, #tpu.memory_space<vmem>>) target(%dma_start3A_165 : memref<32x128xf32, #tpu.memory_space<hbm>>) target_semaphore(%arg13 : memref<!tpu.dma_semaphore, #tpu.memory_space<semaphore_mem>>)
      } else {
      }
      %ge3A = arith.constant 1 : i32
      %ge3A_50 = arith.cmpi sge, %add3A_47, %ge3A : i32
      %le3A = arith.constant 80 : i32
      %le3A_51 = arith.cmpi sle, %add3A_47, %le3A : i32
      %and3A = arith.andi %ge3A_50, %le3A_51 : i1
      %convert_element_type3A_52 = arith.extui %and3A : i1 to i32
      %cond3A_53 = arith.constant 0 : i32
      %cond3A_54 = arith.cmpi ne, %convert_element_type3A_52, %cond3A_53 : i32
      scf.if %cond3A_54 {
        %dma_wait3A = arith.constant 192 : i32
        %dma_wait3A_115 = arith.constant 0 : i32
        %dma_wait3A_116 = tpu.memref_slice %arg8[%dma_wait3A, %dma_wait3A_115] : memref<288x128xf32, #tpu.memory_space<vmem>> -> memref<32x128xf32, #tpu.memory_space<vmem>>
        %dma_wait3A_117 = arith.constant 0 : i32
        %dma_wait3A_118 = arith.constant 0 : i32
        %dma_wait3A_119 = tpu.memref_slice %arg5[%dma_wait3A_117, %dma_wait3A_118] : memref<81920x128xf32, #tpu.memory_space<hbm>> -> memref<32x128xf32, #tpu.memory_space<hbm>>
        %dma_wait3A_120 = arith.constant 192 : i32
        %dma_wait3A_121 = arith.constant 0 : i32
        %dma_wait3A_122 = tpu.memref_slice %arg8[%dma_wait3A_120, %dma_wait3A_121] : memref<288x128xf32, #tpu.memory_space<vmem>> -> memref<32x128xf32, #tpu.memory_space<vmem>>
        %dma_wait3A_123 = arith.constant 0 : i32
        %dma_wait3A_124 = arith.constant 0 : i32
        %dma_wait3A_125 = tpu.memref_slice %arg5[%dma_wait3A_123, %dma_wait3A_124] : memref<81920x128xf32, #tpu.memory_space<hbm>> -> memref<32x128xf32, #tpu.memory_space<hbm>>
        tpu.wait_dma2 semaphore(%arg15 : memref<!tpu.dma_semaphore, #tpu.memory_space<semaphore_mem>>) src(%dma_wait3A_125 : memref<32x128xf32, #tpu.memory_space<hbm>>) dst(%dma_wait3A_122 : memref<32x128xf32, #tpu.memory_space<vmem>>)
        %dma_wait3A_126 = arith.constant 64 : i32
        %dma_wait3A_127 = arith.constant 0 : i32
        %dma_wait3A_128 = tpu.memref_slice %arg9[%dma_wait3A_126, %dma_wait3A_127] : memref<96x128xf32, #tpu.memory_space<vmem>> -> memref<32x128xf32, #tpu.memory_space<vmem>>
        %dma_wait3A_129 = arith.constant 0 : i32
        %dma_wait3A_130 = arith.constant 0 : i32
        %dma_wait3A_131 = tpu.memref_slice %arg6[%dma_wait3A_129, %dma_wait3A_130] : memref<81920x128xf32, #tpu.memory_space<hbm>> -> memref<32x128xf32, #tpu.memory_space<hbm>>
        %dma_wait3A_132 = arith.constant 64 : i32
        %dma_wait3A_133 = arith.constant 0 : i32
        %dma_wait3A_134 = tpu.memref_slice %arg9[%dma_wait3A_132, %dma_wait3A_133] : memref<96x128xf32, #tpu.memory_space<vmem>> -> memref<32x128xf32, #tpu.memory_space<vmem>>
        %dma_wait3A_135 = arith.constant 0 : i32
        %dma_wait3A_136 = arith.constant 0 : i32
        %dma_wait3A_137 = tpu.memref_slice %arg6[%dma_wait3A_135, %dma_wait3A_136] : memref<81920x128xf32, #tpu.memory_space<hbm>> -> memref<32x128xf32, #tpu.memory_space<hbm>>
        tpu.wait_dma2 semaphore(%arg15 : memref<!tpu.dma_semaphore, #tpu.memory_space<semaphore_mem>>) src(%dma_wait3A_137 : memref<32x128xf32, #tpu.memory_space<hbm>>) dst(%dma_wait3A_134 : memref<32x128xf32, #tpu.memory_space<vmem>>)
      } else {
      }
      %add3A_55 = arith.constant 3 : i32
      %add3A_56 = arith.addi %add3A_47, %add3A_55 : i32
      %sub3A = arith.constant 1 : i32
      %sub3A_57 = arith.subi %add3A_56, %sub3A : i32
      %lt3A_58 = arith.constant 80 : i32
      %lt3A_59 = arith.cmpi slt, %sub3A_57, %lt3A_58 : i32
      %convert_element_type3A_60 = arith.extui %lt3A_59 : i1 to i32
      %cond3A_61 = arith.constant 0 : i32
      %cond3A_62 = arith.cmpi ne, %convert_element_type3A_60, %cond3A_61 : i32
      scf.if %cond3A_62 {
        %add3A_115 = arith.constant 3 : i32
        %add3A_116 = arith.addi %add3A_47, %add3A_115 : i32
        %sub3A_117 = arith.constant 1 : i32
        %sub3A_118 = arith.subi %add3A_116, %sub3A_117 : i32
        %mul3A_119 = arith.constant 4 : i32
        %mul3A_120 = arith.muli %sub3A_118, %mul3A_119 : i32
        %mul3A_121 = arith.constant 32 : i32
        %mul3A_122 = arith.muli %mul3A_120, %mul3A_121 : i32
        %dma_start3A_123 = arith.constant 192 : i32
        %dma_start3A_124 = arith.constant 0 : i32
        %dma_start3A_125 = tpu.memref_slice %arg8[%dma_start3A_123, %dma_start3A_124] : memref<288x128xf32, #tpu.memory_space<vmem>> -> memref<96x128xf32, #tpu.memory_space<vmem>>
        %dma_start3A_126 = tpu.memref_slice %arg7[%mul3A_122] : memref<10240xi32, #tpu.memory_space<vmem>> -> memref<96xi32, #tpu.memory_space<vmem>>
        %dma_start3A_127 = arith.constant 0 : i32
        %dma_start3A_128 = arith.constant 0 : i32
        %dma_start3A_129 = tpu.memref_slice %arg3[%dma_start3A_127, %dma_start3A_128] : memref<10240x128xf32, #tpu.memory_space<hbm>> -> memref<10240x128xf32, #tpu.memory_space<hbm>>
        tpu.enqueue_indirect_dma source(%dma_start3A_129 : memref<10240x128xf32, #tpu.memory_space<hbm>>) target(%dma_start3A_125 : memref<96x128xf32, #tpu.memory_space<vmem>>) offsets(%dma_start3A_126 : memref<96xi32, #tpu.memory_space<vmem>>) semaphore(%arg12 : memref<!tpu.dma_semaphore, #tpu.memory_space<semaphore_mem>>)
        %mul3A_130 = arith.constant 4 : i32
        %mul3A_131 = arith.muli %sub3A_118, %mul3A_130 : i32
        %mul3A_132 = arith.constant 32 : i32
        %mul3A_133 = arith.muli %mul3A_131, %mul3A_132 : i32
        %add3A_134 = arith.constant 96 : i32
        %add3A_135 = arith.addi %mul3A_133, %add3A_134 : i32
        %dma_start3A_136 = arith.constant 64 : i32
        %dma_start3A_137 = arith.constant 0 : i32
        %dma_start3A_138 = tpu.memref_slice %arg9[%dma_start3A_136, %dma_start3A_137] : memref<96x128xf32, #tpu.memory_space<vmem>> -> memref<32x128xf32, #tpu.memory_space<vmem>>
        %dma_start3A_139 = tpu.memref_slice %arg7[%add3A_135] : memref<10240xi32, #tpu.memory_space<vmem>> -> memref<32xi32, #tpu.memory_space<vmem>>
        %dma_start3A_140 = arith.constant 0 : i32
        %dma_start3A_141 = arith.constant 0 : i32
        %dma_start3A_142 = tpu.memref_slice %arg4[%dma_start3A_140, %dma_start3A_141] : memref<10240x128xf32, #tpu.memory_space<hbm>> -> memref<10240x128xf32, #tpu.memory_space<hbm>>
        tpu.enqueue_indirect_dma source(%dma_start3A_142 : memref<10240x128xf32, #tpu.memory_space<hbm>>) target(%dma_start3A_138 : memref<32x128xf32, #tpu.memory_space<vmem>>) offsets(%dma_start3A_139 : memref<32xi32, #tpu.memory_space<vmem>>) semaphore(%arg12 : memref<!tpu.dma_semaphore, #tpu.memory_space<semaphore_mem>>)
      } else {
      }
      %mul3A_63 = arith.constant 3 : i32
      %mul3A_64 = arith.muli %mul3A_63, %scan3A_43 : i32
      %add3A_65 = arith.constant 1 : i32
      %add3A_66 = arith.addi %mul3A_64, %add3A_65 : i32
      %lt3A_67 = arith.constant 80 : i32
      %lt3A_68 = arith.cmpi slt, %add3A_66, %lt3A_67 : i32
      %convert_element_type3A_69 = arith.extui %lt3A_68 : i1 to i32
      %cond3A_70 = arith.constant 0 : i32
      %cond3A_71 = arith.cmpi ne, %convert_element_type3A_69, %cond3A_70 : i32
      scf.if %cond3A_71 {
        %mul3A_115 = arith.constant 2560 : i32
        %mul3A_116 = arith.muli %add3A, %mul3A_115 : i32
        %mul3A_117 = arith.constant 32 : i32
        %mul3A_118 = arith.muli %add3A_66, %mul3A_117 : i32
        %add3A_119 = arith.addi %mul3A_116, %mul3A_118 : i32
        %dma_wait3A = arith.constant 96 : i32
        %dma_wait3A_120 = arith.constant 0 : i32
        %dma_wait3A_121 = tpu.memref_slice %arg8[%dma_wait3A, %dma_wait3A_120] : memref<288x128xf32, #tpu.memory_space<vmem>> -> memref<96x128xf32, #tpu.memory_space<vmem>>
        %dma_wait3A_122 = arith.constant 0 : i32
        %dma_wait3A_123 = arith.constant 0 : i32
        %dma_wait3A_124 = tpu.memref_slice %arg3[%dma_wait3A_122, %dma_wait3A_123] : memref<10240x128xf32, #tpu.memory_space<hbm>> -> memref<96x128xf32, #tpu.memory_space<hbm>>
        %dma_wait3A_125 = arith.constant 96 : i32
        %dma_wait3A_126 = arith.constant 0 : i32
        %dma_wait3A_127 = tpu.memref_slice %arg8[%dma_wait3A_125, %dma_wait3A_126] : memref<288x128xf32, #tpu.memory_space<vmem>> -> memref<96x128xf32, #tpu.memory_space<vmem>>
        %dma_wait3A_128 = arith.constant 0 : i32
        %dma_wait3A_129 = arith.constant 0 : i32
        %dma_wait3A_130 = tpu.memref_slice %arg3[%dma_wait3A_128, %dma_wait3A_129] : memref<10240x128xf32, #tpu.memory_space<hbm>> -> memref<96x128xf32, #tpu.memory_space<hbm>>
        tpu.wait_dma2 semaphore(%arg11 : memref<!tpu.dma_semaphore, #tpu.memory_space<semaphore_mem>>) src(%dma_wait3A_130 : memref<96x128xf32, #tpu.memory_space<hbm>>) dst(%dma_wait3A_127 : memref<96x128xf32, #tpu.memory_space<vmem>>)
        %dma_wait3A_131 = arith.constant 32 : i32
        %dma_wait3A_132 = arith.constant 0 : i32
        %dma_wait3A_133 = tpu.memref_slice %arg9[%dma_wait3A_131, %dma_wait3A_132] : memref<96x128xf32, #tpu.memory_space<vmem>> -> memref<32x128xf32, #tpu.memory_space<vmem>>
        %dma_wait3A_134 = arith.constant 0 : i32
        %dma_wait3A_135 = arith.constant 0 : i32
        %dma_wait3A_136 = tpu.memref_slice %arg4[%dma_wait3A_134, %dma_wait3A_135] : memref<10240x128xf32, #tpu.memory_space<hbm>> -> memref<32x128xf32, #tpu.memory_space<hbm>>
        %dma_wait3A_137 = arith.constant 32 : i32
        %dma_wait3A_138 = arith.constant 0 : i32
        %dma_wait3A_139 = tpu.memref_slice %arg9[%dma_wait3A_137, %dma_wait3A_138] : memref<96x128xf32, #tpu.memory_space<vmem>> -> memref<32x128xf32, #tpu.memory_space<vmem>>
        %dma_wait3A_140 = arith.constant 0 : i32
        %dma_wait3A_141 = arith.constant 0 : i32
        %dma_wait3A_142 = tpu.memref_slice %arg4[%dma_wait3A_140, %dma_wait3A_141] : memref<10240x128xf32, #tpu.memory_space<hbm>> -> memref<32x128xf32, #tpu.memory_space<hbm>>
        tpu.wait_dma2 semaphore(%arg11 : memref<!tpu.dma_semaphore, #tpu.memory_space<semaphore_mem>>) src(%dma_wait3A_142 : memref<32x128xf32, #tpu.memory_space<hbm>>) dst(%dma_wait3A_139 : memref<32x128xf32, #tpu.memory_space<vmem>>)
        %scan3A_143 = arith.constant 0 : i32
        %scan3A_144 = arith.constant 0 : i32
        %scan3A_145 = arith.constant 32 : i32
        %scan3A_146 = arith.addi %scan3A_144, %scan3A_145 : i32
        %scan3A_147 = arith.constant 1 : i32
        scf.for %scan3A_169 = %scan3A_144 to %scan3A_146 step %scan3A_147  : i32 {
          %add3A_170 = arith.constant 96 : i32
          %add3A_171 = arith.addi %add3A_170, %scan3A_169 : i32
          %get3A = arith.index_cast %add3A_171 : i32 to index
          %get3A_172 = arith.constant 0 : index
          %get3A_173 = tpu.vector_load %arg8[%get3A, %get3A_172] {strides = array<i32>} : memref<288x128xf32, #tpu.memory_space<vmem>>, vector<1x16xf32>,
          %get3A_174 = vector.shape_cast %get3A_173 : vector<1x16xf32> to vector<16xf32>
          %add3A_175 = arith.constant 128 : i32
          %add3A_176 = arith.addi %add3A_175, %scan3A_169 : i32
          %get3A_177 = arith.index_cast %add3A_176 : i32 to index
          %get3A_178 = arith.constant 0 : index
          %get3A_179 = tpu.vector_load %arg8[%get3A_177, %get3A_178] {strides = array<i32>} : memref<288x128xf32, #tpu.memory_space<vmem>>, vector<1x16xf32>,
          %get3A_180 = vector.shape_cast %get3A_179 : vector<1x16xf32> to vector<16xf32>
          %add3A_181 = arith.addf %get3A_174, %get3A_180 : vector<16xf32>
          %add3A_182 = arith.constant 160 : i32
          %add3A_183 = arith.addi %add3A_182, %scan3A_169 : i32
          %get3A_184 = arith.index_cast %add3A_183 : i32 to index
          %get3A_185 = arith.constant 0 : index
          %get3A_186 = tpu.vector_load %arg8[%get3A_184, %get3A_185] {strides = array<i32>} : memref<288x128xf32, #tpu.memory_space<vmem>>, vector<1x16xf32>,
          %get3A_187 = vector.shape_cast %get3A_186 : vector<1x16xf32> to vector<16xf32>
          %add3A_188 = arith.addf %add3A_181, %get3A_187 : vector<16xf32>
          %add3A_189 = arith.constant 96 : i32
          %add3A_190 = arith.addi %add3A_189, %scan3A_169 : i32
          %swap3A = arith.index_cast %add3A_190 : i32 to index
          %swap3A_191 = arith.constant 0 : index
          %swap3A_192 = tpu.vector_load %arg8[%swap3A, %swap3A_191] {strides = array<i32>} : memref<288x128xf32, #tpu.memory_space<vmem>>, vector<1x16xf32>,
          %swap3A_193 = vector.shape_cast %swap3A_192 : vector<1x16xf32> to vector<16xf32>
          %swap3A_194 = vector.shape_cast %add3A_188 : vector<16xf32> to vector<1x16xf32>
          tpu.vector_store %arg8[%swap3A, %swap3A_191], %swap3A_194 {strides = array<i32>} : memref<288x128xf32, #tpu.memory_space<vmem>>, vector<1x16xf32>,
          %add3A_195 = arith.constant 96 : i32
          %add3A_196 = arith.addi %add3A_195, %scan3A_169 : i32
          %get3A_197 = arith.index_cast %add3A_196 : i32 to index
          %get3A_198 = arith.constant 16 : index
          %get3A_199 = tpu.vector_load %arg8[%get3A_197, %get3A_198] {strides = array<i32>} : memref<288x128xf32, #tpu.memory_space<vmem>>, vector<1x16xf32>,
          %get3A_200 = vector.shape_cast %get3A_199 : vector<1x16xf32> to vector<16xf32>
          %add3A_201 = arith.constant 128 : i32
          %add3A_202 = arith.addi %add3A_201, %scan3A_169 : i32
          %get3A_203 = arith.index_cast %add3A_202 : i32 to index
          %get3A_204 = arith.constant 16 : index
          %get3A_205 = tpu.vector_load %arg8[%get3A_203, %get3A_204] {strides = array<i32>} : memref<288x128xf32, #tpu.memory_space<vmem>>, vector<1x16xf32>,
          %get3A_206 = vector.shape_cast %get3A_205 : vector<1x16xf32> to vector<16xf32>
          %add3A_207 = arith.addf %get3A_200, %get3A_206 : vector<16xf32>
          %add3A_208 = arith.constant 160 : i32
          %add3A_209 = arith.addi %add3A_208, %scan3A_169 : i32
          %get3A_210 = arith.index_cast %add3A_209 : i32 to index
          %get3A_211 = arith.constant 16 : index
          %get3A_212 = tpu.vector_load %arg8[%get3A_210, %get3A_211] {strides = array<i32>} : memref<288x128xf32, #tpu.memory_space<vmem>>, vector<1x16xf32>,
          %get3A_213 = vector.shape_cast %get3A_212 : vector<1x16xf32> to vector<16xf32>
          %add3A_214 = arith.addf %add3A_207, %get3A_213 : vector<16xf32>
          %add3A_215 = arith.constant 96 : i32
          %add3A_216 = arith.addi %add3A_215, %scan3A_169 : i32
          %swap3A_217 = arith.index_cast %add3A_216 : i32 to index
          %swap3A_218 = arith.constant 16 : index
          %swap3A_219 = tpu.vector_load %arg8[%swap3A_217, %swap3A_218] {strides = array<i32>} : memref<288x128xf32, #tpu.memory_space<vmem>>, vector<1x16xf32>,
          %swap3A_220 = vector.shape_cast %swap3A_219 : vector<1x16xf32> to vector<16xf32>
          %swap3A_221 = vector.shape_cast %add3A_214 : vector<16xf32> to vector<1x16xf32>
          tpu.vector_store %arg8[%swap3A_217, %swap3A_218], %swap3A_221 {strides = array<i32>} : memref<288x128xf32, #tpu.memory_space<vmem>>, vector<1x16xf32>,
          %add3A_222 = arith.constant 96 : i32
          %add3A_223 = arith.addi %add3A_222, %scan3A_169 : i32
          %get3A_224 = arith.index_cast %add3A_223 : i32 to index
          %get3A_225 = arith.constant 32 : index
          %get3A_226 = tpu.vector_load %arg8[%get3A_224, %get3A_225] {strides = array<i32>} : memref<288x128xf32, #tpu.memory_space<vmem>>, vector<1x16xf32>,
          %get3A_227 = vector.shape_cast %get3A_226 : vector<1x16xf32> to vector<16xf32>
          %add3A_228 = arith.constant 128 : i32
          %add3A_229 = arith.addi %add3A_228, %scan3A_169 : i32
          %get3A_230 = arith.index_cast %add3A_229 : i32 to index
          %get3A_231 = arith.constant 32 : index
          %get3A_232 = tpu.vector_load %arg8[%get3A_230, %get3A_231] {strides = array<i32>} : memref<288x128xf32, #tpu.memory_space<vmem>>, vector<1x16xf32>,
          %get3A_233 = vector.shape_cast %get3A_232 : vector<1x16xf32> to vector<16xf32>
          %add3A_234 = arith.addf %get3A_227, %get3A_233 : vector<16xf32>
          %add3A_235 = arith.constant 160 : i32
          %add3A_236 = arith.addi %add3A_235, %scan3A_169 : i32
          %get3A_237 = arith.index_cast %add3A_236 : i32 to index
          %get3A_238 = arith.constant 32 : index
          %get3A_239 = tpu.vector_load %arg8[%get3A_237, %get3A_238] {strides = array<i32>} : memref<288x128xf32, #tpu.memory_space<vmem>>, vector<1x16xf32>,
          %get3A_240 = vector.shape_cast %get3A_239 : vector<1x16xf32> to vector<16xf32>
          %add3A_241 = arith.addf %add3A_234, %get3A_240 : vector<16xf32>
          %add3A_242 = arith.constant 96 : i32
          %add3A_243 = arith.addi %add3A_242, %scan3A_169 : i32
          %swap3A_244 = arith.index_cast %add3A_243 : i32 to index
          %swap3A_245 = arith.constant 32 : index
          %swap3A_246 = tpu.vector_load %arg8[%swap3A_244, %swap3A_245] {strides = array<i32>} : memref<288x128xf32, #tpu.memory_space<vmem>>, vector<1x16xf32>,
          %swap3A_247 = vector.shape_cast %swap3A_246 : vector<1x16xf32> to vector<16xf32>
          %swap3A_248 = vector.shape_cast %add3A_241 : vector<16xf32> to vector<1x16xf32>
          tpu.vector_store %arg8[%swap3A_244, %swap3A_245], %swap3A_248 {strides = array<i32>} : memref<288x128xf32, #tpu.memory_space<vmem>>, vector<1x16xf32>,
          %add3A_249 = arith.constant 96 : i32
          %add3A_250 = arith.addi %add3A_249, %scan3A_169 : i32
          %get3A_251 = arith.index_cast %add3A_250 : i32 to index
          %get3A_252 = arith.constant 48 : index
          %get3A_253 = tpu.vector_load %arg8[%get3A_251, %get3A_252] {strides = array<i32>} : memref<288x128xf32, #tpu.memory_space<vmem>>, vector<1x16xf32>,
          %get3A_254 = vector.shape_cast %get3A_253 : vector<1x16xf32> to vector<16xf32>
          %add3A_255 = arith.constant 128 : i32
          %add3A_256 = arith.addi %add3A_255, %scan3A_169 : i32
          %get3A_257 = arith.index_cast %add3A_256 : i32 to index
          %get3A_258 = arith.constant 48 : index
          %get3A_259 = tpu.vector_load %arg8[%get3A_257, %get3A_258] {strides = array<i32>} : memref<288x128xf32, #tpu.memory_space<vmem>>, vector<1x16xf32>,
          %get3A_260 = vector.shape_cast %get3A_259 : vector<1x16xf32> to vector<16xf32>
          %add3A_261 = arith.addf %get3A_254, %get3A_260 : vector<16xf32>
          %add3A_262 = arith.constant 160 : i32
          %add3A_263 = arith.addi %add3A_262, %scan3A_169 : i32
          %get3A_264 = arith.index_cast %add3A_263 : i32 to index
          %get3A_265 = arith.constant 48 : index
          %get3A_266 = tpu.vector_load %arg8[%get3A_264, %get3A_265] {strides = array<i32>} : memref<288x128xf32, #tpu.memory_space<vmem>>, vector<1x16xf32>,
          %get3A_267 = vector.shape_cast %get3A_266 : vector<1x16xf32> to vector<16xf32>
          %add3A_268 = arith.addf %add3A_261, %get3A_267 : vector<16xf32>
          %add3A_269 = arith.constant 96 : i32
          %add3A_270 = arith.addi %add3A_269, %scan3A_169 : i32
          %swap3A_271 = arith.index_cast %add3A_270 : i32 to index
          %swap3A_272 = arith.constant 48 : index
          %swap3A_273 = tpu.vector_load %arg8[%swap3A_271, %swap3A_272] {strides = array<i32>} : memref<288x128xf32, #tpu.memory_space<vmem>>, vector<1x16xf32>,
          %swap3A_274 = vector.shape_cast %swap3A_273 : vector<1x16xf32> to vector<16xf32>
          %swap3A_275 = vector.shape_cast %add3A_268 : vector<16xf32> to vector<1x16xf32>
          tpu.vector_store %arg8[%swap3A_271, %swap3A_272], %swap3A_275 {strides = array<i32>} : memref<288x128xf32, #tpu.memory_space<vmem>>, vector<1x16xf32>,
          %add3A_276 = arith.constant 96 : i32
          %add3A_277 = arith.addi %add3A_276, %scan3A_169 : i32
          %get3A_278 = arith.index_cast %add3A_277 : i32 to index
          %get3A_279 = arith.constant 64 : index
          %get3A_280 = tpu.vector_load %arg8[%get3A_278, %get3A_279] {strides = array<i32>} : memref<288x128xf32, #tpu.memory_space<vmem>>, vector<1x16xf32>,
          %get3A_281 = vector.shape_cast %get3A_280 : vector<1x16xf32> to vector<16xf32>
          %add3A_282 = arith.constant 128 : i32
          %add3A_283 = arith.addi %add3A_282, %scan3A_169 : i32
          %get3A_284 = arith.index_cast %add3A_283 : i32 to index
          %get3A_285 = arith.constant 64 : index
          %get3A_286 = tpu.vector_load %arg8[%get3A_284, %get3A_285] {strides = array<i32>} : memref<288x128xf32, #tpu.memory_space<vmem>>, vector<1x16xf32>,
          %get3A_287 = vector.shape_cast %get3A_286 : vector<1x16xf32> to vector<16xf32>
          %add3A_288 = arith.addf %get3A_281, %get3A_287 : vector<16xf32>
          %add3A_289 = arith.constant 160 : i32
          %add3A_290 = arith.addi %add3A_289, %scan3A_169 : i32
          %get3A_291 = arith.index_cast %add3A_290 : i32 to index
          %get3A_292 = arith.constant 64 : index
          %get3A_293 = tpu.vector_load %arg8[%get3A_291, %get3A_292] {strides = array<i32>} : memref<288x128xf32, #tpu.memory_space<vmem>>, vector<1x16xf32>,
          %get3A_294 = vector.shape_cast %get3A_293 : vector<1x16xf32> to vector<16xf32>
          %add3A_295 = arith.addf %add3A_288, %get3A_294 : vector<16xf32>
          %add3A_296 = arith.constant 96 : i32
          %add3A_297 = arith.addi %add3A_296, %scan3A_169 : i32
          %swap3A_298 = arith.index_cast %add3A_297 : i32 to index
          %swap3A_299 = arith.constant 64 : index
          %swap3A_300 = tpu.vector_load %arg8[%swap3A_298, %swap3A_299] {strides = array<i32>} : memref<288x128xf32, #tpu.memory_space<vmem>>, vector<1x16xf32>,
          %swap3A_301 = vector.shape_cast %swap3A_300 : vector<1x16xf32> to vector<16xf32>
          %swap3A_302 = vector.shape_cast %add3A_295 : vector<16xf32> to vector<1x16xf32>
          tpu.vector_store %arg8[%swap3A_298, %swap3A_299], %swap3A_302 {strides = array<i32>} : memref<288x128xf32, #tpu.memory_space<vmem>>, vector<1x16xf32>,
          %add3A_303 = arith.constant 96 : i32
          %add3A_304 = arith.addi %add3A_303, %scan3A_169 : i32
          %get3A_305 = arith.index_cast %add3A_304 : i32 to index
          %get3A_306 = arith.constant 80 : index
          %get3A_307 = tpu.vector_load %arg8[%get3A_305, %get3A_306] {strides = array<i32>} : memref<288x128xf32, #tpu.memory_space<vmem>>, vector<1x16xf32>,
          %get3A_308 = vector.shape_cast %get3A_307 : vector<1x16xf32> to vector<16xf32>
          %add3A_309 = arith.constant 128 : i32
          %add3A_310 = arith.addi %add3A_309, %scan3A_169 : i32
          %get3A_311 = arith.index_cast %add3A_310 : i32 to index
          %get3A_312 = arith.constant 80 : index
          %get3A_313 = tpu.vector_load %arg8[%get3A_311, %get3A_312] {strides = array<i32>} : memref<288x128xf32, #tpu.memory_space<vmem>>, vector<1x16xf32>,
          %get3A_314 = vector.shape_cast %get3A_313 : vector<1x16xf32> to vector<16xf32>
          %add3A_315 = arith.addf %get3A_308, %get3A_314 : vector<16xf32>
          %add3A_316 = arith.constant 160 : i32
          %add3A_317 = arith.addi %add3A_316, %scan3A_169 : i32
          %get3A_318 = arith.index_cast %add3A_317 : i32 to index
          %get3A_319 = arith.constant 80 : index
          %get3A_320 = tpu.vector_load %arg8[%get3A_318, %get3A_319] {strides = array<i32>} : memref<288x128xf32, #tpu.memory_space<vmem>>, vector<1x16xf32>,
          %get3A_321 = vector.shape_cast %get3A_320 : vector<1x16xf32> to vector<16xf32>
          %add3A_322 = arith.addf %add3A_315, %get3A_321 : vector<16xf32>
          %add3A_323 = arith.constant 96 : i32
          %add3A_324 = arith.addi %add3A_323, %scan3A_169 : i32
          %swap3A_325 = arith.index_cast %add3A_324 : i32 to index
          %swap3A_326 = arith.constant 80 : index
          %swap3A_327 = tpu.vector_load %arg8[%swap3A_325, %swap3A_326] {strides = array<i32>} : memref<288x128xf32, #tpu.memory_space<vmem>>, vector<1x16xf32>,
          %swap3A_328 = vector.shape_cast %swap3A_327 : vector<1x16xf32> to vector<16xf32>
          %swap3A_329 = vector.shape_cast %add3A_322 : vector<16xf32> to vector<1x16xf32>
          tpu.vector_store %arg8[%swap3A_325, %swap3A_326], %swap3A_329 {strides = array<i32>} : memref<288x128xf32, #tpu.memory_space<vmem>>, vector<1x16xf32>,
          %add3A_330 = arith.constant 96 : i32
          %add3A_331 = arith.addi %add3A_330, %scan3A_169 : i32
          %get3A_332 = arith.index_cast %add3A_331 : i32 to index
          %get3A_333 = arith.constant 96 : index
          %get3A_334 = tpu.vector_load %arg8[%get3A_332, %get3A_333] {strides = array<i32>} : memref<288x128xf32, #tpu.memory_space<vmem>>, vector<1x16xf32>,
          %get3A_335 = vector.shape_cast %get3A_334 : vector<1x16xf32> to vector<16xf32>
          %add3A_336 = arith.constant 128 : i32
          %add3A_337 = arith.addi %add3A_336, %scan3A_169 : i32
          %get3A_338 = arith.index_cast %add3A_337 : i32 to index
          %get3A_339 = arith.constant 96 : index
          %get3A_340 = tpu.vector_load %arg8[%get3A_338, %get3A_339] {strides = array<i32>} : memref<288x128xf32, #tpu.memory_space<vmem>>, vector<1x16xf32>,
          %get3A_341 = vector.shape_cast %get3A_340 : vector<1x16xf32> to vector<16xf32>
          %add3A_342 = arith.addf %get3A_335, %get3A_341 : vector<16xf32>
          %add3A_343 = arith.constant 160 : i32
          %add3A_344 = arith.addi %add3A_343, %scan3A_169 : i32
          %get3A_345 = arith.index_cast %add3A_344 : i32 to index
          %get3A_346 = arith.constant 96 : index
          %get3A_347 = tpu.vector_load %arg8[%get3A_345, %get3A_346] {strides = array<i32>} : memref<288x128xf32, #tpu.memory_space<vmem>>, vector<1x16xf32>,
          %get3A_348 = vector.shape_cast %get3A_347 : vector<1x16xf32> to vector<16xf32>
          %add3A_349 = arith.addf %add3A_342, %get3A_348 : vector<16xf32>
          %add3A_350 = arith.constant 96 : i32
          %add3A_351 = arith.addi %add3A_350, %scan3A_169 : i32
          %swap3A_352 = arith.index_cast %add3A_351 : i32 to index
          %swap3A_353 = arith.constant 96 : index
          %swap3A_354 = tpu.vector_load %arg8[%swap3A_352, %swap3A_353] {strides = array<i32>} : memref<288x128xf32, #tpu.memory_space<vmem>>, vector<1x16xf32>,
          %swap3A_355 = vector.shape_cast %swap3A_354 : vector<1x16xf32> to vector<16xf32>
          %swap3A_356 = vector.shape_cast %add3A_349 : vector<16xf32> to vector<1x16xf32>
          tpu.vector_store %arg8[%swap3A_352, %swap3A_353], %swap3A_356 {strides = array<i32>} : memref<288x128xf32, #tpu.memory_space<vmem>>, vector<1x16xf32>,
          %add3A_357 = arith.constant 96 : i32
          %add3A_358 = arith.addi %add3A_357, %scan3A_169 : i32
          %get3A_359 = arith.index_cast %add3A_358 : i32 to index
          %get3A_360 = arith.constant 112 : index
          %get3A_361 = tpu.vector_load %arg8[%get3A_359, %get3A_360] {strides = array<i32>} : memref<288x128xf32, #tpu.memory_space<vmem>>, vector<1x16xf32>,
          %get3A_362 = vector.shape_cast %get3A_361 : vector<1x16xf32> to vector<16xf32>
          %add3A_363 = arith.constant 128 : i32
          %add3A_364 = arith.addi %add3A_363, %scan3A_169 : i32
          %get3A_365 = arith.index_cast %add3A_364 : i32 to index
          %get3A_366 = arith.constant 112 : index
          %get3A_367 = tpu.vector_load %arg8[%get3A_365, %get3A_366] {strides = array<i32>} : memref<288x128xf32, #tpu.memory_space<vmem>>, vector<1x16xf32>,
          %get3A_368 = vector.shape_cast %get3A_367 : vector<1x16xf32> to vector<16xf32>
          %add3A_369 = arith.addf %get3A_362, %get3A_368 : vector<16xf32>
          %add3A_370 = arith.constant 160 : i32
          %add3A_371 = arith.addi %add3A_370, %scan3A_169 : i32
          %get3A_372 = arith.index_cast %add3A_371 : i32 to index
          %get3A_373 = arith.constant 112 : index
          %get3A_374 = tpu.vector_load %arg8[%get3A_372, %get3A_373] {strides = array<i32>} : memref<288x128xf32, #tpu.memory_space<vmem>>, vector<1x16xf32>,
          %get3A_375 = vector.shape_cast %get3A_374 : vector<1x16xf32> to vector<16xf32>
          %add3A_376 = arith.addf %add3A_369, %get3A_375 : vector<16xf32>
          %add3A_377 = arith.constant 96 : i32
          %add3A_378 = arith.addi %add3A_377, %scan3A_169 : i32
          %swap3A_379 = arith.index_cast %add3A_378 : i32 to index
          %swap3A_380 = arith.constant 112 : index
          %swap3A_381 = tpu.vector_load %arg8[%swap3A_379, %swap3A_380] {strides = array<i32>} : memref<288x128xf32, #tpu.memory_space<vmem>>, vector<1x16xf32>,
          %swap3A_382 = vector.shape_cast %swap3A_381 : vector<1x16xf32> to vector<16xf32>
          %swap3A_383 = vector.shape_cast %add3A_376 : vector<16xf32> to vector<1x16xf32>
          tpu.vector_store %arg8[%swap3A_379, %swap3A_380], %swap3A_383 {strides = array<i32>} : memref<288x128xf32, #tpu.memory_space<vmem>>, vector<1x16xf32>,
        }
        %scan3A_148 = arith.constant 32 : i32
        %dma_start3A_149 = arith.constant 96 : i32
        %dma_start3A_150 = arith.constant 0 : i32
        %dma_start3A_151 = tpu.memref_slice %arg8[%dma_start3A_149, %dma_start3A_150] : memref<288x128xf32, #tpu.memory_space<vmem>> -> memref<32x128xf32, #tpu.memory_space<vmem>>
        %dma_start3A_152 = arith.constant 0 : i32
        %dma_start3A_153 = tpu.memref_slice %arg5[%add3A_119, %dma_start3A_152] : memref<81920x128xf32, #tpu.memory_space<hbm>> -> memref<32x128xf32, #tpu.memory_space<hbm>>
        %dma_start3A_154 = arith.constant 0 : i32
        %dma_start3A_155 = tpu.memref_slice %arg5[%add3A_119, %dma_start3A_154] : memref<81920x128xf32, #tpu.memory_space<hbm>> -> memref<32x128xf32, #tpu.memory_space<hbm>>
        %dma_start3A_156 = arith.constant 96 : i32
        %dma_start3A_157 = arith.constant 0 : i32
        %dma_start3A_158 = tpu.memref_slice %arg8[%dma_start3A_156, %dma_start3A_157] : memref<288x128xf32, #tpu.memory_space<vmem>> -> memref<32x128xf32, #tpu.memory_space<vmem>>
        tpu.enqueue_dma source(%dma_start3A_158 : memref<32x128xf32, #tpu.memory_space<vmem>>) target(%dma_start3A_155 : memref<32x128xf32, #tpu.memory_space<hbm>>) target_semaphore(%arg14 : memref<!tpu.dma_semaphore, #tpu.memory_space<semaphore_mem>>)
        %dma_start3A_159 = arith.constant 32 : i32
        %dma_start3A_160 = arith.constant 0 : i32
        %dma_start3A_161 = tpu.memref_slice %arg9[%dma_start3A_159, %dma_start3A_160] : memref<96x128xf32, #tpu.memory_space<vmem>> -> memref<32x128xf32, #tpu.memory_space<vmem>>
        %dma_start3A_162 = arith.constant 0 : i32
        %dma_start3A_163 = tpu.memref_slice %arg6[%add3A_119, %dma_start3A_162] : memref<81920x128xf32, #tpu.memory_space<hbm>> -> memref<32x128xf32, #tpu.memory_space<hbm>>
        %dma_start3A_164 = arith.constant 0 : i32
        %dma_start3A_165 = tpu.memref_slice %arg6[%add3A_119, %dma_start3A_164] : memref<81920x128xf32, #tpu.memory_space<hbm>> -> memref<32x128xf32, #tpu.memory_space<hbm>>
        %dma_start3A_166 = arith.constant 32 : i32
        %dma_start3A_167 = arith.constant 0 : i32
        %dma_start3A_168 = tpu.memref_slice %arg9[%dma_start3A_166, %dma_start3A_167] : memref<96x128xf32, #tpu.memory_space<vmem>> -> memref<32x128xf32, #tpu.memory_space<vmem>>
        tpu.enqueue_dma source(%dma_start3A_168 : memref<32x128xf32, #tpu.memory_space<vmem>>) target(%dma_start3A_165 : memref<32x128xf32, #tpu.memory_space<hbm>>) target_semaphore(%arg14 : memref<!tpu.dma_semaphore, #tpu.memory_space<semaphore_mem>>)
      } else {
      }
      %ge3A_72 = arith.constant 1 : i32
      %ge3A_73 = arith.cmpi sge, %add3A_66, %ge3A_72 : i32
      %le3A_74 = arith.constant 80 : i32
      %le3A_75 = arith.cmpi sle, %add3A_66, %le3A_74 : i32
      %and3A_76 = arith.andi %ge3A_73, %le3A_75 : i1
      %convert_element_type3A_77 = arith.extui %and3A_76 : i1 to i32
      %cond3A_78 = arith.constant 0 : i32
      %cond3A_79 = arith.cmpi ne, %convert_element_type3A_77, %cond3A_78 : i32
      scf.if %cond3A_79 {
        %dma_wait3A = arith.constant 0 : i32
        %dma_wait3A_115 = arith.constant 0 : i32
        %dma_wait3A_116 = tpu.memref_slice %arg8[%dma_wait3A, %dma_wait3A_115] : memref<288x128xf32, #tpu.memory_space<vmem>> -> memref<32x128xf32, #tpu.memory_space<vmem>>
        %dma_wait3A_117 = arith.constant 0 : i32
        %dma_wait3A_118 = arith.constant 0 : i32
        %dma_wait3A_119 = tpu.memref_slice %arg5[%dma_wait3A_117, %dma_wait3A_118] : memref<81920x128xf32, #tpu.memory_space<hbm>> -> memref<32x128xf32, #tpu.memory_space<hbm>>
        %dma_wait3A_120 = arith.constant 0 : i32
        %dma_wait3A_121 = arith.constant 0 : i32
        %dma_wait3A_122 = tpu.memref_slice %arg8[%dma_wait3A_120, %dma_wait3A_121] : memref<288x128xf32, #tpu.memory_space<vmem>> -> memref<32x128xf32, #tpu.memory_space<vmem>>
        %dma_wait3A_123 = arith.constant 0 : i32
        %dma_wait3A_124 = arith.constant 0 : i32
        %dma_wait3A_125 = tpu.memref_slice %arg5[%dma_wait3A_123, %dma_wait3A_124] : memref<81920x128xf32, #tpu.memory_space<hbm>> -> memref<32x128xf32, #tpu.memory_space<hbm>>
        tpu.wait_dma2 semaphore(%arg13 : memref<!tpu.dma_semaphore, #tpu.memory_space<semaphore_mem>>) src(%dma_wait3A_125 : memref<32x128xf32, #tpu.memory_space<hbm>>) dst(%dma_wait3A_122 : memref<32x128xf32, #tpu.memory_space<vmem>>)
        %dma_wait3A_126 = arith.constant 0 : i32
        %dma_wait3A_127 = arith.constant 0 : i32
        %dma_wait3A_128 = tpu.memref_slice %arg9[%dma_wait3A_126, %dma_wait3A_127] : memref<96x128xf32, #tpu.memory_space<vmem>> -> memref<32x128xf32, #tpu.memory_space<vmem>>
        %dma_wait3A_129 = arith.constant 0 : i32
        %dma_wait3A_130 = arith.constant 0 : i32
        %dma_wait3A_131 = tpu.memref_slice %arg6[%dma_wait3A_129, %dma_wait3A_130] : memref<81920x128xf32, #tpu.memory_space<hbm>> -> memref<32x128xf32, #tpu.memory_space<hbm>>
        %dma_wait3A_132 = arith.constant 0 : i32
        %dma_wait3A_133 = arith.constant 0 : i32
        %dma_wait3A_134 = tpu.memref_slice %arg9[%dma_wait3A_132, %dma_wait3A_133] : memref<96x128xf32, #tpu.memory_space<vmem>> -> memref<32x128xf32, #tpu.memory_space<vmem>>
        %dma_wait3A_135 = arith.constant 0 : i32
        %dma_wait3A_136 = arith.constant 0 : i32
        %dma_wait3A_137 = tpu.memref_slice %arg6[%dma_wait3A_135, %dma_wait3A_136] : memref<81920x128xf32, #tpu.memory_space<hbm>> -> memref<32x128xf32, #tpu.memory_space<hbm>>
        tpu.wait_dma2 semaphore(%arg13 : memref<!tpu.dma_semaphore, #tpu.memory_space<semaphore_mem>>) src(%dma_wait3A_137 : memref<32x128xf32, #tpu.memory_space<hbm>>) dst(%dma_wait3A_134 : memref<32x128xf32, #tpu.memory_space<vmem>>)
      } else {
      }
      %add3A_80 = arith.constant 3 : i32
      %add3A_81 = arith.addi %add3A_66, %add3A_80 : i32
      %sub3A_82 = arith.constant 1 : i32
      %sub3A_83 = arith.subi %add3A_81, %sub3A_82 : i32
      %lt3A_84 = arith.constant 80 : i32
      %lt3A_85 = arith.cmpi slt, %sub3A_83, %lt3A_84 : i32
      %convert_element_type3A_86 = arith.extui %lt3A_85 : i1 to i32
      %cond3A_87 = arith.constant 0 : i32
      %cond3A_88 = arith.cmpi ne, %convert_element_type3A_86, %cond3A_87 : i32
      scf.if %cond3A_88 {
        %add3A_115 = arith.constant 3 : i32
        %add3A_116 = arith.addi %add3A_66, %add3A_115 : i32
        %sub3A_117 = arith.constant 1 : i32
        %sub3A_118 = arith.subi %add3A_116, %sub3A_117 : i32
        %mul3A_119 = arith.constant 4 : i32
        %mul3A_120 = arith.muli %sub3A_118, %mul3A_119 : i32
        %mul3A_121 = arith.constant 32 : i32
        %mul3A_122 = arith.muli %mul3A_120, %mul3A_121 : i32
        %dma_start3A_123 = arith.constant 0 : i32
        %dma_start3A_124 = arith.constant 0 : i32
        %dma_start3A_125 = tpu.memref_slice %arg8[%dma_start3A_123, %dma_start3A_124] : memref<288x128xf32, #tpu.memory_space<vmem>> -> memref<96x128xf32, #tpu.memory_space<vmem>>
        %dma_start3A_126 = tpu.memref_slice %arg7[%mul3A_122] : memref<10240xi32, #tpu.memory_space<vmem>> -> memref<96xi32, #tpu.memory_space<vmem>>
        %dma_start3A_127 = arith.constant 0 : i32
        %dma_start3A_128 = arith.constant 0 : i32
        %dma_start3A_129 = tpu.memref_slice %arg3[%dma_start3A_127, %dma_start3A_128] : memref<10240x128xf32, #tpu.memory_space<hbm>> -> memref<10240x128xf32, #tpu.memory_space<hbm>>
        tpu.enqueue_indirect_dma source(%dma_start3A_129 : memref<10240x128xf32, #tpu.memory_space<hbm>>) target(%dma_start3A_125 : memref<96x128xf32, #tpu.memory_space<vmem>>) offsets(%dma_start3A_126 : memref<96xi32, #tpu.memory_space<vmem>>) semaphore(%arg10 : memref<!tpu.dma_semaphore, #tpu.memory_space<semaphore_mem>>)
        %mul3A_130 = arith.constant 4 : i32
        %mul3A_131 = arith.muli %sub3A_118, %mul3A_130 : i32
        %mul3A_132 = arith.constant 32 : i32
        %mul3A_133 = arith.muli %mul3A_131, %mul3A_132 : i32
        %add3A_134 = arith.constant 96 : i32
        %add3A_135 = arith.addi %mul3A_133, %add3A_134 : i32
        %dma_start3A_136 = arith.constant 0 : i32
        %dma_start3A_137 = arith.constant 0 : i32
        %dma_start3A_138 = tpu.memref_slice %arg9[%dma_start3A_136, %dma_start3A_137] : memref<96x128xf32, #tpu.memory_space<vmem>> -> memref<32x128xf32, #tpu.memory_space<vmem>>
        %dma_start3A_139 = tpu.memref_slice %arg7[%add3A_135] : memref<10240xi32, #tpu.memory_space<vmem>> -> memref<32xi32, #tpu.memory_space<vmem>>
        %dma_start3A_140 = arith.constant 0 : i32
        %dma_start3A_141 = arith.constant 0 : i32
        %dma_start3A_142 = tpu.memref_slice %arg4[%dma_start3A_140, %dma_start3A_141] : memref<10240x128xf32, #tpu.memory_space<hbm>> -> memref<10240x128xf32, #tpu.memory_space<hbm>>
        tpu.enqueue_indirect_dma source(%dma_start3A_142 : memref<10240x128xf32, #tpu.memory_space<hbm>>) target(%dma_start3A_138 : memref<32x128xf32, #tpu.memory_space<vmem>>) offsets(%dma_start3A_139 : memref<32xi32, #tpu.memory_space<vmem>>) semaphore(%arg10 : memref<!tpu.dma_semaphore, #tpu.memory_space<semaphore_mem>>)
      } else {
      }
      %mul3A_89 = arith.constant 3 : i32
      %mul3A_90 = arith.muli %mul3A_89, %scan3A_43 : i32
      %add3A_91 = arith.constant 2 : i32
      %add3A_92 = arith.addi %mul3A_90, %add3A_91 : i32
      %lt3A_93 = arith.constant 80 : i32
      %lt3A_94 = arith.cmpi slt, %add3A_92, %lt3A_93 : i32
      %convert_element_type3A_95 = arith.extui %lt3A_94 : i1 to i32
      %cond3A_96 = arith.constant 0 : i32
      %cond3A_97 = arith.cmpi ne, %convert_element_type3A_95, %cond3A_96 : i32
      scf.if %cond3A_97 {
        %mul3A_115 = arith.constant 2560 : i32
        %mul3A_116 = arith.muli %add3A, %mul3A_115 : i32
        %mul3A_117 = arith.constant 32 : i32
        %mul3A_118 = arith.muli %add3A_92, %mul3A_117 : i32
        %add3A_119 = arith.addi %mul3A_116, %mul3A_118 : i32
        %dma_wait3A = arith.constant 192 : i32
        %dma_wait3A_120 = arith.constant 0 : i32
        %dma_wait3A_121 = tpu.memref_slice %arg8[%dma_wait3A, %dma_wait3A_120] : memref<288x128xf32, #tpu.memory_space<vmem>> -> memref<96x128xf32, #tpu.memory_space<vmem>>
        %dma_wait3A_122 = arith.constant 0 : i32
        %dma_wait3A_123 = arith.constant 0 : i32
        %dma_wait3A_124 = tpu.memref_slice %arg3[%dma_wait3A_122, %dma_wait3A_123] : memref<10240x128xf32, #tpu.memory_space<hbm>> -> memref<96x128xf32, #tpu.memory_space<hbm>>
        %dma_wait3A_125 = arith.constant 192 : i32
        %dma_wait3A_126 = arith.constant 0 : i32
        %dma_wait3A_127 = tpu.memref_slice %arg8[%dma_wait3A_125, %dma_wait3A_126] : memref<288x128xf32, #tpu.memory_space<vmem>> -> memref<96x128xf32, #tpu.memory_space<vmem>>
        %dma_wait3A_128 = arith.constant 0 : i32
        %dma_wait3A_129 = arith.constant 0 : i32
        %dma_wait3A_130 = tpu.memref_slice %arg3[%dma_wait3A_128, %dma_wait3A_129] : memref<10240x128xf32, #tpu.memory_space<hbm>> -> memref<96x128xf32, #tpu.memory_space<hbm>>
        tpu.wait_dma2 semaphore(%arg12 : memref<!tpu.dma_semaphore, #tpu.memory_space<semaphore_mem>>) src(%dma_wait3A_130 : memref<96x128xf32, #tpu.memory_space<hbm>>) dst(%dma_wait3A_127 : memref<96x128xf32, #tpu.memory_space<vmem>>)
        %dma_wait3A_131 = arith.constant 64 : i32
        %dma_wait3A_132 = arith.constant 0 : i32
        %dma_wait3A_133 = tpu.memref_slice %arg9[%dma_wait3A_131, %dma_wait3A_132] : memref<96x128xf32, #tpu.memory_space<vmem>> -> memref<32x128xf32, #tpu.memory_space<vmem>>
        %dma_wait3A_134 = arith.constant 0 : i32
        %dma_wait3A_135 = arith.constant 0 : i32
        %dma_wait3A_136 = tpu.memref_slice %arg4[%dma_wait3A_134, %dma_wait3A_135] : memref<10240x128xf32, #tpu.memory_space<hbm>> -> memref<32x128xf32, #tpu.memory_space<hbm>>
        %dma_wait3A_137 = arith.constant 64 : i32
        %dma_wait3A_138 = arith.constant 0 : i32
        %dma_wait3A_139 = tpu.memref_slice %arg9[%dma_wait3A_137, %dma_wait3A_138] : memref<96x128xf32, #tpu.memory_space<vmem>> -> memref<32x128xf32, #tpu.memory_space<vmem>>
        %dma_wait3A_140 = arith.constant 0 : i32
        %dma_wait3A_141 = arith.constant 0 : i32
        %dma_wait3A_142 = tpu.memref_slice %arg4[%dma_wait3A_140, %dma_wait3A_141] : memref<10240x128xf32, #tpu.memory_space<hbm>> -> memref<32x128xf32, #tpu.memory_space<hbm>>
        tpu.wait_dma2 semaphore(%arg12 : memref<!tpu.dma_semaphore, #tpu.memory_space<semaphore_mem>>) src(%dma_wait3A_142 : memref<32x128xf32, #tpu.memory_space<hbm>>) dst(%dma_wait3A_139 : memref<32x128xf32, #tpu.memory_space<vmem>>)
        %scan3A_143 = arith.constant 0 : i32
        %scan3A_144 = arith.constant 0 : i32
        %scan3A_145 = arith.constant 32 : i32
        %scan3A_146 = arith.addi %scan3A_144, %scan3A_145 : i32
        %scan3A_147 = arith.constant 1 : i32
        scf.for %scan3A_169 = %scan3A_144 to %scan3A_146 step %scan3A_147  : i32 {
          %add3A_170 = arith.constant 192 : i32
          %add3A_171 = arith.addi %add3A_170, %scan3A_169 : i32
          %get3A = arith.index_cast %add3A_171 : i32 to index
          %get3A_172 = arith.constant 0 : index
          %get3A_173 = tpu.vector_load %arg8[%get3A, %get3A_172] {strides = array<i32>} : memref<288x128xf32, #tpu.memory_space<vmem>>, vector<1x16xf32>,
          %get3A_174 = vector.shape_cast %get3A_173 : vector<1x16xf32> to vector<16xf32>
          %add3A_175 = arith.constant 224 : i32
          %add3A_176 = arith.addi %add3A_175, %scan3A_169 : i32
          %get3A_177 = arith.index_cast %add3A_176 : i32 to index
          %get3A_178 = arith.constant 0 : index
          %get3A_179 = tpu.vector_load %arg8[%get3A_177, %get3A_178] {strides = array<i32>} : memref<288x128xf32, #tpu.memory_space<vmem>>, vector<1x16xf32>,
          %get3A_180 = vector.shape_cast %get3A_179 : vector<1x16xf32> to vector<16xf32>
          %add3A_181 = arith.addf %get3A_174, %get3A_180 : vector<16xf32>
          %add3A_182 = arith.constant 256 : i32
          %add3A_183 = arith.addi %add3A_182, %scan3A_169 : i32
          %get3A_184 = arith.index_cast %add3A_183 : i32 to index
          %get3A_185 = arith.constant 0 : index
          %get3A_186 = tpu.vector_load %arg8[%get3A_184, %get3A_185] {strides = array<i32>} : memref<288x128xf32, #tpu.memory_space<vmem>>, vector<1x16xf32>,
          %get3A_187 = vector.shape_cast %get3A_186 : vector<1x16xf32> to vector<16xf32>
          %add3A_188 = arith.addf %add3A_181, %get3A_187 : vector<16xf32>
          %add3A_189 = arith.constant 192 : i32
          %add3A_190 = arith.addi %add3A_189, %scan3A_169 : i32
          %swap3A = arith.index_cast %add3A_190 : i32 to index
          %swap3A_191 = arith.constant 0 : index
          %swap3A_192 = tpu.vector_load %arg8[%swap3A, %swap3A_191] {strides = array<i32>} : memref<288x128xf32, #tpu.memory_space<vmem>>, vector<1x16xf32>,
          %swap3A_193 = vector.shape_cast %swap3A_192 : vector<1x16xf32> to vector<16xf32>
          %swap3A_194 = vector.shape_cast %add3A_188 : vector<16xf32> to vector<1x16xf32>
          tpu.vector_store %arg8[%swap3A, %swap3A_191], %swap3A_194 {strides = array<i32>} : memref<288x128xf32, #tpu.memory_space<vmem>>, vector<1x16xf32>,
          %add3A_195 = arith.constant 192 : i32
          %add3A_196 = arith.addi %add3A_195, %scan3A_169 : i32
          %get3A_197 = arith.index_cast %add3A_196 : i32 to index
          %get3A_198 = arith.constant 16 : index
          %get3A_199 = tpu.vector_load %arg8[%get3A_197, %get3A_198] {strides = array<i32>} : memref<288x128xf32, #tpu.memory_space<vmem>>, vector<1x16xf32>,
          %get3A_200 = vector.shape_cast %get3A_199 : vector<1x16xf32> to vector<16xf32>
          %add3A_201 = arith.constant 224 : i32
          %add3A_202 = arith.addi %add3A_201, %scan3A_169 : i32
          %get3A_203 = arith.index_cast %add3A_202 : i32 to index
          %get3A_204 = arith.constant 16 : index
          %get3A_205 = tpu.vector_load %arg8[%get3A_203, %get3A_204] {strides = array<i32>} : memref<288x128xf32, #tpu.memory_space<vmem>>, vector<1x16xf32>,
          %get3A_206 = vector.shape_cast %get3A_205 : vector<1x16xf32> to vector<16xf32>
          %add3A_207 = arith.addf %get3A_200, %get3A_206 : vector<16xf32>
          %add3A_208 = arith.constant 256 : i32
          %add3A_209 = arith.addi %add3A_208, %scan3A_169 : i32
          %get3A_210 = arith.index_cast %add3A_209 : i32 to index
          %get3A_211 = arith.constant 16 : index
          %get3A_212 = tpu.vector_load %arg8[%get3A_210, %get3A_211] {strides = array<i32>} : memref<288x128xf32, #tpu.memory_space<vmem>>, vector<1x16xf32>,
          %get3A_213 = vector.shape_cast %get3A_212 : vector<1x16xf32> to vector<16xf32>
          %add3A_214 = arith.addf %add3A_207, %get3A_213 : vector<16xf32>
          %add3A_215 = arith.constant 192 : i32
          %add3A_216 = arith.addi %add3A_215, %scan3A_169 : i32
          %swap3A_217 = arith.index_cast %add3A_216 : i32 to index
          %swap3A_218 = arith.constant 16 : index
          %swap3A_219 = tpu.vector_load %arg8[%swap3A_217, %swap3A_218] {strides = array<i32>} : memref<288x128xf32, #tpu.memory_space<vmem>>, vector<1x16xf32>,
          %swap3A_220 = vector.shape_cast %swap3A_219 : vector<1x16xf32> to vector<16xf32>
          %swap3A_221 = vector.shape_cast %add3A_214 : vector<16xf32> to vector<1x16xf32>
          tpu.vector_store %arg8[%swap3A_217, %swap3A_218], %swap3A_221 {strides = array<i32>} : memref<288x128xf32, #tpu.memory_space<vmem>>, vector<1x16xf32>,
          %add3A_222 = arith.constant 192 : i32
          %add3A_223 = arith.addi %add3A_222, %scan3A_169 : i32
          %get3A_224 = arith.index_cast %add3A_223 : i32 to index
          %get3A_225 = arith.constant 32 : index
          %get3A_226 = tpu.vector_load %arg8[%get3A_224, %get3A_225] {strides = array<i32>} : memref<288x128xf32, #tpu.memory_space<vmem>>, vector<1x16xf32>,
          %get3A_227 = vector.shape_cast %get3A_226 : vector<1x16xf32> to vector<16xf32>
          %add3A_228 = arith.constant 224 : i32
          %add3A_229 = arith.addi %add3A_228, %scan3A_169 : i32
          %get3A_230 = arith.index_cast %add3A_229 : i32 to index
          %get3A_231 = arith.constant 32 : index
          %get3A_232 = tpu.vector_load %arg8[%get3A_230, %get3A_231] {strides = array<i32>} : memref<288x128xf32, #tpu.memory_space<vmem>>, vector<1x16xf32>,
          %get3A_233 = vector.shape_cast %get3A_232 : vector<1x16xf32> to vector<16xf32>
          %add3A_234 = arith.addf %get3A_227, %get3A_233 : vector<16xf32>
          %add3A_235 = arith.constant 256 : i32
          %add3A_236 = arith.addi %add3A_235, %scan3A_169 : i32
          %get3A_237 = arith.index_cast %add3A_236 : i32 to index
          %get3A_238 = arith.constant 32 : index
          %get3A_239 = tpu.vector_load %arg8[%get3A_237, %get3A_238] {strides = array<i32>} : memref<288x128xf32, #tpu.memory_space<vmem>>, vector<1x16xf32>,
          %get3A_240 = vector.shape_cast %get3A_239 : vector<1x16xf32> to vector<16xf32>
          %add3A_241 = arith.addf %add3A_234, %get3A_240 : vector<16xf32>
          %add3A_242 = arith.constant 192 : i32
          %add3A_243 = arith.addi %add3A_242, %scan3A_169 : i32
          %swap3A_244 = arith.index_cast %add3A_243 : i32 to index
          %swap3A_245 = arith.constant 32 : index
          %swap3A_246 = tpu.vector_load %arg8[%swap3A_244, %swap3A_245] {strides = array<i32>} : memref<288x128xf32, #tpu.memory_space<vmem>>, vector<1x16xf32>,
          %swap3A_247 = vector.shape_cast %swap3A_246 : vector<1x16xf32> to vector<16xf32>
          %swap3A_248 = vector.shape_cast %add3A_241 : vector<16xf32> to vector<1x16xf32>
          tpu.vector_store %arg8[%swap3A_244, %swap3A_245], %swap3A_248 {strides = array<i32>} : memref<288x128xf32, #tpu.memory_space<vmem>>, vector<1x16xf32>,
          %add3A_249 = arith.constant 192 : i32
          %add3A_250 = arith.addi %add3A_249, %scan3A_169 : i32
          %get3A_251 = arith.index_cast %add3A_250 : i32 to index
          %get3A_252 = arith.constant 48 : index
          %get3A_253 = tpu.vector_load %arg8[%get3A_251, %get3A_252] {strides = array<i32>} : memref<288x128xf32, #tpu.memory_space<vmem>>, vector<1x16xf32>,
          %get3A_254 = vector.shape_cast %get3A_253 : vector<1x16xf32> to vector<16xf32>
          %add3A_255 = arith.constant 224 : i32
          %add3A_256 = arith.addi %add3A_255, %scan3A_169 : i32
          %get3A_257 = arith.index_cast %add3A_256 : i32 to index
          %get3A_258 = arith.constant 48 : index
          %get3A_259 = tpu.vector_load %arg8[%get3A_257, %get3A_258] {strides = array<i32>} : memref<288x128xf32, #tpu.memory_space<vmem>>, vector<1x16xf32>,
          %get3A_260 = vector.shape_cast %get3A_259 : vector<1x16xf32> to vector<16xf32>
          %add3A_261 = arith.addf %get3A_254, %get3A_260 : vector<16xf32>
          %add3A_262 = arith.constant 256 : i32
          %add3A_263 = arith.addi %add3A_262, %scan3A_169 : i32
          %get3A_264 = arith.index_cast %add3A_263 : i32 to index
          %get3A_265 = arith.constant 48 : index
          %get3A_266 = tpu.vector_load %arg8[%get3A_264, %get3A_265] {strides = array<i32>} : memref<288x128xf32, #tpu.memory_space<vmem>>, vector<1x16xf32>,
          %get3A_267 = vector.shape_cast %get3A_266 : vector<1x16xf32> to vector<16xf32>
          %add3A_268 = arith.addf %add3A_261, %get3A_267 : vector<16xf32>
          %add3A_269 = arith.constant 192 : i32
          %add3A_270 = arith.addi %add3A_269, %scan3A_169 : i32
          %swap3A_271 = arith.index_cast %add3A_270 : i32 to index
          %swap3A_272 = arith.constant 48 : index
          %swap3A_273 = tpu.vector_load %arg8[%swap3A_271, %swap3A_272] {strides = array<i32>} : memref<288x128xf32, #tpu.memory_space<vmem>>, vector<1x16xf32>,
          %swap3A_274 = vector.shape_cast %swap3A_273 : vector<1x16xf32> to vector<16xf32>
          %swap3A_275 = vector.shape_cast %add3A_268 : vector<16xf32> to vector<1x16xf32>
          tpu.vector_store %arg8[%swap3A_271, %swap3A_272], %swap3A_275 {strides = array<i32>} : memref<288x128xf32, #tpu.memory_space<vmem>>, vector<1x16xf32>,
          %add3A_276 = arith.constant 192 : i32
          %add3A_277 = arith.addi %add3A_276, %scan3A_169 : i32
          %get3A_278 = arith.index_cast %add3A_277 : i32 to index
          %get3A_279 = arith.constant 64 : index
          %get3A_280 = tpu.vector_load %arg8[%get3A_278, %get3A_279] {strides = array<i32>} : memref<288x128xf32, #tpu.memory_space<vmem>>, vector<1x16xf32>,
          %get3A_281 = vector.shape_cast %get3A_280 : vector<1x16xf32> to vector<16xf32>
          %add3A_282 = arith.constant 224 : i32
          %add3A_283 = arith.addi %add3A_282, %scan3A_169 : i32
          %get3A_284 = arith.index_cast %add3A_283 : i32 to index
          %get3A_285 = arith.constant 64 : index
          %get3A_286 = tpu.vector_load %arg8[%get3A_284, %get3A_285] {strides = array<i32>} : memref<288x128xf32, #tpu.memory_space<vmem>>, vector<1x16xf32>,
          %get3A_287 = vector.shape_cast %get3A_286 : vector<1x16xf32> to vector<16xf32>
          %add3A_288 = arith.addf %get3A_281, %get3A_287 : vector<16xf32>
          %add3A_289 = arith.constant 256 : i32
          %add3A_290 = arith.addi %add3A_289, %scan3A_169 : i32
          %get3A_291 = arith.index_cast %add3A_290 : i32 to index
          %get3A_292 = arith.constant 64 : index
          %get3A_293 = tpu.vector_load %arg8[%get3A_291, %get3A_292] {strides = array<i32>} : memref<288x128xf32, #tpu.memory_space<vmem>>, vector<1x16xf32>,
          %get3A_294 = vector.shape_cast %get3A_293 : vector<1x16xf32> to vector<16xf32>
          %add3A_295 = arith.addf %add3A_288, %get3A_294 : vector<16xf32>
          %add3A_296 = arith.constant 192 : i32
          %add3A_297 = arith.addi %add3A_296, %scan3A_169 : i32
          %swap3A_298 = arith.index_cast %add3A_297 : i32 to index
          %swap3A_299 = arith.constant 64 : index
          %swap3A_300 = tpu.vector_load %arg8[%swap3A_298, %swap3A_299] {strides = array<i32>} : memref<288x128xf32, #tpu.memory_space<vmem>>, vector<1x16xf32>,
          %swap3A_301 = vector.shape_cast %swap3A_300 : vector<1x16xf32> to vector<16xf32>
          %swap3A_302 = vector.shape_cast %add3A_295 : vector<16xf32> to vector<1x16xf32>
          tpu.vector_store %arg8[%swap3A_298, %swap3A_299], %swap3A_302 {strides = array<i32>} : memref<288x128xf32, #tpu.memory_space<vmem>>, vector<1x16xf32>,
          %add3A_303 = arith.constant 192 : i32
          %add3A_304 = arith.addi %add3A_303, %scan3A_169 : i32
          %get3A_305 = arith.index_cast %add3A_304 : i32 to index
          %get3A_306 = arith.constant 80 : index
          %get3A_307 = tpu.vector_load %arg8[%get3A_305, %get3A_306] {strides = array<i32>} : memref<288x128xf32, #tpu.memory_space<vmem>>, vector<1x16xf32>,
          %get3A_308 = vector.shape_cast %get3A_307 : vector<1x16xf32> to vector<16xf32>
          %add3A_309 = arith.constant 224 : i32
          %add3A_310 = arith.addi %add3A_309, %scan3A_169 : i32
          %get3A_311 = arith.index_cast %add3A_310 : i32 to index
          %get3A_312 = arith.constant 80 : index
          %get3A_313 = tpu.vector_load %arg8[%get3A_311, %get3A_312] {strides = array<i32>} : memref<288x128xf32, #tpu.memory_space<vmem>>, vector<1x16xf32>,
          %get3A_314 = vector.shape_cast %get3A_313 : vector<1x16xf32> to vector<16xf32>
          %add3A_315 = arith.addf %get3A_308, %get3A_314 : vector<16xf32>
          %add3A_316 = arith.constant 256 : i32
          %add3A_317 = arith.addi %add3A_316, %scan3A_169 : i32
          %get3A_318 = arith.index_cast %add3A_317 : i32 to index
          %get3A_319 = arith.constant 80 : index
          %get3A_320 = tpu.vector_load %arg8[%get3A_318, %get3A_319] {strides = array<i32>} : memref<288x128xf32, #tpu.memory_space<vmem>>, vector<1x16xf32>,
          %get3A_321 = vector.shape_cast %get3A_320 : vector<1x16xf32> to vector<16xf32>
          %add3A_322 = arith.addf %add3A_315, %get3A_321 : vector<16xf32>
          %add3A_323 = arith.constant 192 : i32
          %add3A_324 = arith.addi %add3A_323, %scan3A_169 : i32
          %swap3A_325 = arith.index_cast %add3A_324 : i32 to index
          %swap3A_326 = arith.constant 80 : index
          %swap3A_327 = tpu.vector_load %arg8[%swap3A_325, %swap3A_326] {strides = array<i32>} : memref<288x128xf32, #tpu.memory_space<vmem>>, vector<1x16xf32>,
          %swap3A_328 = vector.shape_cast %swap3A_327 : vector<1x16xf32> to vector<16xf32>
          %swap3A_329 = vector.shape_cast %add3A_322 : vector<16xf32> to vector<1x16xf32>
          tpu.vector_store %arg8[%swap3A_325, %swap3A_326], %swap3A_329 {strides = array<i32>} : memref<288x128xf32, #tpu.memory_space<vmem>>, vector<1x16xf32>,
          %add3A_330 = arith.constant 192 : i32
          %add3A_331 = arith.addi %add3A_330, %scan3A_169 : i32
          %get3A_332 = arith.index_cast %add3A_331 : i32 to index
          %get3A_333 = arith.constant 96 : index
          %get3A_334 = tpu.vector_load %arg8[%get3A_332, %get3A_333] {strides = array<i32>} : memref<288x128xf32, #tpu.memory_space<vmem>>, vector<1x16xf32>,
          %get3A_335 = vector.shape_cast %get3A_334 : vector<1x16xf32> to vector<16xf32>
          %add3A_336 = arith.constant 224 : i32
          %add3A_337 = arith.addi %add3A_336, %scan3A_169 : i32
          %get3A_338 = arith.index_cast %add3A_337 : i32 to index
          %get3A_339 = arith.constant 96 : index
          %get3A_340 = tpu.vector_load %arg8[%get3A_338, %get3A_339] {strides = array<i32>} : memref<288x128xf32, #tpu.memory_space<vmem>>, vector<1x16xf32>,
          %get3A_341 = vector.shape_cast %get3A_340 : vector<1x16xf32> to vector<16xf32>
          %add3A_342 = arith.addf %get3A_335, %get3A_341 : vector<16xf32>
          %add3A_343 = arith.constant 256 : i32
          %add3A_344 = arith.addi %add3A_343, %scan3A_169 : i32
          %get3A_345 = arith.index_cast %add3A_344 : i32 to index
          %get3A_346 = arith.constant 96 : index
          %get3A_347 = tpu.vector_load %arg8[%get3A_345, %get3A_346] {strides = array<i32>} : memref<288x128xf32, #tpu.memory_space<vmem>>, vector<1x16xf32>,
          %get3A_348 = vector.shape_cast %get3A_347 : vector<1x16xf32> to vector<16xf32>
          %add3A_349 = arith.addf %add3A_342, %get3A_348 : vector<16xf32>
          %add3A_350 = arith.constant 192 : i32
          %add3A_351 = arith.addi %add3A_350, %scan3A_169 : i32
          %swap3A_352 = arith.index_cast %add3A_351 : i32 to index
          %swap3A_353 = arith.constant 96 : index
          %swap3A_354 = tpu.vector_load %arg8[%swap3A_352, %swap3A_353] {strides = array<i32>} : memref<288x128xf32, #tpu.memory_space<vmem>>, vector<1x16xf32>,
          %swap3A_355 = vector.shape_cast %swap3A_354 : vector<1x16xf32> to vector<16xf32>
          %swap3A_356 = vector.shape_cast %add3A_349 : vector<16xf32> to vector<1x16xf32>
          tpu.vector_store %arg8[%swap3A_352, %swap3A_353], %swap3A_356 {strides = array<i32>} : memref<288x128xf32, #tpu.memory_space<vmem>>, vector<1x16xf32>,
          %add3A_357 = arith.constant 192 : i32
          %add3A_358 = arith.addi %add3A_357, %scan3A_169 : i32
          %get3A_359 = arith.index_cast %add3A_358 : i32 to index
          %get3A_360 = arith.constant 112 : index
          %get3A_361 = tpu.vector_load %arg8[%get3A_359, %get3A_360] {strides = array<i32>} : memref<288x128xf32, #tpu.memory_space<vmem>>, vector<1x16xf32>,
          %get3A_362 = vector.shape_cast %get3A_361 : vector<1x16xf32> to vector<16xf32>
          %add3A_363 = arith.constant 224 : i32
          %add3A_364 = arith.addi %add3A_363, %scan3A_169 : i32
          %get3A_365 = arith.index_cast %add3A_364 : i32 to index
          %get3A_366 = arith.constant 112 : index
          %get3A_367 = tpu.vector_load %arg8[%get3A_365, %get3A_366] {strides = array<i32>} : memref<288x128xf32, #tpu.memory_space<vmem>>, vector<1x16xf32>,
          %get3A_368 = vector.shape_cast %get3A_367 : vector<1x16xf32> to vector<16xf32>
          %add3A_369 = arith.addf %get3A_362, %get3A_368 : vector<16xf32>
          %add3A_370 = arith.constant 256 : i32
          %add3A_371 = arith.addi %add3A_370, %scan3A_169 : i32
          %get3A_372 = arith.index_cast %add3A_371 : i32 to index
          %get3A_373 = arith.constant 112 : index
          %get3A_374 = tpu.vector_load %arg8[%get3A_372, %get3A_373] {strides = array<i32>} : memref<288x128xf32, #tpu.memory_space<vmem>>, vector<1x16xf32>,
          %get3A_375 = vector.shape_cast %get3A_374 : vector<1x16xf32> to vector<16xf32>
          %add3A_376 = arith.addf %add3A_369, %get3A_375 : vector<16xf32>
          %add3A_377 = arith.constant 192 : i32
          %add3A_378 = arith.addi %add3A_377, %scan3A_169 : i32
          %swap3A_379 = arith.index_cast %add3A_378 : i32 to index
          %swap3A_380 = arith.constant 112 : index
          %swap3A_381 = tpu.vector_load %arg8[%swap3A_379, %swap3A_380] {strides = array<i32>} : memref<288x128xf32, #tpu.memory_space<vmem>>, vector<1x16xf32>,
          %swap3A_382 = vector.shape_cast %swap3A_381 : vector<1x16xf32> to vector<16xf32>
          %swap3A_383 = vector.shape_cast %add3A_376 : vector<16xf32> to vector<1x16xf32>
          tpu.vector_store %arg8[%swap3A_379, %swap3A_380], %swap3A_383 {strides = array<i32>} : memref<288x128xf32, #tpu.memory_space<vmem>>, vector<1x16xf32>,
        }
        %scan3A_148 = arith.constant 32 : i32
        %dma_start3A_149 = arith.constant 192 : i32
        %dma_start3A_150 = arith.constant 0 : i32
        %dma_start3A_151 = tpu.memref_slice %arg8[%dma_start3A_149, %dma_start3A_150] : memref<288x128xf32, #tpu.memory_space<vmem>> -> memref<32x128xf32, #tpu.memory_space<vmem>>
        %dma_start3A_152 = arith.constant 0 : i32
        %dma_start3A_153 = tpu.memref_slice %arg5[%add3A_119, %dma_start3A_152] : memref<81920x128xf32, #tpu.memory_space<hbm>> -> memref<32x128xf32, #tpu.memory_space<hbm>>
        %dma_start3A_154 = arith.constant 0 : i32
        %dma_start3A_155 = tpu.memref_slice %arg5[%add3A_119, %dma_start3A_154] : memref<81920x128xf32, #tpu.memory_space<hbm>> -> memref<32x128xf32, #tpu.memory_space<hbm>>
        %dma_start3A_156 = arith.constant 192 : i32
        %dma_start3A_157 = arith.constant 0 : i32
        %dma_start3A_158 = tpu.memref_slice %arg8[%dma_start3A_156, %dma_start3A_157] : memref<288x128xf32, #tpu.memory_space<vmem>> -> memref<32x128xf32, #tpu.memory_space<vmem>>
        tpu.enqueue_dma source(%dma_start3A_158 : memref<32x128xf32, #tpu.memory_space<vmem>>) target(%dma_start3A_155 : memref<32x128xf32, #tpu.memory_space<hbm>>) target_semaphore(%arg15 : memref<!tpu.dma_semaphore, #tpu.memory_space<semaphore_mem>>)
        %dma_start3A_159 = arith.constant 64 : i32
        %dma_start3A_160 = arith.constant 0 : i32
        %dma_start3A_161 = tpu.memref_slice %arg9[%dma_start3A_159, %dma_start3A_160] : memref<96x128xf32, #tpu.memory_space<vmem>> -> memref<32x128xf32, #tpu.memory_space<vmem>>
        %dma_start3A_162 = arith.constant 0 : i32
        %dma_start3A_163 = tpu.memref_slice %arg6[%add3A_119, %dma_start3A_162] : memref<81920x128xf32, #tpu.memory_space<hbm>> -> memref<32x128xf32, #tpu.memory_space<hbm>>
        %dma_start3A_164 = arith.constant 0 : i32
        %dma_start3A_165 = tpu.memref_slice %arg6[%add3A_119, %dma_start3A_164] : memref<81920x128xf32, #tpu.memory_space<hbm>> -> memref<32x128xf32, #tpu.memory_space<hbm>>
        %dma_start3A_166 = arith.constant 64 : i32
        %dma_start3A_167 = arith.constant 0 : i32
        %dma_start3A_168 = tpu.memref_slice %arg9[%dma_start3A_166, %dma_start3A_167] : memref<96x128xf32, #tpu.memory_space<vmem>> -> memref<32x128xf32, #tpu.memory_space<vmem>>
        tpu.enqueue_dma source(%dma_start3A_168 : memref<32x128xf32, #tpu.memory_space<vmem>>) target(%dma_start3A_165 : memref<32x128xf32, #tpu.memory_space<hbm>>) target_semaphore(%arg15 : memref<!tpu.dma_semaphore, #tpu.memory_space<semaphore_mem>>)
      } else {
      }
      %ge3A_98 = arith.constant 1 : i32
      %ge3A_99 = arith.cmpi sge, %add3A_92, %ge3A_98 : i32
      %le3A_100 = arith.constant 80 : i32
      %le3A_101 = arith.cmpi sle, %add3A_92, %le3A_100 : i32
      %and3A_102 = arith.andi %ge3A_99, %le3A_101 : i1
      %convert_element_type3A_103 = arith.extui %and3A_102 : i1 to i32
      %cond3A_104 = arith.constant 0 : i32
      %cond3A_105 = arith.cmpi ne, %convert_element_type3A_103, %cond3A_104 : i32
      scf.if %cond3A_105 {
        %dma_wait3A = arith.constant 96 : i32
        %dma_wait3A_115 = arith.constant 0 : i32
        %dma_wait3A_116 = tpu.memref_slice %arg8[%dma_wait3A, %dma_wait3A_115] : memref<288x128xf32, #tpu.memory_space<vmem>> -> memref<32x128xf32, #tpu.memory_space<vmem>>
        %dma_wait3A_117 = arith.constant 0 : i32
        %dma_wait3A_118 = arith.constant 0 : i32
        %dma_wait3A_119 = tpu.memref_slice %arg5[%dma_wait3A_117, %dma_wait3A_118] : memref<81920x128xf32, #tpu.memory_space<hbm>> -> memref<32x128xf32, #tpu.memory_space<hbm>>
        %dma_wait3A_120 = arith.constant 96 : i32
        %dma_wait3A_121 = arith.constant 0 : i32
        %dma_wait3A_122 = tpu.memref_slice %arg8[%dma_wait3A_120, %dma_wait3A_121] : memref<288x128xf32, #tpu.memory_space<vmem>> -> memref<32x128xf32, #tpu.memory_space<vmem>>
        %dma_wait3A_123 = arith.constant 0 : i32
        %dma_wait3A_124 = arith.constant 0 : i32
        %dma_wait3A_125 = tpu.memref_slice %arg5[%dma_wait3A_123, %dma_wait3A_124] : memref<81920x128xf32, #tpu.memory_space<hbm>> -> memref<32x128xf32, #tpu.memory_space<hbm>>
        tpu.wait_dma2 semaphore(%arg14 : memref<!tpu.dma_semaphore, #tpu.memory_space<semaphore_mem>>) src(%dma_wait3A_125 : memref<32x128xf32, #tpu.memory_space<hbm>>) dst(%dma_wait3A_122 : memref<32x128xf32, #tpu.memory_space<vmem>>)
        %dma_wait3A_126 = arith.constant 32 : i32
        %dma_wait3A_127 = arith.constant 0 : i32
        %dma_wait3A_128 = tpu.memref_slice %arg9[%dma_wait3A_126, %dma_wait3A_127] : memref<96x128xf32, #tpu.memory_space<vmem>> -> memref<32x128xf32, #tpu.memory_space<vmem>>
        %dma_wait3A_129 = arith.constant 0 : i32
        %dma_wait3A_130 = arith.constant 0 : i32
        %dma_wait3A_131 = tpu.memref_slice %arg6[%dma_wait3A_129, %dma_wait3A_130] : memref<81920x128xf32, #tpu.memory_space<hbm>> -> memref<32x128xf32, #tpu.memory_space<hbm>>
        %dma_wait3A_132 = arith.constant 32 : i32
        %dma_wait3A_133 = arith.constant 0 : i32
        %dma_wait3A_134 = tpu.memref_slice %arg9[%dma_wait3A_132, %dma_wait3A_133] : memref<96x128xf32, #tpu.memory_space<vmem>> -> memref<32x128xf32, #tpu.memory_space<vmem>>
        %dma_wait3A_135 = arith.constant 0 : i32
        %dma_wait3A_136 = arith.constant 0 : i32
        %dma_wait3A_137 = tpu.memref_slice %arg6[%dma_wait3A_135, %dma_wait3A_136] : memref<81920x128xf32, #tpu.memory_space<hbm>> -> memref<32x128xf32, #tpu.memory_space<hbm>>
        tpu.wait_dma2 semaphore(%arg14 : memref<!tpu.dma_semaphore, #tpu.memory_space<semaphore_mem>>) src(%dma_wait3A_137 : memref<32x128xf32, #tpu.memory_space<hbm>>) dst(%dma_wait3A_134 : memref<32x128xf32, #tpu.memory_space<vmem>>)
      } else {
      }
      %add3A_106 = arith.constant 3 : i32
      %add3A_107 = arith.addi %add3A_92, %add3A_106 : i32
      %sub3A_108 = arith.constant 1 : i32
      %sub3A_109 = arith.subi %add3A_107, %sub3A_108 : i32
      %lt3A_110 = arith.constant 80 : i32
      %lt3A_111 = arith.cmpi slt, %sub3A_109, %lt3A_110 : i32
      %convert_element_type3A_112 = arith.extui %lt3A_111 : i1 to i32
      %cond3A_113 = arith.constant 0 : i32
      %cond3A_114 = arith.cmpi ne, %convert_element_type3A_112, %cond3A_113 : i32
      scf.if %cond3A_114 {
        %add3A_115 = arith.constant 3 : i32
        %add3A_116 = arith.addi %add3A_92, %add3A_115 : i32
        %sub3A_117 = arith.constant 1 : i32
        %sub3A_118 = arith.subi %add3A_116, %sub3A_117 : i32
        %mul3A_119 = arith.constant 4 : i32
        %mul3A_120 = arith.muli %sub3A_118, %mul3A_119 : i32
        %mul3A_121 = arith.constant 32 : i32
        %mul3A_122 = arith.muli %mul3A_120, %mul3A_121 : i32
        %dma_start3A_123 = arith.constant 96 : i32
        %dma_start3A_124 = arith.constant 0 : i32
        %dma_start3A_125 = tpu.memref_slice %arg8[%dma_start3A_123, %dma_start3A_124] : memref<288x128xf32, #tpu.memory_space<vmem>> -> memref<96x128xf32, #tpu.memory_space<vmem>>
        %dma_start3A_126 = tpu.memref_slice %arg7[%mul3A_122] : memref<10240xi32, #tpu.memory_space<vmem>> -> memref<96xi32, #tpu.memory_space<vmem>>
        %dma_start3A_127 = arith.constant 0 : i32
        %dma_start3A_128 = arith.constant 0 : i32
        %dma_start3A_129 = tpu.memref_slice %arg3[%dma_start3A_127, %dma_start3A_128] : memref<10240x128xf32, #tpu.memory_space<hbm>> -> memref<10240x128xf32, #tpu.memory_space<hbm>>
        tpu.enqueue_indirect_dma source(%dma_start3A_129 : memref<10240x128xf32, #tpu.memory_space<hbm>>) target(%dma_start3A_125 : memref<96x128xf32, #tpu.memory_space<vmem>>) offsets(%dma_start3A_126 : memref<96xi32, #tpu.memory_space<vmem>>) semaphore(%arg11 : memref<!tpu.dma_semaphore, #tpu.memory_space<semaphore_mem>>)
        %mul3A_130 = arith.constant 4 : i32
        %mul3A_131 = arith.muli %sub3A_118, %mul3A_130 : i32
        %mul3A_132 = arith.constant 32 : i32
        %mul3A_133 = arith.muli %mul3A_131, %mul3A_132 : i32
        %add3A_134 = arith.constant 96 : i32
        %add3A_135 = arith.addi %mul3A_133, %add3A_134 : i32
        %dma_start3A_136 = arith.constant 32 : i32
        %dma_start3A_137 = arith.constant 0 : i32
        %dma_start3A_138 = tpu.memref_slice %arg9[%dma_start3A_136, %dma_start3A_137] : memref<96x128xf32, #tpu.memory_space<vmem>> -> memref<32x128xf32, #tpu.memory_space<vmem>>
        %dma_start3A_139 = tpu.memref_slice %arg7[%add3A_135] : memref<10240xi32, #tpu.memory_space<vmem>> -> memref<32xi32, #tpu.memory_space<vmem>>
        %dma_start3A_140 = arith.constant 0 : i32
        %dma_start3A_141 = arith.constant 0 : i32
        %dma_start3A_142 = tpu.memref_slice %arg4[%dma_start3A_140, %dma_start3A_141] : memref<10240x128xf32, #tpu.memory_space<hbm>> -> memref<10240x128xf32, #tpu.memory_space<hbm>>
        tpu.enqueue_indirect_dma source(%dma_start3A_142 : memref<10240x128xf32, #tpu.memory_space<hbm>>) target(%dma_start3A_138 : memref<32x128xf32, #tpu.memory_space<vmem>>) offsets(%dma_start3A_139 : memref<32xi32, #tpu.memory_space<vmem>>) semaphore(%arg11 : memref<!tpu.dma_semaphore, #tpu.memory_space<semaphore_mem>>)
      } else {
      }
    }
    %scan3A_42 = arith.constant 27 : i32
    return
  }
}

module attributes {stable_mosaic.version = 14 : i64} {
  func.func @body(%arg0: i32, %arg1: memref<1024x128xf32, #tpu.memory_space<vmem>>, %arg2: memref<128x128xf32, #tpu.memory_space<vmem>>, %arg3: memref<1024x128xf32, #tpu.memory_space<vmem>>) attributes {dimension_semantics = [#tpu.dimension_semantics<arbitrary>], iteration_bounds = array<i64: 10>, scalar_prefetch = 0 : i64, scratch_operands = 0 : i64, tpu.core_type = #tpu.core_type<tc>, window_params = [{transform_indices = @transform_0, window_bounds = array<i64: 1024, 128>}, {pipeline_mode = #tpu.pipeline_mode<synchronous>, transform_indices = @transform_1, window_bounds = array<i64: 128, 128>}, {transform_indices = @transform_2, window_bounds = array<i64: 1024, 128>}]} {
    %get3A = arith.constant 0 : index
    %get3A_0 = arith.constant 0 : index
    %get3A_1 = vector.load %arg1[%get3A, %get3A_0] : memref<1024x128xf32, #tpu.memory_space<vmem>>, vector<1024x128xf32>
    %get3A_2 = arith.constant 0 : index
    %get3A_3 = arith.constant 0 : index
    %get3A_4 = vector.load %arg2[%get3A_2, %get3A_3] : memref<128x128xf32, #tpu.memory_space<vmem>>, vector<128x128xf32>
    %dot_general3A = arith.constant dense<0.000000e+00> : vector<1024x128xf32>
    %dot_general3A_5 = tpu.matmul %get3A_1, %get3A_4, %dot_general3A {dimension_numbers = #tpu.dot_dimension_numbers<[1], [0], [0], [1], [0, 0, 1, 1], [], []>, precision = #tpu.contract_precision<fp32>, transpose_lhs_hint = false} : vector<1024x128xf32>, vector<128x128xf32>, vector<1024x128xf32> -> vector<1024x128xf32>
    %swap3A = arith.constant 0 : index
    %swap3A_6 = arith.constant 0 : index
    %swap3A_7 = vector.load %arg3[%swap3A, %swap3A_6] : memref<1024x128xf32, #tpu.memory_space<vmem>>, vector<1024x128xf32>
    tpu.vector_store %arg3[%swap3A, %swap3A_6], %dot_general3A_5 {strides = array<i32>} : memref<1024x128xf32, #tpu.memory_space<vmem>>, vector<1024x128xf32>,
    return
  }
  func.func @transform_0(%arg0: i32) -> (i32, i32) {
    %c0_i32 = arith.constant 0 : i32
    %c0_i32_0 = arith.constant 0 : i32
    return %arg0, %c0_i32 : i32, i32
  }
  func.func @transform_1(%arg0: i32) -> (i32, i32) {
    %c0_i32 = arith.constant 0 : i32
    %c0_i32_0 = arith.constant 0 : i32
    %c0_i32_1 = arith.constant 0 : i32
    return %c0_i32, %c0_i32_0 : i32, i32
  }
  func.func @transform_2(%arg0: i32) -> (i32, i32) {
    %c0_i32 = arith.constant 0 : i32
    %c0_i32_0 = arith.constant 0 : i32
    return %arg0, %c0_i32 : i32, i32
  }
}

module attributes {stable_mosaic.version = 14 : i64} {
  func.func @body(%arg0: i32, %arg1: memref<4096x128xf32, #tpu.memory_space<vmem>>, %arg2: memref<4096x128xf32, #tpu.memory_space<vmem>>, %arg3: memref<1x128xf32, #tpu.memory_space<vmem>>, %arg4: memref<4096x128xf32, #tpu.memory_space<vmem>>) attributes {dimension_semantics = [#tpu.dimension_semantics<arbitrary>], iteration_bounds = array<i64: 20>, scalar_prefetch = 0 : i64, scratch_operands = 0 : i64, tpu.core_type = #tpu.core_type<tc>, window_params = [{transform_indices = @transform_0, window_bounds = array<i64: 4096, 128>}, {transform_indices = @transform_1, window_bounds = array<i64: 4096, 128>}, {pipeline_mode = #tpu.pipeline_mode<synchronous>, transform_indices = @transform_2, window_bounds = array<i64: 1, 128>}, {transform_indices = @transform_3, window_bounds = array<i64: 4096, 128>}]} {
    %get3A = arith.constant 0 : index
    %get3A_0 = arith.constant 0 : index
    %get3A_1 = vector.load %arg1[%get3A, %get3A_0] : memref<4096x128xf32, #tpu.memory_space<vmem>>, vector<4096x128xf32>
    %mul3A = arith.constant 0.333333343 : f32
    %mul3A_2 = vector.broadcast %mul3A : f32 to vector<4096x128xf32>
    %mul3A_3 = arith.mulf %get3A_1, %mul3A_2 : vector<4096x128xf32>
    %get3A_4 = arith.constant 0 : index
    %get3A_5 = arith.constant 0 : index
    %get3A_6 = vector.load %arg3[%get3A_4, %get3A_5] : memref<1x128xf32, #tpu.memory_space<vmem>>, vector<1x128xf32>
    %add3A = vector.broadcast %get3A_6 : vector<1x128xf32> to vector<4096x128xf32>
    %add3A_7 = arith.addf %mul3A_3, %add3A : vector<4096x128xf32>
    %iota3A = tpu.iota {dimensions = array<i32: 0>} : vector<128x128xi32>
    %jit3A = arith.constant 16 : i32
    %div3A = vector.broadcast %jit3A : i32 to vector<128x128xi32>
    %div3A_8 = arith.divsi %iota3A, %div3A : vector<128x128xi32>
    %sign3A = arith.constant 0 : i32
    %sign3A_9 = vector.broadcast %sign3A : i32 to vector<128x128xi32>
    %sign3A_10 = arith.cmpi sgt, %iota3A, %sign3A_9 : vector<128x128xi32>
    %sign3A_11 = arith.extui %sign3A_10 : vector<128x128xi1> to vector<128x128xi32>
    %sign3A_12 = arith.constant 0 : i32
    %sign3A_13 = vector.broadcast %sign3A_12 : i32 to vector<128x128xi32>
    %sign3A_14 = arith.cmpi slt, %iota3A, %sign3A_13 : vector<128x128xi32>
    %sign3A_15 = arith.extui %sign3A_14 : vector<128x128xi1> to vector<128x128xi32>
    %sign3A_16 = arith.subi %sign3A_11, %sign3A_15 : vector<128x128xi32>
    %sign3A_17 = arith.constant 0 : i32
    %sign3A_18 = arith.cmpi sgt, %jit3A, %sign3A_17 : i32
    %sign3A_19 = arith.extui %sign3A_18 : i1 to i32
    %sign3A_20 = arith.constant 0 : i32
    %sign3A_21 = arith.cmpi slt, %jit3A, %sign3A_20 : i32
    %sign3A_22 = arith.extui %sign3A_21 : i1 to i32
    %sign3A_23 = arith.subi %sign3A_19, %sign3A_22 : i32
    %ne3A = vector.broadcast %sign3A_23 : i32 to vector<128x128xi32>
    %ne3A_24 = arith.cmpi ne, %sign3A_16, %ne3A : vector<128x128xi32>
    %rem3A = vector.broadcast %jit3A : i32 to vector<128x128xi32>
    %rem3A_25 = arith.remsi %iota3A, %rem3A : vector<128x128xi32>
    %ne3A_26 = arith.constant 0 : i32
    %ne3A_27 = vector.broadcast %ne3A_26 : i32 to vector<128x128xi32>
    %ne3A_28 = arith.cmpi ne, %rem3A_25, %ne3A_27 : vector<128x128xi32>
    %and3A = arith.andi %ne3A_24, %ne3A_28 : vector<128x128xi1>
    %sub3A = arith.constant 1 : i32
    %sub3A_29 = vector.broadcast %sub3A : i32 to vector<128x128xi32>
    %sub3A_30 = arith.subi %div3A_8, %sub3A_29 : vector<128x128xi32>
    %select_n3A = arith.select %and3A, %sub3A_30, %div3A_8 : vector<128x128xi1>, vector<128x128xi32>
    %iota3A_31 = tpu.iota {dimensions = array<i32: 1>} : vector<128x128xi32>
    %jit3A_32 = arith.constant 16 : i32
    %div3A_33 = vector.broadcast %jit3A_32 : i32 to vector<128x128xi32>
    %div3A_34 = arith.divsi %iota3A_31, %div3A_33 : vector<128x128xi32>
    %sign3A_35 = arith.constant 0 : i32
    %sign3A_36 = vector.broadcast %sign3A_35 : i32 to vector<128x128xi32>
    %sign3A_37 = arith.cmpi sgt, %iota3A_31, %sign3A_36 : vector<128x128xi32>
    %sign3A_38 = arith.extui %sign3A_37 : vector<128x128xi1> to vector<128x128xi32>
    %sign3A_39 = arith.constant 0 : i32
    %sign3A_40 = vector.broadcast %sign3A_39 : i32 to vector<128x128xi32>
    %sign3A_41 = arith.cmpi slt, %iota3A_31, %sign3A_40 : vector<128x128xi32>
    %sign3A_42 = arith.extui %sign3A_41 : vector<128x128xi1> to vector<128x128xi32>
    %sign3A_43 = arith.subi %sign3A_38, %sign3A_42 : vector<128x128xi32>
    %sign3A_44 = arith.constant 0 : i32
    %sign3A_45 = arith.cmpi sgt, %jit3A_32, %sign3A_44 : i32
    %sign3A_46 = arith.extui %sign3A_45 : i1 to i32
    %sign3A_47 = arith.constant 0 : i32
    %sign3A_48 = arith.cmpi slt, %jit3A_32, %sign3A_47 : i32
    %sign3A_49 = arith.extui %sign3A_48 : i1 to i32
    %sign3A_50 = arith.subi %sign3A_46, %sign3A_49 : i32
    %ne3A_51 = vector.broadcast %sign3A_50 : i32 to vector<128x128xi32>
    %ne3A_52 = arith.cmpi ne, %sign3A_43, %ne3A_51 : vector<128x128xi32>
    %rem3A_53 = vector.broadcast %jit3A_32 : i32 to vector<128x128xi32>
    %rem3A_54 = arith.remsi %iota3A_31, %rem3A_53 : vector<128x128xi32>
    %ne3A_55 = arith.constant 0 : i32
    %ne3A_56 = vector.broadcast %ne3A_55 : i32 to vector<128x128xi32>
    %ne3A_57 = arith.cmpi ne, %rem3A_54, %ne3A_56 : vector<128x128xi32>
    %and3A_58 = arith.andi %ne3A_52, %ne3A_57 : vector<128x128xi1>
    %sub3A_59 = arith.constant 1 : i32
    %sub3A_60 = vector.broadcast %sub3A_59 : i32 to vector<128x128xi32>
    %sub3A_61 = arith.subi %div3A_34, %sub3A_60 : vector<128x128xi32>
    %select_n3A_62 = arith.select %and3A_58, %sub3A_61, %div3A_34 : vector<128x128xi1>, vector<128x128xi32>
    %eq3A = arith.cmpi eq, %select_n3A, %select_n3A_62 : vector<128x128xi32>
    %convert_element_type3A = arith.extui %eq3A : vector<128x128xi1> to vector<128x128xi32>
    %convert_element_type3A_63 = arith.sitofp %convert_element_type3A : vector<128x128xi32> to vector<128x128xf32>
    %mul3A_64 = arith.mulf %add3A_7, %add3A_7 : vector<4096x128xf32>
    %dot_general3A = arith.constant dense<0.000000e+00> : vector<4096x128xf32>
    %dot_general3A_65 = tpu.matmul %mul3A_64, %convert_element_type3A_63, %dot_general3A {dimension_numbers = #tpu.dot_dimension_numbers<[1], [0], [0], [1], [0, 0, 1, 1], [], []>, transpose_lhs_hint = false} : vector<4096x128xf32>, vector<128x128xf32>, vector<4096x128xf32> -> vector<4096x128xf32>
    %sqrt3A = math.sqrt %dot_general3A_65 : vector<4096x128xf32>
    %add3A_66 = arith.constant 9.99999996E-13 : f32
    %add3A_67 = vector.broadcast %add3A_66 : f32 to vector<4096x128xf32>
    %add3A_68 = arith.addf %sqrt3A, %add3A_67 : vector<4096x128xf32>
    %get3A_69 = arith.constant 0 : index
    %get3A_70 = arith.constant 0 : index
    %get3A_71 = vector.load %arg2[%get3A_69, %get3A_70] : memref<4096x128xf32, #tpu.memory_space<vmem>>, vector<4096x128xf32>
    %mul3A_72 = arith.mulf %add3A_7, %get3A_71 : vector<4096x128xf32>
    %dot_general3A_73 = arith.constant dense<0.000000e+00> : vector<4096x128xf32>
    %dot_general3A_74 = tpu.matmul %mul3A_72, %convert_element_type3A_63, %dot_general3A_73 {dimension_numbers = #tpu.dot_dimension_numbers<[1], [0], [0], [1], [0, 0, 1, 1], [], []>, transpose_lhs_hint = false} : vector<4096x128xf32>, vector<128x128xf32>, vector<4096x128xf32> -> vector<4096x128xf32>
    %div3A_75 = arith.divf %dot_general3A_74, %add3A_68 : vector<4096x128xf32>
    %exp3A = math.exp %div3A_75 : vector<4096x128xf32>
    %broadcast_in_dim3A = arith.constant 6.250000e-02 : f32
    %broadcast_in_dim3A_76 = vector.broadcast %broadcast_in_dim3A : f32 to vector<128x128xf32>
    %dot_general3A_77 = arith.constant dense<0.000000e+00> : vector<4096x128xf32>
    %dot_general3A_78 = tpu.matmul %exp3A, %broadcast_in_dim3A_76, %dot_general3A_77 {dimension_numbers = #tpu.dot_dimension_numbers<[1], [0], [0], [1], [0, 0, 1, 1], [], []>, transpose_lhs_hint = false} : vector<4096x128xf32>, vector<128x128xf32>, vector<4096x128xf32> -> vector<4096x128xf32>
    %mul3A_79 = arith.mulf %dot_general3A_78, %add3A_68 : vector<4096x128xf32>
    %div3A_80 = arith.divf %exp3A, %mul3A_79 : vector<4096x128xf32>
    %mul3A_81 = arith.mulf %add3A_7, %div3A_80 : vector<4096x128xf32>
    %swap3A = arith.constant 0 : index
    %swap3A_82 = arith.constant 0 : index
    %swap3A_83 = vector.load %arg4[%swap3A, %swap3A_82] : memref<4096x128xf32, #tpu.memory_space<vmem>>, vector<4096x128xf32>
    tpu.vector_store %arg4[%swap3A, %swap3A_82], %mul3A_81 {strides = array<i32>} : memref<4096x128xf32, #tpu.memory_space<vmem>>, vector<4096x128xf32>,
    return
  }
  func.func @transform_0(%arg0: i32) -> (i32, i32) {
    %c0_i32 = arith.constant 0 : i32
    %c0_i32_0 = arith.constant 0 : i32
    return %arg0, %c0_i32 : i32, i32
  }
  func.func @transform_1(%arg0: i32) -> (i32, i32) {
    %c0_i32 = arith.constant 0 : i32
    %c0_i32_0 = arith.constant 0 : i32
    return %arg0, %c0_i32 : i32, i32
  }
  func.func @transform_2(%arg0: i32) -> (i32, i32) {
    %c0_i32 = arith.constant 0 : i32
    %c0_i32_0 = arith.constant 0 : i32
    %c0_i32_1 = arith.constant 0 : i32
    return %c0_i32, %c0_i32_0 : i32, i32
  }
  func.func @transform_3(%arg0: i32) -> (i32, i32) {
    %c0_i32 = arith.constant 0 : i32
    %c0_i32_0 = arith.constant 0 : i32
    return %arg0, %c0_i32 : i32, i32
  }
}

module attributes {stable_mosaic.version = 14 : i64} {
  func.func @body(%arg0: i32, %arg1: memref<2x1280x128xf32, #tpu.memory_space<vmem>>, %arg2: memref<1280x128xf32, #tpu.memory_space<vmem>>) attributes {dimension_semantics = [#tpu.dimension_semantics<arbitrary>], iteration_bounds = array<i64: 8>, scalar_prefetch = 0 : i64, scratch_operands = 0 : i64, tpu.core_type = #tpu.core_type<tc>, window_params = [{transform_indices = @transform_0, window_bounds = array<i64: 2, 1280, 128>}, {transform_indices = @transform_1, window_bounds = array<i64: 1280, 128>}]} {
    %get3A = arith.constant 0 : index
    %get3A_0 = arith.constant 0 : index
    %get3A_1 = arith.constant 0 : index
    %get3A_2 = vector.load %arg1[%get3A, %get3A_0, %get3A_1] : memref<2x1280x128xf32, #tpu.memory_space<vmem>>, vector<1x1280x128xf32>
    %get3A_3 = vector.shape_cast %get3A_2 : vector<1x1280x128xf32> to vector<1280x128xf32>
    %get3A_4 = arith.constant 1 : index
    %get3A_5 = arith.constant 0 : index
    %get3A_6 = arith.constant 0 : index
    %get3A_7 = vector.load %arg1[%get3A_4, %get3A_5, %get3A_6] : memref<2x1280x128xf32, #tpu.memory_space<vmem>>, vector<1x1280x128xf32>
    %get3A_8 = vector.shape_cast %get3A_7 : vector<1x1280x128xf32> to vector<1280x128xf32>
    %add3A = arith.addf %get3A_3, %get3A_8 : vector<1280x128xf32>
    %swap3A = arith.constant 0 : index
    %swap3A_9 = arith.constant 0 : index
    %swap3A_10 = vector.load %arg2[%swap3A, %swap3A_9] : memref<1280x128xf32, #tpu.memory_space<vmem>>, vector<1280x128xf32>
    tpu.vector_store %arg2[%swap3A, %swap3A_9], %add3A {strides = array<i32>} : memref<1280x128xf32, #tpu.memory_space<vmem>>, vector<1280x128xf32>,
    return
  }
  func.func @transform_0(%arg0: i32) -> (i32, i32, i32) {
    %c0_i32 = arith.constant 0 : i32
    %c0_i32_0 = arith.constant 0 : i32
    %c0_i32_1 = arith.constant 0 : i32
    return %c0_i32, %arg0, %c0_i32_0 : i32, i32, i32
  }
  func.func @transform_1(%arg0: i32) -> (i32, i32) {
    %c0_i32 = arith.constant 0 : i32
    %c0_i32_0 = arith.constant 0 : i32
    return %arg0, %c0_i32 : i32, i32
  }
}

</mosaic_0001>

<sc_bundles>
// kernel: kernel.12.cloned.1.call-start
scs
__scs_entry_jumppad:
0x0: {  	(pc) =	sbr.rel $0x88, $3  }
0x1: {  	(tag) =	ssettag $0x0;
	lr =	simm.s32 $0x1  }
0x2: {  	[smem:$0x3F9C] =	sst lr;
	_ =	strace $0xD0000000  }
0x3: {  	_ = 	snop  }
0x4: {  	_ = 	snop  }
0x5: {  	_ = 	snop  }
0x6: {  	_ = 	snop  }
0x7: {  	_ = 	snop  }
__scs_overlays_trampoline_lowered:
0x8: {  	[smem:$0x3FAB] =	sst s0  }
0x9: {  	[smem:$0x3FAC] =	sst s1  }
0xa: {  	[smem:$0x3FAD] =	sst s2  }
0xb: {  	[smem:$0x3FAE] =	sst s3  }
0xc: {  	[smem:$0x3FAF] =	sst s4  }
0xd: {  	[smem:$0x3FB0] =	sst s5  }
0xe: {  	[smem:$0x3FB1] =	sst s6  }
0xf: {  	[smem:$0x3FB2] =	sst s7  }
0x10: {  	[smem:$0x3FB3] =	sst s8  }
0x11: {  	[smem:$0x3FB4] =	sst s9;
	s0 =	simm.s32 @!p0 $0x0  }
0x12: {  	s1 =	sld [smem:$0x3F9A];
	s0 =	simm.s32 @p0 $0x1  }
0x13: {  	[smem:$0x3FB5] =	sst s0;
	s0 =	simm.s32 @!p1 $0x0  }
0x14: {  	s2 =	sld [smem:$0x3F99];
	s0 =	simm.s32 @p1 $0x1  }
0x15: {  	[smem:$0x3FB6] =	sst s0;
	s0 =	simm.s32 @!p2 $0x0  }
0x16: {  	s3 =	sld [smem:$0x3FDB];
	s0 =	simm.s32 @p2 $0x1  }
0x17: {  	s4 =	simm.s32 $0x1BF5;
	[smem:$0x3FB8] =	sst s0  }
0x18: {  	s0 =	sld [smem:$0x3F9B];
	_ =	swait.ge [sflag:s4], $0x0  }
0x19: {  	s7 =	sld [smem:$0x3F9C]  }
0x1a: {  	s8 =	sadd.s32 $0xFFFFE003, lr  }
0x1b: {  	s9 =	sadd.s32 $0xFFFFFEF7, lr;
	s5 =	simm.s32 $0xFFFFFFFF;
	p2 =	slt.u32 s8, $0xFFFFF086  }
0x1c: {  	p1 =	slt.u32 s9, $0xF7A;
	s5 =	simm.s32 @!p2 $0x0  }
0x1d: {  	s5 =	simm.s32 @p1 $0x1;
	p0 =	seq.s32 s7, s2  }
0x1e: {  	s7 =	smul.u32 @!p0 $0xF7A, s2;
	p2 =	seq.s32 @!p0 s5, $0x0  }
0x1f: {  	s9 =	smul.u32 $0xF7A, s1;
	s8 =	simm.s32 @!p0 $0x1BF5;
	p2 =	por !p2, p0  }
0x20: {  	[sflag:s8] =	ssyncset.s32 @!p0 $0xFFFFF086;
	s6 =	sadd.s32 @!p0 s3, s7;
	s7 =	simm.s32 @!p0 $0x108  }
0x21: {  	s3 =	sadd.s32 s3, s9;
	s6 =	sadd.s32 @!p0 $0x88, s6;
	s7 =	simm.s32 @p2 $0x1082  }
0x22: {  	[simem:s7], [sflag:s8] =	dma.local @!p0 [hbm:s6], $0xF7A  }
0x23: {  	s9 =	sor.u32 $0xD0000000, s2;
	s6 =	simm.s32 $0x108;
	_ =	swait.ge @!p0 [sflag:s8], $0x0  }
0x24: {  	s3 =	sadd.s32 $0x88, s3;
	s6 =	simm.s32 @!p1 $0x1082;
	[sflag:s4] =	ssyncset.s32 $0xFFFFF086  }
0x25: {  	[simem:s6], [sflag:s4] =	dma.local [hbm:s3], $0xF7A  }
0x26: {  	[smem:$0x3F9C] =	sst s1;
	(tag) =	ssettag s2;
	_ =	strace s9  }
0x27: {  	s1 =	sld [smem:$0x3FAC]  }
0x28: {  	s2 =	sld [smem:$0x3FAD]  }
0x29: {  	s4 =	sld [smem:$0x3FAF]  }
0x2a: {  	p0 =	seq.s32 s5, $0x0;
	s5 =	sld [smem:$0x3FB0]  }
0x2b: {  	s6 =	sld [smem:$0x3FB1]  }
0x2c: {  	s7 =	sld [smem:$0x3FB2]  }
0x2d: {  	s3 =	simm.s32 $0x108;
	s8 =	sld [smem:$0x3FB3]  }
0x2e: {  	s3 =	simm.s32 @!p0 $0x1082;
	s9 =	sld [smem:$0x3FB4]  }
0x2f: {  	lr =	sadd.s32 s0, s3;
	s0 =	sld [smem:$0x3FAB]  }
0x30: {  	s3 =	sld [smem:$0x3FAE]  }
0x31: {  	[smem:$0x3FB7] =	sst s10  }
0x32: {  	s10 =	sld [smem:$0x3FB5];
	_ =	sdelay $0x3  }
0x33: {  	p0 =	seq.s32 s10, $0x1;
	s10 =	sld [smem:$0x3FB7];
	_ =	sdelay $0x3  }
0x34: {  	[smem:$0x3FB7] =	sst s10  }
0x35: {  	s10 =	sld [smem:$0x3FB6];
	_ =	sdelay $0x3  }
0x36: {  	p1 =	seq.s32 s10, $0x1;
	s10 =	sld [smem:$0x3FB7];
	_ =	sdelay $0x3  }
0x37: {  	[smem:$0x3FB7] =	sst s10  }
0x38: {  	s10 =	sld [smem:$0x3FB8]  }
0x39: {  	_ = 	snop;
	(pc) =	sbr.ind lr, $3  }
0x3a: {  	_ = 	snop  }
0x3b: {  	_ = 	snop  }
0x3c: {  	p2 =	seq.s32 s10, $0x1;
	s10 =	sld [smem:$0x3FB7]  }
0x3d: {  	_ =	shalt  }
0x3e: {  	_ =	shalt  }
0x3f: {  	_ =	shalt  }
0x40: {  	_ =	shalt  }
0x41: {  	_ =	shalt  }
0x42: {  	_ =	shalt  }
0x43: {  	_ =	shalt  }
0x44: {  	_ =	shalt  }
0x45: {  	_ =	shalt  }
0x46: {  	_ =	shalt  }
0x47: {  	_ =	shalt  }
0x48: {  	_ =	shalt  }
0x49: {  	_ =	shalt  }
0x4a: {  	_ =	shalt  }
0x4b: {  	_ =	shalt  }
0x4c: {  	_ =	shalt  }
0x4d: {  	_ =	shalt  }
0x4e: {  	_ =	shalt  }
0x4f: {  	_ =	shalt  }
0x50: {  	_ =	shalt  }
0x51: {  	_ =	shalt  }
0x52: {  	_ =	shalt  }
0x53: {  	_ =	shalt  }
0x54: {  	_ =	shalt  }
0x55: {  	_ =	shalt  }
0x56: {  	_ =	shalt  }
0x57: {  	_ =	shalt  }
0x58: {  	_ =	shalt  }
0x59: {  	_ =	shalt  }
0x5a: {  	_ =	shalt  }
0x5b: {  	_ =	shalt  }
0x5c: {  	_ =	shalt  }
0x5d: {  	_ =	shalt  }
0x5e: {  	_ =	shalt  }
0x5f: {  	_ =	shalt  }
0x60: {  	_ =	shalt  }
0x61: {  	_ =	shalt  }
0x62: {  	_ =	shalt  }
0x63: {  	_ =	shalt  }
0x64: {  	_ =	shalt  }
0x65: {  	_ =	shalt  }
0x66: {  	_ =	shalt  }
0x67: {  	_ =	shalt  }
0x68: {  	_ =	shalt  }
0x69: {  	_ =	shalt  }
0x6a: {  	_ =	shalt  }
0x6b: {  	_ =	shalt  }
0x6c: {  	_ =	shalt  }
0x6d: {  	_ =	shalt  }
0x6e: {  	_ =	shalt  }
0x6f: {  	_ =	shalt  }
0x70: {  	_ =	shalt  }
0x71: {  	_ =	shalt  }
0x72: {  	_ =	shalt  }
0x73: {  	_ =	shalt  }
0x74: {  	_ =	shalt  }
0x75: {  	_ =	shalt  }
0x76: {  	_ =	shalt  }
0x77: {  	_ =	shalt  }
0x78: {  	_ =	shalt  }
0x79: {  	_ =	shalt  }
0x7a: {  	_ =	shalt  }
0x7b: {  	_ =	shalt  }
0x7c: {  	_ =	shalt  }
0x7d: {  	_ =	shalt  }
0x7e: {  	_ =	shalt  }
0x7f: {  	_ =	shalt  }
0x80: {  	_ =	shalt  }
0x81: {  	_ =	shalt  }
0x82: {  	_ =	shalt  }
0x83: {  	_ =	shalt  }
0x84: {  	_ =	shalt  }
0x85: {  	_ =	shalt  }
0x86: {  	_ =	shalt  }
0x87: {  	_ =	shalt  }
.Lfunc_end0:
.L_simem_size_0:
called_computation.1_lowered:
.L_overlay_start_0:
0x88: {  	s2 =	sld [smem:$0x3FD9]  }
0x89: {  	s3 =	sld [smem:$0x3FFE];
	_ =	sdelay $0x1  }
0x8a: {  	s1 =	srdreg.scid  }
0x8b: {  	s0 =	sand.u32 $0x1, s1  }
0x8c: {  	s16 =	sshll.u32 s0, $0xA;
	s2 =	sadd.s32 s3, s2  }
0x8d: {  	s2 =	sadd.s32 s2, s16  }
0x8e: {  	[smem:$0x3FC3] =	sst s2  }
0x8f: {  	_ = 	snop  }
0x90: {  	(tm) =	ssettm $0x1  }
0x91: {  	s17 =	sld [smem:$0x3FFB];
	_ =	sdelay $0x3  }
0x92: {  	_ =	strace s17  }
0x93: {  	s2 =	sld [smem:$0x3FFC];
	_ =	sdelay $0x3  }
0x94: {  	_ =	strace s2  }
0x95: {  	s2 =	sld [smem:$0x3FFD];
	_ =	sdelay $0x3  }
0x96: {  	_ =	strace s2  }
0x97: {  	_ =	strace $0x8FFFFFFF  }
0x98: {  	s18 =	sld [smem:$0x3FDB];
	_ =	sdelay $0x1  }
0x99: {  	s19 =	simm.s32 $_scs_section_size  }
0x9a: {  	s4 =	simm.s32 $_size__tile_overlayer_lowered;
	s5 =	simm.s32 $_tile_overlayer_lowered  }
0x9b: {  	s22 =	simm.s32 $0x1BFF;
	s21 =	sshll.u32 s5, $0x1;
	s2 =	sadd.s32 s19, s18  }
0x9c: {  	s6 =	simm.s32 $0x0;
	s20 =	sshll.u32 s4, $0x1;
	s4 =	sadd.s32 s21, s2  }
0x9d: {  	[timem:s6], [sflag:s22] =	dma.local [hbm:s4], s20  }
0x9e: {  	_ =	swait.ge [sflag:s22], s20  }
0x9f: {  	s3 =	ssub.s32 $0x0, s20;
	[sflag:s22] =	ssyncset.done $0x0  }
0xa0: {  	[sflag:s22] =	ssyncadd.s32 s3;
	_ =	sdelay $0x1  }
0xa1: {  	s23 =	simm.s32 $0x1B8B  }
0xa2: {  	_ =	swait.ge [sflag:s23], $0x1  }
0xa3: {  	[sflag:s23] =	ssyncset.done $0x0  }
0xa4: {  	s25 =	simm.s32 $0x1B8E;
	s24 =	sld [smem:$0x3FFE];
	[sflag:s23] =	ssyncadd.s32 $0xFFFFFFFF  }
0xa5: {  	s26 =	simm.s32 $execute0_lowered;
	[smem:$0x3FD2] =	sst s25  }
0xa6: {  	s4 =	sshll.u32 s26, $0x1;
	_ =	strace $0x80000046;
	[dreg:$0x1] =	wrdreg $0xFFFFFFFF  }
0xa7: {  	s28 =	simm.s32 $_size_execute0_lowered;
	s2 =	sadd.s32 s2, s4;
	[dreg:$0x0] =	wrdreg $0x0  }
0xa8: {  	s4 =	sshll.u32 s28, $0x1;
	[dreg:$0x2] =	wrdreg s2  }
0xa9: {  	[dreg:$0x3] =	wrdreg s4  }
0xaa: {  	[dreg:$0x4] =	wrdreg $0xC0  }
0xab: {  	_ =	task [dreg:s6], $0x5FFFF  }
0xac: {  	[dreg:$0x1] =	wrdreg $0xFFFFFFFF  }
0xad: {  	[dreg:$0x0] =	wrdreg $0x60  }
0xae: {  	[dreg:$0x2] =	wrdreg s24  }
0xaf: {  	[dreg:$0x3] =	wrdreg $0xA  }
0xb0: {  	_ =	task.clear_ibuf [dreg:s6], $0x4FFFF;
	_ =	strace $0x90000046  }
0xb1: {  	s29 =	simm.s32 $0xA;
	_ =	strace $0x80000048  }
0xb2: {  	_ =	swait.ge [sflag:s29], $0x1  }
0xb3: {  	[sflag:s29] =	ssyncadd.s32 $0xFFFFFFFF  }
0xb4: {  	_ =	strace $0x90000048  }
0xb5: {  	_ =	sfence  }
0xb6: {  	s30 =	sld [smem:$0x0];
	_ =	sdelay $0x2  }
0xb7: {  	s31 =	sshll.u32 s1, $0xD;
	s1 =	sshrl.u32 s1, $0x2  }
0xb8: {  	s3 =	sand.u32 $0x4000, s31;
	s1 =	sadd.s32 s1, s30  }
0xb9: {  	s0 =	sor.u32 s3, s0;
	s1 =	sshll.u32 s1, $0x11  }
0xba: {  	s0 =	sor.u32 s1, s0  }
0xbb: {  	s0 =	sadd.s32 $0x8F2B, s0  }
0xbc: {  	[sflag:s0] =	ssyncadd.remote.s32 $0x1  }
0xbd: {  	_ =	sfence.sel $0xFFFF  }
0xbe: {  	[dreg:$0x0] =	wrdreg $0xFFFFFFFF;
	(pc) =	sbr.abs _section_cstart, $3  }
0xbf: {  	[dreg:$0x1] =	wrdreg $0xFFFFFFFF  }
0xc0: {  	_ =	task.clear_ibuf [dreg:s6], $0x2FFFF;
	_ =	strace $0x9FFFFFFF  }
0xc1: {  	(tm) =	ssettm $0x7FFFFFFF  }
tec
execute0_lowered:
.L_overlay_start_1:
0x0: {  	(tag) =	ssettag $0x1  }
0x1: {  	s0 =	srdreg.scid  }
0x2: {  	s1 =	rddreg [dreg:$0x0];
	s4 =	stileid.u32  }
0x3: {  	s2 =	simm.s32 $0x0;
	s12 =	simm.s32 $0x7;
	s13 =	simm.s32 $0x60  }
0x4: {  	s14 =	simm.s32 $0x2800;
	s15 =	simm.s32 $0x20;
	s16 =	simm.s32 $0xB800  }
0x5: {  	s18 =	simm.s32 $0x5800;
	s20 =	simm.s32 $0xC800;
	s21 =	simm.s32 $0x1  }
0x6: {  	s22 =	simm.s32 $0x2;
	s23 =	simm.s32 $0x4;
	s24 =	simm.s32 $0x5  }
0x7: {  	s25 =	simm.s32 $0x3;
	s26 =	simm.s32 $0x8800;
	s28 =	simm.s32 $0xD800  }
0x8: {  	s29 =	simm.s32 $0x0;
	s0 =	sand.u32 $0x1, s0;
	[smem:$0x7FF] =	sst s2  }
0x9: {  	s6 =	sadd.s32 $0x61600, s1;
	s7 =	sadd.s32 $0x1A1600, s1;
	s3 =	sshll.u32 s0, $0x4  }
.Ltmp0:
0xa: {  	s0 =	ssub.s32 $0x2, s0;
	s9 =	sor.u32 s4, s3;
	(pc) =	sbr.rel .LBB2_1-.Ltmp0, $4  }
0xb: {  	_ =	strace $0x80000047;
	s10 =	sshrl.u32 s0, $0x1;
	s3 =	smul.u32 $0x500, s9  }
0xc: {  	s4 =	sadd.s32 $0x11600, s1;
	s5 =	smul.u32 $0x50000, s9;
	s0 =	ssub.s32 s0, s10  }
0xd: {  	s9 =	smul.u32 $0xA00, s9;
	s11 =	smax.u32 s0, $0x1;
	s8 =	sadd.s32 s3, s1  }
0xe: {  	s3 =	sadd.s32 $0x39600, s1;
	s10 =	sor.u32 $0x1000, s5;
	s8 =	sadd.s32 $0x7600, s8  }
.LBB2_10:
0xf: {  	s29 =	sadd.s32 $0x1, s29  }
0x10: {  	_ =	swait.ge [sflag:s24], $0x1000;
	p0 =	sne.s32 s29, s11  }
.Ltmp1:
0x11: {  	[sflag:s24] =	ssyncset.done $0x0;
	(pc) =	sbr.rel @!p0 .LBB2_11-.Ltmp1, $4  }
0x12: {  	[sflag:s24] =	ssyncadd.s32 $0xFFFFF000  }
0x13: {  	_ =	swait.ge [sflag:s24], $0x1000  }
0x14: {  	[sflag:s24] =	ssyncset.done $0x0  }
0x15: {  	[sflag:s24] =	ssyncadd.s32 $0xFFFFF000  }
.LBB2_1:
0x16: {  	[tilespmem:s2], [sflag:$0x7] =	stream.linear.gather [hbm4b:s8+s2], $0x2800, $0x38;
	[tilespmem:$0xE800] =	vst v63  }
0x17: {  	_ =	swait.ge [sflag:s12], $0x2800  }
0x18: {  	[sflag:s12] =	ssyncset.done $0x0  }
0x19: {  	[sflag:s12] =	ssyncadd.s32 $0xFFFFD800  }
0x1a: {  	[tilespmem:s14], [sflag:$0x1] =	stream.indirect.gather [hbm4b:s3+s13], $0x80, s2, s13, $0xb8;
	[tilespmem:$0xE800] =	vst v63  }
0x1b: {  	_ = 	snop  }
0x1c: {  	[tilespmem:s16], [sflag:$0x1] =	stream.indirect.gather [hbm4b:s4+s15], $0x80, s13, s15, $0xb8;
	[tilespmem:$0xE800] =	vst v63  }
0x1d: {  	s0 =	simm.s32 $0x80  }
0x1e: {  	[tilespmem:s18], [sflag:$0x2] =	stream.indirect.gather [hbm4b:s3+s13], $0x80, s0, s13, $0xb8;
	[tilespmem:$0xE800] =	vst v63  }
0x1f: {  	s31 =	simm.s32 $0xE0;
	s30 =	simm.s32 $0x0  }
0x20: {  	[tilespmem:s20], [sflag:$0x2] =	stream.indirect.gather [hbm4b:s4+s15], $0x80, s31, s15, $0xb8;
	[tilespmem:$0xE800] =	vst v63  }
.LBB2_2:
0x21: {  	_ =	swait.ge [sflag:s21], $0x3000  }
0x22: {  	[sflag:s21] =	ssyncset.done $0x0  }
0x23: {  	[sflag:s21] =	ssyncadd.s32 $0xFFFFD000  }
0x24: {  	_ =	swait.ge [sflag:s21], $0x1000  }
0x25: {  	[sflag:s21] =	ssyncset.done $0x0  }
0x26: {  	s0 =	simm.s32 $0xFFFFF000;
	[sflag:s21] =	ssyncadd.s32 $0xFFFFF000  }
0x27: {  	v5 =	vld [tilespmem:s0+$0x5800]  }
0x28: {  	v4 =	vld [tilespmem:s0+$0x5810]  }
0x29: {  	v3 =	vld [tilespmem:s0+$0x5820]  }
0x2a: {  	v2 =	vld [tilespmem:s0+$0x5830]  }
0x2b: {  	v1 =	vld [tilespmem:s0+$0x5840]  }
0x2c: {  	v0 =	vld [tilespmem:s0+$0x5850]  }
0x2d: {  	v12 =	vld [tilespmem:s0+$0x4800]  }
0x2e: {  	v17 =	vld [tilespmem:s0+$0x4810]  }
0x2f: {  	v11 =	vld [tilespmem:s0+$0x4820]  }
0x30: {  	v10 =	vld [tilespmem:s0+$0x4830]  }
0x31: {  	v9 =	vld [tilespmem:s0+$0x4840]  }
0x32: {  	v8 =	vld [tilespmem:s0+$0x4850]  }
0x33: {  	v7 =	vld [tilespmem:s0+$0x4860]  }
0x34: {  	v6 =	vld [tilespmem:s0+$0x4870]  }
0x35: {  	v18 =	vld [tilespmem:s0+$0x3800]  }
0x36: {  	v19 =	vld [tilespmem:s0+$0x3810]  }
0x37: {  	v16 =	vld [tilespmem:s0+$0x3820]  }
0x38: {  	v15 =	vld [tilespmem:s0+$0x3830]  }
0x39: {  	v14 =	vld [tilespmem:s0+$0x3840]  }
0x3a: {  	v13 =	vld [tilespmem:s0+$0x3850];
	v18 =	vadd.f32 v12, v18  }
0x3b: {  	s1 =	simm.s32 $0xFFFFC200;
	v17 =	vadd.f32 v17, v19;
	v12 =	vld [tilespmem:s0+$0x3860]  }
.LBB2_3:
0x3c: {  	p0 =	sne.s32 s1, $0xFFFFFE00;
	v5 =	vadd.f32 v5, v18;
	v11 =	vadd.f32 v11, v16;
	v16 =	vld [tilespmem:s0+$0x3870]  }
0x3d: {  	v4 =	vadd.f32 v4, v17;
	v10 =	vadd.f32 v10, v15;
	v15 =	vld [tilespmem:s0+$0x5860]  }
0x3e: {  	s17 =	sshra.s32 s1, $0x2;
	[tilespmem:s0+$0x3800] =	vst v5;
	v3 =	vadd.f32 v3, v11;
	v9 =	vadd.f32 v9, v14;
	v11 =	vld [tilespmem:s0+$0x5870]  }
0x3f: {  	v5 =	vld [tilespmem:s17+$0x5800];
	[tilespmem:s0+$0x3810] =	vst v4;
	v2 =	vadd.f32 v2, v10;
	v8 =	vadd.f32 v8, v13  }
0x40: {  	v4 =	vld [tilespmem:s17+$0x5810];
	[tilespmem:s0+$0x3820] =	vst v3;
	v1 =	vadd.f32 v1, v9;
	v7 =	vadd.f32 v7, v12  }
0x41: {  	v3 =	vld [tilespmem:s17+$0x5820];
	[tilespmem:s0+$0x3830] =	vst v2;
	v0 =	vadd.f32 v0, v8;
	v6 =	vadd.f32 v6, v16  }
0x42: {  	v2 =	vld [tilespmem:s17+$0x5830];
	[tilespmem:s0+$0x3840] =	vst v1;
	v7 =	vadd.f32 v15, v7  }
0x43: {  	v1 =	vld [tilespmem:s17+$0x5840];
	[tilespmem:s0+$0x3850] =	vst v0;
	v6 =	vadd.f32 v11, v6  }
0x44: {  	v0 =	vld [tilespmem:s17+$0x5850];
	[tilespmem:s0+$0x3860] =	vst v7  }
0x45: {  	v12 =	vld [tilespmem:s17+$0x4800];
	[tilespmem:s0+$0x3870] =	vst v6;
	s0 =	smov.u32 s17  }
0x46: {  	v17 =	vld [tilespmem:s0+$0x4810]  }
0x47: {  	v11 =	vld [tilespmem:s0+$0x4820]  }
0x48: {  	v10 =	vld [tilespmem:s0+$0x4830]  }
0x49: {  	v9 =	vld [tilespmem:s0+$0x4840]  }
0x4a: {  	v8 =	vld [tilespmem:s0+$0x4850]  }
0x4b: {  	v7 =	vld [tilespmem:s0+$0x4860]  }
0x4c: {  	v6 =	vld [tilespmem:s0+$0x4870]  }
0x4d: {  	v13 =	vld [tilespmem:s0+$0x3800]  }
0x4e: {  	v19 =	vld [tilespmem:s0+$0x3810]  }
.Ltmp2:
0x4f: {  	v16 =	vld [tilespmem:s0+$0x3820];
	(pc) =	sbr.rel @p0 .LBB2_3-.Ltmp2, $4  }
0x50: {  	v15 =	vld [tilespmem:s0+$0x3830]  }
0x51: {  	v14 =	vld [tilespmem:s0+$0x3840]  }
0x52: {  	v18 =	vadd.f32 v12, v13;
	v13 =	vld [tilespmem:s0+$0x3850]  }
0x53: {  	s1 =	sadd.s32 $0x200, s1;
	v17 =	vadd.f32 v17, v19;
	v12 =	vld [tilespmem:s0+$0x3860]  }
0x54: {  	v5 =	vadd.f32 v5, v18;
	v18 =	vld [tilespmem:s0+$0x3870];
	v11 =	vadd.f32 v11, v16  }
0x55: {  	v16 =	vld [tilespmem:s0+$0x5860];
	v4 =	vadd.f32 v4, v17;
	v10 =	vadd.f32 v10, v15  }
0x56: {  	[tilespmem:s0+$0x3800] =	vst v5;
	v3 =	vadd.f32 v3, v11;
	v5 =	vadd.f32 v9, v14;
	v9 =	vld [tilespmem:s0+$0x5870]  }
0x57: {  	[tilespmem:s0+$0x3810] =	vst v4;
	v2 =	vadd.f32 v2, v10;
	v4 =	vadd.f32 v8, v13  }
0x58: {  	[tilespmem:s0+$0x3820] =	vst v3;
	v1 =	vadd.f32 v1, v5;
	v3 =	vadd.f32 v7, v12  }
0x59: {  	s1 =	smul.u32 $0x60, s30;
	[tilespmem:s0+$0x3830] =	vst v2;
	v0 =	vadd.f32 v0, v4;
	v2 =	vadd.f32 v6, v18  }
0x5a: {  	[tilespmem:s0+$0x3840] =	vst v1;
	v1 =	vadd.f32 v16, v3  }
0x5b: {  	s1 =	sadd.s32 s9, s1;
	[tilespmem:s0+$0x3850] =	vst v0;
	v0 =	vadd.f32 v9, v2  }
0x5c: {  	s1 =	sshll.u32 s1, $0x4;
	[tilespmem:s0+$0x3860] =	vst v1  }
0x5d: {  	s17 =	smul.u32 $0x3, s30;
	s19 =	sadd.s32 s6, s1;
	[tilespmem:s0+$0x3870] =	vst v0  }
0x5e: {  	[hbm4b:s19+s2] =	stream.linear.scatter [tilespmem:s14], [sflag:$0x4], $0x1000, $0x38;
	[tilespmem:$0xE800] =	vst v63  }
0x5f: {  	s19 =	sadd.s32 $0xFFFFFFFF, s17  }
0x60: {  	s1 =	sadd.s32 s7, s1;
	p1 =	sgt.u32 s19, $0x4F  }
0x61: {  	[hbm4b:s1+s2] =	stream.linear.scatter [tilespmem:s16], [sflag:$0x4], $0x1000, $0x38;
	[tilespmem:$0xE800] =	vst v63  }
0x62: {  	s1 =	simm.s32 @!p1 $0x6  }
0x63: {  	_ =	swait.ge @!p1 [sflag:s1], $0x1000  }
0x64: {  	[sflag:s1] =	ssyncset.done @!p1 $0x0  }
0x65: {  	p0 =	seq.s32 s30, $0x1A;
	s31 =	sadd.s32 $0x2, s17;
	[sflag:s1] =	ssyncadd.s32 @!p1 $0xFFFFF000  }
0x66: {  	s0 =	sshll.u32 @!p0 s31, $0x7;
	_ =	swait.ge @!p1 [sflag:s1], $0x1000  }
0x67: {  	s0 =	sand.u32 @!p0 $0x3FFFFF80, s0;
	[sflag:s1] =	ssyncset.done @!p1 $0x0  }
0x68: {  	s17 =	simm.s32 @!p0 $0x8800;
	[sflag:s1] =	ssyncadd.s32 @!p1 $0xFFFFF000;
	s1 =	simm.s32 @!p0 $0x60  }
0x69: {  	[tilespmem:s17], [sflag:$0x3] =	stream.indirect.gather @!p0 [hbm4b:s3+s1], $0x80, s0, s1, $0xb8;
	[tilespmem:$0xE800] =	vst v63  }
0x6a: {  	s0 =	sor.u32 @!p0 $0x60, s0;
	s1 =	simm.s32 @!p0 $0x20;
	s17 =	simm.s32 @!p0 $0xD800  }
0x6b: {  	[tilespmem:s17], [sflag:$0x3] =	stream.indirect.gather @!p0 [hbm4b:s4+s1], $0x80, s0, s1, $0xb8;
	[tilespmem:$0xE800] =	vst v63  }
0x6c: {  	_ =	swait.ge [sflag:s22], $0x3000  }
0x6d: {  	[sflag:s22] =	ssyncset.done $0x0  }
0x6e: {  	[sflag:s22] =	ssyncadd.s32 $0xFFFFD000  }
0x6f: {  	_ =	swait.ge [sflag:s22], $0x1000  }
0x70: {  	[sflag:s22] =	ssyncset.done $0x0  }
0x71: {  	s0 =	simm.s32 $0x0;
	[sflag:s22] =	ssyncadd.s32 $0xFFFFF000  }
0x72: {  	v5 =	vld [tilespmem:s0+$0x7800]  }
0x73: {  	v4 =	vld [tilespmem:s0+$0x7810]  }
0x74: {  	v3 =	vld [tilespmem:s0+$0x7820]  }
0x75: {  	v2 =	vld [tilespmem:s0+$0x7830]  }
0x76: {  	v1 =	vld [tilespmem:s0+$0x7840]  }
0x77: {  	v0 =	vld [tilespmem:s0+$0x7850]  }
0x78: {  	v12 =	vld [tilespmem:s0+$0x6800]  }
0x79: {  	v17 =	vld [tilespmem:s0+$0x6810]  }
0x7a: {  	v11 =	vld [tilespmem:s0+$0x6820]  }
0x7b: {  	v10 =	vld [tilespmem:s0+$0x6830]  }
0x7c: {  	v9 =	vld [tilespmem:s0+$0x6840]  }
0x7d: {  	v8 =	vld [tilespmem:s0+$0x6850]  }
0x7e: {  	v7 =	vld [tilespmem:s0+$0x6860]  }
0x7f: {  	v6 =	vld [tilespmem:s0+$0x6870]  }
0x80: {  	v18 =	vld [tilespmem:s0+$0x5800]  }
0x81: {  	v19 =	vld [tilespmem:s0+$0x5810]  }
0x82: {  	v16 =	vld [tilespmem:s0+$0x5820]  }
0x83: {  	v15 =	vld [tilespmem:s0+$0x5830]  }
0x84: {  	v14 =	vld [tilespmem:s0+$0x5840]  }
0x85: {  	v13 =	vld [tilespmem:s0+$0x5850];
	v18 =	vadd.f32 v12, v18  }
0x86: {  	s1 =	simm.s32 $0x200;
	v17 =	vadd.f32 v17, v19;
	v12 =	vld [tilespmem:s0+$0x5860]  }
.LBB2_5:
0x87: {  	p1 =	sne.s32 s1, $0x3E00;
	v5 =	vadd.f32 v5, v18;
	v11 =	vadd.f32 v11, v16;
	v16 =	vld [tilespmem:s0+$0x5870]  }
0x88: {  	v4 =	vadd.f32 v4, v17;
	v10 =	vadd.f32 v10, v15;
	v15 =	vld [tilespmem:s0+$0x7860]  }
0x89: {  	s17 =	sshra.s32 s1, $0x2;
	[tilespmem:s0+$0x5800] =	vst v5;
	v3 =	vadd.f32 v3, v11;
	v9 =	vadd.f32 v9, v14;
	v11 =	vld [tilespmem:s0+$0x7870]  }
0x8a: {  	v5 =	vld [tilespmem:s17+$0x7800];
	[tilespmem:s0+$0x5810] =	vst v4;
	v2 =	vadd.f32 v2, v10;
	v8 =	vadd.f32 v8, v13  }
0x8b: {  	v4 =	vld [tilespmem:s17+$0x7810];
	[tilespmem:s0+$0x5820] =	vst v3;
	v1 =	vadd.f32 v1, v9;
	v7 =	vadd.f32 v7, v12  }
0x8c: {  	v3 =	vld [tilespmem:s17+$0x7820];
	[tilespmem:s0+$0x5830] =	vst v2;
	v0 =	vadd.f32 v0, v8;
	v6 =	vadd.f32 v6, v16  }
0x8d: {  	v2 =	vld [tilespmem:s17+$0x7830];
	[tilespmem:s0+$0x5840] =	vst v1;
	v7 =	vadd.f32 v15, v7  }
0x8e: {  	v1 =	vld [tilespmem:s17+$0x7840];
	[tilespmem:s0+$0x5850] =	vst v0;
	v6 =	vadd.f32 v11, v6  }
0x8f: {  	v0 =	vld [tilespmem:s17+$0x7850];
	[tilespmem:s0+$0x5860] =	vst v7  }
0x90: {  	v12 =	vld [tilespmem:s17+$0x6800];
	[tilespmem:s0+$0x5870] =	vst v6;
	s0 =	smov.u32 s17  }
0x91: {  	v17 =	vld [tilespmem:s0+$0x6810]  }
0x92: {  	v11 =	vld [tilespmem:s0+$0x6820]  }
0x93: {  	v10 =	vld [tilespmem:s0+$0x6830]  }
0x94: {  	v9 =	vld [tilespmem:s0+$0x6840]  }
0x95: {  	v8 =	vld [tilespmem:s0+$0x6850]  }
0x96: {  	v7 =	vld [tilespmem:s0+$0x6860]  }
0x97: {  	v6 =	vld [tilespmem:s0+$0x6870]  }
0x98: {  	v13 =	vld [tilespmem:s0+$0x5800]  }
0x99: {  	v19 =	vld [tilespmem:s0+$0x5810]  }
.Ltmp3:
0x9a: {  	v16 =	vld [tilespmem:s0+$0x5820];
	(pc) =	sbr.rel @p1 .LBB2_5-.Ltmp3, $4  }
0x9b: {  	v15 =	vld [tilespmem:s0+$0x5830]  }
0x9c: {  	v14 =	vld [tilespmem:s0+$0x5840]  }
0x9d: {  	v18 =	vadd.f32 v12, v13;
	v13 =	vld [tilespmem:s0+$0x5850]  }
0x9e: {  	s1 =	sadd.s32 $0x200, s1;
	v17 =	vadd.f32 v17, v19;
	v12 =	vld [tilespmem:s0+$0x5860]  }
0x9f: {  	v5 =	vadd.f32 v5, v18;
	v55 =	vld [tilespmem:s0+$0x5870];
	v11 =	vadd.f32 v11, v16  }
0xa0: {  	v56 =	vld [tilespmem:s0+$0x7860];
	v4 =	vadd.f32 v4, v17;
	v10 =	vadd.f32 v10, v15  }
0xa1: {  	v58 =	vld [tilespmem:s0+$0x7870];
	[tilespmem:s0+$0x5800] =	vst v5;
	v3 =	vadd.f32 v3, v11;
	v57 =	vadd.f32 v9, v14  }
0xa2: {  	[tilespmem:s0+$0x5810] =	vst v4;
	v2 =	vadd.f32 v2, v10;
	v59 =	vadd.f32 v8, v13  }
0xa3: {  	[tilespmem:s0+$0x5820] =	vst v3;
	v1 =	vadd.f32 v1, v57;
	v60 =	vadd.f32 v7, v12  }
0xa4: {  	s1 =	smul.u32 $0x3000, s30;
	[tilespmem:s0+$0x5830] =	vst v2;
	v0 =	vadd.f32 v0, v59;
	v61 =	vadd.f32 v6, v55  }
0xa5: {  	[tilespmem:s0+$0x5840] =	vst v1;
	v62 =	vadd.f32 v56, v60  }
0xa6: {  	s1 =	sadd.s32 s1, s10;
	[tilespmem:s0+$0x5850] =	vst v0;
	v63 =	vadd.f32 v58, v61  }
0xa7: {  	s1 =	sshrl.u32 s1, $0x3;
	[tilespmem:s0+$0x5860] =	vst v62  }
0xa8: {  	s17 =	sadd.s32 s6, s1;
	[tilespmem:s0+$0x5870] =	vst v63  }
0xa9: {  	[hbm4b:s17+s2] =	stream.linear.scatter [tilespmem:s18], [sflag:$0x5], $0x1000, $0x38;
	[tilespmem:$0xE800] =	vst v63  }
0xaa: {  	s19 =	sadd.s32 s7, s1  }
0xab: {  	[hbm4b:s19+s2] =	stream.linear.scatter [tilespmem:s20], [sflag:$0x5], $0x1000, $0x38;
	[tilespmem:$0xE800] =	vst v63  }
0xac: {  	_ =	swait.ge [sflag:s23], $0x1000  }
.Ltmp4:
0xad: {  	[sflag:s23] =	ssyncset.done $0x0;
	(pc) =	sbr.rel @p0 .LBB2_10-.Ltmp4, $4  }
0xae: {  	[sflag:s23] =	ssyncadd.s32 $0xFFFFF000  }
0xaf: {  	_ =	swait.ge [sflag:s23], $0x1000  }
0xb0: {  	[sflag:s23] =	ssyncset.done $0x0  }
0xb1: {  	[sflag:s23] =	ssyncadd.s32 $0xFFFFF000  }
0xb2: {  	s0 =	smul.u32 $0x600, s30;
	_ =	sdelay $0x1  }
0xb3: {  	s0 =	sshra.s32 s0, $0x2  }
0xb4: {  	s1 =	sadd.s32 $0x180, s0  }
0xb5: {  	[tilespmem:s14], [sflag:$0x1] =	stream.indirect.gather [hbm4b:s3+s13], $0x80, s1, s13, $0xb8;
	[tilespmem:$0xE800] =	vst v63  }
0xb6: {  	s19 =	sadd.s32 $0x1E0, s0  }
0xb7: {  	[tilespmem:s16], [sflag:$0x1] =	stream.indirect.gather [hbm4b:s4+s15], $0x80, s19, s15, $0xb8;
	[tilespmem:$0xE800] =	vst v63  }
0xb8: {  	_ =	swait.ge [sflag:s25], $0x3000  }
0xb9: {  	[sflag:s25] =	ssyncset.done $0x0  }
0xba: {  	[sflag:s25] =	ssyncadd.s32 $0xFFFFD000  }
0xbb: {  	_ =	swait.ge [sflag:s25], $0x1000  }
0xbc: {  	[sflag:s25] =	ssyncset.done $0x0  }
0xbd: {  	s1 =	simm.s32 $0x0;
	[sflag:s25] =	ssyncadd.s32 $0xFFFFF000  }
0xbe: {  	v5 =	vld [tilespmem:s1+$0xA800]  }
0xbf: {  	v4 =	vld [tilespmem:s1+$0xA810]  }
0xc0: {  	v3 =	vld [tilespmem:s1+$0xA820]  }
0xc1: {  	v2 =	vld [tilespmem:s1+$0xA830]  }
0xc2: {  	v1 =	vld [tilespmem:s1+$0xA840]  }
0xc3: {  	v0 =	vld [tilespmem:s1+$0xA850]  }
0xc4: {  	v12 =	vld [tilespmem:s1+$0x9800]  }
0xc5: {  	v17 =	vld [tilespmem:s1+$0x9810]  }
0xc6: {  	v11 =	vld [tilespmem:s1+$0x9820]  }
0xc7: {  	v10 =	vld [tilespmem:s1+$0x9830]  }
0xc8: {  	v9 =	vld [tilespmem:s1+$0x9840]  }
0xc9: {  	v8 =	vld [tilespmem:s1+$0x9850]  }
0xca: {  	v7 =	vld [tilespmem:s1+$0x9860]  }
0xcb: {  	v6 =	vld [tilespmem:s1+$0x9870]  }
0xcc: {  	v18 =	vld [tilespmem:s1+$0x8800]  }
0xcd: {  	v19 =	vld [tilespmem:s1+$0x8810]  }
0xce: {  	v16 =	vld [tilespmem:s1+$0x8820]  }
0xcf: {  	v15 =	vld [tilespmem:s1+$0x8830]  }
0xd0: {  	v14 =	vld [tilespmem:s1+$0x8840]  }
0xd1: {  	v13 =	vld [tilespmem:s1+$0x8850];
	v18 =	vadd.f32 v12, v18  }
0xd2: {  	s17 =	simm.s32 $0x200;
	v17 =	vadd.f32 v17, v19;
	v12 =	vld [tilespmem:s1+$0x8860]  }
.LBB2_8:
0xd3: {  	p0 =	sne.s32 s17, $0x3E00;
	v5 =	vadd.f32 v5, v18;
	v11 =	vadd.f32 v11, v16;
	v16 =	vld [tilespmem:s1+$0x8870]  }
0xd4: {  	v4 =	vadd.f32 v4, v17;
	v10 =	vadd.f32 v10, v15;
	v15 =	vld [tilespmem:s1+$0xA860]  }
0xd5: {  	s19 =	sshra.s32 s17, $0x2;
	[tilespmem:s1+$0x8800] =	vst v5;
	v3 =	vadd.f32 v3, v11;
	v9 =	vadd.f32 v9, v14;
	v11 =	vld [tilespmem:s1+$0xA870]  }
0xd6: {  	v5 =	vld [tilespmem:s19+$0xA800];
	[tilespmem:s1+$0x8810] =	vst v4;
	v2 =	vadd.f32 v2, v10;
	v8 =	vadd.f32 v8, v13  }
0xd7: {  	v4 =	vld [tilespmem:s19+$0xA810];
	[tilespmem:s1+$0x8820] =	vst v3;
	v1 =	vadd.f32 v1, v9;
	v7 =	vadd.f32 v7, v12  }
0xd8: {  	v3 =	vld [tilespmem:s19+$0xA820];
	[tilespmem:s1+$0x8830] =	vst v2;
	v0 =	vadd.f32 v0, v8;
	v6 =	vadd.f32 v6, v16  }
0xd9: {  	v2 =	vld [tilespmem:s19+$0xA830];
	[tilespmem:s1+$0x8840] =	vst v1;
	v7 =	vadd.f32 v15, v7  }
0xda: {  	v1 =	vld [tilespmem:s19+$0xA840];
	[tilespmem:s1+$0x8850] =	vst v0;
	v6 =	vadd.f32 v11, v6  }
0xdb: {  	v0 =	vld [tilespmem:s19+$0xA850];
	[tilespmem:s1+$0x8860] =	vst v7  }
0xdc: {  	v12 =	vld [tilespmem:s19+$0x9800];
	[tilespmem:s1+$0x8870] =	vst v6;
	s1 =	smov.u32 s19  }
0xdd: {  	v17 =	vld [tilespmem:s1+$0x9810]  }
0xde: {  	v11 =	vld [tilespmem:s1+$0x9820]  }
0xdf: {  	v10 =	vld [tilespmem:s1+$0x9830]  }
0xe0: {  	v9 =	vld [tilespmem:s1+$0x9840]  }
0xe1: {  	v8 =	vld [tilespmem:s1+$0x9850]  }
0xe2: {  	v7 =	vld [tilespmem:s1+$0x9860]  }
0xe3: {  	v6 =	vld [tilespmem:s1+$0x9870]  }
0xe4: {  	v13 =	vld [tilespmem:s1+$0x8800]  }
0xe5: {  	v19 =	vld [tilespmem:s1+$0x8810]  }
.Ltmp5:
0xe6: {  	v16 =	vld [tilespmem:s1+$0x8820];
	(pc) =	sbr.rel @p0 .LBB2_8-.Ltmp5, $4  }
0xe7: {  	v15 =	vld [tilespmem:s1+$0x8830]  }
0xe8: {  	v14 =	vld [tilespmem:s1+$0x8840]  }
0xe9: {  	v18 =	vadd.f32 v12, v13;
	v13 =	vld [tilespmem:s1+$0x8850]  }
0xea: {  	s17 =	sadd.s32 $0x200, s17;
	v17 =	vadd.f32 v17, v19;
	v12 =	vld [tilespmem:s1+$0x8860]  }
0xeb: {  	v5 =	vadd.f32 v5, v18;
	v55 =	vld [tilespmem:s1+$0x8870];
	v11 =	vadd.f32 v11, v16  }
0xec: {  	v56 =	vld [tilespmem:s1+$0xA860];
	v4 =	vadd.f32 v4, v17;
	v10 =	vadd.f32 v10, v15  }
0xed: {  	v58 =	vld [tilespmem:s1+$0xA870];
	[tilespmem:s1+$0x8800] =	vst v5;
	v3 =	vadd.f32 v3, v11;
	v57 =	vadd.f32 v9, v14  }
0xee: {  	[tilespmem:s1+$0x8810] =	vst v4;
	v2 =	vadd.f32 v2, v10;
	v59 =	vadd.f32 v8, v13  }
0xef: {  	[tilespmem:s1+$0x8820] =	vst v3;
	v1 =	vadd.f32 v1, v57;
	v60 =	vadd.f32 v7, v12  }
0xf0: {  	[tilespmem:s1+$0x8830] =	vst v2;
	v0 =	vadd.f32 v0, v59;
	v61 =	vadd.f32 v6, v55  }
0xf1: {  	s17 =	sshll.u32 s31, $0xC;
	[tilespmem:s1+$0x8840] =	vst v1;
	v62 =	vadd.f32 v56, v60  }
0xf2: {  	s17 =	sadd.s32 s5, s17;
	[tilespmem:s1+$0x8850] =	vst v0;
	v63 =	vadd.f32 v58, v61  }
0xf3: {  	s17 =	sshrl.u32 s17, $0x3;
	[tilespmem:s1+$0x8860] =	vst v62  }
0xf4: {  	s31 =	sadd.s32 s6, s17;
	[tilespmem:s1+$0x8870] =	vst v63  }
0xf5: {  	[hbm4b:s31+s2] =	stream.linear.scatter [tilespmem:s26], [sflag:$0x6], $0x1000, $0x38;
	[tilespmem:$0xE800] =	vst v63  }
0xf6: {  	s17 =	sadd.s32 s7, s17  }
0xf7: {  	[hbm4b:s17+s2] =	stream.linear.scatter [tilespmem:s28], [sflag:$0x6], $0x1000, $0x38;
	[tilespmem:$0xE800] =	vst v63  }
0xf8: {  	_ =	swait.ge [sflag:s24], $0x1000  }
0xf9: {  	[sflag:s24] =	ssyncset.done $0x0  }
0xfa: {  	[sflag:s24] =	ssyncadd.s32 $0xFFFFF000  }
0xfb: {  	_ =	swait.ge [sflag:s24], $0x1000  }
.Ltmp6:
0xfc: {  	[sflag:s24] =	ssyncset.done $0x0;
	(pc) =	sbr.rel .LBB2_2-.Ltmp6, $4  }
0xfd: {  	s19 =	sadd.s32 $0x200, s0;
	[sflag:s24] =	ssyncadd.s32 $0xFFFFF000  }
0xfe: {  	[tilespmem:s18], [sflag:$0x2] =	stream.indirect.gather [hbm4b:s3+s13], $0x80, s19, s13, $0xb8;
	[tilespmem:$0xE800] =	vst v63  }
0xff: {  	s30 =	sadd.s32 $0x1, s30;
	s31 =	sadd.s32 $0x260, s0  }
0x100: {  	[tilespmem:s20], [sflag:$0x2] =	stream.indirect.gather [hbm4b:s4+s15], $0x80, s31, s15, $0xb8;
	[tilespmem:$0xE800] =	vst v63  }
.LBB2_11:
0x101: {  	_ =	sfence.sel $0x180000  }
0x102: {  	[bflag:$0x0] =	sbarrier.arrive $0xFFFF  }
0x103: {  	_ =	strace $0x90000047  }
0x104: {  	s0 =	stileid.u32;
	[bflag:$0x2] =	sbarrier.arrive $0xFFFF  }
0x105: {  	p0 =	sne.s32 s0, $0x0;
	s0 =	rddreg [dreg:$0x1]  }
0x106: {  	s0 =	sadd.s32 @!p0 $0x100000, s0  }
0x107: {  	[sflag:s0] =	ssyncadd.tile.s32 @!p0 $0x1;
	_ =	shalt  }
.Lfunc_end2:
_tile_overlayer_lowered:
.L_overlay_start_2:
0x108: {  	(tag) =	ssettag $0x2  }
0x109: {  	s0 =	rddreg [dreg:$0x0];
	s2 =	stileid.u32  }
0x10a: {  	s1 =	rddreg [dreg:$0x1];
	p0 =	sne.s32 s2, $0x0  }
0x10b: {  	s3 =	rddreg [dreg:$0x2];
	[bflag:$0x3] =	sbarrier.arrive $0xFFFF;
	s2 =	simm.s32 @!p0 $0x1C07  }
0x10c: {  	[timem:s3], [sflag:s2] =	dma.local @!p0 [hbm:s0], s1  }
0x10d: {  	s0 =	simm.s32 @!p0 $0x7  }
0x10e: {  	_ =	swait.ge @!p0 [sflag:s0], s1  }
0x10f: {  	s1 =	ssub.s32 @!p0 $0x0, s1;
	[sflag:s0] =	ssyncset.done @!p0 $0x0  }
0x110: {  	[sflag:s0] =	ssyncadd.s32 @!p0 s1  }
0x111: {  	[bflag:$0x3] =	sbarrier.arrive $0xFFFF  }
0x112: {  	_ =	shalt  }

// kernel: kernel.15.cloned.1.call-start
scs
__scs_entry_jumppad:
0x0: {  	(pc) =	sbr.rel $0x88, $3  }
0x1: {  	(tag) =	ssettag $0x0;
	lr =	simm.s32 $0x1  }
0x2: {  	[smem:$0x3F9C] =	sst lr;
	_ =	strace $0xD0000000  }
0x3: {  	_ = 	snop  }
0x4: {  	_ = 	snop  }
0x5: {  	_ = 	snop  }
0x6: {  	_ = 	snop  }
0x7: {  	_ = 	snop  }
__scs_overlays_trampoline_lowered:
0x8: {  	[smem:$0x3FAB] =	sst s0  }
0x9: {  	[smem:$0x3FAC] =	sst s1  }
0xa: {  	[smem:$0x3FAD] =	sst s2  }
0xb: {  	[smem:$0x3FAE] =	sst s3  }
0xc: {  	[smem:$0x3FAF] =	sst s4  }
0xd: {  	[smem:$0x3FB0] =	sst s5  }
0xe: {  	[smem:$0x3FB1] =	sst s6  }
0xf: {  	[smem:$0x3FB2] =	sst s7  }
0x10: {  	[smem:$0x3FB3] =	sst s8  }
0x11: {  	[smem:$0x3FB4] =	sst s9;
	s0 =	simm.s32 @!p0 $0x0  }
0x12: {  	s1 =	sld [smem:$0x3F9A];
	s0 =	simm.s32 @p0 $0x1  }
0x13: {  	[smem:$0x3FB5] =	sst s0;
	s0 =	simm.s32 @!p1 $0x0  }
0x14: {  	s2 =	sld [smem:$0x3F99];
	s0 =	simm.s32 @p1 $0x1  }
0x15: {  	[smem:$0x3FB6] =	sst s0;
	s0 =	simm.s32 @!p2 $0x0  }
0x16: {  	s3 =	sld [smem:$0x3FDB];
	s0 =	simm.s32 @p2 $0x1  }
0x17: {  	s4 =	simm.s32 $0x1BF5;
	[smem:$0x3FB8] =	sst s0  }
0x18: {  	s0 =	sld [smem:$0x3F9B];
	_ =	swait.ge [sflag:s4], $0x0  }
0x19: {  	s7 =	sld [smem:$0x3F9C]  }
0x1a: {  	s8 =	sadd.s32 $0xFFFFE003, lr  }
0x1b: {  	s9 =	sadd.s32 $0xFFFFFEF7, lr;
	s5 =	simm.s32 $0xFFFFFFFF;
	p2 =	slt.u32 s8, $0xFFFFF086  }
0x1c: {  	p1 =	slt.u32 s9, $0xF7A;
	s5 =	simm.s32 @!p2 $0x0  }
0x1d: {  	s5 =	simm.s32 @p1 $0x1;
	p0 =	seq.s32 s7, s2  }
0x1e: {  	s7 =	smul.u32 @!p0 $0xF7A, s2;
	p2 =	seq.s32 @!p0 s5, $0x0  }
0x1f: {  	s9 =	smul.u32 $0xF7A, s1;
	s8 =	simm.s32 @!p0 $0x1BF5;
	p2 =	por !p2, p0  }
0x20: {  	[sflag:s8] =	ssyncset.s32 @!p0 $0xFFFFF086;
	s6 =	sadd.s32 @!p0 s3, s7;
	s7 =	simm.s32 @!p0 $0x108  }
0x21: {  	s3 =	sadd.s32 s3, s9;
	s6 =	sadd.s32 @!p0 $0x88, s6;
	s7 =	simm.s32 @p2 $0x1082  }
0x22: {  	[simem:s7], [sflag:s8] =	dma.local @!p0 [hbm:s6], $0xF7A  }
0x23: {  	s9 =	sor.u32 $0xD0000000, s2;
	s6 =	simm.s32 $0x108;
	_ =	swait.ge @!p0 [sflag:s8], $0x0  }
0x24: {  	s3 =	sadd.s32 $0x88, s3;
	s6 =	simm.s32 @!p1 $0x1082;
	[sflag:s4] =	ssyncset.s32 $0xFFFFF086  }
0x25: {  	[simem:s6], [sflag:s4] =	dma.local [hbm:s3], $0xF7A  }
0x26: {  	[smem:$0x3F9C] =	sst s1;
	(tag) =	ssettag s2;
	_ =	strace s9  }
0x27: {  	s1 =	sld [smem:$0x3FAC]  }
0x28: {  	s2 =	sld [smem:$0x3FAD]  }
0x29: {  	s4 =	sld [smem:$0x3FAF]  }
0x2a: {  	p0 =	seq.s32 s5, $0x0;
	s5 =	sld [smem:$0x3FB0]  }
0x2b: {  	s6 =	sld [smem:$0x3FB1]  }
0x2c: {  	s7 =	sld [smem:$0x3FB2]  }
0x2d: {  	s3 =	simm.s32 $0x108;
	s8 =	sld [smem:$0x3FB3]  }
0x2e: {  	s3 =	simm.s32 @!p0 $0x1082;
	s9 =	sld [smem:$0x3FB4]  }
0x2f: {  	lr =	sadd.s32 s0, s3;
	s0 =	sld [smem:$0x3FAB]  }
0x30: {  	s3 =	sld [smem:$0x3FAE]  }
0x31: {  	[smem:$0x3FB7] =	sst s10  }
0x32: {  	s10 =	sld [smem:$0x3FB5];
	_ =	sdelay $0x3  }
0x33: {  	p0 =	seq.s32 s10, $0x1;
	s10 =	sld [smem:$0x3FB7];
	_ =	sdelay $0x3  }
0x34: {  	[smem:$0x3FB7] =	sst s10  }
0x35: {  	s10 =	sld [smem:$0x3FB6];
	_ =	sdelay $0x3  }
0x36: {  	p1 =	seq.s32 s10, $0x1;
	s10 =	sld [smem:$0x3FB7];
	_ =	sdelay $0x3  }
0x37: {  	[smem:$0x3FB7] =	sst s10  }
0x38: {  	s10 =	sld [smem:$0x3FB8]  }
0x39: {  	_ = 	snop;
	(pc) =	sbr.ind lr, $3  }
0x3a: {  	_ = 	snop  }
0x3b: {  	_ = 	snop  }
0x3c: {  	p2 =	seq.s32 s10, $0x1;
	s10 =	sld [smem:$0x3FB7]  }
0x3d: {  	_ =	shalt  }
0x3e: {  	_ =	shalt  }
0x3f: {  	_ =	shalt  }
0x40: {  	_ =	shalt  }
0x41: {  	_ =	shalt  }
0x42: {  	_ =	shalt  }
0x43: {  	_ =	shalt  }
0x44: {  	_ =	shalt  }
0x45: {  	_ =	shalt  }
0x46: {  	_ =	shalt  }
0x47: {  	_ =	shalt  }
0x48: {  	_ =	shalt  }
0x49: {  	_ =	shalt  }
0x4a: {  	_ =	shalt  }
0x4b: {  	_ =	shalt  }
0x4c: {  	_ =	shalt  }
0x4d: {  	_ =	shalt  }
0x4e: {  	_ =	shalt  }
0x4f: {  	_ =	shalt  }
0x50: {  	_ =	shalt  }
0x51: {  	_ =	shalt  }
0x52: {  	_ =	shalt  }
0x53: {  	_ =	shalt  }
0x54: {  	_ =	shalt  }
0x55: {  	_ =	shalt  }
0x56: {  	_ =	shalt  }
0x57: {  	_ =	shalt  }
0x58: {  	_ =	shalt  }
0x59: {  	_ =	shalt  }
0x5a: {  	_ =	shalt  }
0x5b: {  	_ =	shalt  }
0x5c: {  	_ =	shalt  }
0x5d: {  	_ =	shalt  }
0x5e: {  	_ =	shalt  }
0x5f: {  	_ =	shalt  }
0x60: {  	_ =	shalt  }
0x61: {  	_ =	shalt  }
0x62: {  	_ =	shalt  }
0x63: {  	_ =	shalt  }
0x64: {  	_ =	shalt  }
0x65: {  	_ =	shalt  }
0x66: {  	_ =	shalt  }
0x67: {  	_ =	shalt  }
0x68: {  	_ =	shalt  }
0x69: {  	_ =	shalt  }
0x6a: {  	_ =	shalt  }
0x6b: {  	_ =	shalt  }
0x6c: {  	_ =	shalt  }
0x6d: {  	_ =	shalt  }
0x6e: {  	_ =	shalt  }
0x6f: {  	_ =	shalt  }
0x70: {  	_ =	shalt  }
0x71: {  	_ =	shalt  }
0x72: {  	_ =	shalt  }
0x73: {  	_ =	shalt  }
0x74: {  	_ =	shalt  }
0x75: {  	_ =	shalt  }
0x76: {  	_ =	shalt  }
0x77: {  	_ =	shalt  }
0x78: {  	_ =	shalt  }
0x79: {  	_ =	shalt  }
0x7a: {  	_ =	shalt  }
0x7b: {  	_ =	shalt  }
0x7c: {  	_ =	shalt  }
0x7d: {  	_ =	shalt  }
0x7e: {  	_ =	shalt  }
0x7f: {  	_ =	shalt  }
0x80: {  	_ =	shalt  }
0x81: {  	_ =	shalt  }
0x82: {  	_ =	shalt  }
0x83: {  	_ =	shalt  }
0x84: {  	_ =	shalt  }
0x85: {  	_ =	shalt  }
0x86: {  	_ =	shalt  }
0x87: {  	_ =	shalt  }
.Lfunc_end0:
.L_simem_size_0:
called_computation.2_lowered:
.L_overlay_start_0:
0x88: {  	s2 =	sld [smem:$0x3FD9]  }
0x89: {  	s3 =	sld [smem:$0x3FFE];
	_ =	sdelay $0x1  }
0x8a: {  	s1 =	srdreg.scid  }
0x8b: {  	s0 =	sand.u32 $0x1, s1  }
0x8c: {  	s16 =	sshll.u32 s0, $0xA;
	s2 =	sadd.s32 s3, s2  }
0x8d: {  	s2 =	sadd.s32 s2, s16  }
0x8e: {  	[smem:$0x3FC3] =	sst s2  }
0x8f: {  	_ = 	snop  }
0x90: {  	(tm) =	ssettm $0x1  }
0x91: {  	s17 =	sld [smem:$0x3FFB];
	_ =	sdelay $0x3  }
0x92: {  	_ =	strace s17  }
0x93: {  	s2 =	sld [smem:$0x3FFC];
	_ =	sdelay $0x3  }
0x94: {  	_ =	strace s2  }
0x95: {  	s2 =	sld [smem:$0x3FFD];
	_ =	sdelay $0x3  }
0x96: {  	_ =	strace s2  }
0x97: {  	_ =	strace $0x8FFFFFFF  }
0x98: {  	s18 =	sld [smem:$0x3FDB];
	_ =	sdelay $0x1  }
0x99: {  	s19 =	simm.s32 $_scs_section_size  }
0x9a: {  	s4 =	simm.s32 $_size__tile_overlayer_lowered;
	s5 =	simm.s32 $_tile_overlayer_lowered  }
0x9b: {  	s22 =	simm.s32 $0x1BFF;
	s21 =	sshll.u32 s5, $0x1;
	s2 =	sadd.s32 s19, s18  }
0x9c: {  	s6 =	simm.s32 $0x0;
	s20 =	sshll.u32 s4, $0x1;
	s4 =	sadd.s32 s21, s2  }
0x9d: {  	[timem:s6], [sflag:s22] =	dma.local [hbm:s4], s20  }
0x9e: {  	_ =	swait.ge [sflag:s22], s20  }
0x9f: {  	s3 =	ssub.s32 $0x0, s20;
	[sflag:s22] =	ssyncset.done $0x0  }
0xa0: {  	[sflag:s22] =	ssyncadd.s32 s3;
	_ =	sdelay $0x1  }
0xa1: {  	s23 =	simm.s32 $0x1B8B  }
0xa2: {  	_ =	swait.ge [sflag:s23], $0x1  }
0xa3: {  	[sflag:s23] =	ssyncset.done $0x0  }
0xa4: {  	s25 =	simm.s32 $0x1B8E;
	s24 =	sld [smem:$0x3FFE];
	[sflag:s23] =	ssyncadd.s32 $0xFFFFFFFF  }
0xa5: {  	s26 =	simm.s32 $execute0_lowered;
	[smem:$0x3FD2] =	sst s25  }
0xa6: {  	s4 =	sshll.u32 s26, $0x1;
	_ =	strace $0x8000004C;
	[dreg:$0x1] =	wrdreg $0xFFFFFFFF  }
0xa7: {  	s28 =	simm.s32 $_size_execute0_lowered;
	s2 =	sadd.s32 s2, s4;
	[dreg:$0x0] =	wrdreg $0x0  }
0xa8: {  	s4 =	sshll.u32 s28, $0x1;
	[dreg:$0x2] =	wrdreg s2  }
0xa9: {  	[dreg:$0x3] =	wrdreg s4  }
0xaa: {  	[dreg:$0x4] =	wrdreg $0xC0  }
0xab: {  	_ =	task [dreg:s6], $0x5FFFF  }
0xac: {  	[dreg:$0x1] =	wrdreg $0xFFFFFFFF  }
0xad: {  	[dreg:$0x0] =	wrdreg $0x60  }
0xae: {  	[dreg:$0x2] =	wrdreg s24  }
0xaf: {  	[dreg:$0x3] =	wrdreg $0x94000  }
0xb0: {  	[dreg:$0x4] =	wrdreg $0x9  }
0xb1: {  	_ =	task.clear_ibuf [dreg:s6], $0x5FFFF;
	_ =	strace $0x9000004C  }
0xb2: {  	s29 =	simm.s32 $0x9;
	_ =	strace $0x8000004E  }
0xb3: {  	_ =	swait.ge [sflag:s29], $0x1  }
0xb4: {  	[sflag:s29] =	ssyncadd.s32 $0xFFFFFFFF  }
0xb5: {  	_ =	strace $0x9000004E  }
0xb6: {  	_ =	sfence  }
0xb7: {  	s30 =	sld [smem:$0x0];
	_ =	sdelay $0x2  }
0xb8: {  	s31 =	sshll.u32 s1, $0xD;
	s1 =	sshrl.u32 s1, $0x2  }
0xb9: {  	s3 =	sand.u32 $0x4000, s31;
	s1 =	sadd.s32 s1, s30  }
0xba: {  	s0 =	sor.u32 s3, s0;
	s1 =	sshll.u32 s1, $0x11  }
0xbb: {  	s0 =	sor.u32 s1, s0  }
0xbc: {  	s0 =	sadd.s32 $0x8F2B, s0  }
0xbd: {  	[sflag:s0] =	ssyncadd.remote.s32 $0x1  }
0xbe: {  	_ =	sfence.sel $0xFFFF  }
0xbf: {  	[dreg:$0x0] =	wrdreg $0xFFFFFFFF;
	(pc) =	sbr.abs _section_cstart, $3  }
0xc0: {  	[dreg:$0x1] =	wrdreg $0xFFFFFFFF  }
0xc1: {  	_ =	task.clear_ibuf [dreg:s6], $0x2FFFF;
	_ =	strace $0x9FFFFFFF  }
0xc2: {  	(tm) =	ssettm $0x7FFFFFFF  }
0xc3: {  	_ =	shalt  }
tec
execute0_lowered:
.L_overlay_start_1:
0x0: {  	(tag) =	ssettag $0x1  }
0x1: {  	s6 =	rddreg [dreg:$0x0]  }
0x2: {  	s0 =	srdreg.scid;
	s2 =	rddreg [dreg:$0x1]  }
0x3: {  	s3 =	simm.s32 $0x0;
	s15 =	simm.s32 $0x3;
	s18 =	simm.s32 $0x1400  }
0x4: {  	s19 =	simm.s32 $0x1;
	s20 =	simm.s32 $0x5400;
	s21 =	simm.s32 $0x80  }
0x5: {  	s22 =	simm.s32 $0x2;
	s8 =	sand.u32 $0x1, s0;
	s0 =	stileid.u32  }
0x6: {  	s23 =	simm.s32 $0x1300;
	s24 =	simm.s32 $0x1380;
	s12 =	smul.u32 $0x14000, s0  }
0x7: {  	s25 =	simm.s32 $0x0;
	[smem:$0x7FF] =	sst s3;
	s9 =	smul.u32 $0x140000, s8  }
0x8: {  	s5 =	sadd.s32 $0x561600, s6;
	s1 =	sshll.u32 s8, $0x4;
	s11 =	smul.u32 $0x50000, s0  }
0x9: {  	s13 =	ssub.s32 $0x2, s8;
	p0 =	seq.s32 s8, $0x1;
	s16 =	sshll.u32 s0, $0x6  }
0xa: {  	s4 =	sor.u32 s0, s1;
	s1 =	rddreg [dreg:$0x2];
	_ =	strace $0x8000004D  }
0xb: {  	s29 =	sshrl.u32 s13, $0x1;
	s16 =	sor.u32 $0x1C03, s16;
	s7 =	smul.u32 $0x280, s4  }
0xc: {  	s4 =	sadd.s32 $0x7600, s6;
	s10 =	sshrl.u32 s12, $0x3;
	s9 =	sadd.s32 s12, s9  }
0xd: {  	s30 =	sshrl.u32 s11, $0x2;
	s31 =	ssub.s32 s13, s29;
	s10 =	sadd.s32 s10, s6  }
.Ltmp0:
0xe: {  	s9 =	sshrl.u32 s9, $0x3;
	s17 =	sadd.s32 s30, s2;
	(pc) =	sbr.rel .LBB2_1-.Ltmp0, $4  }
0xf: {  	s8 =	sadd.s32 s4, s12;
	s11 =	smax.u32 s31, $0x1;
	s7 =	sadd.s32 s7, s6  }
0x10: {  	s14 =	sadd.s32 s9, s6;
	s9 =	sadd.s32 s5, s12;
	s12 =	sadd.s32 $0x13800, s12  }
0x11: {  	s13 =	sadd.s32 $0x1000, s8;
	s6 =	sadd.s32 $0x2600, s7;
	s7 =	sadd.s32 $0x147600, s10  }
0x12: {  	s17 =	sshrl.u32 s17, $0x3;
	s10 =	sadd.s32 $0x16F600, s14;
	s14 =	sadd.s32 $0x1000, s9  }
.LBB2_7:
0x13: {  	[sflag:s15] =	ssyncadd.s32 $0xFFFFC000;
	s26 =	smov.u32 s5  }
.LBB2_8:
0x14: {  	_ =	swait.ge [sflag:s19], $0x4000  }
0x15: {  	[sflag:s19] =	ssyncset.done $0x0  }
0x16: {  	s26 =	sadd.s32 s26, s12;
	[sflag:s19] =	ssyncadd.s32 $0xFFFFC000  }
0x17: {  	[tilespmem:s20], [sflag:$0x2] =	stream.linear.gather [hbm4b:s26+s3], $0x4000, $0x38;
	[tilespmem:$0x1D400] =	vst v63  }
0x18: {  	_ = 	snop  }
0x19: {  	[spmem:s2] =	stream.indirect.scatter.add.f32 [tilespmem:s18], [sflag:$0x3], $0x80, s23, s21, $0xb8;
	[tilespmem:$0x1D400] =	vst v63  }
0x1a: {  	_ =	swait.ge [sflag:s15], $0x4000  }
0x1b: {  	[sflag:s15] =	ssyncset.done $0x0  }
0x1c: {  	[sflag:s15] =	ssyncadd.s32 $0xFFFFC000  }
0x1d: {  	_ =	swait.ge [sflag:s22], $0x4000  }
0x1e: {  	[sflag:s22] =	ssyncset.done $0x0  }
0x1f: {  	[sflag:s22] =	ssyncadd.s32 $0xFFFFC000  }
0x20: {  	[spmem:s2] =	stream.indirect.scatter.add.f32 [tilespmem:s20], [sflag:$0x3], $0x80, s24, s21, $0xb8;
	[tilespmem:$0x1D400] =	vst v63  }
0x21: {  	_ =	swait.ge [sflag:s15], $0x4000  }
0x22: {  	s25 =	sadd.s32 $0x1, s25;
	[sflag:s15] =	ssyncset.done $0x0  }
0x23: {  	p1 =	sne.s32 s25, s11;
	[sflag:s15] =	ssyncadd.s32 $0xFFFFC000  }
.Ltmp1:
0x24: {  	[bflag:$0x0] =	sbarrier.arrive $0xFFFF;
	(pc) =	sbr.rel @!p1 .LBB2_9-.Ltmp1, $4  }
0x25: {  	[hbm:s10], [sflag:s16] =	dma.local [spmem:s17], $0x2800  }
0x26: {  	_ =	swait.ge [sflag:s15], $0x2800  }
0x27: {  	[sflag:s15] =	ssyncset.done $0x0  }
0x28: {  	[sflag:s15] =	ssyncadd.s32 $0xFFFFD800  }
.LBB2_1:
0x29: {  	[tilespmem:s3], [sflag:$0x3] =	stream.linear.gather [hbm4b:s6+s3], $0x1400, $0x38;
	[tilespmem:$0x1D400] =	vst v63  }
0x2a: {  	_ =	swait.ge [sflag:s15], $0x1400  }
0x2b: {  	[sflag:s15] =	ssyncset.done $0x0  }
0x2c: {  	[sflag:s15] =	ssyncadd.s32 $0xFFFFEC00  }
0x2d: {  	[spmem:s17], [sflag:s16] =	dma.local [hbm:s7], $0x2800  }
.Ltmp2:
0x2e: {  	_ =	swait.ge [sflag:s15], $0x2800;
	(pc) =	sbr.rel @!p0 .LBB2_2-.Ltmp2, $4  }
0x2f: {  	[sflag:s15] =	ssyncset.done $0x0  }
0x30: {  	[sflag:s15] =	ssyncadd.s32 $0xFFFFD800  }
0x31: {  	[bflag:$0x0] =	sbarrier.arrive $0xFFFF  }
0x32: {  	s26 =	simm.s32 $0x0  }
0x33: {  	[tilespmem:s18], [sflag:$0x1] =	stream.linear.gather [hbm4b:s9+s26], $0x4000, $0x38;
	[tilespmem:$0x1D400] =	vst v63  }
0x34: {  	_ =	swait.ge [sflag:s19], $0x4000  }
0x35: {  	[sflag:s19] =	ssyncset.done $0x0  }
0x36: {  	s29 =	sadd.s32 $0xFFFFF800, s14;
	[sflag:s19] =	ssyncadd.s32 $0xFFFFC000  }
0x37: {  	[tilespmem:s20], [sflag:$0x2] =	stream.linear.gather [hbm4b:s29+s3], $0x4000, $0x38;
	[tilespmem:$0x1D400] =	vst v63  }
0x38: {  	s30 =	simm.s32 $0x0  }
0x39: {  	[spmem:s2] =	stream.indirect.scatter.add.f32 [tilespmem:s18], [sflag:$0x3], $0x80, s30, s21, $0xb8;
	[tilespmem:$0x1D400] =	vst v63  }
0x3a: {  	_ =	swait.ge [sflag:s15], $0x4000  }
0x3b: {  	[sflag:s15] =	ssyncset.done $0x0  }
0x3c: {  	[sflag:s15] =	ssyncadd.s32 $0xFFFFC000  }
0x3d: {  	_ =	swait.ge [sflag:s22], $0x4000  }
0x3e: {  	[sflag:s22] =	ssyncset.done $0x0  }
0x3f: {  	[sflag:s22] =	ssyncadd.s32 $0xFFFFC000  }
0x40: {  	[tilespmem:s18], [sflag:$0x1] =	stream.linear.gather [hbm4b:s14+s3], $0x4000, $0x38;
	[tilespmem:$0x1D400] =	vst v63  }
0x41: {  	s31 =	simm.s32 $0x80  }
0x42: {  	[spmem:s2] =	stream.indirect.scatter.add.f32 [tilespmem:s20], [sflag:$0x3], $0x80, s31, s21, $0xb8;
	[tilespmem:$0x1D400] =	vst v63  }
0x43: {  	_ =	swait.ge [sflag:s15], $0x4000  }
0x44: {  	s26 =	simm.s32 $0x400;
	s28 =	smov.u32 s14;
	[sflag:s15] =	ssyncset.done $0x0  }
.LBB2_6:
0x45: {  	p1 =	sne.s32 s26, $0x4800;
	[sflag:s15] =	ssyncadd.s32 $0xFFFFC000;
	s28 =	sadd.s32 $0x1000, s28  }
0x46: {  	s29 =	smov.u32 s26;
	s26 =	sadd.s32 $0x400, s26  }
0x47: {  	_ =	swait.ge [sflag:s19], $0x4000  }
0x48: {  	[sflag:s19] =	ssyncset.done $0x0  }
0x49: {  	s30 =	sadd.s32 $0xFFFFF800, s28;
	[sflag:s19] =	ssyncadd.s32 $0xFFFFC000  }
0x4a: {  	[tilespmem:s20], [sflag:$0x2] =	stream.linear.gather [hbm4b:s30+s3], $0x4000, $0x38;
	[tilespmem:$0x1D400] =	vst v63  }
0x4b: {  	s29 =	sshra.s32 s29, $0x2  }
0x4c: {  	[spmem:s2] =	stream.indirect.scatter.add.f32 [tilespmem:s18], [sflag:$0x3], $0x80, s29, s21, $0xb8;
	[tilespmem:$0x1D400] =	vst v63  }
0x4d: {  	_ =	swait.ge [sflag:s15], $0x4000  }
0x4e: {  	[sflag:s15] =	ssyncset.done $0x0  }
0x4f: {  	[sflag:s15] =	ssyncadd.s32 $0xFFFFC000  }
0x50: {  	_ =	swait.ge [sflag:s22], $0x4000  }
0x51: {  	[sflag:s22] =	ssyncset.done $0x0  }
0x52: {  	[sflag:s22] =	ssyncadd.s32 $0xFFFFC000  }
0x53: {  	[tilespmem:s18], [sflag:$0x1] =	stream.linear.gather [hbm4b:s28+s3], $0x4000, $0x38;
	[tilespmem:$0x1D400] =	vst v63  }
.Ltmp3:
0x54: {  	_ = 	snop;
	(pc) =	sbr.rel @p1 .LBB2_6-.Ltmp3, $4  }
0x55: {  	s29 =	sadd.s32 $0x80, s29  }
0x56: {  	[spmem:s2] =	stream.indirect.scatter.add.f32 [tilespmem:s20], [sflag:$0x3], $0x80, s29, s21, $0xb8;
	[tilespmem:$0x1D400] =	vst v63  }
0x57: {  	_ =	swait.ge [sflag:s15], $0x4000  }
0x58: {  	[sflag:s15] =	ssyncset.done $0x0  }
.Ltmp4:
0x59: {  	_ = 	snop;
	(pc) =	sbr.rel .LBB2_7-.Ltmp4, $1  }
0x5a: {  	_ =	sdelay $0x3  }
.LBB2_2:
0x5b: {  	[tilespmem:s18], [sflag:$0x1] =	stream.linear.gather [hbm4b:s8+s26], $0x4000, $0x38;
	[tilespmem:$0x1D400] =	vst v63  }
0x5c: {  	_ =	swait.ge [sflag:s19], $0x4000  }
0x5d: {  	[sflag:s19] =	ssyncset.done $0x0  }
0x5e: {  	s29 =	sadd.s32 $0xFFFFF800, s13;
	[sflag:s19] =	ssyncadd.s32 $0xFFFFC000  }
0x5f: {  	[tilespmem:s20], [sflag:$0x2] =	stream.linear.gather [hbm4b:s29+s3], $0x4000, $0x38;
	[tilespmem:$0x1D400] =	vst v63  }
0x60: {  	s30 =	simm.s32 $0x0  }
0x61: {  	[spmem:s2] =	stream.indirect.scatter.add.f32 [tilespmem:s18], [sflag:$0x3], $0x80, s30, s21, $0xb8;
	[tilespmem:$0x1D400] =	vst v63  }
0x62: {  	_ =	swait.ge [sflag:s15], $0x4000  }
0x63: {  	[sflag:s15] =	ssyncset.done $0x0  }
0x64: {  	[sflag:s15] =	ssyncadd.s32 $0xFFFFC000  }
0x65: {  	_ =	swait.ge [sflag:s22], $0x4000  }
0x66: {  	[sflag:s22] =	ssyncset.done $0x0  }
0x67: {  	[sflag:s22] =	ssyncadd.s32 $0xFFFFC000  }
0x68: {  	[tilespmem:s18], [sflag:$0x1] =	stream.linear.gather [hbm4b:s13+s3], $0x4000, $0x38;
	[tilespmem:$0x1D400] =	vst v63  }
0x69: {  	s31 =	simm.s32 $0x80  }
0x6a: {  	[spmem:s2] =	stream.indirect.scatter.add.f32 [tilespmem:s20], [sflag:$0x3], $0x80, s31, s21, $0xb8;
	[tilespmem:$0x1D400] =	vst v63  }
0x6b: {  	_ =	swait.ge [sflag:s15], $0x4000  }
0x6c: {  	s26 =	simm.s32 $0x400;
	s28 =	smov.u32 s13;
	[sflag:s15] =	ssyncset.done $0x0  }
.LBB2_3:
0x6d: {  	p1 =	seq.s32 s26, $0x4800;
	[sflag:s15] =	ssyncadd.s32 $0xFFFFC000;
	s28 =	sadd.s32 $0x1000, s28  }
0x6e: {  	s29 =	smov.u32 s26;
	s26 =	sadd.s32 $0x400, s26  }
0x6f: {  	_ =	swait.ge [sflag:s19], $0x4000  }
0x70: {  	[sflag:s19] =	ssyncset.done $0x0  }
0x71: {  	s30 =	sadd.s32 $0xFFFFF800, s28;
	[sflag:s19] =	ssyncadd.s32 $0xFFFFC000  }
0x72: {  	[tilespmem:s20], [sflag:$0x2] =	stream.linear.gather [hbm4b:s30+s3], $0x4000, $0x38;
	[tilespmem:$0x1D400] =	vst v63  }
0x73: {  	s29 =	sshra.s32 s29, $0x2  }
0x74: {  	[spmem:s2] =	stream.indirect.scatter.add.f32 [tilespmem:s18], [sflag:$0x3], $0x80, s29, s21, $0xb8;
	[tilespmem:$0x1D400] =	vst v63  }
0x75: {  	_ =	swait.ge [sflag:s15], $0x4000  }
0x76: {  	[sflag:s15] =	ssyncset.done $0x0  }
0x77: {  	[sflag:s15] =	ssyncadd.s32 $0xFFFFC000  }
0x78: {  	_ =	swait.ge [sflag:s22], $0x4000  }
0x79: {  	[sflag:s22] =	ssyncset.done $0x0  }
0x7a: {  	[sflag:s22] =	ssyncadd.s32 $0xFFFFC000  }
0x7b: {  	[tilespmem:s18], [sflag:$0x1] =	stream.linear.gather [hbm4b:s28+s3], $0x4000, $0x38;
	[tilespmem:$0x1D400] =	vst v63  }
.Ltmp5:
0x7c: {  	_ = 	snop;
	(pc) =	sbr.rel @!p1 .LBB2_3-.Ltmp5, $4  }
0x7d: {  	s29 =	sadd.s32 $0x80, s29  }
0x7e: {  	[spmem:s2] =	stream.indirect.scatter.add.f32 [tilespmem:s20], [sflag:$0x3], $0x80, s29, s21, $0xb8;
	[tilespmem:$0x1D400] =	vst v63  }
0x7f: {  	_ =	swait.ge [sflag:s15], $0x4000  }
0x80: {  	[sflag:s15] =	ssyncset.done $0x0  }
.Ltmp6:
0x81: {  	(pc) =	sbr.rel .LBB2_8-.Ltmp6, $2  }
0x82: {  	_ =	sdelay $0x2  }
0x83: {  	[sflag:s15] =	ssyncadd.s32 $0xFFFFC000;
	s26 =	smov.u32 s4  }
.LBB2_9:
0x84: {  	_ =	sfence.sel $0x180000  }
0x85: {  	[bflag:$0x0] =	sbarrier.arrive $0xFFFF  }
0x86: {  	p0 =	sne.s32 s0, $0x0;
	_ =	strace $0x9000004D  }
0x87: {  	s0 =	sadd.s32 @!p0 $0x100000, s1;
	[bflag:$0x2] =	sbarrier.arrive $0xFFFF  }
0x88: {  	[sflag:s0] =	ssyncadd.tile.s32 @!p0 $0x1;
	_ =	shalt  }
.Lfunc_end2:
_tile_overlayer_lowered:
.L_overlay_start_2:
0x89: {  	(tag) =	ssettag $0x2  }
0x8a: {  	s0 =	rddreg [dreg:$0x0];
	s2 =	stileid.u32  }
0x8b: {  	s1 =	rddreg [dreg:$0x1];
	p0 =	sne.s32 s2, $0x0  }
0x8c: {  	s3 =	rddreg [dreg:$0x2];
	[bflag:$0x3] =	sbarrier.arrive $0xFFFF;
	s2 =	simm.s32 @!p0 $0x1C03  }
0x8d: {  	[timem:s3], [sflag:s2] =	dma.local @!p0 [hbm:s0], s1  }
0x8e: {  	s0 =	simm.s32 @!p0 $0x3  }
0x8f: {  	_ =	swait.ge @!p0 [sflag:s0], s1  }
0x90: {  	s1 =	ssub.s32 @!p0 $0x0, s1;
	[sflag:s0] =	ssyncset.done @!p0 $0x0  }
0x91: {  	[sflag:s0] =	ssyncadd.s32 @!p0 s1  }
0x92: {  	[bflag:$0x3] =	sbarrier.arrive $0xFFFF  }
0x93: {  	_ =	shalt  }

// kernel: kernel.9.cloned.1.call-start
scs
__scs_entry_jumppad:
0x0: {  	(pc) =	sbr.rel $0x88, $3  }
0x1: {  	(tag) =	ssettag $0x0;
	lr =	simm.s32 $0x1  }
0x2: {  	[smem:$0x3F9C] =	sst lr;
	_ =	strace $0xD0000000  }
0x3: {  	_ = 	snop  }
0x4: {  	_ = 	snop  }
0x5: {  	_ = 	snop  }
0x6: {  	_ = 	snop  }
0x7: {  	_ = 	snop  }
__scs_overlays_trampoline_lowered:
0x8: {  	[smem:$0x3FAB] =	sst s0  }
0x9: {  	[smem:$0x3FAC] =	sst s1  }
0xa: {  	[smem:$0x3FAD] =	sst s2  }
0xb: {  	[smem:$0x3FAE] =	sst s3  }
0xc: {  	[smem:$0x3FAF] =	sst s4  }
0xd: {  	[smem:$0x3FB0] =	sst s5  }
0xe: {  	[smem:$0x3FB1] =	sst s6  }
0xf: {  	[smem:$0x3FB2] =	sst s7  }
0x10: {  	[smem:$0x3FB3] =	sst s8  }
0x11: {  	[smem:$0x3FB4] =	sst s9;
	s0 =	simm.s32 @!p0 $0x0  }
0x12: {  	s1 =	sld [smem:$0x3F9A];
	s0 =	simm.s32 @p0 $0x1  }
0x13: {  	[smem:$0x3FB5] =	sst s0;
	s0 =	simm.s32 @!p1 $0x0  }
0x14: {  	s2 =	sld [smem:$0x3F99];
	s0 =	simm.s32 @p1 $0x1  }
0x15: {  	[smem:$0x3FB6] =	sst s0;
	s0 =	simm.s32 @!p2 $0x0  }
0x16: {  	s3 =	sld [smem:$0x3FDB];
	s0 =	simm.s32 @p2 $0x1  }
0x17: {  	s4 =	simm.s32 $0x1BF5;
	[smem:$0x3FB8] =	sst s0  }
0x18: {  	s0 =	sld [smem:$0x3F9B];
	_ =	swait.ge [sflag:s4], $0x0  }
0x19: {  	s7 =	sld [smem:$0x3F9C]  }
0x1a: {  	s8 =	sadd.s32 $0xFFFFE003, lr  }
0x1b: {  	s9 =	sadd.s32 $0xFFFFFEF7, lr;
	s5 =	simm.s32 $0xFFFFFFFF;
	p2 =	slt.u32 s8, $0xFFFFF086  }
0x1c: {  	p1 =	slt.u32 s9, $0xF7A;
	s5 =	simm.s32 @!p2 $0x0  }
0x1d: {  	s5 =	simm.s32 @p1 $0x1;
	p0 =	seq.s32 s7, s2  }
0x1e: {  	s7 =	smul.u32 @!p0 $0xF7A, s2;
	p2 =	seq.s32 @!p0 s5, $0x0  }
0x1f: {  	s9 =	smul.u32 $0xF7A, s1;
	s8 =	simm.s32 @!p0 $0x1BF5;
	p2 =	por !p2, p0  }
0x20: {  	[sflag:s8] =	ssyncset.s32 @!p0 $0xFFFFF086;
	s6 =	sadd.s32 @!p0 s3, s7;
	s7 =	simm.s32 @!p0 $0x108  }
0x21: {  	s3 =	sadd.s32 s3, s9;
	s6 =	sadd.s32 @!p0 $0x88, s6;
	s7 =	simm.s32 @p2 $0x1082  }
0x22: {  	[simem:s7], [sflag:s8] =	dma.local @!p0 [hbm:s6], $0xF7A  }
0x23: {  	s9 =	sor.u32 $0xD0000000, s2;
	s6 =	simm.s32 $0x108;
	_ =	swait.ge @!p0 [sflag:s8], $0x0  }
0x24: {  	s3 =	sadd.s32 $0x88, s3;
	s6 =	simm.s32 @!p1 $0x1082;
	[sflag:s4] =	ssyncset.s32 $0xFFFFF086  }
0x25: {  	[simem:s6], [sflag:s4] =	dma.local [hbm:s3], $0xF7A  }
0x26: {  	[smem:$0x3F9C] =	sst s1;
	(tag) =	ssettag s2;
	_ =	strace s9  }
0x27: {  	s1 =	sld [smem:$0x3FAC]  }
0x28: {  	s2 =	sld [smem:$0x3FAD]  }
0x29: {  	s4 =	sld [smem:$0x3FAF]  }
0x2a: {  	p0 =	seq.s32 s5, $0x0;
	s5 =	sld [smem:$0x3FB0]  }
0x2b: {  	s6 =	sld [smem:$0x3FB1]  }
0x2c: {  	s7 =	sld [smem:$0x3FB2]  }
0x2d: {  	s3 =	simm.s32 $0x108;
	s8 =	sld [smem:$0x3FB3]  }
0x2e: {  	s3 =	simm.s32 @!p0 $0x1082;
	s9 =	sld [smem:$0x3FB4]  }
0x2f: {  	lr =	sadd.s32 s0, s3;
	s0 =	sld [smem:$0x3FAB]  }
0x30: {  	s3 =	sld [smem:$0x3FAE]  }
0x31: {  	[smem:$0x3FB7] =	sst s10  }
0x32: {  	s10 =	sld [smem:$0x3FB5];
	_ =	sdelay $0x3  }
0x33: {  	p0 =	seq.s32 s10, $0x1;
	s10 =	sld [smem:$0x3FB7];
	_ =	sdelay $0x3  }
0x34: {  	[smem:$0x3FB7] =	sst s10  }
0x35: {  	s10 =	sld [smem:$0x3FB6];
	_ =	sdelay $0x3  }
0x36: {  	p1 =	seq.s32 s10, $0x1;
	s10 =	sld [smem:$0x3FB7];
	_ =	sdelay $0x3  }
0x37: {  	[smem:$0x3FB7] =	sst s10  }
0x38: {  	s10 =	sld [smem:$0x3FB8]  }
0x39: {  	_ = 	snop;
	(pc) =	sbr.ind lr, $3  }
0x3a: {  	_ = 	snop  }
0x3b: {  	_ = 	snop  }
0x3c: {  	p2 =	seq.s32 s10, $0x1;
	s10 =	sld [smem:$0x3FB7]  }
0x3d: {  	_ =	shalt  }
0x3e: {  	_ =	shalt  }
0x3f: {  	_ =	shalt  }
0x40: {  	_ =	shalt  }
0x41: {  	_ =	shalt  }
0x42: {  	_ =	shalt  }
0x43: {  	_ =	shalt  }
0x44: {  	_ =	shalt  }
0x45: {  	_ =	shalt  }
0x46: {  	_ =	shalt  }
0x47: {  	_ =	shalt  }
0x48: {  	_ =	shalt  }
0x49: {  	_ =	shalt  }
0x4a: {  	_ =	shalt  }
0x4b: {  	_ =	shalt  }
0x4c: {  	_ =	shalt  }
0x4d: {  	_ =	shalt  }
0x4e: {  	_ =	shalt  }
0x4f: {  	_ =	shalt  }
0x50: {  	_ =	shalt  }
0x51: {  	_ =	shalt  }
0x52: {  	_ =	shalt  }
0x53: {  	_ =	shalt  }
0x54: {  	_ =	shalt  }
0x55: {  	_ =	shalt  }
0x56: {  	_ =	shalt  }
0x57: {  	_ =	shalt  }
0x58: {  	_ =	shalt  }
0x59: {  	_ =	shalt  }
0x5a: {  	_ =	shalt  }
0x5b: {  	_ =	shalt  }
0x5c: {  	_ =	shalt  }
0x5d: {  	_ =	shalt  }
0x5e: {  	_ =	shalt  }
0x5f: {  	_ =	shalt  }
0x60: {  	_ =	shalt  }
0x61: {  	_ =	shalt  }
0x62: {  	_ =	shalt  }
0x63: {  	_ =	shalt  }
0x64: {  	_ =	shalt  }
0x65: {  	_ =	shalt  }
0x66: {  	_ =	shalt  }
0x67: {  	_ =	shalt  }
0x68: {  	_ =	shalt  }
0x69: {  	_ =	shalt  }
0x6a: {  	_ =	shalt  }
0x6b: {  	_ =	shalt  }
0x6c: {  	_ =	shalt  }
0x6d: {  	_ =	shalt  }
0x6e: {  	_ =	shalt  }
0x6f: {  	_ =	shalt  }
0x70: {  	_ =	shalt  }
0x71: {  	_ =	shalt  }
0x72: {  	_ =	shalt  }
0x73: {  	_ =	shalt  }
0x74: {  	_ =	shalt  }
0x75: {  	_ =	shalt  }
0x76: {  	_ =	shalt  }
0x77: {  	_ =	shalt  }
0x78: {  	_ =	shalt  }
0x79: {  	_ =	shalt  }
0x7a: {  	_ =	shalt  }
0x7b: {  	_ =	shalt  }
0x7c: {  	_ =	shalt  }
0x7d: {  	_ =	shalt  }
0x7e: {  	_ =	shalt  }
0x7f: {  	_ =	shalt  }
0x80: {  	_ =	shalt  }
0x81: {  	_ =	shalt  }
0x82: {  	_ =	shalt  }
0x83: {  	_ =	shalt  }
0x84: {  	_ =	shalt  }
0x85: {  	_ =	shalt  }
0x86: {  	_ =	shalt  }
0x87: {  	_ =	shalt  }
.Lfunc_end0:
.L_simem_size_0:
called_computation_lowered:
.L_overlay_start_0:
0x88: {  	s2 =	sld [smem:$0x3FD9]  }
0x89: {  	s3 =	sld [smem:$0x3FFE];
	_ =	sdelay $0x1  }
0x8a: {  	s1 =	srdreg.scid  }
0x8b: {  	s0 =	sand.u32 $0x1, s1  }
0x8c: {  	s17 =	sshll.u32 s0, $0xA;
	s2 =	sadd.s32 s3, s2  }
0x8d: {  	s2 =	sadd.s32 s2, s17  }
0x8e: {  	[smem:$0x3FC3] =	sst s2  }
0x8f: {  	_ = 	snop  }
0x90: {  	s18 =	sld [smem:$0x3FD0];
	(tm) =	ssettm $0x1  }
0x91: {  	s19 =	sld [smem:$0x3FFB];
	_ =	sdelay $0x3  }
0x92: {  	_ =	strace s19  }
0x93: {  	s2 =	sld [smem:$0x3FFC];
	_ =	sdelay $0x3  }
0x94: {  	_ =	strace s2  }
0x95: {  	s2 =	sld [smem:$0x3FFD];
	_ =	sdelay $0x3  }
0x96: {  	_ =	strace s2  }
0x97: {  	_ =	strace $0x8FFFFFFF  }
0x98: {  	s20 =	sld [smem:$0x3FDB];
	_ =	sdelay $0x1  }
0x99: {  	s4 =	simm.s32 $_scs_section_size  }
0x9a: {  	s5 =	simm.s32 $_size__tile_overlayer_lowered;
	s6 =	simm.s32 $_tile_overlayer_lowered  }
0x9b: {  	s7 =	simm.s32 $0x1BFF;
	s21 =	sshll.u32 s6, $0x1;
	s4 =	sadd.s32 s4, s20  }
0x9c: {  	s22 =	simm.s32 $0x0;
	s5 =	sshll.u32 s5, $0x1;
	s6 =	sadd.s32 s21, s4  }
0x9d: {  	[timem:s22], [sflag:s7] =	dma.local [hbm:s6], s5  }
0x9e: {  	_ =	swait.ge [sflag:s7], s5  }
0x9f: {  	s5 =	ssub.s32 $0x0, s5;
	[sflag:s7] =	ssyncset.done $0x0  }
0xa0: {  	[sflag:s7] =	ssyncadd.s32 s5;
	_ =	sdelay $0x1  }
0xa1: {  	s23 =	simm.s32 $0x1B8B  }
0xa2: {  	_ =	swait.ge [sflag:s23], $0x1  }
0xa3: {  	[sflag:s23] =	ssyncset.done $0x0  }
0xa4: {  	[sflag:s23] =	ssyncadd.s32 $0xFFFFFFFF  }
0xa5: {  	s5 =	sld [smem:$0x0]  }
0xa6: {  	s6 =	sand.u32 $0xFFFFFFFE, s1  }
0xa7: {  	p0 =	sne.s32 s1, s6  }
0xa8: {  	s6 =	sshll.u32 @p0 s6, $0xE  }
0xa9: {  	s6 =	sadd.s32 @p0 $0x11B8D, s6;
	s7 =	sshll.u32 @p0 s5, $0x11  }
0xaa: {  	s6 =	sor.u32 @p0 s7, s6  }
0xab: {  	[sflag:s6] =	ssyncadd.remote.s32 @p0 $0x1;
	_ =	sdelay $0x1  }
0xac: {  	s6 =	simm.s32 @p0 $0x1B8D  }
0xad: {  	_ =	swait.eq @p0 [sflag:s6], $0x1  }
0xae: {  	[sflag:s6] =	ssyncadd.s32 @p0 $0xFFFFFFFF  }
0xaf: {  	s7 =	sshll.u32 @!p0 s1, $0xE  }
0xb0: {  	s7 =	sor.u32 @!p0 $0x4000, s7;
	s6 =	simm.s32 @!p0 $0x1B8D  }
0xb1: {  	s5 =	sshll.u32 @!p0 s5, $0x11;
	s7 =	sadd.s32 @!p0 $0x11B8D, s7;
	_ =	swait.eq @!p0 [sflag:s6], $0x1  }
0xb2: {  	s5 =	sor.u32 @!p0 s5, s7;
	[sflag:s6] =	ssyncadd.s32 @!p0 $0xFFFFFFFF  }
0xb3: {  	s25 =	simm.s32 $0x1B8E;
	s24 =	sld [smem:$0x3FFE];
	[sflag:s5] =	ssyncadd.remote.s32 @!p0 $0x1  }
0xb4: {  	s26 =	simm.s32 $execute0_lowered;
	[smem:$0x3FD2] =	sst s25  }
0xb5: {  	s6 =	sshll.u32 s26, $0x1;
	_ =	strace $0x80000049;
	[dreg:$0x1] =	wrdreg $0xFFFFFFFF  }
0xb6: {  	s28 =	simm.s32 $_size_execute0_lowered;
	s4 =	sadd.s32 s4, s6;
	[dreg:$0x0] =	wrdreg $0x0  }
0xb7: {  	s6 =	sshll.u32 s28, $0x1;
	[dreg:$0x2] =	wrdreg s4  }
0xb8: {  	[dreg:$0x3] =	wrdreg s6  }
0xb9: {  	[dreg:$0x4] =	wrdreg $0xC0  }
0xba: {  	_ =	task [dreg:s22], $0x5FFFF  }
0xbb: {  	[dreg:$0x1] =	wrdreg $0xFFFFFFFF  }
0xbc: {  	[dreg:$0x0] =	wrdreg $0x60  }
0xbd: {  	[dreg:$0x2] =	wrdreg s18  }
0xbe: {  	[dreg:$0x3] =	wrdreg s24  }
0xbf: {  	[dreg:$0x4] =	wrdreg $0x9  }
0xc0: {  	_ =	task.clear_ibuf [dreg:s22], $0x5FFFF;
	_ =	strace $0x90000049  }
0xc1: {  	s29 =	simm.s32 $0x9;
	_ =	strace $0x8000004B  }
0xc2: {  	_ =	swait.ge [sflag:s29], $0x1  }
0xc3: {  	[sflag:s29] =	ssyncadd.s32 $0xFFFFFFFF  }
0xc4: {  	_ =	strace $0x9000004B  }
0xc5: {  	_ =	sfence  }
0xc6: {  	s30 =	sld [smem:$0x0];
	_ =	sdelay $0x2  }
0xc7: {  	s31 =	sshll.u32 s1, $0xD;
	s1 =	sshrl.u32 s1, $0x2  }
0xc8: {  	s4 =	sand.u32 $0x4000, s31;
	s1 =	sadd.s32 s1, s30  }
0xc9: {  	s0 =	sor.u32 s4, s0;
	s1 =	sshll.u32 s1, $0x11  }
0xca: {  	s0 =	sor.u32 s1, s0  }
0xcb: {  	s0 =	sadd.s32 $0x8F2B, s0  }
0xcc: {  	[sflag:s0] =	ssyncadd.remote.s32 $0x1  }
0xcd: {  	_ =	sfence.sel $0xFFFF  }
0xce: {  	[dreg:$0x0] =	wrdreg $0xFFFFFFFF;
	(pc) =	sbr.abs _section_cstart, $3  }
0xcf: {  	[dreg:$0x1] =	wrdreg $0xFFFFFFFF  }
0xd0: {  	_ =	task.clear_ibuf [dreg:s22], $0x2FFFF;
	_ =	strace $0x9FFFFFFF  }
0xd1: {  	(tm) =	ssettm $0x7FFFFFFF  }
tec
execute0_lowered:
.L_overlay_start_1:
0x0: {  	(tag) =	ssettag $0x1  }
0x1: {  	s0 =	rddreg [dreg:$0x0]  }
0x2: {  	s1 =	rddreg [dreg:$0x1];
	s3 =	srdreg.scid  }
0x3: {  	s2 =	simm.s32 $0x0;
	s5 =	stileid.u32;
	s12 =	simm.s32 $0x7  }
0x4: {  	s13 =	simm.s32 $0x60;
	s14 =	simm.s32 $0x2800;
	s15 =	simm.s32 $0x20  }
0x5: {  	s16 =	simm.s32 $0xB800;
	s18 =	simm.s32 $0x5800;
	s20 =	simm.s32 $0xC800  }
0x6: {  	s21 =	simm.s32 $0x1;
	s22 =	simm.s32 $0x2;
	s23 =	simm.s32 $0x4  }
0x7: {  	s24 =	simm.s32 $0x5;
	s25 =	simm.s32 $0x3;
	s26 =	simm.s32 $0x8800  }
0x8: {  	s28 =	simm.s32 $0xD800;
	s29 =	simm.s32 $0x0;
	s4 =	sand.u32 $0x1, s3  }
0x9: {  	[smem:$0x7FF] =	sst s2;
	s6 =	sadd.s32 $0x2E1600, s1;
	s3 =	sshll.u32 s4, $0x4  }
.Ltmp0:
0xa: {  	s7 =	sadd.s32 $0x421600, s1;
	s9 =	sor.u32 s5, s3;
	(pc) =	sbr.rel .LBB2_1-.Ltmp0, $4  }
0xb: {  	_ =	strace $0x8000004A;
	s8 =	ssub.s32 $0x2, s4;
	s10 =	smul.u32 $0x500, s9  }
0xc: {  	s4 =	sadd.s32 $0x11600, s1;
	s11 =	sshrl.u32 s8, $0x1;
	s5 =	smul.u32 $0x50000, s9  }
0xd: {  	s3 =	sadd.s32 $0x39600, s1;
	s31 =	ssub.s32 s8, s11;
	s9 =	smul.u32 $0xA00, s9  }
0xe: {  	s11 =	smax.u32 s31, $0x1;
	s8 =	sadd.s32 s0, s10;
	s10 =	sor.u32 $0x1000, s5  }
.LBB2_10:
0xf: {  	s29 =	sadd.s32 $0x1, s29  }
0x10: {  	_ =	swait.ge [sflag:s24], $0x1000;
	p0 =	sne.s32 s29, s11  }
.Ltmp1:
0x11: {  	[sflag:s24] =	ssyncset.done $0x0;
	(pc) =	sbr.rel @!p0 .LBB2_11-.Ltmp1, $4  }
0x12: {  	[sflag:s24] =	ssyncadd.s32 $0xFFFFF000  }
0x13: {  	_ =	swait.ge [sflag:s24], $0x1000  }
0x14: {  	[sflag:s24] =	ssyncset.done $0x0  }
0x15: {  	[sflag:s24] =	ssyncadd.s32 $0xFFFFF000  }
.LBB2_1:
0x16: {  	[tilespmem:s2], [sflag:$0x7] =	stream.linear.gather [hbm4b:s8+s2], $0x2800, $0x38;
	[tilespmem:$0xE800] =	vst v63  }
0x17: {  	_ =	swait.ge [sflag:s12], $0x2800  }
0x18: {  	[sflag:s12] =	ssyncset.done $0x0  }
0x19: {  	[sflag:s12] =	ssyncadd.s32 $0xFFFFD800  }
0x1a: {  	[tilespmem:s14], [sflag:$0x1] =	stream.indirect.gather [hbm4b:s3+s13], $0x80, s2, s13, $0xb8;
	[tilespmem:$0xE800] =	vst v63  }
0x1b: {  	_ = 	snop  }
0x1c: {  	[tilespmem:s16], [sflag:$0x1] =	stream.indirect.gather [hbm4b:s4+s15], $0x80, s13, s15, $0xb8;
	[tilespmem:$0xE800] =	vst v63  }
0x1d: {  	s0 =	simm.s32 $0x80  }
0x1e: {  	[tilespmem:s18], [sflag:$0x2] =	stream.indirect.gather [hbm4b:s3+s13], $0x80, s0, s13, $0xb8;
	[tilespmem:$0xE800] =	vst v63  }
0x1f: {  	s31 =	simm.s32 $0xE0;
	s30 =	simm.s32 $0x0  }
0x20: {  	[tilespmem:s20], [sflag:$0x2] =	stream.indirect.gather [hbm4b:s4+s15], $0x80, s31, s15, $0xb8;
	[tilespmem:$0xE800] =	vst v63  }
.LBB2_2:
0x21: {  	_ =	swait.ge [sflag:s21], $0x3000  }
0x22: {  	[sflag:s21] =	ssyncset.done $0x0  }
0x23: {  	[sflag:s21] =	ssyncadd.s32 $0xFFFFD000  }
0x24: {  	_ =	swait.ge [sflag:s21], $0x1000  }
0x25: {  	[sflag:s21] =	ssyncset.done $0x0  }
0x26: {  	s0 =	simm.s32 $0xFFFFF000;
	[sflag:s21] =	ssyncadd.s32 $0xFFFFF000  }
0x27: {  	v5 =	vld [tilespmem:s0+$0x5800]  }
0x28: {  	v4 =	vld [tilespmem:s0+$0x5810]  }
0x29: {  	v3 =	vld [tilespmem:s0+$0x5820]  }
0x2a: {  	v2 =	vld [tilespmem:s0+$0x5830]  }
0x2b: {  	v1 =	vld [tilespmem:s0+$0x5840]  }
0x2c: {  	v0 =	vld [tilespmem:s0+$0x5850]  }
0x2d: {  	v12 =	vld [tilespmem:s0+$0x4800]  }
0x2e: {  	v17 =	vld [tilespmem:s0+$0x4810]  }
0x2f: {  	v11 =	vld [tilespmem:s0+$0x4820]  }
0x30: {  	v10 =	vld [tilespmem:s0+$0x4830]  }
0x31: {  	v9 =	vld [tilespmem:s0+$0x4840]  }
0x32: {  	v8 =	vld [tilespmem:s0+$0x4850]  }
0x33: {  	v7 =	vld [tilespmem:s0+$0x4860]  }
0x34: {  	v6 =	vld [tilespmem:s0+$0x4870]  }
0x35: {  	v18 =	vld [tilespmem:s0+$0x3800]  }
0x36: {  	v19 =	vld [tilespmem:s0+$0x3810]  }
0x37: {  	v16 =	vld [tilespmem:s0+$0x3820]  }
0x38: {  	v15 =	vld [tilespmem:s0+$0x3830]  }
0x39: {  	v14 =	vld [tilespmem:s0+$0x3840]  }
0x3a: {  	v13 =	vld [tilespmem:s0+$0x3850];
	v18 =	vadd.f32 v12, v18  }
0x3b: {  	s1 =	simm.s32 $0xFFFFC200;
	v17 =	vadd.f32 v17, v19;
	v12 =	vld [tilespmem:s0+$0x3860]  }
.LBB2_3:
0x3c: {  	p0 =	sne.s32 s1, $0xFFFFFE00;
	v5 =	vadd.f32 v5, v18;
	v11 =	vadd.f32 v11, v16;
	v16 =	vld [tilespmem:s0+$0x3870]  }
0x3d: {  	v4 =	vadd.f32 v4, v17;
	v10 =	vadd.f32 v10, v15;
	v15 =	vld [tilespmem:s0+$0x5860]  }
0x3e: {  	s17 =	sshra.s32 s1, $0x2;
	[tilespmem:s0+$0x3800] =	vst v5;
	v3 =	vadd.f32 v3, v11;
	v9 =	vadd.f32 v9, v14;
	v11 =	vld [tilespmem:s0+$0x5870]  }
0x3f: {  	v5 =	vld [tilespmem:s17+$0x5800];
	[tilespmem:s0+$0x3810] =	vst v4;
	v2 =	vadd.f32 v2, v10;
	v8 =	vadd.f32 v8, v13  }
0x40: {  	v4 =	vld [tilespmem:s17+$0x5810];
	[tilespmem:s0+$0x3820] =	vst v3;
	v1 =	vadd.f32 v1, v9;
	v7 =	vadd.f32 v7, v12  }
0x41: {  	v3 =	vld [tilespmem:s17+$0x5820];
	[tilespmem:s0+$0x3830] =	vst v2;
	v0 =	vadd.f32 v0, v8;
	v6 =	vadd.f32 v6, v16  }
0x42: {  	v2 =	vld [tilespmem:s17+$0x5830];
	[tilespmem:s0+$0x3840] =	vst v1;
	v7 =	vadd.f32 v15, v7  }
0x43: {  	v1 =	vld [tilespmem:s17+$0x5840];
	[tilespmem:s0+$0x3850] =	vst v0;
	v6 =	vadd.f32 v11, v6  }
0x44: {  	v0 =	vld [tilespmem:s17+$0x5850];
	[tilespmem:s0+$0x3860] =	vst v7  }
0x45: {  	v12 =	vld [tilespmem:s17+$0x4800];
	[tilespmem:s0+$0x3870] =	vst v6;
	s0 =	smov.u32 s17  }
0x46: {  	v17 =	vld [tilespmem:s0+$0x4810]  }
0x47: {  	v11 =	vld [tilespmem:s0+$0x4820]  }
0x48: {  	v10 =	vld [tilespmem:s0+$0x4830]  }
0x49: {  	v9 =	vld [tilespmem:s0+$0x4840]  }
0x4a: {  	v8 =	vld [tilespmem:s0+$0x4850]  }
0x4b: {  	v7 =	vld [tilespmem:s0+$0x4860]  }
0x4c: {  	v6 =	vld [tilespmem:s0+$0x4870]  }
0x4d: {  	v13 =	vld [tilespmem:s0+$0x3800]  }
0x4e: {  	v19 =	vld [tilespmem:s0+$0x3810]  }
.Ltmp2:
0x4f: {  	v16 =	vld [tilespmem:s0+$0x3820];
	(pc) =	sbr.rel @p0 .LBB2_3-.Ltmp2, $4  }
0x50: {  	v15 =	vld [tilespmem:s0+$0x3830]  }
0x51: {  	v14 =	vld [tilespmem:s0+$0x3840]  }
0x52: {  	v18 =	vadd.f32 v12, v13;
	v13 =	vld [tilespmem:s0+$0x3850]  }
0x53: {  	s1 =	sadd.s32 $0x200, s1;
	v17 =	vadd.f32 v17, v19;
	v12 =	vld [tilespmem:s0+$0x3860]  }
0x54: {  	v5 =	vadd.f32 v5, v18;
	v18 =	vld [tilespmem:s0+$0x3870];
	v11 =	vadd.f32 v11, v16  }
0x55: {  	v16 =	vld [tilespmem:s0+$0x5860];
	v4 =	vadd.f32 v4, v17;
	v10 =	vadd.f32 v10, v15  }
0x56: {  	[tilespmem:s0+$0x3800] =	vst v5;
	v3 =	vadd.f32 v3, v11;
	v5 =	vadd.f32 v9, v14;
	v9 =	vld [tilespmem:s0+$0x5870]  }
0x57: {  	[tilespmem:s0+$0x3810] =	vst v4;
	v2 =	vadd.f32 v2, v10;
	v4 =	vadd.f32 v8, v13  }
0x58: {  	[tilespmem:s0+$0x3820] =	vst v3;
	v1 =	vadd.f32 v1, v5;
	v3 =	vadd.f32 v7, v12  }
0x59: {  	s1 =	smul.u32 $0x60, s30;
	[tilespmem:s0+$0x3830] =	vst v2;
	v0 =	vadd.f32 v0, v4;
	v2 =	vadd.f32 v6, v18  }
0x5a: {  	[tilespmem:s0+$0x3840] =	vst v1;
	v1 =	vadd.f32 v16, v3  }
0x5b: {  	s1 =	sadd.s32 s9, s1;
	[tilespmem:s0+$0x3850] =	vst v0;
	v0 =	vadd.f32 v9, v2  }
0x5c: {  	s1 =	sshll.u32 s1, $0x4;
	[tilespmem:s0+$0x3860] =	vst v1  }
0x5d: {  	s17 =	smul.u32 $0x3, s30;
	s19 =	sadd.s32 s6, s1;
	[tilespmem:s0+$0x3870] =	vst v0  }
0x5e: {  	[hbm4b:s19+s2] =	stream.linear.scatter [tilespmem:s14], [sflag:$0x4], $0x1000, $0x38;
	[tilespmem:$0xE800] =	vst v63  }
0x5f: {  	s19 =	sadd.s32 $0xFFFFFFFF, s17  }
0x60: {  	s1 =	sadd.s32 s7, s1;
	p1 =	sgt.u32 s19, $0x4F  }
0x61: {  	[hbm4b:s1+s2] =	stream.linear.scatter [tilespmem:s16], [sflag:$0x4], $0x1000, $0x38;
	[tilespmem:$0xE800] =	vst v63  }
0x62: {  	s1 =	simm.s32 @!p1 $0x6  }
0x63: {  	_ =	swait.ge @!p1 [sflag:s1], $0x1000  }
0x64: {  	[sflag:s1] =	ssyncset.done @!p1 $0x0  }
0x65: {  	p0 =	seq.s32 s30, $0x1A;
	s31 =	sadd.s32 $0x2, s17;
	[sflag:s1] =	ssyncadd.s32 @!p1 $0xFFFFF000  }
0x66: {  	s0 =	sshll.u32 @!p0 s31, $0x7;
	_ =	swait.ge @!p1 [sflag:s1], $0x1000  }
0x67: {  	s0 =	sand.u32 @!p0 $0x3FFFFF80, s0;
	[sflag:s1] =	ssyncset.done @!p1 $0x0  }
0x68: {  	s17 =	simm.s32 @!p0 $0x8800;
	[sflag:s1] =	ssyncadd.s32 @!p1 $0xFFFFF000;
	s1 =	simm.s32 @!p0 $0x60  }
0x69: {  	[tilespmem:s17], [sflag:$0x3] =	stream.indirect.gather @!p0 [hbm4b:s3+s1], $0x80, s0, s1, $0xb8;
	[tilespmem:$0xE800] =	vst v63  }
0x6a: {  	s0 =	sor.u32 @!p0 $0x60, s0;
	s1 =	simm.s32 @!p0 $0x20;
	s17 =	simm.s32 @!p0 $0xD800  }
0x6b: {  	[tilespmem:s17], [sflag:$0x3] =	stream.indirect.gather @!p0 [hbm4b:s4+s1], $0x80, s0, s1, $0xb8;
	[tilespmem:$0xE800] =	vst v63  }
0x6c: {  	_ =	swait.ge [sflag:s22], $0x3000  }
0x6d: {  	[sflag:s22] =	ssyncset.done $0x0  }
0x6e: {  	[sflag:s22] =	ssyncadd.s32 $0xFFFFD000  }
0x6f: {  	_ =	swait.ge [sflag:s22], $0x1000  }
0x70: {  	[sflag:s22] =	ssyncset.done $0x0  }
0x71: {  	s0 =	simm.s32 $0x0;
	[sflag:s22] =	ssyncadd.s32 $0xFFFFF000  }
0x72: {  	v5 =	vld [tilespmem:s0+$0x7800]  }
0x73: {  	v4 =	vld [tilespmem:s0+$0x7810]  }
0x74: {  	v3 =	vld [tilespmem:s0+$0x7820]  }
0x75: {  	v2 =	vld [tilespmem:s0+$0x7830]  }
0x76: {  	v1 =	vld [tilespmem:s0+$0x7840]  }
0x77: {  	v0 =	vld [tilespmem:s0+$0x7850]  }
0x78: {  	v12 =	vld [tilespmem:s0+$0x6800]  }
0x79: {  	v17 =	vld [tilespmem:s0+$0x6810]  }
0x7a: {  	v11 =	vld [tilespmem:s0+$0x6820]  }
0x7b: {  	v10 =	vld [tilespmem:s0+$0x6830]  }
0x7c: {  	v9 =	vld [tilespmem:s0+$0x6840]  }
0x7d: {  	v8 =	vld [tilespmem:s0+$0x6850]  }
0x7e: {  	v7 =	vld [tilespmem:s0+$0x6860]  }
0x7f: {  	v6 =	vld [tilespmem:s0+$0x6870]  }
0x80: {  	v18 =	vld [tilespmem:s0+$0x5800]  }
0x81: {  	v19 =	vld [tilespmem:s0+$0x5810]  }
0x82: {  	v16 =	vld [tilespmem:s0+$0x5820]  }
0x83: {  	v15 =	vld [tilespmem:s0+$0x5830]  }
0x84: {  	v14 =	vld [tilespmem:s0+$0x5840]  }
0x85: {  	v13 =	vld [tilespmem:s0+$0x5850];
	v18 =	vadd.f32 v12, v18  }
0x86: {  	s1 =	simm.s32 $0x200;
	v17 =	vadd.f32 v17, v19;
	v12 =	vld [tilespmem:s0+$0x5860]  }
.LBB2_5:
0x87: {  	p1 =	sne.s32 s1, $0x3E00;
	v5 =	vadd.f32 v5, v18;
	v11 =	vadd.f32 v11, v16;
	v16 =	vld [tilespmem:s0+$0x5870]  }
0x88: {  	v4 =	vadd.f32 v4, v17;
	v10 =	vadd.f32 v10, v15;
	v15 =	vld [tilespmem:s0+$0x7860]  }
0x89: {  	s17 =	sshra.s32 s1, $0x2;
	[tilespmem:s0+$0x5800] =	vst v5;
	v3 =	vadd.f32 v3, v11;
	v9 =	vadd.f32 v9, v14;
	v11 =	vld [tilespmem:s0+$0x7870]  }
0x8a: {  	v5 =	vld [tilespmem:s17+$0x7800];
	[tilespmem:s0+$0x5810] =	vst v4;
	v2 =	vadd.f32 v2, v10;
	v8 =	vadd.f32 v8, v13  }
0x8b: {  	v4 =	vld [tilespmem:s17+$0x7810];
	[tilespmem:s0+$0x5820] =	vst v3;
	v1 =	vadd.f32 v1, v9;
	v7 =	vadd.f32 v7, v12  }
0x8c: {  	v3 =	vld [tilespmem:s17+$0x7820];
	[tilespmem:s0+$0x5830] =	vst v2;
	v0 =	vadd.f32 v0, v8;
	v6 =	vadd.f32 v6, v16  }
0x8d: {  	v2 =	vld [tilespmem:s17+$0x7830];
	[tilespmem:s0+$0x5840] =	vst v1;
	v7 =	vadd.f32 v15, v7  }
0x8e: {  	v1 =	vld [tilespmem:s17+$0x7840];
	[tilespmem:s0+$0x5850] =	vst v0;
	v6 =	vadd.f32 v11, v6  }
0x8f: {  	v0 =	vld [tilespmem:s17+$0x7850];
	[tilespmem:s0+$0x5860] =	vst v7  }
0x90: {  	v12 =	vld [tilespmem:s17+$0x6800];
	[tilespmem:s0+$0x5870] =	vst v6;
	s0 =	smov.u32 s17  }
0x91: {  	v17 =	vld [tilespmem:s0+$0x6810]  }
0x92: {  	v11 =	vld [tilespmem:s0+$0x6820]  }
0x93: {  	v10 =	vld [tilespmem:s0+$0x6830]  }
0x94: {  	v9 =	vld [tilespmem:s0+$0x6840]  }
0x95: {  	v8 =	vld [tilespmem:s0+$0x6850]  }
0x96: {  	v7 =	vld [tilespmem:s0+$0x6860]  }
0x97: {  	v6 =	vld [tilespmem:s0+$0x6870]  }
0x98: {  	v13 =	vld [tilespmem:s0+$0x5800]  }
0x99: {  	v19 =	vld [tilespmem:s0+$0x5810]  }
.Ltmp3:
0x9a: {  	v16 =	vld [tilespmem:s0+$0x5820];
	(pc) =	sbr.rel @p1 .LBB2_5-.Ltmp3, $4  }
0x9b: {  	v15 =	vld [tilespmem:s0+$0x5830]  }
0x9c: {  	v14 =	vld [tilespmem:s0+$0x5840]  }
0x9d: {  	v18 =	vadd.f32 v12, v13;
	v13 =	vld [tilespmem:s0+$0x5850]  }
0x9e: {  	s1 =	sadd.s32 $0x200, s1;
	v17 =	vadd.f32 v17, v19;
	v12 =	vld [tilespmem:s0+$0x5860]  }
0x9f: {  	v5 =	vadd.f32 v5, v18;
	v55 =	vld [tilespmem:s0+$0x5870];
	v11 =	vadd.f32 v11, v16  }
0xa0: {  	v56 =	vld [tilespmem:s0+$0x7860];
	v4 =	vadd.f32 v4, v17;
	v10 =	vadd.f32 v10, v15  }
0xa1: {  	v58 =	vld [tilespmem:s0+$0x7870];
	[tilespmem:s0+$0x5800] =	vst v5;
	v3 =	vadd.f32 v3, v11;
	v57 =	vadd.f32 v9, v14  }
0xa2: {  	[tilespmem:s0+$0x5810] =	vst v4;
	v2 =	vadd.f32 v2, v10;
	v59 =	vadd.f32 v8, v13  }
0xa3: {  	[tilespmem:s0+$0x5820] =	vst v3;
	v1 =	vadd.f32 v1, v57;
	v60 =	vadd.f32 v7, v12  }
0xa4: {  	s1 =	smul.u32 $0x3000, s30;
	[tilespmem:s0+$0x5830] =	vst v2;
	v0 =	vadd.f32 v0, v59;
	v61 =	vadd.f32 v6, v55  }
0xa5: {  	[tilespmem:s0+$0x5840] =	vst v1;
	v62 =	vadd.f32 v56, v60  }
0xa6: {  	s1 =	sadd.s32 s1, s10;
	[tilespmem:s0+$0x5850] =	vst v0;
	v63 =	vadd.f32 v58, v61  }
0xa7: {  	s1 =	sshrl.u32 s1, $0x3;
	[tilespmem:s0+$0x5860] =	vst v62  }
0xa8: {  	s17 =	sadd.s32 s6, s1;
	[tilespmem:s0+$0x5870] =	vst v63  }
0xa9: {  	[hbm4b:s17+s2] =	stream.linear.scatter [tilespmem:s18], [sflag:$0x5], $0x1000, $0x38;
	[tilespmem:$0xE800] =	vst v63  }
0xaa: {  	s19 =	sadd.s32 s7, s1  }
0xab: {  	[hbm4b:s19+s2] =	stream.linear.scatter [tilespmem:s20], [sflag:$0x5], $0x1000, $0x38;
	[tilespmem:$0xE800] =	vst v63  }
0xac: {  	_ =	swait.ge [sflag:s23], $0x1000  }
.Ltmp4:
0xad: {  	[sflag:s23] =	ssyncset.done $0x0;
	(pc) =	sbr.rel @p0 .LBB2_10-.Ltmp4, $4  }
0xae: {  	[sflag:s23] =	ssyncadd.s32 $0xFFFFF000  }
0xaf: {  	_ =	swait.ge [sflag:s23], $0x1000  }
0xb0: {  	[sflag:s23] =	ssyncset.done $0x0  }
0xb1: {  	[sflag:s23] =	ssyncadd.s32 $0xFFFFF000  }
0xb2: {  	s0 =	smul.u32 $0x600, s30;
	_ =	sdelay $0x1  }
0xb3: {  	s0 =	sshra.s32 s0, $0x2  }
0xb4: {  	s1 =	sadd.s32 $0x180, s0  }
0xb5: {  	[tilespmem:s14], [sflag:$0x1] =	stream.indirect.gather [hbm4b:s3+s13], $0x80, s1, s13, $0xb8;
	[tilespmem:$0xE800] =	vst v63  }
0xb6: {  	s19 =	sadd.s32 $0x1E0, s0  }
0xb7: {  	[tilespmem:s16], [sflag:$0x1] =	stream.indirect.gather [hbm4b:s4+s15], $0x80, s19, s15, $0xb8;
	[tilespmem:$0xE800] =	vst v63  }
0xb8: {  	_ =	swait.ge [sflag:s25], $0x3000  }
0xb9: {  	[sflag:s25] =	ssyncset.done $0x0  }
0xba: {  	[sflag:s25] =	ssyncadd.s32 $0xFFFFD000  }
0xbb: {  	_ =	swait.ge [sflag:s25], $0x1000  }
0xbc: {  	[sflag:s25] =	ssyncset.done $0x0  }
0xbd: {  	s1 =	simm.s32 $0x0;
	[sflag:s25] =	ssyncadd.s32 $0xFFFFF000  }
0xbe: {  	v5 =	vld [tilespmem:s1+$0xA800]  }
0xbf: {  	v4 =	vld [tilespmem:s1+$0xA810]  }
0xc0: {  	v3 =	vld [tilespmem:s1+$0xA820]  }
0xc1: {  	v2 =	vld [tilespmem:s1+$0xA830]  }
0xc2: {  	v1 =	vld [tilespmem:s1+$0xA840]  }
0xc3: {  	v0 =	vld [tilespmem:s1+$0xA850]  }
0xc4: {  	v12 =	vld [tilespmem:s1+$0x9800]  }
0xc5: {  	v17 =	vld [tilespmem:s1+$0x9810]  }
0xc6: {  	v11 =	vld [tilespmem:s1+$0x9820]  }
0xc7: {  	v10 =	vld [tilespmem:s1+$0x9830]  }
0xc8: {  	v9 =	vld [tilespmem:s1+$0x9840]  }
0xc9: {  	v8 =	vld [tilespmem:s1+$0x9850]  }
0xca: {  	v7 =	vld [tilespmem:s1+$0x9860]  }
0xcb: {  	v6 =	vld [tilespmem:s1+$0x9870]  }
0xcc: {  	v18 =	vld [tilespmem:s1+$0x8800]  }
0xcd: {  	v19 =	vld [tilespmem:s1+$0x8810]  }
0xce: {  	v16 =	vld [tilespmem:s1+$0x8820]  }
0xcf: {  	v15 =	vld [tilespmem:s1+$0x8830]  }
0xd0: {  	v14 =	vld [tilespmem:s1+$0x8840]  }
0xd1: {  	v13 =	vld [tilespmem:s1+$0x8850];
	v18 =	vadd.f32 v12, v18  }
0xd2: {  	s17 =	simm.s32 $0x200;
	v17 =	vadd.f32 v17, v19;
	v12 =	vld [tilespmem:s1+$0x8860]  }
.LBB2_8:
0xd3: {  	p0 =	sne.s32 s17, $0x3E00;
	v5 =	vadd.f32 v5, v18;
	v11 =	vadd.f32 v11, v16;
	v16 =	vld [tilespmem:s1+$0x8870]  }
0xd4: {  	v4 =	vadd.f32 v4, v17;
	v10 =	vadd.f32 v10, v15;
	v15 =	vld [tilespmem:s1+$0xA860]  }
0xd5: {  	s19 =	sshra.s32 s17, $0x2;
	[tilespmem:s1+$0x8800] =	vst v5;
	v3 =	vadd.f32 v3, v11;
	v9 =	vadd.f32 v9, v14;
	v11 =	vld [tilespmem:s1+$0xA870]  }
0xd6: {  	v5 =	vld [tilespmem:s19+$0xA800];
	[tilespmem:s1+$0x8810] =	vst v4;
	v2 =	vadd.f32 v2, v10;
	v8 =	vadd.f32 v8, v13  }
0xd7: {  	v4 =	vld [tilespmem:s19+$0xA810];
	[tilespmem:s1+$0x8820] =	vst v3;
	v1 =	vadd.f32 v1, v9;
	v7 =	vadd.f32 v7, v12  }
0xd8: {  	v3 =	vld [tilespmem:s19+$0xA820];
	[tilespmem:s1+$0x8830] =	vst v2;
	v0 =	vadd.f32 v0, v8;
	v6 =	vadd.f32 v6, v16  }
0xd9: {  	v2 =	vld [tilespmem:s19+$0xA830];
	[tilespmem:s1+$0x8840] =	vst v1;
	v7 =	vadd.f32 v15, v7  }
0xda: {  	v1 =	vld [tilespmem:s19+$0xA840];
	[tilespmem:s1+$0x8850] =	vst v0;
	v6 =	vadd.f32 v11, v6  }
0xdb: {  	v0 =	vld [tilespmem:s19+$0xA850];
	[tilespmem:s1+$0x8860] =	vst v7  }
0xdc: {  	v12 =	vld [tilespmem:s19+$0x9800];
	[tilespmem:s1+$0x8870] =	vst v6;
	s1 =	smov.u32 s19  }
0xdd: {  	v17 =	vld [tilespmem:s1+$0x9810]  }
0xde: {  	v11 =	vld [tilespmem:s1+$0x9820]  }
0xdf: {  	v10 =	vld [tilespmem:s1+$0x9830]  }
0xe0: {  	v9 =	vld [tilespmem:s1+$0x9840]  }
0xe1: {  	v8 =	vld [tilespmem:s1+$0x9850]  }
0xe2: {  	v7 =	vld [tilespmem:s1+$0x9860]  }
0xe3: {  	v6 =	vld [tilespmem:s1+$0x9870]  }
0xe4: {  	v13 =	vld [tilespmem:s1+$0x8800]  }
0xe5: {  	v19 =	vld [tilespmem:s1+$0x8810]  }
.Ltmp5:
0xe6: {  	v16 =	vld [tilespmem:s1+$0x8820];
	(pc) =	sbr.rel @p0 .LBB2_8-.Ltmp5, $4  }
0xe7: {  	v15 =	vld [tilespmem:s1+$0x8830]  }
0xe8: {  	v14 =	vld [tilespmem:s1+$0x8840]  }
0xe9: {  	v18 =	vadd.f32 v12, v13;
	v13 =	vld [tilespmem:s1+$0x8850]  }
0xea: {  	s17 =	sadd.s32 $0x200, s17;
	v17 =	vadd.f32 v17, v19;
	v12 =	vld [tilespmem:s1+$0x8860]  }
0xeb: {  	v5 =	vadd.f32 v5, v18;
	v55 =	vld [tilespmem:s1+$0x8870];
	v11 =	vadd.f32 v11, v16  }
0xec: {  	v56 =	vld [tilespmem:s1+$0xA860];
	v4 =	vadd.f32 v4, v17;
	v10 =	vadd.f32 v10, v15  }
0xed: {  	v58 =	vld [tilespmem:s1+$0xA870];
	[tilespmem:s1+$0x8800] =	vst v5;
	v3 =	vadd.f32 v3, v11;
	v57 =	vadd.f32 v9, v14  }
0xee: {  	[tilespmem:s1+$0x8810] =	vst v4;
	v2 =	vadd.f32 v2, v10;
	v59 =	vadd.f32 v8, v13  }
0xef: {  	[tilespmem:s1+$0x8820] =	vst v3;
	v1 =	vadd.f32 v1, v57;
	v60 =	vadd.f32 v7, v12  }
0xf0: {  	[tilespmem:s1+$0x8830] =	vst v2;
	v0 =	vadd.f32 v0, v59;
	v61 =	vadd.f32 v6, v55  }
0xf1: {  	s17 =	sshll.u32 s31, $0xC;
	[tilespmem:s1+$0x8840] =	vst v1;
	v62 =	vadd.f32 v56, v60  }
0xf2: {  	s17 =	sadd.s32 s5, s17;
	[tilespmem:s1+$0x8850] =	vst v0;
	v63 =	vadd.f32 v58, v61  }
0xf3: {  	s17 =	sshrl.u32 s17, $0x3;
	[tilespmem:s1+$0x8860] =	vst v62  }
0xf4: {  	s31 =	sadd.s32 s6, s17;
	[tilespmem:s1+$0x8870] =	vst v63  }
0xf5: {  	[hbm4b:s31+s2] =	stream.linear.scatter [tilespmem:s26], [sflag:$0x6], $0x1000, $0x38;
	[tilespmem:$0xE800] =	vst v63  }
0xf6: {  	s17 =	sadd.s32 s7, s17  }
0xf7: {  	[hbm4b:s17+s2] =	stream.linear.scatter [tilespmem:s28], [sflag:$0x6], $0x1000, $0x38;
	[tilespmem:$0xE800] =	vst v63  }
0xf8: {  	_ =	swait.ge [sflag:s24], $0x1000  }
0xf9: {  	[sflag:s24] =	ssyncset.done $0x0  }
0xfa: {  	[sflag:s24] =	ssyncadd.s32 $0xFFFFF000  }
0xfb: {  	_ =	swait.ge [sflag:s24], $0x1000  }
.Ltmp6:
0xfc: {  	[sflag:s24] =	ssyncset.done $0x0;
	(pc) =	sbr.rel .LBB2_2-.Ltmp6, $4  }
0xfd: {  	s19 =	sadd.s32 $0x200, s0;
	[sflag:s24] =	ssyncadd.s32 $0xFFFFF000  }
0xfe: {  	[tilespmem:s18], [sflag:$0x2] =	stream.indirect.gather [hbm4b:s3+s13], $0x80, s19, s13, $0xb8;
	[tilespmem:$0xE800] =	vst v63  }
0xff: {  	s30 =	sadd.s32 $0x1, s30;
	s31 =	sadd.s32 $0x260, s0  }
0x100: {  	[tilespmem:s20], [sflag:$0x2] =	stream.indirect.gather [hbm4b:s4+s15], $0x80, s31, s15, $0xb8;
	[tilespmem:$0xE800] =	vst v63  }
.LBB2_11:
0x101: {  	_ =	sfence.sel $0x180000  }
0x102: {  	[bflag:$0x0] =	sbarrier.arrive $0xFFFF  }
0x103: {  	_ =	strace $0x9000004A  }
0x104: {  	s0 =	stileid.u32;
	[bflag:$0x2] =	sbarrier.arrive $0xFFFF  }
0x105: {  	p0 =	sne.s32 s0, $0x0;
	s0 =	rddreg [dreg:$0x2]  }
0x106: {  	s0 =	sadd.s32 @!p0 $0x100000, s0  }
0x107: {  	[sflag:s0] =	ssyncadd.tile.s32 @!p0 $0x1;
	_ =	shalt  }
.Lfunc_end2:
_tile_overlayer_lowered:
.L_overlay_start_2:
0x108: {  	(tag) =	ssettag $0x2  }
0x109: {  	s0 =	rddreg [dreg:$0x0];
	s2 =	stileid.u32  }
0x10a: {  	s1 =	rddreg [dreg:$0x1];
	p0 =	sne.s32 s2, $0x0  }
0x10b: {  	s3 =	rddreg [dreg:$0x2];
	[bflag:$0x3] =	sbarrier.arrive $0xFFFF;
	s2 =	simm.s32 @!p0 $0x1C07  }
0x10c: {  	[timem:s3], [sflag:s2] =	dma.local @!p0 [hbm:s0], s1  }
0x10d: {  	s0 =	simm.s32 @!p0 $0x7  }
0x10e: {  	_ =	swait.ge @!p0 [sflag:s0], s1  }
0x10f: {  	s1 =	ssub.s32 @!p0 $0x0, s1;
	[sflag:s0] =	ssyncset.done @!p0 $0x0  }
0x110: {  	[sflag:s0] =	ssyncadd.s32 @!p0 s1  }
0x111: {  	[bflag:$0x3] =	sbarrier.arrive $0xFFFF  }
0x112: {  	_ =	shalt  }

</sc_bundles>
